<compile_context>
chip_gen: v7x
topology: tpu7x:2x2x1
jax: 0.10.2.dev20260603
libtpu: 0.0.44.dev20260713+nightly
codegen_flags: <defaults>
</compile_context>

<pallas_src>
import dataclasses
import functools

import jax
import jax.numpy as jnp
from jax import lax
from jax.experimental import pallas as pl
from jax.experimental.pallas import tpu as pltpu
from jax.experimental.pallas import tpu_sc as plsc

N = 10000
NP = 10240
E = 320000
D = 128
H = 128
C = 10
G = 128

NBLK = 10
BLKN = NP // NBLK
ECH = 8000
NCH = E // ECH
FPT = 4

_PREC = jax.lax.Precision.HIGHEST


def _sc_compiler_params():
    cp = pltpu.CompilerParams()
    if "needs_layout_passes" in pltpu.CompilerParams.__dataclass_fields__:
        cp = dataclasses.replace(cp, needs_layout_passes=False)
    return cp


def _pack_pairs(y):
    ye = lax.slice(y, (0, 0), (H // 2, y.shape[1]))
    yo = lax.slice(y, (H // 2, 0), (H, y.shape[1]))
    ue = lax.bitcast_convert_type(ye.astype(jnp.bfloat16),
                                  jnp.uint16).astype(jnp.uint32)
    uo = lax.bitcast_convert_type(yo.astype(jnp.bfloat16),
                                  jnp.uint16).astype(jnp.uint32)
    return lax.bitcast_convert_type((uo << 16) | ue, jnp.int32)


def _t1_body(w_ref, x_ref, out_ref, pk_ref):
    full = lax.dot_general(
        w_ref[...], x_ref[...], (((0,), (1,)), ((), ())),
        preferred_element_type=jnp.float32, precision=_PREC)
    out_ref[...] = full
    pk_ref[...] = _pack_pairs(full[:H, :])


def _t1(x_pad, wcat1):
    return pl.pallas_call(
        _t1_body,
        grid=(NBLK,),
        in_specs=[
            pl.BlockSpec((D, 2 * H), lambda i: (0, 0)),
            pl.BlockSpec((BLKN, D), lambda i: (i, 0)),
        ],
        out_specs=[
            pl.BlockSpec((2 * H, BLKN), lambda i: (0, i)),
            pl.BlockSpec((H // 2, BLKN), lambda i: (0, i)),
        ],
        out_shape=[
            jax.ShapeDtypeStruct((2 * H, NP), jnp.float32),
            jax.ShapeDtypeStruct((H // 2, NP), jnp.int32),
        ],
    )(wcat1, x_pad)


def _scatter_body(ypk_hbm, pk_hbm, agg_hbm, t0, t1, a0, a1, a2, a3,
                  ebuf0, ebuf1, sem_t, sem_e0, sem_e1):
    wid = lax.axis_index("s") * 2 + lax.axis_index("c")
    tabs = (t0, t1)
    aggs = (a0, a1, a2, a3)

    tdmas = [pltpu.async_copy(ypk_hbm.at[2 * wid + k], tabs[k], sem_t)
             for k in range(2)]

    @pl.loop(0, NP, step=64)
    def _zero(i):
        z = jnp.zeros((16,), jnp.float32)
        for f in range(FPT):
            for j in range(4):
                aggs[f][pl.ds(i + 16 * j, 16)] = z

    esems = (sem_e0, sem_e1)
    ebufs = (ebuf0, ebuf1)

    def _start(c, b):
        pltpu.async_copy(pk_hbm.at[pl.ds(c * ECH, ECH)], ebufs[b], esems[b])

    def _wait(b):
        pltpu.make_async_copy(pk_hbm.at[pl.ds(0, ECH)], ebufs[b],
                              esems[b]).wait()

    def _process(b):
        ebv = ebufs[b]

        @plsc.parallel_loop(0, ECH, 16, unroll=8)
        def _edges(g, ebv=ebv):
            vp = ebv[pl.ds(g, 16)]
            vsrc = lax.shift_right_logical(vp, 14)
            vdst = jnp.bitwise_and(vp, 16383)
            for k in range(2):
                vpk = plsc.load_gather(tabs[k], [vsrc])
                lo = plsc.bitcast(lax.shift_left(vpk, 16), jnp.float32)
                hi = plsc.bitcast(
                    jnp.bitwise_and(vpk, jnp.int32(-65536)), jnp.float32)
                plsc.addupdate_scatter(aggs[k], [vdst], lo)
                plsc.addupdate_scatter(aggs[2 + k], [vdst], hi)

    _start(0, 0)
    _start(1, 1)
    for d in tdmas:
        d.wait()

    @pl.loop(0, NCH // 2 - 1)
    def _pair(p):
        _wait(0)
        _process(0)
        _start(2 * p + 2, 0)
        _wait(1)
        _process(1)
        _start(2 * p + 3, 1)

    _wait(0)
    _process(0)
    _wait(1)
    _process(1)

    pltpu.sync_copy(aggs[0], agg_hbm.at[2 * wid])
    pltpu.sync_copy(aggs[1], agg_hbm.at[2 * wid + 1])
    pltpu.sync_copy(aggs[2], agg_hbm.at[H // 2 + 2 * wid])
    pltpu.sync_copy(aggs[3], agg_hbm.at[H // 2 + 2 * wid + 1])


def _sc_scatter(ypk, packed):
    mesh = plsc.VectorSubcoreMesh(core_axis_name="c", subcore_axis_name="s",
                                  num_cores=2, num_subcores=16)
    k = pl.kernel(
        _scatter_body,
        out_type=jax.ShapeDtypeStruct((H, NP), jnp.float32),
        mesh=mesh,
        scratch_types=[
            pltpu.VMEM((NP,), jnp.int32),
            pltpu.VMEM((NP,), jnp.int32),
            pltpu.VMEM((NP,), jnp.float32),
            pltpu.VMEM((NP,), jnp.float32),
            pltpu.VMEM((NP,), jnp.float32),
            pltpu.VMEM((NP,), jnp.float32),
            pltpu.VMEM((ECH,), jnp.int32),
            pltpu.VMEM((ECH,), jnp.int32),
            pltpu.SemaphoreType.DMA,
            pltpu.SemaphoreType.DMA,
            pltpu.SemaphoreType.DMA,
        ],
        compiler_params=_sc_compiler_params(),
    )
    return k(ypk, packed)


def _t2_body(agg_ref, z_ref, b_ref, w_ref, out_ref, pk_ref):
    h = jnp.maximum(agg_ref[...] + z_ref[...] + b_ref[...], 0.0)
    full = lax.dot_general(
        w_ref[...], h, (((0,), (0,)), ((), ())),
        preferred_element_type=jnp.float32, precision=_PREC)
    out_ref[...] = full
    pk_ref[...] = _pack_pairs(full[:H, :])


def _t2(agg_t, yz_t, b_col, wcat_next):
    return pl.pallas_call(
        _t2_body,
        grid=(NBLK,),
        in_specs=[
            pl.BlockSpec((H, BLKN), lambda i: (0, i)),
            pl.BlockSpec((H, BLKN), lambda i: (1, i)),
            pl.BlockSpec((H, 1), lambda i: (0, 0)),
            pl.BlockSpec((D, 2 * H), lambda i: (0, 0)),
        ],
        out_specs=[
            pl.BlockSpec((2 * H, BLKN), lambda i: (0, i)),
            pl.BlockSpec((H // 2, BLKN), lambda i: (0, i)),
        ],
        out_shape=[
            jax.ShapeDtypeStruct((2 * H, NP), jnp.float32),
            jax.ShapeDtypeStruct((H // 2, NP), jnp.int32),
        ],
    )(agg_t, yz_t, b_col, wcat_next)


def _t3_body(agg_ref, z_ref, b_ref, batch_ref, wlin_ref, blin_ref, out_ref,
             acc_ref, cnt_ref):
    j = pl.program_id(0)
    h = agg_ref[...] + z_ref[...] + b_ref[...]
    bb = batch_ref[...]
    gids = lax.broadcasted_iota(jnp.int32, (BLKN, G), 1)
    oh = (bb == gids).astype(jnp.float32)

    @pl.when(j == 0)
    def _init():
        acc_ref[...] = jnp.zeros_like(acc_ref)
        cnt_ref[...] = jnp.zeros_like(cnt_ref)

    acc_ref[...] += lax.dot_general(
        h, oh, (((1,), (0,)), ((), ())),
        preferred_element_type=jnp.float32, precision=_PREC)
    cnt_ref[...] += jnp.sum(oh, axis=0, keepdims=True)

    @pl.when(j == NBLK - 1)
    def _fin():
        cnts = jnp.maximum(cnt_ref[...], 1.0)
        pooled_t = acc_ref[...] / cnts
        out = lax.dot_general(
            pooled_t, wlin_ref[...], (((0,), (1,)), ((), ())),
            preferred_element_type=jnp.float32, precision=_PREC)
        out_ref[...] = out + blin_ref[...]


def _t3(agg_t, yz_t, b_col, batch_col, w_lin, b_lin_row):
    return pl.pallas_call(
        _t3_body,
        grid=(NBLK,),
        in_specs=[
            pl.BlockSpec((H, BLKN), lambda i: (0, i)),
            pl.BlockSpec((H, BLKN), lambda i: (1, i)),
            pl.BlockSpec((H, 1), lambda i: (0, 0)),
            pl.BlockSpec((BLKN, 1), lambda i: (i, 0)),
            pl.BlockSpec((C, H), lambda i: (0, 0)),
            pl.BlockSpec((1, C), lambda i: (0, 0)),
        ],
        out_specs=pl.BlockSpec((G, C), lambda i: (0, 0)),
        out_shape=jax.ShapeDtypeStruct((G, C), jnp.float32),
        scratch_shapes=[
            pltpu.VMEM((H, G), jnp.float32),
            pltpu.VMEM((1, G), jnp.float32),
        ],
    )(agg_t, yz_t, b_col, batch_col, w_lin, b_lin_row)


def kernel(x, edge_index, batch, W_rel1, b_rel1, W_root1, W_rel2, b_rel2,
           W_root2, W_rel3, b_rel3, W_root3, W_lin, b_lin):
    x_pad = jnp.pad(x, ((0, NP - N), (0, 0)))
    batch_col = jnp.pad(batch, (0, NP - N),
                        constant_values=G).reshape(NP, 1)
    packed = jnp.bitwise_or(jnp.left_shift(edge_index[0], 14), edge_index[1])
    wcat1 = jnp.concatenate([W_rel1.T, W_root1.T], axis=1)
    wcat2 = jnp.concatenate([W_rel2.T, W_root2.T], axis=1)
    wcat3 = jnp.concatenate([W_rel3.T, W_root3.T], axis=1)
    b1 = b_rel1.reshape(H, 1)
    b2 = b_rel2.reshape(H, 1)
    b3 = b_rel3.reshape(H, 1)
    b_lin_row = b_lin.reshape(1, C)

    yz1, ypk1 = _t1(x_pad, wcat1)
    agg1 = _sc_scatter(ypk1, packed)
    yz2, ypk2 = _t2(agg1, yz1, b1, wcat2)
    agg2 = _sc_scatter(ypk2, packed)
    yz3, ypk3 = _t2(agg2, yz2, b2, wcat3)
    agg3 = _sc_scatter(ypk3, packed)
    out = _t3(agg3, yz3, b3, batch_col, W_lin, b_lin_row)
    return out

# --- scband reference (transcript-rebuilt; emitter-appended) ---
"""Pipeline reference for scband-conv-gnn-22454089023566 (READ-ONLY COPY).

The authoritative reference and input builder live on the scoring server;
editing this copy changes nothing except your own understanding.
"""

import jax, jax.numpy as jnp
import numpy as np

N = 10000
E = 320000
D = 128
H = 128
C = 10
G = 128


def setup_inputs(seed: int = 0) -> dict:
    key = jax.random.key(seed)
    ks = jax.random.split(key, 16)
    x = jax.random.normal(ks[0], (N, D), dtype=jnp.float32)
    edge_index = jax.random.randint(ks[1], (2, E), 0, N, dtype=jnp.int32)
    batch = jnp.sort(jax.random.randint(ks[2], (N,), 0, G, dtype=jnp.int32))
    s_in = 1.0 / np.sqrt(D)
    s_h = 1.0 / np.sqrt(H)
    W_rel1 = jax.random.normal(ks[3], (H, D), dtype=jnp.float32) * s_in
    b_rel1 = jnp.zeros((H,), dtype=jnp.float32)
    W_root1 = jax.random.normal(ks[4], (H, D), dtype=jnp.float32) * s_in
    W_rel2 = jax.random.normal(ks[5], (H, H), dtype=jnp.float32) * s_h
    b_rel2 = jnp.zeros((H,), dtype=jnp.float32)
    W_root2 = jax.random.normal(ks[6], (H, H), dtype=jnp.float32) * s_h
    W_rel3 = jax.random.normal(ks[7], (H, H), dtype=jnp.float32) * s_h
    b_rel3 = jnp.zeros((H,), dtype=jnp.float32)
    W_root3 = jax.random.normal(ks[8], (H, H), dtype=jnp.float32) * s_h
    W_lin = jax.random.normal(ks[9], (C, H), dtype=jnp.float32) * s_h
    b_lin = jnp.zeros((C,), dtype=jnp.float32)
    return {"x": x, "edge_index": edge_index, "batch": batch,
            "W_rel1": W_rel1, "b_rel1": b_rel1, "W_root1": W_root1,
            "W_rel2": W_rel2, "b_rel2": b_rel2, "W_root2": W_root2,
            "W_rel3": W_rel3, "b_rel3": b_rel3, "W_root3": W_root3,
            "W_lin": W_lin, "b_lin": b_lin}


def _graph_conv(x, edge_index, W_rel, b_rel, W_root):
    # PyG GraphConv (aggr='add'): out = lin_rel(sum_{j->i} x_j) + lin_root(x_i)
    src = edge_index[0]
    dst = edge_index[1]
    msgs = jnp.take(x, src, axis=0)
    agg = jax.ops.segment_sum(msgs, dst, num_segments=N)
    return agg @ W_rel.T + b_rel + x @ W_root.T


def reference(x, edge_index, batch, W_rel1, b_rel1, W_root1, W_rel2, b_rel2, W_root2, W_rel3, b_rel3, W_root3, W_lin, b_lin):
    h = _graph_conv(x, edge_index, W_rel1, b_rel1, W_root1)
    h = jax.nn.relu(h)
    h = _graph_conv(h, edge_index, W_rel2, b_rel2, W_root2)
    h = jax.nn.relu(h)
    h = _graph_conv(h, edge_index, W_rel3, b_rel3, W_root3)
    # global_mean_pool over graph ids
    sums = jax.ops.segment_sum(h, batch, num_segments=G)
    counts = jax.ops.segment_sum(jnp.ones((N,), dtype=jnp.float32), batch, num_segments=G)
    counts = jnp.maximum(counts, 1.0)
    pooled = sums / counts[:, None]
    # dropout disabled (apply_dropout=False)
    out = pooled @ W_lin.T + b_lin
    return out

if __name__ == "__main__":
    import jax
    _d = setup_inputs()
    print(jax.jit(kernel)(*tuple(_d.values())))

</pallas_src>

<mosaic_0001>
#map = affine_map<(d0, d1) -> (0, 0)>
#map1 = affine_map<(d0, d1) -> (0)>
module attributes {stable_mosaic.version = 14 : i64} {
  func.func @_scatter_body(%arg0: i32, %arg1: i32, %arg2: memref<64x10240xi32, #tpu.memory_space<hbm>>, %arg3: memref<320000xi32, #tpu.memory_space<hbm>>, %arg4: memref<128x10240xf32, #tpu.memory_space<hbm>>, %arg5: memref<10240xi32, #tpu.memory_space<vmem>>, %arg6: memref<10240xi32, #tpu.memory_space<vmem>>, %arg7: memref<10240xf32, #tpu.memory_space<vmem>>, %arg8: memref<10240xf32, #tpu.memory_space<vmem>>, %arg9: memref<10240xf32, #tpu.memory_space<vmem>>, %arg10: memref<10240xf32, #tpu.memory_space<vmem>>, %arg11: memref<8000xi32, #tpu.memory_space<vmem>>, %arg12: memref<8000xi32, #tpu.memory_space<vmem>>, %arg13: memref<!tpu.dma_semaphore, #tpu.memory_space<semaphore_mem>>, %arg14: memref<!tpu.dma_semaphore, #tpu.memory_space<semaphore_mem>>, %arg15: memref<!tpu.dma_semaphore, #tpu.memory_space<semaphore_mem>>) attributes {dimension_semantics = [#tpu.dimension_semantics<core_parallel>, #tpu.dimension_semantics<subcore_parallel>], iteration_bounds = array<i64: 2, 16>, scalar_prefetch = 0 : i64, scratch_operands = 11 : i64, tpu.core_type = #tpu.core_type<sc_vector_subcore>, window_params = [{transform_indices = #map}, {transform_indices = #map1}, {transform_indices = #map}]} {
    %mul3A = arith.constant 2 : i32
    %mul3A_0 = arith.muli %arg1, %mul3A : i32
    %add3A = arith.addi %mul3A_0, %arg0 : i32
    %mul3A_1 = arith.constant 2 : i32
    %mul3A_2 = arith.muli %mul3A_1, %add3A : i32
    %add3A_3 = arith.constant 0 : i32
    %add3A_4 = arith.addi %mul3A_2, %add3A_3 : i32
    %dma_start3A = arith.constant 0 : i32
    %dma_start3A_5 = tpu.memref_slice %arg2[%add3A_4, %dma_start3A] : memref<64x10240xi32, #tpu.memory_space<hbm>> -> memref<1x10240xi32, #tpu.memory_space<hbm>>
    %dma_start3A_6 = tpu.memref_squeeze %dma_start3A_5 : memref<1x10240xi32, #tpu.memory_space<hbm>> -> memref<10240xi32, #tpu.memory_space<hbm>>
    %dma_start3A_7 = arith.constant 0 : i32
    %dma_start3A_8 = tpu.memref_slice %arg2[%add3A_4, %dma_start3A_7] : memref<64x10240xi32, #tpu.memory_space<hbm>> -> memref<1x10240xi32, #tpu.memory_space<hbm>>
    %dma_start3A_9 = tpu.memref_squeeze %dma_start3A_8 : memref<1x10240xi32, #tpu.memory_space<hbm>> -> memref<10240xi32, #tpu.memory_space<hbm>>
    tpu.enqueue_dma source(%dma_start3A_9 : memref<10240xi32, #tpu.memory_space<hbm>>) target(%arg5 : memref<10240xi32, #tpu.memory_space<vmem>>) target_semaphore(%arg13 : memref<!tpu.dma_semaphore, #tpu.memory_space<semaphore_mem>>)
    %mul3A_10 = arith.constant 2 : i32
    %mul3A_11 = arith.muli %mul3A_10, %add3A : i32
    %add3A_12 = arith.constant 1 : i32
    %add3A_13 = arith.addi %mul3A_11, %add3A_12 : i32
    %dma_start3A_14 = arith.constant 0 : i32
    %dma_start3A_15 = tpu.memref_slice %arg2[%add3A_13, %dma_start3A_14] : memref<64x10240xi32, #tpu.memory_space<hbm>> -> memref<1x10240xi32, #tpu.memory_space<hbm>>
    %dma_start3A_16 = tpu.memref_squeeze %dma_start3A_15 : memref<1x10240xi32, #tpu.memory_space<hbm>> -> memref<10240xi32, #tpu.memory_space<hbm>>
    %dma_start3A_17 = arith.constant 0 : i32
    %dma_start3A_18 = tpu.memref_slice %arg2[%add3A_13, %dma_start3A_17] : memref<64x10240xi32, #tpu.memory_space<hbm>> -> memref<1x10240xi32, #tpu.memory_space<hbm>>
    %dma_start3A_19 = tpu.memref_squeeze %dma_start3A_18 : memref<1x10240xi32, #tpu.memory_space<hbm>> -> memref<10240xi32, #tpu.memory_space<hbm>>
    tpu.enqueue_dma source(%dma_start3A_19 : memref<10240xi32, #tpu.memory_space<hbm>>) target(%arg6 : memref<10240xi32, #tpu.memory_space<vmem>>) target_semaphore(%arg13 : memref<!tpu.dma_semaphore, #tpu.memory_space<semaphore_mem>>)
    %scan3A = arith.constant 0 : i32
    %scan3A_20 = arith.constant 160 : i32
    %scan3A_21 = arith.addi %scan3A, %scan3A_20 : i32
    %scan3A_22 = arith.constant 1 : i32
    scf.for %scan3A_77 = %scan3A to %scan3A_21 step %scan3A_22  : i32 {
      %mul3A_78 = arith.constant 64 : i32
      %mul3A_79 = arith.muli %scan3A_77, %mul3A_78 : i32
      %add3A_80 = arith.constant 0 : i32
      %add3A_81 = arith.addi %add3A_80, %mul3A_79 : i32
      %broadcast_in_dim3A = arith.constant 0.000000e+00 : f32
      %broadcast_in_dim3A_82 = vector.broadcast %broadcast_in_dim3A : f32 to vector<16xf32>
      %add3A_83 = arith.constant 0 : i32
      %add3A_84 = arith.addi %add3A_81, %add3A_83 : i32
      %swap3A = arith.index_cast %add3A_84 : i32 to index
      %swap3A_85 = tpu.vector_load %arg7[%swap3A] {strides = array<i32>} : memref<10240xf32, #tpu.memory_space<vmem>>, vector<16xf32>,
      tpu.vector_store %arg7[%swap3A], %broadcast_in_dim3A_82 {strides = array<i32>} : memref<10240xf32, #tpu.memory_space<vmem>>, vector<16xf32>,
      %add3A_86 = arith.constant 16 : i32
      %add3A_87 = arith.addi %add3A_81, %add3A_86 : i32
      %swap3A_88 = arith.index_cast %add3A_87 : i32 to index
      %swap3A_89 = tpu.vector_load %arg7[%swap3A_88] {strides = array<i32>} : memref<10240xf32, #tpu.memory_space<vmem>>, vector<16xf32>,
      tpu.vector_store %arg7[%swap3A_88], %broadcast_in_dim3A_82 {strides = array<i32>} : memref<10240xf32, #tpu.memory_space<vmem>>, vector<16xf32>,
      %add3A_90 = arith.constant 32 : i32
      %add3A_91 = arith.addi %add3A_81, %add3A_90 : i32
      %swap3A_92 = arith.index_cast %add3A_91 : i32 to index
      %swap3A_93 = tpu.vector_load %arg7[%swap3A_92] {strides = array<i32>} : memref<10240xf32, #tpu.memory_space<vmem>>, vector<16xf32>,
      tpu.vector_store %arg7[%swap3A_92], %broadcast_in_dim3A_82 {strides = array<i32>} : memref<10240xf32, #tpu.memory_space<vmem>>, vector<16xf32>,
      %add3A_94 = arith.constant 48 : i32
      %add3A_95 = arith.addi %add3A_81, %add3A_94 : i32
      %swap3A_96 = arith.index_cast %add3A_95 : i32 to index
      %swap3A_97 = tpu.vector_load %arg7[%swap3A_96] {strides = array<i32>} : memref<10240xf32, #tpu.memory_space<vmem>>, vector<16xf32>,
      tpu.vector_store %arg7[%swap3A_96], %broadcast_in_dim3A_82 {strides = array<i32>} : memref<10240xf32, #tpu.memory_space<vmem>>, vector<16xf32>,
      %add3A_98 = arith.constant 0 : i32
      %add3A_99 = arith.addi %add3A_81, %add3A_98 : i32
      %swap3A_100 = arith.index_cast %add3A_99 : i32 to index
      %swap3A_101 = tpu.vector_load %arg8[%swap3A_100] {strides = array<i32>} : memref<10240xf32, #tpu.memory_space<vmem>>, vector<16xf32>,
      tpu.vector_store %arg8[%swap3A_100], %broadcast_in_dim3A_82 {strides = array<i32>} : memref<10240xf32, #tpu.memory_space<vmem>>, vector<16xf32>,
      %add3A_102 = arith.constant 16 : i32
      %add3A_103 = arith.addi %add3A_81, %add3A_102 : i32
      %swap3A_104 = arith.index_cast %add3A_103 : i32 to index
      %swap3A_105 = tpu.vector_load %arg8[%swap3A_104] {strides = array<i32>} : memref<10240xf32, #tpu.memory_space<vmem>>, vector<16xf32>,
      tpu.vector_store %arg8[%swap3A_104], %broadcast_in_dim3A_82 {strides = array<i32>} : memref<10240xf32, #tpu.memory_space<vmem>>, vector<16xf32>,
      %add3A_106 = arith.constant 32 : i32
      %add3A_107 = arith.addi %add3A_81, %add3A_106 : i32
      %swap3A_108 = arith.index_cast %add3A_107 : i32 to index
      %swap3A_109 = tpu.vector_load %arg8[%swap3A_108] {strides = array<i32>} : memref<10240xf32, #tpu.memory_space<vmem>>, vector<16xf32>,
      tpu.vector_store %arg8[%swap3A_108], %broadcast_in_dim3A_82 {strides = array<i32>} : memref<10240xf32, #tpu.memory_space<vmem>>, vector<16xf32>,
      %add3A_110 = arith.constant 48 : i32
      %add3A_111 = arith.addi %add3A_81, %add3A_110 : i32
      %swap3A_112 = arith.index_cast %add3A_111 : i32 to index
      %swap3A_113 = tpu.vector_load %arg8[%swap3A_112] {strides = array<i32>} : memref<10240xf32, #tpu.memory_space<vmem>>, vector<16xf32>,
      tpu.vector_store %arg8[%swap3A_112], %broadcast_in_dim3A_82 {strides = array<i32>} : memref<10240xf32, #tpu.memory_space<vmem>>, vector<16xf32>,
      %add3A_114 = arith.constant 0 : i32
      %add3A_115 = arith.addi %add3A_81, %add3A_114 : i32
      %swap3A_116 = arith.index_cast %add3A_115 : i32 to index
      %swap3A_117 = tpu.vector_load %arg9[%swap3A_116] {strides = array<i32>} : memref<10240xf32, #tpu.memory_space<vmem>>, vector<16xf32>,
      tpu.vector_store %arg9[%swap3A_116], %broadcast_in_dim3A_82 {strides = array<i32>} : memref<10240xf32, #tpu.memory_space<vmem>>, vector<16xf32>,
      %add3A_118 = arith.constant 16 : i32
      %add3A_119 = arith.addi %add3A_81, %add3A_118 : i32
      %swap3A_120 = arith.index_cast %add3A_119 : i32 to index
      %swap3A_121 = tpu.vector_load %arg9[%swap3A_120] {strides = array<i32>} : memref<10240xf32, #tpu.memory_space<vmem>>, vector<16xf32>,
      tpu.vector_store %arg9[%swap3A_120], %broadcast_in_dim3A_82 {strides = array<i32>} : memref<10240xf32, #tpu.memory_space<vmem>>, vector<16xf32>,
      %add3A_122 = arith.constant 32 : i32
      %add3A_123 = arith.addi %add3A_81, %add3A_122 : i32
      %swap3A_124 = arith.index_cast %add3A_123 : i32 to index
      %swap3A_125 = tpu.vector_load %arg9[%swap3A_124] {strides = array<i32>} : memref<10240xf32, #tpu.memory_space<vmem>>, vector<16xf32>,
      tpu.vector_store %arg9[%swap3A_124], %broadcast_in_dim3A_82 {strides = array<i32>} : memref<10240xf32, #tpu.memory_space<vmem>>, vector<16xf32>,
      %add3A_126 = arith.constant 48 : i32
      %add3A_127 = arith.addi %add3A_81, %add3A_126 : i32
      %swap3A_128 = arith.index_cast %add3A_127 : i32 to index
      %swap3A_129 = tpu.vector_load %arg9[%swap3A_128] {strides = array<i32>} : memref<10240xf32, #tpu.memory_space<vmem>>, vector<16xf32>,
      tpu.vector_store %arg9[%swap3A_128], %broadcast_in_dim3A_82 {strides = array<i32>} : memref<10240xf32, #tpu.memory_space<vmem>>, vector<16xf32>,
      %add3A_130 = arith.constant 0 : i32
      %add3A_131 = arith.addi %add3A_81, %add3A_130 : i32
      %swap3A_132 = arith.index_cast %add3A_131 : i32 to index
      %swap3A_133 = tpu.vector_load %arg10[%swap3A_132] {strides = array<i32>} : memref<10240xf32, #tpu.memory_space<vmem>>, vector<16xf32>,
      tpu.vector_store %arg10[%swap3A_132], %broadcast_in_dim3A_82 {strides = array<i32>} : memref<10240xf32, #tpu.memory_space<vmem>>, vector<16xf32>,
      %add3A_134 = arith.constant 16 : i32
      %add3A_135 = arith.addi %add3A_81, %add3A_134 : i32
      %swap3A_136 = arith.index_cast %add3A_135 : i32 to index
      %swap3A_137 = tpu.vector_load %arg10[%swap3A_136] {strides = array<i32>} : memref<10240xf32, #tpu.memory_space<vmem>>, vector<16xf32>,
      tpu.vector_store %arg10[%swap3A_136], %broadcast_in_dim3A_82 {strides = array<i32>} : memref<10240xf32, #tpu.memory_space<vmem>>, vector<16xf32>,
      %add3A_138 = arith.constant 32 : i32
      %add3A_139 = arith.addi %add3A_81, %add3A_138 : i32
      %swap3A_140 = arith.index_cast %add3A_139 : i32 to index
      %swap3A_141 = tpu.vector_load %arg10[%swap3A_140] {strides = array<i32>} : memref<10240xf32, #tpu.memory_space<vmem>>, vector<16xf32>,
      tpu.vector_store %arg10[%swap3A_140], %broadcast_in_dim3A_82 {strides = array<i32>} : memref<10240xf32, #tpu.memory_space<vmem>>, vector<16xf32>,
      %add3A_142 = arith.constant 48 : i32
      %add3A_143 = arith.addi %add3A_81, %add3A_142 : i32
      %swap3A_144 = arith.index_cast %add3A_143 : i32 to index
      %swap3A_145 = tpu.vector_load %arg10[%swap3A_144] {strides = array<i32>} : memref<10240xf32, #tpu.memory_space<vmem>>, vector<16xf32>,
      tpu.vector_store %arg10[%swap3A_144], %broadcast_in_dim3A_82 {strides = array<i32>} : memref<10240xf32, #tpu.memory_space<vmem>>, vector<16xf32>,
    }
    %scan3A_23 = arith.constant 160 : i32
    %dma_start3A_24 = arith.constant 0 : i32
    %dma_start3A_25 = tpu.memref_slice %arg3[%dma_start3A_24] : memref<320000xi32, #tpu.memory_space<hbm>> -> memref<8000xi32, #tpu.memory_space<hbm>>
    %dma_start3A_26 = arith.constant 0 : i32
    %dma_start3A_27 = tpu.memref_slice %arg3[%dma_start3A_26] : memref<320000xi32, #tpu.memory_space<hbm>> -> memref<8000xi32, #tpu.memory_space<hbm>>
    tpu.enqueue_dma source(%dma_start3A_27 : memref<8000xi32, #tpu.memory_space<hbm>>) target(%arg11 : memref<8000xi32, #tpu.memory_space<vmem>>) target_semaphore(%arg14 : memref<!tpu.dma_semaphore, #tpu.memory_space<semaphore_mem>>)
    %dma_start3A_28 = arith.constant 8000 : i32
    %dma_start3A_29 = tpu.memref_slice %arg3[%dma_start3A_28] : memref<320000xi32, #tpu.memory_space<hbm>> -> memref<8000xi32, #tpu.memory_space<hbm>>
    %dma_start3A_30 = arith.constant 8000 : i32
    %dma_start3A_31 = tpu.memref_slice %arg3[%dma_start3A_30] : memref<320000xi32, #tpu.memory_space<hbm>> -> memref<8000xi32, #tpu.memory_space<hbm>>
    tpu.enqueue_dma source(%dma_start3A_31 : memref<8000xi32, #tpu.memory_space<hbm>>) target(%arg12 : memref<8000xi32, #tpu.memory_space<vmem>>) target_semaphore(%arg15 : memref<!tpu.dma_semaphore, #tpu.memory_space<semaphore_mem>>)
    %dma_wait3A = arith.constant 0 : i32
    %dma_wait3A_32 = tpu.memref_slice %arg2[%add3A_4, %dma_wait3A] : memref<64x10240xi32, #tpu.memory_space<hbm>> -> memref<1x10240xi32, #tpu.memory_space<hbm>>
    %dma_wait3A_33 = tpu.memref_squeeze %dma_wait3A_32 : memref<1x10240xi32, #tpu.memory_space<hbm>> -> memref<10240xi32, #tpu.memory_space<hbm>>
    %dma_wait3A_34 = arith.constant 0 : i32
    %dma_wait3A_35 = tpu.memref_slice %arg2[%add3A_4, %dma_wait3A_34] : memref<64x10240xi32, #tpu.memory_space<hbm>> -> memref<1x10240xi32, #tpu.memory_space<hbm>>
    %dma_wait3A_36 = tpu.memref_squeeze %dma_wait3A_35 : memref<1x10240xi32, #tpu.memory_space<hbm>> -> memref<10240xi32, #tpu.memory_space<hbm>>
    tpu.wait_dma2 semaphore(%arg13 : memref<!tpu.dma_semaphore, #tpu.memory_space<semaphore_mem>>) src(%dma_wait3A_36 : memref<10240xi32, #tpu.memory_space<hbm>>) dst(%arg5 : memref<10240xi32, #tpu.memory_space<vmem>>)
    %dma_wait3A_37 = arith.constant 0 : i32
    %dma_wait3A_38 = tpu.memref_slice %arg2[%add3A_13, %dma_wait3A_37] : memref<64x10240xi32, #tpu.memory_space<hbm>> -> memref<1x10240xi32, #tpu.memory_space<hbm>>
    %dma_wait3A_39 = tpu.memref_squeeze %dma_wait3A_38 : memref<1x10240xi32, #tpu.memory_space<hbm>> -> memref<10240xi32, #tpu.memory_space<hbm>>
    %dma_wait3A_40 = arith.constant 0 : i32
    %dma_wait3A_41 = tpu.memref_slice %arg2[%add3A_13, %dma_wait3A_40] : memref<64x10240xi32, #tpu.memory_space<hbm>> -> memref<1x10240xi32, #tpu.memory_space<hbm>>
    %dma_wait3A_42 = tpu.memref_squeeze %dma_wait3A_41 : memref<1x10240xi32, #tpu.memory_space<hbm>> -> memref<10240xi32, #tpu.memory_space<hbm>>
    tpu.wait_dma2 semaphore(%arg13 : memref<!tpu.dma_semaphore, #tpu.memory_space<semaphore_mem>>) src(%dma_wait3A_42 : memref<10240xi32, #tpu.memory_space<hbm>>) dst(%arg6 : memref<10240xi32, #tpu.memory_space<vmem>>)
    %scan3A_43 = arith.constant 0 : i32
    %scan3A_44 = arith.constant 19 : i32
    %scan3A_45 = arith.addi %scan3A_43, %scan3A_44 : i32
    %scan3A_46 = arith.constant 1 : i32
    scf.for %scan3A_77 = %scan3A_43 to %scan3A_45 step %scan3A_46  : i32 {
      %mul3A_78 = arith.constant 1 : i32
      %mul3A_79 = arith.muli %scan3A_77, %mul3A_78 : i32
      %add3A_80 = arith.constant 0 : i32
      %add3A_81 = arith.addi %add3A_80, %mul3A_79 : i32
      %dma_wait3A_82 = arith.constant 0 : i32
      %dma_wait3A_83 = tpu.memref_slice %arg3[%dma_wait3A_82] : memref<320000xi32, #tpu.memory_space<hbm>> -> memref<8000xi32, #tpu.memory_space<hbm>>
      %dma_wait3A_84 = arith.constant 0 : i32
      %dma_wait3A_85 = tpu.memref_slice %arg3[%dma_wait3A_84] : memref<320000xi32, #tpu.memory_space<hbm>> -> memref<8000xi32, #tpu.memory_space<hbm>>
      tpu.wait_dma2 semaphore(%arg14 : memref<!tpu.dma_semaphore, #tpu.memory_space<semaphore_mem>>) src(%dma_wait3A_85 : memref<8000xi32, #tpu.memory_space<hbm>>) dst(%arg11 : memref<8000xi32, #tpu.memory_space<vmem>>)
      %parallel_loop3A_86 = arith.constant 0 : i32
      %parallel_loop3A_87 = arith.constant 8000 : i32
      %parallel_loop3A_88 = arith.constant 16 : i32
      scf.for %parallel_loop3A_112 = %parallel_loop3A_86 to %parallel_loop3A_87 step %parallel_loop3A_88  : i32 {
        %parallel_loop3A_113 = arith.index_cast %parallel_loop3A_112 : i32 to index
        %parallel_loop3A_114 = tpu.vector_load %arg11[%parallel_loop3A_113] {strides = array<i32>} : memref<8000xi32, #tpu.memory_space<vmem>>, vector<16xi32>,
        %parallel_loop3A_115 = arith.constant 14 : i32
        %parallel_loop3A_116 = vector.broadcast %parallel_loop3A_115 : i32 to vector<16xi32>
        %parallel_loop3A_117 = arith.shrui %parallel_loop3A_114, %parallel_loop3A_116 : vector<16xi32>
        %parallel_loop3A_118 = arith.constant 16383 : i32
        %parallel_loop3A_119 = vector.broadcast %parallel_loop3A_118 : i32 to vector<16xi32>
        %parallel_loop3A_120 = arith.andi %parallel_loop3A_114, %parallel_loop3A_119 : vector<16xi32>
        %parallel_loop3A_121 = tpu.vector_load_idx %arg5[%parallel_loop3A_117] : memref<10240xi32, #tpu.memory_space<vmem>>[vector<16xi32>], vector<16xi32>,
        %parallel_loop3A_122 = arith.constant 16 : i32
        %parallel_loop3A_123 = vector.broadcast %parallel_loop3A_122 : i32 to vector<16xi32>
        %parallel_loop3A_124 = arith.shli %parallel_loop3A_121, %parallel_loop3A_123 : vector<16xi32>
        %parallel_loop3A_125 = vector.bitcast %parallel_loop3A_124 : vector<16xi32> to vector<16xf32>
        %parallel_loop3A_126 = arith.constant -65536 : i32
        %parallel_loop3A_127 = vector.broadcast %parallel_loop3A_126 : i32 to vector<16xi32>
        %parallel_loop3A_128 = arith.andi %parallel_loop3A_121, %parallel_loop3A_127 : vector<16xi32>
        %parallel_loop3A_129 = vector.bitcast %parallel_loop3A_128 : vector<16xi32> to vector<16xf32>
        tpu.vector_store_idx %arg7[%parallel_loop3A_120], %parallel_loop3A_125 {add = true} : memref<10240xf32, #tpu.memory_space<vmem>>[vector<16xi32>], vector<16xf32>,
        tpu.vector_store_idx %arg9[%parallel_loop3A_120], %parallel_loop3A_129 {add = true} : memref<10240xf32, #tpu.memory_space<vmem>>[vector<16xi32>], vector<16xf32>,
        %parallel_loop3A_130 = tpu.vector_load_idx %arg6[%parallel_loop3A_117] : memref<10240xi32, #tpu.memory_space<vmem>>[vector<16xi32>], vector<16xi32>,
        %parallel_loop3A_131 = arith.constant 16 : i32
        %parallel_loop3A_132 = vector.broadcast %parallel_loop3A_131 : i32 to vector<16xi32>
        %parallel_loop3A_133 = arith.shli %parallel_loop3A_130, %parallel_loop3A_132 : vector<16xi32>
        %parallel_loop3A_134 = vector.bitcast %parallel_loop3A_133 : vector<16xi32> to vector<16xf32>
        %parallel_loop3A_135 = arith.constant -65536 : i32
        %parallel_loop3A_136 = vector.broadcast %parallel_loop3A_135 : i32 to vector<16xi32>
        %parallel_loop3A_137 = arith.andi %parallel_loop3A_130, %parallel_loop3A_136 : vector<16xi32>
        %parallel_loop3A_138 = vector.bitcast %parallel_loop3A_137 : vector<16xi32> to vector<16xf32>
        tpu.vector_store_idx %arg8[%parallel_loop3A_120], %parallel_loop3A_134 {add = true} : memref<10240xf32, #tpu.memory_space<vmem>>[vector<16xi32>], vector<16xf32>,
        tpu.vector_store_idx %arg10[%parallel_loop3A_120], %parallel_loop3A_138 {add = true} : memref<10240xf32, #tpu.memory_space<vmem>>[vector<16xi32>], vector<16xf32>,
      } {sc.loop_unroll_factor = 8 : i64, sc.parallel_access}
      %mul3A_89 = arith.constant 2 : i32
      %mul3A_90 = arith.muli %mul3A_89, %add3A_81 : i32
      %add3A_91 = arith.constant 2 : i32
      %add3A_92 = arith.addi %mul3A_90, %add3A_91 : i32
      %mul3A_93 = arith.constant 8000 : i32
      %mul3A_94 = arith.muli %add3A_92, %mul3A_93 : i32
      %dma_start3A_95 = tpu.memref_slice %arg3[%mul3A_94] : memref<320000xi32, #tpu.memory_space<hbm>> -> memref<8000xi32, #tpu.memory_space<hbm>>
      %dma_start3A_96 = tpu.memref_slice %arg3[%mul3A_94] : memref<320000xi32, #tpu.memory_space<hbm>> -> memref<8000xi32, #tpu.memory_space<hbm>>
      tpu.enqueue_dma source(%dma_start3A_96 : memref<8000xi32, #tpu.memory_space<hbm>>) target(%arg11 : memref<8000xi32, #tpu.memory_space<vmem>>) target_semaphore(%arg14 : memref<!tpu.dma_semaphore, #tpu.memory_space<semaphore_mem>>)
      %dma_wait3A_97 = arith.constant 0 : i32
      %dma_wait3A_98 = tpu.memref_slice %arg3[%dma_wait3A_97] : memref<320000xi32, #tpu.memory_space<hbm>> -> memref<8000xi32, #tpu.memory_space<hbm>>
      %dma_wait3A_99 = arith.constant 0 : i32
      %dma_wait3A_100 = tpu.memref_slice %arg3[%dma_wait3A_99] : memref<320000xi32, #tpu.memory_space<hbm>> -> memref<8000xi32, #tpu.memory_space<hbm>>
      tpu.wait_dma2 semaphore(%arg15 : memref<!tpu.dma_semaphore, #tpu.memory_space<semaphore_mem>>) src(%dma_wait3A_100 : memref<8000xi32, #tpu.memory_space<hbm>>) dst(%arg12 : memref<8000xi32, #tpu.memory_space<vmem>>)
      %parallel_loop3A_101 = arith.constant 0 : i32
      %parallel_loop3A_102 = arith.constant 8000 : i32
      %parallel_loop3A_103 = arith.constant 16 : i32
      scf.for %parallel_loop3A_112 = %parallel_loop3A_101 to %parallel_loop3A_102 step %parallel_loop3A_103  : i32 {
        %parallel_loop3A_113 = arith.index_cast %parallel_loop3A_112 : i32 to index
        %parallel_loop3A_114 = tpu.vector_load %arg12[%parallel_loop3A_113] {strides = array<i32>} : memref<8000xi32, #tpu.memory_space<vmem>>, vector<16xi32>,
        %parallel_loop3A_115 = arith.constant 14 : i32
        %parallel_loop3A_116 = vector.broadcast %parallel_loop3A_115 : i32 to vector<16xi32>
        %parallel_loop3A_117 = arith.shrui %parallel_loop3A_114, %parallel_loop3A_116 : vector<16xi32>
        %parallel_loop3A_118 = arith.constant 16383 : i32
        %parallel_loop3A_119 = vector.broadcast %parallel_loop3A_118 : i32 to vector<16xi32>
        %parallel_loop3A_120 = arith.andi %parallel_loop3A_114, %parallel_loop3A_119 : vector<16xi32>
        %parallel_loop3A_121 = tpu.vector_load_idx %arg5[%parallel_loop3A_117] : memref<10240xi32, #tpu.memory_space<vmem>>[vector<16xi32>], vector<16xi32>,
        %parallel_loop3A_122 = arith.constant 16 : i32
        %parallel_loop3A_123 = vector.broadcast %parallel_loop3A_122 : i32 to vector<16xi32>
        %parallel_loop3A_124 = arith.shli %parallel_loop3A_121, %parallel_loop3A_123 : vector<16xi32>
        %parallel_loop3A_125 = vector.bitcast %parallel_loop3A_124 : vector<16xi32> to vector<16xf32>
        %parallel_loop3A_126 = arith.constant -65536 : i32
        %parallel_loop3A_127 = vector.broadcast %parallel_loop3A_126 : i32 to vector<16xi32>
        %parallel_loop3A_128 = arith.andi %parallel_loop3A_121, %parallel_loop3A_127 : vector<16xi32>
        %parallel_loop3A_129 = vector.bitcast %parallel_loop3A_128 : vector<16xi32> to vector<16xf32>
        tpu.vector_store_idx %arg7[%parallel_loop3A_120], %parallel_loop3A_125 {add = true} : memref<10240xf32, #tpu.memory_space<vmem>>[vector<16xi32>], vector<16xf32>,
        tpu.vector_store_idx %arg9[%parallel_loop3A_120], %parallel_loop3A_129 {add = true} : memref<10240xf32, #tpu.memory_space<vmem>>[vector<16xi32>], vector<16xf32>,
        %parallel_loop3A_130 = tpu.vector_load_idx %arg6[%parallel_loop3A_117] : memref<10240xi32, #tpu.memory_space<vmem>>[vector<16xi32>], vector<16xi32>,
        %parallel_loop3A_131 = arith.constant 16 : i32
        %parallel_loop3A_132 = vector.broadcast %parallel_loop3A_131 : i32 to vector<16xi32>
        %parallel_loop3A_133 = arith.shli %parallel_loop3A_130, %parallel_loop3A_132 : vector<16xi32>
        %parallel_loop3A_134 = vector.bitcast %parallel_loop3A_133 : vector<16xi32> to vector<16xf32>
        %parallel_loop3A_135 = arith.constant -65536 : i32
        %parallel_loop3A_136 = vector.broadcast %parallel_loop3A_135 : i32 to vector<16xi32>
        %parallel_loop3A_137 = arith.andi %parallel_loop3A_130, %parallel_loop3A_136 : vector<16xi32>
        %parallel_loop3A_138 = vector.bitcast %parallel_loop3A_137 : vector<16xi32> to vector<16xf32>
        tpu.vector_store_idx %arg8[%parallel_loop3A_120], %parallel_loop3A_134 {add = true} : memref<10240xf32, #tpu.memory_space<vmem>>[vector<16xi32>], vector<16xf32>,
        tpu.vector_store_idx %arg10[%parallel_loop3A_120], %parallel_loop3A_138 {add = true} : memref<10240xf32, #tpu.memory_space<vmem>>[vector<16xi32>], vector<16xf32>,
      } {sc.loop_unroll_factor = 8 : i64, sc.parallel_access}
      %mul3A_104 = arith.constant 2 : i32
      %mul3A_105 = arith.muli %mul3A_104, %add3A_81 : i32
      %add3A_106 = arith.constant 3 : i32
      %add3A_107 = arith.addi %mul3A_105, %add3A_106 : i32
      %mul3A_108 = arith.constant 8000 : i32
      %mul3A_109 = arith.muli %add3A_107, %mul3A_108 : i32
      %dma_start3A_110 = tpu.memref_slice %arg3[%mul3A_109] : memref<320000xi32, #tpu.memory_space<hbm>> -> memref<8000xi32, #tpu.memory_space<hbm>>
      %dma_start3A_111 = tpu.memref_slice %arg3[%mul3A_109] : memref<320000xi32, #tpu.memory_space<hbm>> -> memref<8000xi32, #tpu.memory_space<hbm>>
      tpu.enqueue_dma source(%dma_start3A_111 : memref<8000xi32, #tpu.memory_space<hbm>>) target(%arg12 : memref<8000xi32, #tpu.memory_space<vmem>>) target_semaphore(%arg15 : memref<!tpu.dma_semaphore, #tpu.memory_space<semaphore_mem>>)
    }
    %scan3A_47 = arith.constant 19 : i32
    %dma_wait3A_48 = arith.constant 0 : i32
    %dma_wait3A_49 = tpu.memref_slice %arg3[%dma_wait3A_48] : memref<320000xi32, #tpu.memory_space<hbm>> -> memref<8000xi32, #tpu.memory_space<hbm>>
    %dma_wait3A_50 = arith.constant 0 : i32
    %dma_wait3A_51 = tpu.memref_slice %arg3[%dma_wait3A_50] : memref<320000xi32, #tpu.memory_space<hbm>> -> memref<8000xi32, #tpu.memory_space<hbm>>
    tpu.wait_dma2 semaphore(%arg14 : memref<!tpu.dma_semaphore, #tpu.memory_space<semaphore_mem>>) src(%dma_wait3A_51 : memref<8000xi32, #tpu.memory_space<hbm>>) dst(%arg11 : memref<8000xi32, #tpu.memory_space<vmem>>)
    %parallel_loop3A = arith.constant 0 : i32
    %parallel_loop3A_52 = arith.constant 8000 : i32
    %parallel_loop3A_53 = arith.constant 16 : i32
    scf.for %parallel_loop3A_77 = %parallel_loop3A to %parallel_loop3A_52 step %parallel_loop3A_53  : i32 {
      %parallel_loop3A_78 = arith.index_cast %parallel_loop3A_77 : i32 to index
      %parallel_loop3A_79 = tpu.vector_load %arg11[%parallel_loop3A_78] {strides = array<i32>} : memref<8000xi32, #tpu.memory_space<vmem>>, vector<16xi32>,
      %parallel_loop3A_80 = arith.constant 14 : i32
      %parallel_loop3A_81 = vector.broadcast %parallel_loop3A_80 : i32 to vector<16xi32>
      %parallel_loop3A_82 = arith.shrui %parallel_loop3A_79, %parallel_loop3A_81 : vector<16xi32>
      %parallel_loop3A_83 = arith.constant 16383 : i32
      %parallel_loop3A_84 = vector.broadcast %parallel_loop3A_83 : i32 to vector<16xi32>
      %parallel_loop3A_85 = arith.andi %parallel_loop3A_79, %parallel_loop3A_84 : vector<16xi32>
      %parallel_loop3A_86 = tpu.vector_load_idx %arg5[%parallel_loop3A_82] : memref<10240xi32, #tpu.memory_space<vmem>>[vector<16xi32>], vector<16xi32>,
      %parallel_loop3A_87 = arith.constant 16 : i32
      %parallel_loop3A_88 = vector.broadcast %parallel_loop3A_87 : i32 to vector<16xi32>
      %parallel_loop3A_89 = arith.shli %parallel_loop3A_86, %parallel_loop3A_88 : vector<16xi32>
      %parallel_loop3A_90 = vector.bitcast %parallel_loop3A_89 : vector<16xi32> to vector<16xf32>
      %parallel_loop3A_91 = arith.constant -65536 : i32
      %parallel_loop3A_92 = vector.broadcast %parallel_loop3A_91 : i32 to vector<16xi32>
      %parallel_loop3A_93 = arith.andi %parallel_loop3A_86, %parallel_loop3A_92 : vector<16xi32>
      %parallel_loop3A_94 = vector.bitcast %parallel_loop3A_93 : vector<16xi32> to vector<16xf32>
      tpu.vector_store_idx %arg7[%parallel_loop3A_85], %parallel_loop3A_90 {add = true} : memref<10240xf32, #tpu.memory_space<vmem>>[vector<16xi32>], vector<16xf32>,
      tpu.vector_store_idx %arg9[%parallel_loop3A_85], %parallel_loop3A_94 {add = true} : memref<10240xf32, #tpu.memory_space<vmem>>[vector<16xi32>], vector<16xf32>,
      %parallel_loop3A_95 = tpu.vector_load_idx %arg6[%parallel_loop3A_82] : memref<10240xi32, #tpu.memory_space<vmem>>[vector<16xi32>], vector<16xi32>,
      %parallel_loop3A_96 = arith.constant 16 : i32
      %parallel_loop3A_97 = vector.broadcast %parallel_loop3A_96 : i32 to vector<16xi32>
      %parallel_loop3A_98 = arith.shli %parallel_loop3A_95, %parallel_loop3A_97 : vector<16xi32>
      %parallel_loop3A_99 = vector.bitcast %parallel_loop3A_98 : vector<16xi32> to vector<16xf32>
      %parallel_loop3A_100 = arith.constant -65536 : i32
      %parallel_loop3A_101 = vector.broadcast %parallel_loop3A_100 : i32 to vector<16xi32>
      %parallel_loop3A_102 = arith.andi %parallel_loop3A_95, %parallel_loop3A_101 : vector<16xi32>
      %parallel_loop3A_103 = vector.bitcast %parallel_loop3A_102 : vector<16xi32> to vector<16xf32>
      tpu.vector_store_idx %arg8[%parallel_loop3A_85], %parallel_loop3A_99 {add = true} : memref<10240xf32, #tpu.memory_space<vmem>>[vector<16xi32>], vector<16xf32>,
      tpu.vector_store_idx %arg10[%parallel_loop3A_85], %parallel_loop3A_103 {add = true} : memref<10240xf32, #tpu.memory_space<vmem>>[vector<16xi32>], vector<16xf32>,
    } {sc.loop_unroll_factor = 8 : i64, sc.parallel_access}
    %dma_wait3A_54 = arith.constant 0 : i32
    %dma_wait3A_55 = tpu.memref_slice %arg3[%dma_wait3A_54] : memref<320000xi32, #tpu.memory_space<hbm>> -> memref<8000xi32, #tpu.memory_space<hbm>>
    %dma_wait3A_56 = arith.constant 0 : i32
    %dma_wait3A_57 = tpu.memref_slice %arg3[%dma_wait3A_56] : memref<320000xi32, #tpu.memory_space<hbm>> -> memref<8000xi32, #tpu.memory_space<hbm>>
    tpu.wait_dma2 semaphore(%arg15 : memref<!tpu.dma_semaphore, #tpu.memory_space<semaphore_mem>>) src(%dma_wait3A_57 : memref<8000xi32, #tpu.memory_space<hbm>>) dst(%arg12 : memref<8000xi32, #tpu.memory_space<vmem>>)
    %parallel_loop3A_58 = arith.constant 0 : i32
    %parallel_loop3A_59 = arith.constant 8000 : i32
    %parallel_loop3A_60 = arith.constant 16 : i32
    scf.for %parallel_loop3A_77 = %parallel_loop3A_58 to %parallel_loop3A_59 step %parallel_loop3A_60  : i32 {
      %parallel_loop3A_78 = arith.index_cast %parallel_loop3A_77 : i32 to index
      %parallel_loop3A_79 = tpu.vector_load %arg12[%parallel_loop3A_78] {strides = array<i32>} : memref<8000xi32, #tpu.memory_space<vmem>>, vector<16xi32>,
      %parallel_loop3A_80 = arith.constant 14 : i32
      %parallel_loop3A_81 = vector.broadcast %parallel_loop3A_80 : i32 to vector<16xi32>
      %parallel_loop3A_82 = arith.shrui %parallel_loop3A_79, %parallel_loop3A_81 : vector<16xi32>
      %parallel_loop3A_83 = arith.constant 16383 : i32
      %parallel_loop3A_84 = vector.broadcast %parallel_loop3A_83 : i32 to vector<16xi32>
      %parallel_loop3A_85 = arith.andi %parallel_loop3A_79, %parallel_loop3A_84 : vector<16xi32>
      %parallel_loop3A_86 = tpu.vector_load_idx %arg5[%parallel_loop3A_82] : memref<10240xi32, #tpu.memory_space<vmem>>[vector<16xi32>], vector<16xi32>,
      %parallel_loop3A_87 = arith.constant 16 : i32
      %parallel_loop3A_88 = vector.broadcast %parallel_loop3A_87 : i32 to vector<16xi32>
      %parallel_loop3A_89 = arith.shli %parallel_loop3A_86, %parallel_loop3A_88 : vector<16xi32>
      %parallel_loop3A_90 = vector.bitcast %parallel_loop3A_89 : vector<16xi32> to vector<16xf32>
      %parallel_loop3A_91 = arith.constant -65536 : i32
      %parallel_loop3A_92 = vector.broadcast %parallel_loop3A_91 : i32 to vector<16xi32>
      %parallel_loop3A_93 = arith.andi %parallel_loop3A_86, %parallel_loop3A_92 : vector<16xi32>
      %parallel_loop3A_94 = vector.bitcast %parallel_loop3A_93 : vector<16xi32> to vector<16xf32>
      tpu.vector_store_idx %arg7[%parallel_loop3A_85], %parallel_loop3A_90 {add = true} : memref<10240xf32, #tpu.memory_space<vmem>>[vector<16xi32>], vector<16xf32>,
      tpu.vector_store_idx %arg9[%parallel_loop3A_85], %parallel_loop3A_94 {add = true} : memref<10240xf32, #tpu.memory_space<vmem>>[vector<16xi32>], vector<16xf32>,
      %parallel_loop3A_95 = tpu.vector_load_idx %arg6[%parallel_loop3A_82] : memref<10240xi32, #tpu.memory_space<vmem>>[vector<16xi32>], vector<16xi32>,
      %parallel_loop3A_96 = arith.constant 16 : i32
      %parallel_loop3A_97 = vector.broadcast %parallel_loop3A_96 : i32 to vector<16xi32>
      %parallel_loop3A_98 = arith.shli %parallel_loop3A_95, %parallel_loop3A_97 : vector<16xi32>
      %parallel_loop3A_99 = vector.bitcast %parallel_loop3A_98 : vector<16xi32> to vector<16xf32>
      %parallel_loop3A_100 = arith.constant -65536 : i32
      %parallel_loop3A_101 = vector.broadcast %parallel_loop3A_100 : i32 to vector<16xi32>
      %parallel_loop3A_102 = arith.andi %parallel_loop3A_95, %parallel_loop3A_101 : vector<16xi32>
      %parallel_loop3A_103 = vector.bitcast %parallel_loop3A_102 : vector<16xi32> to vector<16xf32>
      tpu.vector_store_idx %arg8[%parallel_loop3A_85], %parallel_loop3A_99 {add = true} : memref<10240xf32, #tpu.memory_space<vmem>>[vector<16xi32>], vector<16xf32>,
      tpu.vector_store_idx %arg10[%parallel_loop3A_85], %parallel_loop3A_103 {add = true} : memref<10240xf32, #tpu.memory_space<vmem>>[vector<16xi32>], vector<16xf32>,
    } {sc.loop_unroll_factor = 8 : i64, sc.parallel_access}
    %mul3A_61 = arith.constant 2 : i32
    %mul3A_62 = arith.muli %mul3A_61, %add3A : i32
    "tpu.region"() ({
      %run_scoped3A = tpu.sem_alloc : memref<!tpu.dma_semaphore, #tpu.memory_space<semaphore_mem>>
      %dma_start3A_77 = arith.constant 0 : i32
      %dma_start3A_78 = tpu.memref_slice %arg4[%mul3A_62, %dma_start3A_77] : memref<128x10240xf32, #tpu.memory_space<hbm>> -> memref<1x10240xf32, #tpu.memory_space<hbm>>
      %dma_start3A_79 = tpu.memref_squeeze %dma_start3A_78 : memref<1x10240xf32, #tpu.memory_space<hbm>> -> memref<10240xf32, #tpu.memory_space<hbm>>
      %dma_start3A_80 = arith.constant 0 : i32
      %dma_start3A_81 = tpu.memref_slice %arg4[%mul3A_62, %dma_start3A_80] : memref<128x10240xf32, #tpu.memory_space<hbm>> -> memref<1x10240xf32, #tpu.memory_space<hbm>>
      %dma_start3A_82 = tpu.memref_squeeze %dma_start3A_81 : memref<1x10240xf32, #tpu.memory_space<hbm>> -> memref<10240xf32, #tpu.memory_space<hbm>>
      tpu.enqueue_dma source(%arg7 : memref<10240xf32, #tpu.memory_space<vmem>>) target(%dma_start3A_82 : memref<10240xf32, #tpu.memory_space<hbm>>) target_semaphore(%run_scoped3A : memref<!tpu.dma_semaphore, #tpu.memory_space<semaphore_mem>>)
      %dma_wait3A_83 = arith.constant 0 : i32
      %dma_wait3A_84 = tpu.memref_slice %arg4[%mul3A_62, %dma_wait3A_83] : memref<128x10240xf32, #tpu.memory_space<hbm>> -> memref<1x10240xf32, #tpu.memory_space<hbm>>
      %dma_wait3A_85 = tpu.memref_squeeze %dma_wait3A_84 : memref<1x10240xf32, #tpu.memory_space<hbm>> -> memref<10240xf32, #tpu.memory_space<hbm>>
      %dma_wait3A_86 = arith.constant 0 : i32
      %dma_wait3A_87 = tpu.memref_slice %arg4[%mul3A_62, %dma_wait3A_86] : memref<128x10240xf32, #tpu.memory_space<hbm>> -> memref<1x10240xf32, #tpu.memory_space<hbm>>
      %dma_wait3A_88 = tpu.memref_squeeze %dma_wait3A_87 : memref<1x10240xf32, #tpu.memory_space<hbm>> -> memref<10240xf32, #tpu.memory_space<hbm>>
      tpu.wait_dma2 semaphore(%run_scoped3A : memref<!tpu.dma_semaphore, #tpu.memory_space<semaphore_mem>>) src(%arg7 : memref<10240xf32, #tpu.memory_space<vmem>>) dst(%dma_wait3A_88 : memref<10240xf32, #tpu.memory_space<hbm>>)
      tpu.yield
    }) : () -> ()
    %mul3A_63 = arith.constant 2 : i32
    %mul3A_64 = arith.muli %mul3A_63, %add3A : i32
    %add3A_65 = arith.constant 1 : i32
    %add3A_66 = arith.addi %mul3A_64, %add3A_65 : i32
    "tpu.region"() ({
      %run_scoped3A = tpu.sem_alloc : memref<!tpu.dma_semaphore, #tpu.memory_space<semaphore_mem>>
      %dma_start3A_77 = arith.constant 0 : i32
      %dma_start3A_78 = tpu.memref_slice %arg4[%add3A_66, %dma_start3A_77] : memref<128x10240xf32, #tpu.memory_space<hbm>> -> memref<1x10240xf32, #tpu.memory_space<hbm>>
      %dma_start3A_79 = tpu.memref_squeeze %dma_start3A_78 : memref<1x10240xf32, #tpu.memory_space<hbm>> -> memref<10240xf32, #tpu.memory_space<hbm>>
      %dma_start3A_80 = arith.constant 0 : i32
      %dma_start3A_81 = tpu.memref_slice %arg4[%add3A_66, %dma_start3A_80] : memref<128x10240xf32, #tpu.memory_space<hbm>> -> memref<1x10240xf32, #tpu.memory_space<hbm>>
      %dma_start3A_82 = tpu.memref_squeeze %dma_start3A_81 : memref<1x10240xf32, #tpu.memory_space<hbm>> -> memref<10240xf32, #tpu.memory_space<hbm>>
      tpu.enqueue_dma source(%arg8 : memref<10240xf32, #tpu.memory_space<vmem>>) target(%dma_start3A_82 : memref<10240xf32, #tpu.memory_space<hbm>>) target_semaphore(%run_scoped3A : memref<!tpu.dma_semaphore, #tpu.memory_space<semaphore_mem>>)
      %dma_wait3A_83 = arith.constant 0 : i32
      %dma_wait3A_84 = tpu.memref_slice %arg4[%add3A_66, %dma_wait3A_83] : memref<128x10240xf32, #tpu.memory_space<hbm>> -> memref<1x10240xf32, #tpu.memory_space<hbm>>
      %dma_wait3A_85 = tpu.memref_squeeze %dma_wait3A_84 : memref<1x10240xf32, #tpu.memory_space<hbm>> -> memref<10240xf32, #tpu.memory_space<hbm>>
      %dma_wait3A_86 = arith.constant 0 : i32
      %dma_wait3A_87 = tpu.memref_slice %arg4[%add3A_66, %dma_wait3A_86] : memref<128x10240xf32, #tpu.memory_space<hbm>> -> memref<1x10240xf32, #tpu.memory_space<hbm>>
      %dma_wait3A_88 = tpu.memref_squeeze %dma_wait3A_87 : memref<1x10240xf32, #tpu.memory_space<hbm>> -> memref<10240xf32, #tpu.memory_space<hbm>>
      tpu.wait_dma2 semaphore(%run_scoped3A : memref<!tpu.dma_semaphore, #tpu.memory_space<semaphore_mem>>) src(%arg8 : memref<10240xf32, #tpu.memory_space<vmem>>) dst(%dma_wait3A_88 : memref<10240xf32, #tpu.memory_space<hbm>>)
      tpu.yield
    }) : () -> ()
    %mul3A_67 = arith.constant 2 : i32
    %mul3A_68 = arith.muli %mul3A_67, %add3A : i32
    %add3A_69 = arith.constant 64 : i32
    %add3A_70 = arith.addi %add3A_69, %mul3A_68 : i32
    "tpu.region"() ({
      %run_scoped3A = tpu.sem_alloc : memref<!tpu.dma_semaphore, #tpu.memory_space<semaphore_mem>>
      %dma_start3A_77 = arith.constant 0 : i32
      %dma_start3A_78 = tpu.memref_slice %arg4[%add3A_70, %dma_start3A_77] : memref<128x10240xf32, #tpu.memory_space<hbm>> -> memref<1x10240xf32, #tpu.memory_space<hbm>>
      %dma_start3A_79 = tpu.memref_squeeze %dma_start3A_78 : memref<1x10240xf32, #tpu.memory_space<hbm>> -> memref<10240xf32, #tpu.memory_space<hbm>>
      %dma_start3A_80 = arith.constant 0 : i32
      %dma_start3A_81 = tpu.memref_slice %arg4[%add3A_70, %dma_start3A_80] : memref<128x10240xf32, #tpu.memory_space<hbm>> -> memref<1x10240xf32, #tpu.memory_space<hbm>>
      %dma_start3A_82 = tpu.memref_squeeze %dma_start3A_81 : memref<1x10240xf32, #tpu.memory_space<hbm>> -> memref<10240xf32, #tpu.memory_space<hbm>>
      tpu.enqueue_dma source(%arg9 : memref<10240xf32, #tpu.memory_space<vmem>>) target(%dma_start3A_82 : memref<10240xf32, #tpu.memory_space<hbm>>) target_semaphore(%run_scoped3A : memref<!tpu.dma_semaphore, #tpu.memory_space<semaphore_mem>>)
      %dma_wait3A_83 = arith.constant 0 : i32
      %dma_wait3A_84 = tpu.memref_slice %arg4[%add3A_70, %dma_wait3A_83] : memref<128x10240xf32, #tpu.memory_space<hbm>> -> memref<1x10240xf32, #tpu.memory_space<hbm>>
      %dma_wait3A_85 = tpu.memref_squeeze %dma_wait3A_84 : memref<1x10240xf32, #tpu.memory_space<hbm>> -> memref<10240xf32, #tpu.memory_space<hbm>>
      %dma_wait3A_86 = arith.constant 0 : i32
      %dma_wait3A_87 = tpu.memref_slice %arg4[%add3A_70, %dma_wait3A_86] : memref<128x10240xf32, #tpu.memory_space<hbm>> -> memref<1x10240xf32, #tpu.memory_space<hbm>>
      %dma_wait3A_88 = tpu.memref_squeeze %dma_wait3A_87 : memref<1x10240xf32, #tpu.memory_space<hbm>> -> memref<10240xf32, #tpu.memory_space<hbm>>
      tpu.wait_dma2 semaphore(%run_scoped3A : memref<!tpu.dma_semaphore, #tpu.memory_space<semaphore_mem>>) src(%arg9 : memref<10240xf32, #tpu.memory_space<vmem>>) dst(%dma_wait3A_88 : memref<10240xf32, #tpu.memory_space<hbm>>)
      tpu.yield
    }) : () -> ()
    %mul3A_71 = arith.constant 2 : i32
    %mul3A_72 = arith.muli %mul3A_71, %add3A : i32
    %add3A_73 = arith.constant 64 : i32
    %add3A_74 = arith.addi %add3A_73, %mul3A_72 : i32
    %add3A_75 = arith.constant 1 : i32
    %add3A_76 = arith.addi %add3A_74, %add3A_75 : i32
    "tpu.region"() ({
      %run_scoped3A = tpu.sem_alloc : memref<!tpu.dma_semaphore, #tpu.memory_space<semaphore_mem>>
      %dma_start3A_77 = arith.constant 0 : i32
      %dma_start3A_78 = tpu.memref_slice %arg4[%add3A_76, %dma_start3A_77] : memref<128x10240xf32, #tpu.memory_space<hbm>> -> memref<1x10240xf32, #tpu.memory_space<hbm>>
      %dma_start3A_79 = tpu.memref_squeeze %dma_start3A_78 : memref<1x10240xf32, #tpu.memory_space<hbm>> -> memref<10240xf32, #tpu.memory_space<hbm>>
      %dma_start3A_80 = arith.constant 0 : i32
      %dma_start3A_81 = tpu.memref_slice %arg4[%add3A_76, %dma_start3A_80] : memref<128x10240xf32, #tpu.memory_space<hbm>> -> memref<1x10240xf32, #tpu.memory_space<hbm>>
      %dma_start3A_82 = tpu.memref_squeeze %dma_start3A_81 : memref<1x10240xf32, #tpu.memory_space<hbm>> -> memref<10240xf32, #tpu.memory_space<hbm>>
      tpu.enqueue_dma source(%arg10 : memref<10240xf32, #tpu.memory_space<vmem>>) target(%dma_start3A_82 : memref<10240xf32, #tpu.memory_space<hbm>>) target_semaphore(%run_scoped3A : memref<!tpu.dma_semaphore, #tpu.memory_space<semaphore_mem>>)
      %dma_wait3A_83 = arith.constant 0 : i32
      %dma_wait3A_84 = tpu.memref_slice %arg4[%add3A_76, %dma_wait3A_83] : memref<128x10240xf32, #tpu.memory_space<hbm>> -> memref<1x10240xf32, #tpu.memory_space<hbm>>
      %dma_wait3A_85 = tpu.memref_squeeze %dma_wait3A_84 : memref<1x10240xf32, #tpu.memory_space<hbm>> -> memref<10240xf32, #tpu.memory_space<hbm>>
      %dma_wait3A_86 = arith.constant 0 : i32
      %dma_wait3A_87 = tpu.memref_slice %arg4[%add3A_76, %dma_wait3A_86] : memref<128x10240xf32, #tpu.memory_space<hbm>> -> memref<1x10240xf32, #tpu.memory_space<hbm>>
      %dma_wait3A_88 = tpu.memref_squeeze %dma_wait3A_87 : memref<1x10240xf32, #tpu.memory_space<hbm>> -> memref<10240xf32, #tpu.memory_space<hbm>>
      tpu.wait_dma2 semaphore(%run_scoped3A : memref<!tpu.dma_semaphore, #tpu.memory_space<semaphore_mem>>) src(%arg10 : memref<10240xf32, #tpu.memory_space<vmem>>) dst(%dma_wait3A_88 : memref<10240xf32, #tpu.memory_space<hbm>>)
      tpu.yield
    }) : () -> ()
    return
  }
}

#map = affine_map<(d0, d1) -> (0, 0)>
#map1 = affine_map<(d0, d1) -> (0)>
module attributes {stable_mosaic.version = 14 : i64} {
  func.func @_scatter_body(%arg0: i32, %arg1: i32, %arg2: memref<64x10240xi32, #tpu.memory_space<hbm>>, %arg3: memref<320000xi32, #tpu.memory_space<hbm>>, %arg4: memref<128x10240xf32, #tpu.memory_space<hbm>>, %arg5: memref<10240xi32, #tpu.memory_space<vmem>>, %arg6: memref<10240xi32, #tpu.memory_space<vmem>>, %arg7: memref<10240xf32, #tpu.memory_space<vmem>>, %arg8: memref<10240xf32, #tpu.memory_space<vmem>>, %arg9: memref<10240xf32, #tpu.memory_space<vmem>>, %arg10: memref<10240xf32, #tpu.memory_space<vmem>>, %arg11: memref<8000xi32, #tpu.memory_space<vmem>>, %arg12: memref<8000xi32, #tpu.memory_space<vmem>>, %arg13: memref<!tpu.dma_semaphore, #tpu.memory_space<semaphore_mem>>, %arg14: memref<!tpu.dma_semaphore, #tpu.memory_space<semaphore_mem>>, %arg15: memref<!tpu.dma_semaphore, #tpu.memory_space<semaphore_mem>>) attributes {dimension_semantics = [#tpu.dimension_semantics<core_parallel>, #tpu.dimension_semantics<subcore_parallel>], iteration_bounds = array<i64: 2, 16>, scalar_prefetch = 0 : i64, scratch_operands = 11 : i64, tpu.core_type = #tpu.core_type<sc_vector_subcore>, window_params = [{transform_indices = #map}, {transform_indices = #map1}, {transform_indices = #map}]} {
    %mul3A = arith.constant 2 : i32
    %mul3A_0 = arith.muli %arg1, %mul3A : i32
    %add3A = arith.addi %mul3A_0, %arg0 : i32
    %mul3A_1 = arith.constant 2 : i32
    %mul3A_2 = arith.muli %mul3A_1, %add3A : i32
    %add3A_3 = arith.constant 0 : i32
    %add3A_4 = arith.addi %mul3A_2, %add3A_3 : i32
    %dma_start3A = arith.constant 0 : i32
    %dma_start3A_5 = tpu.memref_slice %arg2[%add3A_4, %dma_start3A] : memref<64x10240xi32, #tpu.memory_space<hbm>> -> memref<1x10240xi32, #tpu.memory_space<hbm>>
    %dma_start3A_6 = tpu.memref_squeeze %dma_start3A_5 : memref<1x10240xi32, #tpu.memory_space<hbm>> -> memref<10240xi32, #tpu.memory_space<hbm>>
    %dma_start3A_7 = arith.constant 0 : i32
    %dma_start3A_8 = tpu.memref_slice %arg2[%add3A_4, %dma_start3A_7] : memref<64x10240xi32, #tpu.memory_space<hbm>> -> memref<1x10240xi32, #tpu.memory_space<hbm>>
    %dma_start3A_9 = tpu.memref_squeeze %dma_start3A_8 : memref<1x10240xi32, #tpu.memory_space<hbm>> -> memref<10240xi32, #tpu.memory_space<hbm>>
    tpu.enqueue_dma source(%dma_start3A_9 : memref<10240xi32, #tpu.memory_space<hbm>>) target(%arg5 : memref<10240xi32, #tpu.memory_space<vmem>>) target_semaphore(%arg13 : memref<!tpu.dma_semaphore, #tpu.memory_space<semaphore_mem>>)
    %mul3A_10 = arith.constant 2 : i32
    %mul3A_11 = arith.muli %mul3A_10, %add3A : i32
    %add3A_12 = arith.constant 1 : i32
    %add3A_13 = arith.addi %mul3A_11, %add3A_12 : i32
    %dma_start3A_14 = arith.constant 0 : i32
    %dma_start3A_15 = tpu.memref_slice %arg2[%add3A_13, %dma_start3A_14] : memref<64x10240xi32, #tpu.memory_space<hbm>> -> memref<1x10240xi32, #tpu.memory_space<hbm>>
    %dma_start3A_16 = tpu.memref_squeeze %dma_start3A_15 : memref<1x10240xi32, #tpu.memory_space<hbm>> -> memref<10240xi32, #tpu.memory_space<hbm>>
    %dma_start3A_17 = arith.constant 0 : i32
    %dma_start3A_18 = tpu.memref_slice %arg2[%add3A_13, %dma_start3A_17] : memref<64x10240xi32, #tpu.memory_space<hbm>> -> memref<1x10240xi32, #tpu.memory_space<hbm>>
    %dma_start3A_19 = tpu.memref_squeeze %dma_start3A_18 : memref<1x10240xi32, #tpu.memory_space<hbm>> -> memref<10240xi32, #tpu.memory_space<hbm>>
    tpu.enqueue_dma source(%dma_start3A_19 : memref<10240xi32, #tpu.memory_space<hbm>>) target(%arg6 : memref<10240xi32, #tpu.memory_space<vmem>>) target_semaphore(%arg13 : memref<!tpu.dma_semaphore, #tpu.memory_space<semaphore_mem>>)
    %scan3A = arith.constant 0 : i32
    %scan3A_20 = arith.constant 160 : i32
    %scan3A_21 = arith.addi %scan3A, %scan3A_20 : i32
    %scan3A_22 = arith.constant 1 : i32
    scf.for %scan3A_77 = %scan3A to %scan3A_21 step %scan3A_22  : i32 {
      %mul3A_78 = arith.constant 64 : i32
      %mul3A_79 = arith.muli %scan3A_77, %mul3A_78 : i32
      %add3A_80 = arith.constant 0 : i32
      %add3A_81 = arith.addi %add3A_80, %mul3A_79 : i32
      %broadcast_in_dim3A = arith.constant 0.000000e+00 : f32
      %broadcast_in_dim3A_82 = vector.broadcast %broadcast_in_dim3A : f32 to vector<16xf32>
      %add3A_83 = arith.constant 0 : i32
      %add3A_84 = arith.addi %add3A_81, %add3A_83 : i32
      %swap3A = arith.index_cast %add3A_84 : i32 to index
      %swap3A_85 = tpu.vector_load %arg7[%swap3A] {strides = array<i32>} : memref<10240xf32, #tpu.memory_space<vmem>>, vector<16xf32>,
      tpu.vector_store %arg7[%swap3A], %broadcast_in_dim3A_82 {strides = array<i32>} : memref<10240xf32, #tpu.memory_space<vmem>>, vector<16xf32>,
      %add3A_86 = arith.constant 16 : i32
      %add3A_87 = arith.addi %add3A_81, %add3A_86 : i32
      %swap3A_88 = arith.index_cast %add3A_87 : i32 to index
      %swap3A_89 = tpu.vector_load %arg7[%swap3A_88] {strides = array<i32>} : memref<10240xf32, #tpu.memory_space<vmem>>, vector<16xf32>,
      tpu.vector_store %arg7[%swap3A_88], %broadcast_in_dim3A_82 {strides = array<i32>} : memref<10240xf32, #tpu.memory_space<vmem>>, vector<16xf32>,
      %add3A_90 = arith.constant 32 : i32
      %add3A_91 = arith.addi %add3A_81, %add3A_90 : i32
      %swap3A_92 = arith.index_cast %add3A_91 : i32 to index
      %swap3A_93 = tpu.vector_load %arg7[%swap3A_92] {strides = array<i32>} : memref<10240xf32, #tpu.memory_space<vmem>>, vector<16xf32>,
      tpu.vector_store %arg7[%swap3A_92], %broadcast_in_dim3A_82 {strides = array<i32>} : memref<10240xf32, #tpu.memory_space<vmem>>, vector<16xf32>,
      %add3A_94 = arith.constant 48 : i32
      %add3A_95 = arith.addi %add3A_81, %add3A_94 : i32
      %swap3A_96 = arith.index_cast %add3A_95 : i32 to index
      %swap3A_97 = tpu.vector_load %arg7[%swap3A_96] {strides = array<i32>} : memref<10240xf32, #tpu.memory_space<vmem>>, vector<16xf32>,
      tpu.vector_store %arg7[%swap3A_96], %broadcast_in_dim3A_82 {strides = array<i32>} : memref<10240xf32, #tpu.memory_space<vmem>>, vector<16xf32>,
      %add3A_98 = arith.constant 0 : i32
      %add3A_99 = arith.addi %add3A_81, %add3A_98 : i32
      %swap3A_100 = arith.index_cast %add3A_99 : i32 to index
      %swap3A_101 = tpu.vector_load %arg8[%swap3A_100] {strides = array<i32>} : memref<10240xf32, #tpu.memory_space<vmem>>, vector<16xf32>,
      tpu.vector_store %arg8[%swap3A_100], %broadcast_in_dim3A_82 {strides = array<i32>} : memref<10240xf32, #tpu.memory_space<vmem>>, vector<16xf32>,
      %add3A_102 = arith.constant 16 : i32
      %add3A_103 = arith.addi %add3A_81, %add3A_102 : i32
      %swap3A_104 = arith.index_cast %add3A_103 : i32 to index
      %swap3A_105 = tpu.vector_load %arg8[%swap3A_104] {strides = array<i32>} : memref<10240xf32, #tpu.memory_space<vmem>>, vector<16xf32>,
      tpu.vector_store %arg8[%swap3A_104], %broadcast_in_dim3A_82 {strides = array<i32>} : memref<10240xf32, #tpu.memory_space<vmem>>, vector<16xf32>,
      %add3A_106 = arith.constant 32 : i32
      %add3A_107 = arith.addi %add3A_81, %add3A_106 : i32
      %swap3A_108 = arith.index_cast %add3A_107 : i32 to index
      %swap3A_109 = tpu.vector_load %arg8[%swap3A_108] {strides = array<i32>} : memref<10240xf32, #tpu.memory_space<vmem>>, vector<16xf32>,
      tpu.vector_store %arg8[%swap3A_108], %broadcast_in_dim3A_82 {strides = array<i32>} : memref<10240xf32, #tpu.memory_space<vmem>>, vector<16xf32>,
      %add3A_110 = arith.constant 48 : i32
      %add3A_111 = arith.addi %add3A_81, %add3A_110 : i32
      %swap3A_112 = arith.index_cast %add3A_111 : i32 to index
      %swap3A_113 = tpu.vector_load %arg8[%swap3A_112] {strides = array<i32>} : memref<10240xf32, #tpu.memory_space<vmem>>, vector<16xf32>,
      tpu.vector_store %arg8[%swap3A_112], %broadcast_in_dim3A_82 {strides = array<i32>} : memref<10240xf32, #tpu.memory_space<vmem>>, vector<16xf32>,
      %add3A_114 = arith.constant 0 : i32
      %add3A_115 = arith.addi %add3A_81, %add3A_114 : i32
      %swap3A_116 = arith.index_cast %add3A_115 : i32 to index
      %swap3A_117 = tpu.vector_load %arg9[%swap3A_116] {strides = array<i32>} : memref<10240xf32, #tpu.memory_space<vmem>>, vector<16xf32>,
      tpu.vector_store %arg9[%swap3A_116], %broadcast_in_dim3A_82 {strides = array<i32>} : memref<10240xf32, #tpu.memory_space<vmem>>, vector<16xf32>,
      %add3A_118 = arith.constant 16 : i32
      %add3A_119 = arith.addi %add3A_81, %add3A_118 : i32
      %swap3A_120 = arith.index_cast %add3A_119 : i32 to index
      %swap3A_121 = tpu.vector_load %arg9[%swap3A_120] {strides = array<i32>} : memref<10240xf32, #tpu.memory_space<vmem>>, vector<16xf32>,
      tpu.vector_store %arg9[%swap3A_120], %broadcast_in_dim3A_82 {strides = array<i32>} : memref<10240xf32, #tpu.memory_space<vmem>>, vector<16xf32>,
      %add3A_122 = arith.constant 32 : i32
      %add3A_123 = arith.addi %add3A_81, %add3A_122 : i32
      %swap3A_124 = arith.index_cast %add3A_123 : i32 to index
      %swap3A_125 = tpu.vector_load %arg9[%swap3A_124] {strides = array<i32>} : memref<10240xf32, #tpu.memory_space<vmem>>, vector<16xf32>,
      tpu.vector_store %arg9[%swap3A_124], %broadcast_in_dim3A_82 {strides = array<i32>} : memref<10240xf32, #tpu.memory_space<vmem>>, vector<16xf32>,
      %add3A_126 = arith.constant 48 : i32
      %add3A_127 = arith.addi %add3A_81, %add3A_126 : i32
      %swap3A_128 = arith.index_cast %add3A_127 : i32 to index
      %swap3A_129 = tpu.vector_load %arg9[%swap3A_128] {strides = array<i32>} : memref<10240xf32, #tpu.memory_space<vmem>>, vector<16xf32>,
      tpu.vector_store %arg9[%swap3A_128], %broadcast_in_dim3A_82 {strides = array<i32>} : memref<10240xf32, #tpu.memory_space<vmem>>, vector<16xf32>,
      %add3A_130 = arith.constant 0 : i32
      %add3A_131 = arith.addi %add3A_81, %add3A_130 : i32
      %swap3A_132 = arith.index_cast %add3A_131 : i32 to index
      %swap3A_133 = tpu.vector_load %arg10[%swap3A_132] {strides = array<i32>} : memref<10240xf32, #tpu.memory_space<vmem>>, vector<16xf32>,
      tpu.vector_store %arg10[%swap3A_132], %broadcast_in_dim3A_82 {strides = array<i32>} : memref<10240xf32, #tpu.memory_space<vmem>>, vector<16xf32>,
      %add3A_134 = arith.constant 16 : i32
      %add3A_135 = arith.addi %add3A_81, %add3A_134 : i32
      %swap3A_136 = arith.index_cast %add3A_135 : i32 to index
      %swap3A_137 = tpu.vector_load %arg10[%swap3A_136] {strides = array<i32>} : memref<10240xf32, #tpu.memory_space<vmem>>, vector<16xf32>,
      tpu.vector_store %arg10[%swap3A_136], %broadcast_in_dim3A_82 {strides = array<i32>} : memref<10240xf32, #tpu.memory_space<vmem>>, vector<16xf32>,
      %add3A_138 = arith.constant 32 : i32
      %add3A_139 = arith.addi %add3A_81, %add3A_138 : i32
      %swap3A_140 = arith.index_cast %add3A_139 : i32 to index
      %swap3A_141 = tpu.vector_load %arg10[%swap3A_140] {strides = array<i32>} : memref<10240xf32, #tpu.memory_space<vmem>>, vector<16xf32>,
      tpu.vector_store %arg10[%swap3A_140], %broadcast_in_dim3A_82 {strides = array<i32>} : memref<10240xf32, #tpu.memory_space<vmem>>, vector<16xf32>,
      %add3A_142 = arith.constant 48 : i32
      %add3A_143 = arith.addi %add3A_81, %add3A_142 : i32
      %swap3A_144 = arith.index_cast %add3A_143 : i32 to index
      %swap3A_145 = tpu.vector_load %arg10[%swap3A_144] {strides = array<i32>} : memref<10240xf32, #tpu.memory_space<vmem>>, vector<16xf32>,
      tpu.vector_store %arg10[%swap3A_144], %broadcast_in_dim3A_82 {strides = array<i32>} : memref<10240xf32, #tpu.memory_space<vmem>>, vector<16xf32>,
    }
    %scan3A_23 = arith.constant 160 : i32
    %dma_start3A_24 = arith.constant 0 : i32
    %dma_start3A_25 = tpu.memref_slice %arg3[%dma_start3A_24] : memref<320000xi32, #tpu.memory_space<hbm>> -> memref<8000xi32, #tpu.memory_space<hbm>>
    %dma_start3A_26 = arith.constant 0 : i32
    %dma_start3A_27 = tpu.memref_slice %arg3[%dma_start3A_26] : memref<320000xi32, #tpu.memory_space<hbm>> -> memref<8000xi32, #tpu.memory_space<hbm>>
    tpu.enqueue_dma source(%dma_start3A_27 : memref<8000xi32, #tpu.memory_space<hbm>>) target(%arg11 : memref<8000xi32, #tpu.memory_space<vmem>>) target_semaphore(%arg14 : memref<!tpu.dma_semaphore, #tpu.memory_space<semaphore_mem>>)
    %dma_start3A_28 = arith.constant 8000 : i32
    %dma_start3A_29 = tpu.memref_slice %arg3[%dma_start3A_28] : memref<320000xi32, #tpu.memory_space<hbm>> -> memref<8000xi32, #tpu.memory_space<hbm>>
    %dma_start3A_30 = arith.constant 8000 : i32
    %dma_start3A_31 = tpu.memref_slice %arg3[%dma_start3A_30] : memref<320000xi32, #tpu.memory_space<hbm>> -> memref<8000xi32, #tpu.memory_space<hbm>>
    tpu.enqueue_dma source(%dma_start3A_31 : memref<8000xi32, #tpu.memory_space<hbm>>) target(%arg12 : memref<8000xi32, #tpu.memory_space<vmem>>) target_semaphore(%arg15 : memref<!tpu.dma_semaphore, #tpu.memory_space<semaphore_mem>>)
    %dma_wait3A = arith.constant 0 : i32
    %dma_wait3A_32 = tpu.memref_slice %arg2[%add3A_4, %dma_wait3A] : memref<64x10240xi32, #tpu.memory_space<hbm>> -> memref<1x10240xi32, #tpu.memory_space<hbm>>
    %dma_wait3A_33 = tpu.memref_squeeze %dma_wait3A_32 : memref<1x10240xi32, #tpu.memory_space<hbm>> -> memref<10240xi32, #tpu.memory_space<hbm>>
    %dma_wait3A_34 = arith.constant 0 : i32
    %dma_wait3A_35 = tpu.memref_slice %arg2[%add3A_4, %dma_wait3A_34] : memref<64x10240xi32, #tpu.memory_space<hbm>> -> memref<1x10240xi32, #tpu.memory_space<hbm>>
    %dma_wait3A_36 = tpu.memref_squeeze %dma_wait3A_35 : memref<1x10240xi32, #tpu.memory_space<hbm>> -> memref<10240xi32, #tpu.memory_space<hbm>>
    tpu.wait_dma2 semaphore(%arg13 : memref<!tpu.dma_semaphore, #tpu.memory_space<semaphore_mem>>) src(%dma_wait3A_36 : memref<10240xi32, #tpu.memory_space<hbm>>) dst(%arg5 : memref<10240xi32, #tpu.memory_space<vmem>>)
    %dma_wait3A_37 = arith.constant 0 : i32
    %dma_wait3A_38 = tpu.memref_slice %arg2[%add3A_13, %dma_wait3A_37] : memref<64x10240xi32, #tpu.memory_space<hbm>> -> memref<1x10240xi32, #tpu.memory_space<hbm>>
    %dma_wait3A_39 = tpu.memref_squeeze %dma_wait3A_38 : memref<1x10240xi32, #tpu.memory_space<hbm>> -> memref<10240xi32, #tpu.memory_space<hbm>>
    %dma_wait3A_40 = arith.constant 0 : i32
    %dma_wait3A_41 = tpu.memref_slice %arg2[%add3A_13, %dma_wait3A_40] : memref<64x10240xi32, #tpu.memory_space<hbm>> -> memref<1x10240xi32, #tpu.memory_space<hbm>>
    %dma_wait3A_42 = tpu.memref_squeeze %dma_wait3A_41 : memref<1x10240xi32, #tpu.memory_space<hbm>> -> memref<10240xi32, #tpu.memory_space<hbm>>
    tpu.wait_dma2 semaphore(%arg13 : memref<!tpu.dma_semaphore, #tpu.memory_space<semaphore_mem>>) src(%dma_wait3A_42 : memref<10240xi32, #tpu.memory_space<hbm>>) dst(%arg6 : memref<10240xi32, #tpu.memory_space<vmem>>)
    %scan3A_43 = arith.constant 0 : i32
    %scan3A_44 = arith.constant 19 : i32
    %scan3A_45 = arith.addi %scan3A_43, %scan3A_44 : i32
    %scan3A_46 = arith.constant 1 : i32
    scf.for %scan3A_77 = %scan3A_43 to %scan3A_45 step %scan3A_46  : i32 {
      %mul3A_78 = arith.constant 1 : i32
      %mul3A_79 = arith.muli %scan3A_77, %mul3A_78 : i32
      %add3A_80 = arith.constant 0 : i32
      %add3A_81 = arith.addi %add3A_80, %mul3A_79 : i32
      %dma_wait3A_82 = arith.constant 0 : i32
      %dma_wait3A_83 = tpu.memref_slice %arg3[%dma_wait3A_82] : memref<320000xi32, #tpu.memory_space<hbm>> -> memref<8000xi32, #tpu.memory_space<hbm>>
      %dma_wait3A_84 = arith.constant 0 : i32
      %dma_wait3A_85 = tpu.memref_slice %arg3[%dma_wait3A_84] : memref<320000xi32, #tpu.memory_space<hbm>> -> memref<8000xi32, #tpu.memory_space<hbm>>
      tpu.wait_dma2 semaphore(%arg14 : memref<!tpu.dma_semaphore, #tpu.memory_space<semaphore_mem>>) src(%dma_wait3A_85 : memref<8000xi32, #tpu.memory_space<hbm>>) dst(%arg11 : memref<8000xi32, #tpu.memory_space<vmem>>)
      %parallel_loop3A_86 = arith.constant 0 : i32
      %parallel_loop3A_87 = arith.constant 8000 : i32
      %parallel_loop3A_88 = arith.constant 16 : i32
      scf.for %parallel_loop3A_112 = %parallel_loop3A_86 to %parallel_loop3A_87 step %parallel_loop3A_88  : i32 {
        %parallel_loop3A_113 = arith.index_cast %parallel_loop3A_112 : i32 to index
        %parallel_loop3A_114 = tpu.vector_load %arg11[%parallel_loop3A_113] {strides = array<i32>} : memref<8000xi32, #tpu.memory_space<vmem>>, vector<16xi32>,
        %parallel_loop3A_115 = arith.constant 14 : i32
        %parallel_loop3A_116 = vector.broadcast %parallel_loop3A_115 : i32 to vector<16xi32>
        %parallel_loop3A_117 = arith.shrui %parallel_loop3A_114, %parallel_loop3A_116 : vector<16xi32>
        %parallel_loop3A_118 = arith.constant 16383 : i32
        %parallel_loop3A_119 = vector.broadcast %parallel_loop3A_118 : i32 to vector<16xi32>
        %parallel_loop3A_120 = arith.andi %parallel_loop3A_114, %parallel_loop3A_119 : vector<16xi32>
        %parallel_loop3A_121 = tpu.vector_load_idx %arg5[%parallel_loop3A_117] : memref<10240xi32, #tpu.memory_space<vmem>>[vector<16xi32>], vector<16xi32>,
        %parallel_loop3A_122 = arith.constant 16 : i32
        %parallel_loop3A_123 = vector.broadcast %parallel_loop3A_122 : i32 to vector<16xi32>
        %parallel_loop3A_124 = arith.shli %parallel_loop3A_121, %parallel_loop3A_123 : vector<16xi32>
        %parallel_loop3A_125 = vector.bitcast %parallel_loop3A_124 : vector<16xi32> to vector<16xf32>
        %parallel_loop3A_126 = arith.constant -65536 : i32
        %parallel_loop3A_127 = vector.broadcast %parallel_loop3A_126 : i32 to vector<16xi32>
        %parallel_loop3A_128 = arith.andi %parallel_loop3A_121, %parallel_loop3A_127 : vector<16xi32>
        %parallel_loop3A_129 = vector.bitcast %parallel_loop3A_128 : vector<16xi32> to vector<16xf32>
        tpu.vector_store_idx %arg7[%parallel_loop3A_120], %parallel_loop3A_125 {add = true} : memref<10240xf32, #tpu.memory_space<vmem>>[vector<16xi32>], vector<16xf32>,
        tpu.vector_store_idx %arg9[%parallel_loop3A_120], %parallel_loop3A_129 {add = true} : memref<10240xf32, #tpu.memory_space<vmem>>[vector<16xi32>], vector<16xf32>,
        %parallel_loop3A_130 = tpu.vector_load_idx %arg6[%parallel_loop3A_117] : memref<10240xi32, #tpu.memory_space<vmem>>[vector<16xi32>], vector<16xi32>,
        %parallel_loop3A_131 = arith.constant 16 : i32
        %parallel_loop3A_132 = vector.broadcast %parallel_loop3A_131 : i32 to vector<16xi32>
        %parallel_loop3A_133 = arith.shli %parallel_loop3A_130, %parallel_loop3A_132 : vector<16xi32>
        %parallel_loop3A_134 = vector.bitcast %parallel_loop3A_133 : vector<16xi32> to vector<16xf32>
        %parallel_loop3A_135 = arith.constant -65536 : i32
        %parallel_loop3A_136 = vector.broadcast %parallel_loop3A_135 : i32 to vector<16xi32>
        %parallel_loop3A_137 = arith.andi %parallel_loop3A_130, %parallel_loop3A_136 : vector<16xi32>
        %parallel_loop3A_138 = vector.bitcast %parallel_loop3A_137 : vector<16xi32> to vector<16xf32>
        tpu.vector_store_idx %arg8[%parallel_loop3A_120], %parallel_loop3A_134 {add = true} : memref<10240xf32, #tpu.memory_space<vmem>>[vector<16xi32>], vector<16xf32>,
        tpu.vector_store_idx %arg10[%parallel_loop3A_120], %parallel_loop3A_138 {add = true} : memref<10240xf32, #tpu.memory_space<vmem>>[vector<16xi32>], vector<16xf32>,
      } {sc.loop_unroll_factor = 8 : i64, sc.parallel_access}
      %mul3A_89 = arith.constant 2 : i32
      %mul3A_90 = arith.muli %mul3A_89, %add3A_81 : i32
      %add3A_91 = arith.constant 2 : i32
      %add3A_92 = arith.addi %mul3A_90, %add3A_91 : i32
      %mul3A_93 = arith.constant 8000 : i32
      %mul3A_94 = arith.muli %add3A_92, %mul3A_93 : i32
      %dma_start3A_95 = tpu.memref_slice %arg3[%mul3A_94] : memref<320000xi32, #tpu.memory_space<hbm>> -> memref<8000xi32, #tpu.memory_space<hbm>>
      %dma_start3A_96 = tpu.memref_slice %arg3[%mul3A_94] : memref<320000xi32, #tpu.memory_space<hbm>> -> memref<8000xi32, #tpu.memory_space<hbm>>
      tpu.enqueue_dma source(%dma_start3A_96 : memref<8000xi32, #tpu.memory_space<hbm>>) target(%arg11 : memref<8000xi32, #tpu.memory_space<vmem>>) target_semaphore(%arg14 : memref<!tpu.dma_semaphore, #tpu.memory_space<semaphore_mem>>)
      %dma_wait3A_97 = arith.constant 0 : i32
      %dma_wait3A_98 = tpu.memref_slice %arg3[%dma_wait3A_97] : memref<320000xi32, #tpu.memory_space<hbm>> -> memref<8000xi32, #tpu.memory_space<hbm>>
      %dma_wait3A_99 = arith.constant 0 : i32
      %dma_wait3A_100 = tpu.memref_slice %arg3[%dma_wait3A_99] : memref<320000xi32, #tpu.memory_space<hbm>> -> memref<8000xi32, #tpu.memory_space<hbm>>
      tpu.wait_dma2 semaphore(%arg15 : memref<!tpu.dma_semaphore, #tpu.memory_space<semaphore_mem>>) src(%dma_wait3A_100 : memref<8000xi32, #tpu.memory_space<hbm>>) dst(%arg12 : memref<8000xi32, #tpu.memory_space<vmem>>)
      %parallel_loop3A_101 = arith.constant 0 : i32
      %parallel_loop3A_102 = arith.constant 8000 : i32
      %parallel_loop3A_103 = arith.constant 16 : i32
      scf.for %parallel_loop3A_112 = %parallel_loop3A_101 to %parallel_loop3A_102 step %parallel_loop3A_103  : i32 {
        %parallel_loop3A_113 = arith.index_cast %parallel_loop3A_112 : i32 to index
        %parallel_loop3A_114 = tpu.vector_load %arg12[%parallel_loop3A_113] {strides = array<i32>} : memref<8000xi32, #tpu.memory_space<vmem>>, vector<16xi32>,
        %parallel_loop3A_115 = arith.constant 14 : i32
        %parallel_loop3A_116 = vector.broadcast %parallel_loop3A_115 : i32 to vector<16xi32>
        %parallel_loop3A_117 = arith.shrui %parallel_loop3A_114, %parallel_loop3A_116 : vector<16xi32>
        %parallel_loop3A_118 = arith.constant 16383 : i32
        %parallel_loop3A_119 = vector.broadcast %parallel_loop3A_118 : i32 to vector<16xi32>
        %parallel_loop3A_120 = arith.andi %parallel_loop3A_114, %parallel_loop3A_119 : vector<16xi32>
        %parallel_loop3A_121 = tpu.vector_load_idx %arg5[%parallel_loop3A_117] : memref<10240xi32, #tpu.memory_space<vmem>>[vector<16xi32>], vector<16xi32>,
        %parallel_loop3A_122 = arith.constant 16 : i32
        %parallel_loop3A_123 = vector.broadcast %parallel_loop3A_122 : i32 to vector<16xi32>
        %parallel_loop3A_124 = arith.shli %parallel_loop3A_121, %parallel_loop3A_123 : vector<16xi32>
        %parallel_loop3A_125 = vector.bitcast %parallel_loop3A_124 : vector<16xi32> to vector<16xf32>
        %parallel_loop3A_126 = arith.constant -65536 : i32
        %parallel_loop3A_127 = vector.broadcast %parallel_loop3A_126 : i32 to vector<16xi32>
        %parallel_loop3A_128 = arith.andi %parallel_loop3A_121, %parallel_loop3A_127 : vector<16xi32>
        %parallel_loop3A_129 = vector.bitcast %parallel_loop3A_128 : vector<16xi32> to vector<16xf32>
        tpu.vector_store_idx %arg7[%parallel_loop3A_120], %parallel_loop3A_125 {add = true} : memref<10240xf32, #tpu.memory_space<vmem>>[vector<16xi32>], vector<16xf32>,
        tpu.vector_store_idx %arg9[%parallel_loop3A_120], %parallel_loop3A_129 {add = true} : memref<10240xf32, #tpu.memory_space<vmem>>[vector<16xi32>], vector<16xf32>,
        %parallel_loop3A_130 = tpu.vector_load_idx %arg6[%parallel_loop3A_117] : memref<10240xi32, #tpu.memory_space<vmem>>[vector<16xi32>], vector<16xi32>,
        %parallel_loop3A_131 = arith.constant 16 : i32
        %parallel_loop3A_132 = vector.broadcast %parallel_loop3A_131 : i32 to vector<16xi32>
        %parallel_loop3A_133 = arith.shli %parallel_loop3A_130, %parallel_loop3A_132 : vector<16xi32>
        %parallel_loop3A_134 = vector.bitcast %parallel_loop3A_133 : vector<16xi32> to vector<16xf32>
        %parallel_loop3A_135 = arith.constant -65536 : i32
        %parallel_loop3A_136 = vector.broadcast %parallel_loop3A_135 : i32 to vector<16xi32>
        %parallel_loop3A_137 = arith.andi %parallel_loop3A_130, %parallel_loop3A_136 : vector<16xi32>
        %parallel_loop3A_138 = vector.bitcast %parallel_loop3A_137 : vector<16xi32> to vector<16xf32>
        tpu.vector_store_idx %arg8[%parallel_loop3A_120], %parallel_loop3A_134 {add = true} : memref<10240xf32, #tpu.memory_space<vmem>>[vector<16xi32>], vector<16xf32>,
        tpu.vector_store_idx %arg10[%parallel_loop3A_120], %parallel_loop3A_138 {add = true} : memref<10240xf32, #tpu.memory_space<vmem>>[vector<16xi32>], vector<16xf32>,
      } {sc.loop_unroll_factor = 8 : i64, sc.parallel_access}
      %mul3A_104 = arith.constant 2 : i32
      %mul3A_105 = arith.muli %mul3A_104, %add3A_81 : i32
      %add3A_106 = arith.constant 3 : i32
      %add3A_107 = arith.addi %mul3A_105, %add3A_106 : i32
      %mul3A_108 = arith.constant 8000 : i32
      %mul3A_109 = arith.muli %add3A_107, %mul3A_108 : i32
      %dma_start3A_110 = tpu.memref_slice %arg3[%mul3A_109] : memref<320000xi32, #tpu.memory_space<hbm>> -> memref<8000xi32, #tpu.memory_space<hbm>>
      %dma_start3A_111 = tpu.memref_slice %arg3[%mul3A_109] : memref<320000xi32, #tpu.memory_space<hbm>> -> memref<8000xi32, #tpu.memory_space<hbm>>
      tpu.enqueue_dma source(%dma_start3A_111 : memref<8000xi32, #tpu.memory_space<hbm>>) target(%arg12 : memref<8000xi32, #tpu.memory_space<vmem>>) target_semaphore(%arg15 : memref<!tpu.dma_semaphore, #tpu.memory_space<semaphore_mem>>)
    }
    %scan3A_47 = arith.constant 19 : i32
    %dma_wait3A_48 = arith.constant 0 : i32
    %dma_wait3A_49 = tpu.memref_slice %arg3[%dma_wait3A_48] : memref<320000xi32, #tpu.memory_space<hbm>> -> memref<8000xi32, #tpu.memory_space<hbm>>
    %dma_wait3A_50 = arith.constant 0 : i32
    %dma_wait3A_51 = tpu.memref_slice %arg3[%dma_wait3A_50] : memref<320000xi32, #tpu.memory_space<hbm>> -> memref<8000xi32, #tpu.memory_space<hbm>>
    tpu.wait_dma2 semaphore(%arg14 : memref<!tpu.dma_semaphore, #tpu.memory_space<semaphore_mem>>) src(%dma_wait3A_51 : memref<8000xi32, #tpu.memory_space<hbm>>) dst(%arg11 : memref<8000xi32, #tpu.memory_space<vmem>>)
    %parallel_loop3A = arith.constant 0 : i32
    %parallel_loop3A_52 = arith.constant 8000 : i32
    %parallel_loop3A_53 = arith.constant 16 : i32
    scf.for %parallel_loop3A_77 = %parallel_loop3A to %parallel_loop3A_52 step %parallel_loop3A_53  : i32 {
      %parallel_loop3A_78 = arith.index_cast %parallel_loop3A_77 : i32 to index
      %parallel_loop3A_79 = tpu.vector_load %arg11[%parallel_loop3A_78] {strides = array<i32>} : memref<8000xi32, #tpu.memory_space<vmem>>, vector<16xi32>,
      %parallel_loop3A_80 = arith.constant 14 : i32
      %parallel_loop3A_81 = vector.broadcast %parallel_loop3A_80 : i32 to vector<16xi32>
      %parallel_loop3A_82 = arith.shrui %parallel_loop3A_79, %parallel_loop3A_81 : vector<16xi32>
      %parallel_loop3A_83 = arith.constant 16383 : i32
      %parallel_loop3A_84 = vector.broadcast %parallel_loop3A_83 : i32 to vector<16xi32>
      %parallel_loop3A_85 = arith.andi %parallel_loop3A_79, %parallel_loop3A_84 : vector<16xi32>
      %parallel_loop3A_86 = tpu.vector_load_idx %arg5[%parallel_loop3A_82] : memref<10240xi32, #tpu.memory_space<vmem>>[vector<16xi32>], vector<16xi32>,
      %parallel_loop3A_87 = arith.constant 16 : i32
      %parallel_loop3A_88 = vector.broadcast %parallel_loop3A_87 : i32 to vector<16xi32>
      %parallel_loop3A_89 = arith.shli %parallel_loop3A_86, %parallel_loop3A_88 : vector<16xi32>
      %parallel_loop3A_90 = vector.bitcast %parallel_loop3A_89 : vector<16xi32> to vector<16xf32>
      %parallel_loop3A_91 = arith.constant -65536 : i32
      %parallel_loop3A_92 = vector.broadcast %parallel_loop3A_91 : i32 to vector<16xi32>
      %parallel_loop3A_93 = arith.andi %parallel_loop3A_86, %parallel_loop3A_92 : vector<16xi32>
      %parallel_loop3A_94 = vector.bitcast %parallel_loop3A_93 : vector<16xi32> to vector<16xf32>
      tpu.vector_store_idx %arg7[%parallel_loop3A_85], %parallel_loop3A_90 {add = true} : memref<10240xf32, #tpu.memory_space<vmem>>[vector<16xi32>], vector<16xf32>,
      tpu.vector_store_idx %arg9[%parallel_loop3A_85], %parallel_loop3A_94 {add = true} : memref<10240xf32, #tpu.memory_space<vmem>>[vector<16xi32>], vector<16xf32>,
      %parallel_loop3A_95 = tpu.vector_load_idx %arg6[%parallel_loop3A_82] : memref<10240xi32, #tpu.memory_space<vmem>>[vector<16xi32>], vector<16xi32>,
      %parallel_loop3A_96 = arith.constant 16 : i32
      %parallel_loop3A_97 = vector.broadcast %parallel_loop3A_96 : i32 to vector<16xi32>
      %parallel_loop3A_98 = arith.shli %parallel_loop3A_95, %parallel_loop3A_97 : vector<16xi32>
      %parallel_loop3A_99 = vector.bitcast %parallel_loop3A_98 : vector<16xi32> to vector<16xf32>
      %parallel_loop3A_100 = arith.constant -65536 : i32
      %parallel_loop3A_101 = vector.broadcast %parallel_loop3A_100 : i32 to vector<16xi32>
      %parallel_loop3A_102 = arith.andi %parallel_loop3A_95, %parallel_loop3A_101 : vector<16xi32>
      %parallel_loop3A_103 = vector.bitcast %parallel_loop3A_102 : vector<16xi32> to vector<16xf32>
      tpu.vector_store_idx %arg8[%parallel_loop3A_85], %parallel_loop3A_99 {add = true} : memref<10240xf32, #tpu.memory_space<vmem>>[vector<16xi32>], vector<16xf32>,
      tpu.vector_store_idx %arg10[%parallel_loop3A_85], %parallel_loop3A_103 {add = true} : memref<10240xf32, #tpu.memory_space<vmem>>[vector<16xi32>], vector<16xf32>,
    } {sc.loop_unroll_factor = 8 : i64, sc.parallel_access}
    %dma_wait3A_54 = arith.constant 0 : i32
    %dma_wait3A_55 = tpu.memref_slice %arg3[%dma_wait3A_54] : memref<320000xi32, #tpu.memory_space<hbm>> -> memref<8000xi32, #tpu.memory_space<hbm>>
    %dma_wait3A_56 = arith.constant 0 : i32
    %dma_wait3A_57 = tpu.memref_slice %arg3[%dma_wait3A_56] : memref<320000xi32, #tpu.memory_space<hbm>> -> memref<8000xi32, #tpu.memory_space<hbm>>
    tpu.wait_dma2 semaphore(%arg15 : memref<!tpu.dma_semaphore, #tpu.memory_space<semaphore_mem>>) src(%dma_wait3A_57 : memref<8000xi32, #tpu.memory_space<hbm>>) dst(%arg12 : memref<8000xi32, #tpu.memory_space<vmem>>)
    %parallel_loop3A_58 = arith.constant 0 : i32
    %parallel_loop3A_59 = arith.constant 8000 : i32
    %parallel_loop3A_60 = arith.constant 16 : i32
    scf.for %parallel_loop3A_77 = %parallel_loop3A_58 to %parallel_loop3A_59 step %parallel_loop3A_60  : i32 {
      %parallel_loop3A_78 = arith.index_cast %parallel_loop3A_77 : i32 to index
      %parallel_loop3A_79 = tpu.vector_load %arg12[%parallel_loop3A_78] {strides = array<i32>} : memref<8000xi32, #tpu.memory_space<vmem>>, vector<16xi32>,
      %parallel_loop3A_80 = arith.constant 14 : i32
      %parallel_loop3A_81 = vector.broadcast %parallel_loop3A_80 : i32 to vector<16xi32>
      %parallel_loop3A_82 = arith.shrui %parallel_loop3A_79, %parallel_loop3A_81 : vector<16xi32>
      %parallel_loop3A_83 = arith.constant 16383 : i32
      %parallel_loop3A_84 = vector.broadcast %parallel_loop3A_83 : i32 to vector<16xi32>
      %parallel_loop3A_85 = arith.andi %parallel_loop3A_79, %parallel_loop3A_84 : vector<16xi32>
      %parallel_loop3A_86 = tpu.vector_load_idx %arg5[%parallel_loop3A_82] : memref<10240xi32, #tpu.memory_space<vmem>>[vector<16xi32>], vector<16xi32>,
      %parallel_loop3A_87 = arith.constant 16 : i32
      %parallel_loop3A_88 = vector.broadcast %parallel_loop3A_87 : i32 to vector<16xi32>
      %parallel_loop3A_89 = arith.shli %parallel_loop3A_86, %parallel_loop3A_88 : vector<16xi32>
      %parallel_loop3A_90 = vector.bitcast %parallel_loop3A_89 : vector<16xi32> to vector<16xf32>
      %parallel_loop3A_91 = arith.constant -65536 : i32
      %parallel_loop3A_92 = vector.broadcast %parallel_loop3A_91 : i32 to vector<16xi32>
      %parallel_loop3A_93 = arith.andi %parallel_loop3A_86, %parallel_loop3A_92 : vector<16xi32>
      %parallel_loop3A_94 = vector.bitcast %parallel_loop3A_93 : vector<16xi32> to vector<16xf32>
      tpu.vector_store_idx %arg7[%parallel_loop3A_85], %parallel_loop3A_90 {add = true} : memref<10240xf32, #tpu.memory_space<vmem>>[vector<16xi32>], vector<16xf32>,
      tpu.vector_store_idx %arg9[%parallel_loop3A_85], %parallel_loop3A_94 {add = true} : memref<10240xf32, #tpu.memory_space<vmem>>[vector<16xi32>], vector<16xf32>,
      %parallel_loop3A_95 = tpu.vector_load_idx %arg6[%parallel_loop3A_82] : memref<10240xi32, #tpu.memory_space<vmem>>[vector<16xi32>], vector<16xi32>,
      %parallel_loop3A_96 = arith.constant 16 : i32
      %parallel_loop3A_97 = vector.broadcast %parallel_loop3A_96 : i32 to vector<16xi32>
      %parallel_loop3A_98 = arith.shli %parallel_loop3A_95, %parallel_loop3A_97 : vector<16xi32>
      %parallel_loop3A_99 = vector.bitcast %parallel_loop3A_98 : vector<16xi32> to vector<16xf32>
      %parallel_loop3A_100 = arith.constant -65536 : i32
      %parallel_loop3A_101 = vector.broadcast %parallel_loop3A_100 : i32 to vector<16xi32>
      %parallel_loop3A_102 = arith.andi %parallel_loop3A_95, %parallel_loop3A_101 : vector<16xi32>
      %parallel_loop3A_103 = vector.bitcast %parallel_loop3A_102 : vector<16xi32> to vector<16xf32>
      tpu.vector_store_idx %arg8[%parallel_loop3A_85], %parallel_loop3A_99 {add = true} : memref<10240xf32, #tpu.memory_space<vmem>>[vector<16xi32>], vector<16xf32>,
      tpu.vector_store_idx %arg10[%parallel_loop3A_85], %parallel_loop3A_103 {add = true} : memref<10240xf32, #tpu.memory_space<vmem>>[vector<16xi32>], vector<16xf32>,
    } {sc.loop_unroll_factor = 8 : i64, sc.parallel_access}
    %mul3A_61 = arith.constant 2 : i32
    %mul3A_62 = arith.muli %mul3A_61, %add3A : i32
    "tpu.region"() ({
      %run_scoped3A = tpu.sem_alloc : memref<!tpu.dma_semaphore, #tpu.memory_space<semaphore_mem>>
      %dma_start3A_77 = arith.constant 0 : i32
      %dma_start3A_78 = tpu.memref_slice %arg4[%mul3A_62, %dma_start3A_77] : memref<128x10240xf32, #tpu.memory_space<hbm>> -> memref<1x10240xf32, #tpu.memory_space<hbm>>
      %dma_start3A_79 = tpu.memref_squeeze %dma_start3A_78 : memref<1x10240xf32, #tpu.memory_space<hbm>> -> memref<10240xf32, #tpu.memory_space<hbm>>
      %dma_start3A_80 = arith.constant 0 : i32
      %dma_start3A_81 = tpu.memref_slice %arg4[%mul3A_62, %dma_start3A_80] : memref<128x10240xf32, #tpu.memory_space<hbm>> -> memref<1x10240xf32, #tpu.memory_space<hbm>>
      %dma_start3A_82 = tpu.memref_squeeze %dma_start3A_81 : memref<1x10240xf32, #tpu.memory_space<hbm>> -> memref<10240xf32, #tpu.memory_space<hbm>>
      tpu.enqueue_dma source(%arg7 : memref<10240xf32, #tpu.memory_space<vmem>>) target(%dma_start3A_82 : memref<10240xf32, #tpu.memory_space<hbm>>) target_semaphore(%run_scoped3A : memref<!tpu.dma_semaphore, #tpu.memory_space<semaphore_mem>>)
      %dma_wait3A_83 = arith.constant 0 : i32
      %dma_wait3A_84 = tpu.memref_slice %arg4[%mul3A_62, %dma_wait3A_83] : memref<128x10240xf32, #tpu.memory_space<hbm>> -> memref<1x10240xf32, #tpu.memory_space<hbm>>
      %dma_wait3A_85 = tpu.memref_squeeze %dma_wait3A_84 : memref<1x10240xf32, #tpu.memory_space<hbm>> -> memref<10240xf32, #tpu.memory_space<hbm>>
      %dma_wait3A_86 = arith.constant 0 : i32
      %dma_wait3A_87 = tpu.memref_slice %arg4[%mul3A_62, %dma_wait3A_86] : memref<128x10240xf32, #tpu.memory_space<hbm>> -> memref<1x10240xf32, #tpu.memory_space<hbm>>
      %dma_wait3A_88 = tpu.memref_squeeze %dma_wait3A_87 : memref<1x10240xf32, #tpu.memory_space<hbm>> -> memref<10240xf32, #tpu.memory_space<hbm>>
      tpu.wait_dma2 semaphore(%run_scoped3A : memref<!tpu.dma_semaphore, #tpu.memory_space<semaphore_mem>>) src(%arg7 : memref<10240xf32, #tpu.memory_space<vmem>>) dst(%dma_wait3A_88 : memref<10240xf32, #tpu.memory_space<hbm>>)
      tpu.yield
    }) : () -> ()
    %mul3A_63 = arith.constant 2 : i32
    %mul3A_64 = arith.muli %mul3A_63, %add3A : i32
    %add3A_65 = arith.constant 1 : i32
    %add3A_66 = arith.addi %mul3A_64, %add3A_65 : i32
    "tpu.region"() ({
      %run_scoped3A = tpu.sem_alloc : memref<!tpu.dma_semaphore, #tpu.memory_space<semaphore_mem>>
      %dma_start3A_77 = arith.constant 0 : i32
      %dma_start3A_78 = tpu.memref_slice %arg4[%add3A_66, %dma_start3A_77] : memref<128x10240xf32, #tpu.memory_space<hbm>> -> memref<1x10240xf32, #tpu.memory_space<hbm>>
      %dma_start3A_79 = tpu.memref_squeeze %dma_start3A_78 : memref<1x10240xf32, #tpu.memory_space<hbm>> -> memref<10240xf32, #tpu.memory_space<hbm>>
      %dma_start3A_80 = arith.constant 0 : i32
      %dma_start3A_81 = tpu.memref_slice %arg4[%add3A_66, %dma_start3A_80] : memref<128x10240xf32, #tpu.memory_space<hbm>> -> memref<1x10240xf32, #tpu.memory_space<hbm>>
      %dma_start3A_82 = tpu.memref_squeeze %dma_start3A_81 : memref<1x10240xf32, #tpu.memory_space<hbm>> -> memref<10240xf32, #tpu.memory_space<hbm>>
      tpu.enqueue_dma source(%arg8 : memref<10240xf32, #tpu.memory_space<vmem>>) target(%dma_start3A_82 : memref<10240xf32, #tpu.memory_space<hbm>>) target_semaphore(%run_scoped3A : memref<!tpu.dma_semaphore, #tpu.memory_space<semaphore_mem>>)
      %dma_wait3A_83 = arith.constant 0 : i32
      %dma_wait3A_84 = tpu.memref_slice %arg4[%add3A_66, %dma_wait3A_83] : memref<128x10240xf32, #tpu.memory_space<hbm>> -> memref<1x10240xf32, #tpu.memory_space<hbm>>
      %dma_wait3A_85 = tpu.memref_squeeze %dma_wait3A_84 : memref<1x10240xf32, #tpu.memory_space<hbm>> -> memref<10240xf32, #tpu.memory_space<hbm>>
      %dma_wait3A_86 = arith.constant 0 : i32
      %dma_wait3A_87 = tpu.memref_slice %arg4[%add3A_66, %dma_wait3A_86] : memref<128x10240xf32, #tpu.memory_space<hbm>> -> memref<1x10240xf32, #tpu.memory_space<hbm>>
      %dma_wait3A_88 = tpu.memref_squeeze %dma_wait3A_87 : memref<1x10240xf32, #tpu.memory_space<hbm>> -> memref<10240xf32, #tpu.memory_space<hbm>>
      tpu.wait_dma2 semaphore(%run_scoped3A : memref<!tpu.dma_semaphore, #tpu.memory_space<semaphore_mem>>) src(%arg8 : memref<10240xf32, #tpu.memory_space<vmem>>) dst(%dma_wait3A_88 : memref<10240xf32, #tpu.memory_space<hbm>>)
      tpu.yield
    }) : () -> ()
    %mul3A_67 = arith.constant 2 : i32
    %mul3A_68 = arith.muli %mul3A_67, %add3A : i32
    %add3A_69 = arith.constant 64 : i32
    %add3A_70 = arith.addi %add3A_69, %mul3A_68 : i32
    "tpu.region"() ({
      %run_scoped3A = tpu.sem_alloc : memref<!tpu.dma_semaphore, #tpu.memory_space<semaphore_mem>>
      %dma_start3A_77 = arith.constant 0 : i32
      %dma_start3A_78 = tpu.memref_slice %arg4[%add3A_70, %dma_start3A_77] : memref<128x10240xf32, #tpu.memory_space<hbm>> -> memref<1x10240xf32, #tpu.memory_space<hbm>>
      %dma_start3A_79 = tpu.memref_squeeze %dma_start3A_78 : memref<1x10240xf32, #tpu.memory_space<hbm>> -> memref<10240xf32, #tpu.memory_space<hbm>>
      %dma_start3A_80 = arith.constant 0 : i32
      %dma_start3A_81 = tpu.memref_slice %arg4[%add3A_70, %dma_start3A_80] : memref<128x10240xf32, #tpu.memory_space<hbm>> -> memref<1x10240xf32, #tpu.memory_space<hbm>>
      %dma_start3A_82 = tpu.memref_squeeze %dma_start3A_81 : memref<1x10240xf32, #tpu.memory_space<hbm>> -> memref<10240xf32, #tpu.memory_space<hbm>>
      tpu.enqueue_dma source(%arg9 : memref<10240xf32, #tpu.memory_space<vmem>>) target(%dma_start3A_82 : memref<10240xf32, #tpu.memory_space<hbm>>) target_semaphore(%run_scoped3A : memref<!tpu.dma_semaphore, #tpu.memory_space<semaphore_mem>>)
      %dma_wait3A_83 = arith.constant 0 : i32
      %dma_wait3A_84 = tpu.memref_slice %arg4[%add3A_70, %dma_wait3A_83] : memref<128x10240xf32, #tpu.memory_space<hbm>> -> memref<1x10240xf32, #tpu.memory_space<hbm>>
      %dma_wait3A_85 = tpu.memref_squeeze %dma_wait3A_84 : memref<1x10240xf32, #tpu.memory_space<hbm>> -> memref<10240xf32, #tpu.memory_space<hbm>>
      %dma_wait3A_86 = arith.constant 0 : i32
      %dma_wait3A_87 = tpu.memref_slice %arg4[%add3A_70, %dma_wait3A_86] : memref<128x10240xf32, #tpu.memory_space<hbm>> -> memref<1x10240xf32, #tpu.memory_space<hbm>>
      %dma_wait3A_88 = tpu.memref_squeeze %dma_wait3A_87 : memref<1x10240xf32, #tpu.memory_space<hbm>> -> memref<10240xf32, #tpu.memory_space<hbm>>
      tpu.wait_dma2 semaphore(%run_scoped3A : memref<!tpu.dma_semaphore, #tpu.memory_space<semaphore_mem>>) src(%arg9 : memref<10240xf32, #tpu.memory_space<vmem>>) dst(%dma_wait3A_88 : memref<10240xf32, #tpu.memory_space<hbm>>)
      tpu.yield
    }) : () -> ()
    %mul3A_71 = arith.constant 2 : i32
    %mul3A_72 = arith.muli %mul3A_71, %add3A : i32
    %add3A_73 = arith.constant 64 : i32
    %add3A_74 = arith.addi %add3A_73, %mul3A_72 : i32
    %add3A_75 = arith.constant 1 : i32
    %add3A_76 = arith.addi %add3A_74, %add3A_75 : i32
    "tpu.region"() ({
      %run_scoped3A = tpu.sem_alloc : memref<!tpu.dma_semaphore, #tpu.memory_space<semaphore_mem>>
      %dma_start3A_77 = arith.constant 0 : i32
      %dma_start3A_78 = tpu.memref_slice %arg4[%add3A_76, %dma_start3A_77] : memref<128x10240xf32, #tpu.memory_space<hbm>> -> memref<1x10240xf32, #tpu.memory_space<hbm>>
      %dma_start3A_79 = tpu.memref_squeeze %dma_start3A_78 : memref<1x10240xf32, #tpu.memory_space<hbm>> -> memref<10240xf32, #tpu.memory_space<hbm>>
      %dma_start3A_80 = arith.constant 0 : i32
      %dma_start3A_81 = tpu.memref_slice %arg4[%add3A_76, %dma_start3A_80] : memref<128x10240xf32, #tpu.memory_space<hbm>> -> memref<1x10240xf32, #tpu.memory_space<hbm>>
      %dma_start3A_82 = tpu.memref_squeeze %dma_start3A_81 : memref<1x10240xf32, #tpu.memory_space<hbm>> -> memref<10240xf32, #tpu.memory_space<hbm>>
      tpu.enqueue_dma source(%arg10 : memref<10240xf32, #tpu.memory_space<vmem>>) target(%dma_start3A_82 : memref<10240xf32, #tpu.memory_space<hbm>>) target_semaphore(%run_scoped3A : memref<!tpu.dma_semaphore, #tpu.memory_space<semaphore_mem>>)
      %dma_wait3A_83 = arith.constant 0 : i32
      %dma_wait3A_84 = tpu.memref_slice %arg4[%add3A_76, %dma_wait3A_83] : memref<128x10240xf32, #tpu.memory_space<hbm>> -> memref<1x10240xf32, #tpu.memory_space<hbm>>
      %dma_wait3A_85 = tpu.memref_squeeze %dma_wait3A_84 : memref<1x10240xf32, #tpu.memory_space<hbm>> -> memref<10240xf32, #tpu.memory_space<hbm>>
      %dma_wait3A_86 = arith.constant 0 : i32
      %dma_wait3A_87 = tpu.memref_slice %arg4[%add3A_76, %dma_wait3A_86] : memref<128x10240xf32, #tpu.memory_space<hbm>> -> memref<1x10240xf32, #tpu.memory_space<hbm>>
      %dma_wait3A_88 = tpu.memref_squeeze %dma_wait3A_87 : memref<1x10240xf32, #tpu.memory_space<hbm>> -> memref<10240xf32, #tpu.memory_space<hbm>>
      tpu.wait_dma2 semaphore(%run_scoped3A : memref<!tpu.dma_semaphore, #tpu.memory_space<semaphore_mem>>) src(%arg10 : memref<10240xf32, #tpu.memory_space<vmem>>) dst(%dma_wait3A_88 : memref<10240xf32, #tpu.memory_space<hbm>>)
      tpu.yield
    }) : () -> ()
    return
  }
}

#map = affine_map<(d0, d1) -> (0, 0)>
#map1 = affine_map<(d0, d1) -> (0)>
module attributes {stable_mosaic.version = 14 : i64} {
  func.func @_scatter_body(%arg0: i32, %arg1: i32, %arg2: memref<64x10240xi32, #tpu.memory_space<hbm>>, %arg3: memref<320000xi32, #tpu.memory_space<hbm>>, %arg4: memref<128x10240xf32, #tpu.memory_space<hbm>>, %arg5: memref<10240xi32, #tpu.memory_space<vmem>>, %arg6: memref<10240xi32, #tpu.memory_space<vmem>>, %arg7: memref<10240xf32, #tpu.memory_space<vmem>>, %arg8: memref<10240xf32, #tpu.memory_space<vmem>>, %arg9: memref<10240xf32, #tpu.memory_space<vmem>>, %arg10: memref<10240xf32, #tpu.memory_space<vmem>>, %arg11: memref<8000xi32, #tpu.memory_space<vmem>>, %arg12: memref<8000xi32, #tpu.memory_space<vmem>>, %arg13: memref<!tpu.dma_semaphore, #tpu.memory_space<semaphore_mem>>, %arg14: memref<!tpu.dma_semaphore, #tpu.memory_space<semaphore_mem>>, %arg15: memref<!tpu.dma_semaphore, #tpu.memory_space<semaphore_mem>>) attributes {dimension_semantics = [#tpu.dimension_semantics<core_parallel>, #tpu.dimension_semantics<subcore_parallel>], iteration_bounds = array<i64: 2, 16>, scalar_prefetch = 0 : i64, scratch_operands = 11 : i64, tpu.core_type = #tpu.core_type<sc_vector_subcore>, window_params = [{transform_indices = #map}, {transform_indices = #map1}, {transform_indices = #map}]} {
    %mul3A = arith.constant 2 : i32
    %mul3A_0 = arith.muli %arg1, %mul3A : i32
    %add3A = arith.addi %mul3A_0, %arg0 : i32
    %mul3A_1 = arith.constant 2 : i32
    %mul3A_2 = arith.muli %mul3A_1, %add3A : i32
    %add3A_3 = arith.constant 0 : i32
    %add3A_4 = arith.addi %mul3A_2, %add3A_3 : i32
    %dma_start3A = arith.constant 0 : i32
    %dma_start3A_5 = tpu.memref_slice %arg2[%add3A_4, %dma_start3A] : memref<64x10240xi32, #tpu.memory_space<hbm>> -> memref<1x10240xi32, #tpu.memory_space<hbm>>
    %dma_start3A_6 = tpu.memref_squeeze %dma_start3A_5 : memref<1x10240xi32, #tpu.memory_space<hbm>> -> memref<10240xi32, #tpu.memory_space<hbm>>
    %dma_start3A_7 = arith.constant 0 : i32
    %dma_start3A_8 = tpu.memref_slice %arg2[%add3A_4, %dma_start3A_7] : memref<64x10240xi32, #tpu.memory_space<hbm>> -> memref<1x10240xi32, #tpu.memory_space<hbm>>
    %dma_start3A_9 = tpu.memref_squeeze %dma_start3A_8 : memref<1x10240xi32, #tpu.memory_space<hbm>> -> memref<10240xi32, #tpu.memory_space<hbm>>
    tpu.enqueue_dma source(%dma_start3A_9 : memref<10240xi32, #tpu.memory_space<hbm>>) target(%arg5 : memref<10240xi32, #tpu.memory_space<vmem>>) target_semaphore(%arg13 : memref<!tpu.dma_semaphore, #tpu.memory_space<semaphore_mem>>)
    %mul3A_10 = arith.constant 2 : i32
    %mul3A_11 = arith.muli %mul3A_10, %add3A : i32
    %add3A_12 = arith.constant 1 : i32
    %add3A_13 = arith.addi %mul3A_11, %add3A_12 : i32
    %dma_start3A_14 = arith.constant 0 : i32
    %dma_start3A_15 = tpu.memref_slice %arg2[%add3A_13, %dma_start3A_14] : memref<64x10240xi32, #tpu.memory_space<hbm>> -> memref<1x10240xi32, #tpu.memory_space<hbm>>
    %dma_start3A_16 = tpu.memref_squeeze %dma_start3A_15 : memref<1x10240xi32, #tpu.memory_space<hbm>> -> memref<10240xi32, #tpu.memory_space<hbm>>
    %dma_start3A_17 = arith.constant 0 : i32
    %dma_start3A_18 = tpu.memref_slice %arg2[%add3A_13, %dma_start3A_17] : memref<64x10240xi32, #tpu.memory_space<hbm>> -> memref<1x10240xi32, #tpu.memory_space<hbm>>
    %dma_start3A_19 = tpu.memref_squeeze %dma_start3A_18 : memref<1x10240xi32, #tpu.memory_space<hbm>> -> memref<10240xi32, #tpu.memory_space<hbm>>
    tpu.enqueue_dma source(%dma_start3A_19 : memref<10240xi32, #tpu.memory_space<hbm>>) target(%arg6 : memref<10240xi32, #tpu.memory_space<vmem>>) target_semaphore(%arg13 : memref<!tpu.dma_semaphore, #tpu.memory_space<semaphore_mem>>)
    %scan3A = arith.constant 0 : i32
    %scan3A_20 = arith.constant 160 : i32
    %scan3A_21 = arith.addi %scan3A, %scan3A_20 : i32
    %scan3A_22 = arith.constant 1 : i32
    scf.for %scan3A_77 = %scan3A to %scan3A_21 step %scan3A_22  : i32 {
      %mul3A_78 = arith.constant 64 : i32
      %mul3A_79 = arith.muli %scan3A_77, %mul3A_78 : i32
      %add3A_80 = arith.constant 0 : i32
      %add3A_81 = arith.addi %add3A_80, %mul3A_79 : i32
      %broadcast_in_dim3A = arith.constant 0.000000e+00 : f32
      %broadcast_in_dim3A_82 = vector.broadcast %broadcast_in_dim3A : f32 to vector<16xf32>
      %add3A_83 = arith.constant 0 : i32
      %add3A_84 = arith.addi %add3A_81, %add3A_83 : i32
      %swap3A = arith.index_cast %add3A_84 : i32 to index
      %swap3A_85 = tpu.vector_load %arg7[%swap3A] {strides = array<i32>} : memref<10240xf32, #tpu.memory_space<vmem>>, vector<16xf32>,
      tpu.vector_store %arg7[%swap3A], %broadcast_in_dim3A_82 {strides = array<i32>} : memref<10240xf32, #tpu.memory_space<vmem>>, vector<16xf32>,
      %add3A_86 = arith.constant 16 : i32
      %add3A_87 = arith.addi %add3A_81, %add3A_86 : i32
      %swap3A_88 = arith.index_cast %add3A_87 : i32 to index
      %swap3A_89 = tpu.vector_load %arg7[%swap3A_88] {strides = array<i32>} : memref<10240xf32, #tpu.memory_space<vmem>>, vector<16xf32>,
      tpu.vector_store %arg7[%swap3A_88], %broadcast_in_dim3A_82 {strides = array<i32>} : memref<10240xf32, #tpu.memory_space<vmem>>, vector<16xf32>,
      %add3A_90 = arith.constant 32 : i32
      %add3A_91 = arith.addi %add3A_81, %add3A_90 : i32
      %swap3A_92 = arith.index_cast %add3A_91 : i32 to index
      %swap3A_93 = tpu.vector_load %arg7[%swap3A_92] {strides = array<i32>} : memref<10240xf32, #tpu.memory_space<vmem>>, vector<16xf32>,
      tpu.vector_store %arg7[%swap3A_92], %broadcast_in_dim3A_82 {strides = array<i32>} : memref<10240xf32, #tpu.memory_space<vmem>>, vector<16xf32>,
      %add3A_94 = arith.constant 48 : i32
      %add3A_95 = arith.addi %add3A_81, %add3A_94 : i32
      %swap3A_96 = arith.index_cast %add3A_95 : i32 to index
      %swap3A_97 = tpu.vector_load %arg7[%swap3A_96] {strides = array<i32>} : memref<10240xf32, #tpu.memory_space<vmem>>, vector<16xf32>,
      tpu.vector_store %arg7[%swap3A_96], %broadcast_in_dim3A_82 {strides = array<i32>} : memref<10240xf32, #tpu.memory_space<vmem>>, vector<16xf32>,
      %add3A_98 = arith.constant 0 : i32
      %add3A_99 = arith.addi %add3A_81, %add3A_98 : i32
      %swap3A_100 = arith.index_cast %add3A_99 : i32 to index
      %swap3A_101 = tpu.vector_load %arg8[%swap3A_100] {strides = array<i32>} : memref<10240xf32, #tpu.memory_space<vmem>>, vector<16xf32>,
      tpu.vector_store %arg8[%swap3A_100], %broadcast_in_dim3A_82 {strides = array<i32>} : memref<10240xf32, #tpu.memory_space<vmem>>, vector<16xf32>,
      %add3A_102 = arith.constant 16 : i32
      %add3A_103 = arith.addi %add3A_81, %add3A_102 : i32
      %swap3A_104 = arith.index_cast %add3A_103 : i32 to index
      %swap3A_105 = tpu.vector_load %arg8[%swap3A_104] {strides = array<i32>} : memref<10240xf32, #tpu.memory_space<vmem>>, vector<16xf32>,
      tpu.vector_store %arg8[%swap3A_104], %broadcast_in_dim3A_82 {strides = array<i32>} : memref<10240xf32, #tpu.memory_space<vmem>>, vector<16xf32>,
      %add3A_106 = arith.constant 32 : i32
      %add3A_107 = arith.addi %add3A_81, %add3A_106 : i32
      %swap3A_108 = arith.index_cast %add3A_107 : i32 to index
      %swap3A_109 = tpu.vector_load %arg8[%swap3A_108] {strides = array<i32>} : memref<10240xf32, #tpu.memory_space<vmem>>, vector<16xf32>,
      tpu.vector_store %arg8[%swap3A_108], %broadcast_in_dim3A_82 {strides = array<i32>} : memref<10240xf32, #tpu.memory_space<vmem>>, vector<16xf32>,
      %add3A_110 = arith.constant 48 : i32
      %add3A_111 = arith.addi %add3A_81, %add3A_110 : i32
      %swap3A_112 = arith.index_cast %add3A_111 : i32 to index
      %swap3A_113 = tpu.vector_load %arg8[%swap3A_112] {strides = array<i32>} : memref<10240xf32, #tpu.memory_space<vmem>>, vector<16xf32>,
      tpu.vector_store %arg8[%swap3A_112], %broadcast_in_dim3A_82 {strides = array<i32>} : memref<10240xf32, #tpu.memory_space<vmem>>, vector<16xf32>,
      %add3A_114 = arith.constant 0 : i32
      %add3A_115 = arith.addi %add3A_81, %add3A_114 : i32
      %swap3A_116 = arith.index_cast %add3A_115 : i32 to index
      %swap3A_117 = tpu.vector_load %arg9[%swap3A_116] {strides = array<i32>} : memref<10240xf32, #tpu.memory_space<vmem>>, vector<16xf32>,
      tpu.vector_store %arg9[%swap3A_116], %broadcast_in_dim3A_82 {strides = array<i32>} : memref<10240xf32, #tpu.memory_space<vmem>>, vector<16xf32>,
      %add3A_118 = arith.constant 16 : i32
      %add3A_119 = arith.addi %add3A_81, %add3A_118 : i32
      %swap3A_120 = arith.index_cast %add3A_119 : i32 to index
      %swap3A_121 = tpu.vector_load %arg9[%swap3A_120] {strides = array<i32>} : memref<10240xf32, #tpu.memory_space<vmem>>, vector<16xf32>,
      tpu.vector_store %arg9[%swap3A_120], %broadcast_in_dim3A_82 {strides = array<i32>} : memref<10240xf32, #tpu.memory_space<vmem>>, vector<16xf32>,
      %add3A_122 = arith.constant 32 : i32
      %add3A_123 = arith.addi %add3A_81, %add3A_122 : i32
      %swap3A_124 = arith.index_cast %add3A_123 : i32 to index
      %swap3A_125 = tpu.vector_load %arg9[%swap3A_124] {strides = array<i32>} : memref<10240xf32, #tpu.memory_space<vmem>>, vector<16xf32>,
      tpu.vector_store %arg9[%swap3A_124], %broadcast_in_dim3A_82 {strides = array<i32>} : memref<10240xf32, #tpu.memory_space<vmem>>, vector<16xf32>,
      %add3A_126 = arith.constant 48 : i32
      %add3A_127 = arith.addi %add3A_81, %add3A_126 : i32
      %swap3A_128 = arith.index_cast %add3A_127 : i32 to index
      %swap3A_129 = tpu.vector_load %arg9[%swap3A_128] {strides = array<i32>} : memref<10240xf32, #tpu.memory_space<vmem>>, vector<16xf32>,
      tpu.vector_store %arg9[%swap3A_128], %broadcast_in_dim3A_82 {strides = array<i32>} : memref<10240xf32, #tpu.memory_space<vmem>>, vector<16xf32>,
      %add3A_130 = arith.constant 0 : i32
      %add3A_131 = arith.addi %add3A_81, %add3A_130 : i32
      %swap3A_132 = arith.index_cast %add3A_131 : i32 to index
      %swap3A_133 = tpu.vector_load %arg10[%swap3A_132] {strides = array<i32>} : memref<10240xf32, #tpu.memory_space<vmem>>, vector<16xf32>,
      tpu.vector_store %arg10[%swap3A_132], %broadcast_in_dim3A_82 {strides = array<i32>} : memref<10240xf32, #tpu.memory_space<vmem>>, vector<16xf32>,
      %add3A_134 = arith.constant 16 : i32
      %add3A_135 = arith.addi %add3A_81, %add3A_134 : i32
      %swap3A_136 = arith.index_cast %add3A_135 : i32 to index
      %swap3A_137 = tpu.vector_load %arg10[%swap3A_136] {strides = array<i32>} : memref<10240xf32, #tpu.memory_space<vmem>>, vector<16xf32>,
      tpu.vector_store %arg10[%swap3A_136], %broadcast_in_dim3A_82 {strides = array<i32>} : memref<10240xf32, #tpu.memory_space<vmem>>, vector<16xf32>,
      %add3A_138 = arith.constant 32 : i32
      %add3A_139 = arith.addi %add3A_81, %add3A_138 : i32
      %swap3A_140 = arith.index_cast %add3A_139 : i32 to index
      %swap3A_141 = tpu.vector_load %arg10[%swap3A_140] {strides = array<i32>} : memref<10240xf32, #tpu.memory_space<vmem>>, vector<16xf32>,
      tpu.vector_store %arg10[%swap3A_140], %broadcast_in_dim3A_82 {strides = array<i32>} : memref<10240xf32, #tpu.memory_space<vmem>>, vector<16xf32>,
      %add3A_142 = arith.constant 48 : i32
      %add3A_143 = arith.addi %add3A_81, %add3A_142 : i32
      %swap3A_144 = arith.index_cast %add3A_143 : i32 to index
      %swap3A_145 = tpu.vector_load %arg10[%swap3A_144] {strides = array<i32>} : memref<10240xf32, #tpu.memory_space<vmem>>, vector<16xf32>,
      tpu.vector_store %arg10[%swap3A_144], %broadcast_in_dim3A_82 {strides = array<i32>} : memref<10240xf32, #tpu.memory_space<vmem>>, vector<16xf32>,
    }
    %scan3A_23 = arith.constant 160 : i32
    %dma_start3A_24 = arith.constant 0 : i32
    %dma_start3A_25 = tpu.memref_slice %arg3[%dma_start3A_24] : memref<320000xi32, #tpu.memory_space<hbm>> -> memref<8000xi32, #tpu.memory_space<hbm>>
    %dma_start3A_26 = arith.constant 0 : i32
    %dma_start3A_27 = tpu.memref_slice %arg3[%dma_start3A_26] : memref<320000xi32, #tpu.memory_space<hbm>> -> memref<8000xi32, #tpu.memory_space<hbm>>
    tpu.enqueue_dma source(%dma_start3A_27 : memref<8000xi32, #tpu.memory_space<hbm>>) target(%arg11 : memref<8000xi32, #tpu.memory_space<vmem>>) target_semaphore(%arg14 : memref<!tpu.dma_semaphore, #tpu.memory_space<semaphore_mem>>)
    %dma_start3A_28 = arith.constant 8000 : i32
    %dma_start3A_29 = tpu.memref_slice %arg3[%dma_start3A_28] : memref<320000xi32, #tpu.memory_space<hbm>> -> memref<8000xi32, #tpu.memory_space<hbm>>
    %dma_start3A_30 = arith.constant 8000 : i32
    %dma_start3A_31 = tpu.memref_slice %arg3[%dma_start3A_30] : memref<320000xi32, #tpu.memory_space<hbm>> -> memref<8000xi32, #tpu.memory_space<hbm>>
    tpu.enqueue_dma source(%dma_start3A_31 : memref<8000xi32, #tpu.memory_space<hbm>>) target(%arg12 : memref<8000xi32, #tpu.memory_space<vmem>>) target_semaphore(%arg15 : memref<!tpu.dma_semaphore, #tpu.memory_space<semaphore_mem>>)
    %dma_wait3A = arith.constant 0 : i32
    %dma_wait3A_32 = tpu.memref_slice %arg2[%add3A_4, %dma_wait3A] : memref<64x10240xi32, #tpu.memory_space<hbm>> -> memref<1x10240xi32, #tpu.memory_space<hbm>>
    %dma_wait3A_33 = tpu.memref_squeeze %dma_wait3A_32 : memref<1x10240xi32, #tpu.memory_space<hbm>> -> memref<10240xi32, #tpu.memory_space<hbm>>
    %dma_wait3A_34 = arith.constant 0 : i32
    %dma_wait3A_35 = tpu.memref_slice %arg2[%add3A_4, %dma_wait3A_34] : memref<64x10240xi32, #tpu.memory_space<hbm>> -> memref<1x10240xi32, #tpu.memory_space<hbm>>
    %dma_wait3A_36 = tpu.memref_squeeze %dma_wait3A_35 : memref<1x10240xi32, #tpu.memory_space<hbm>> -> memref<10240xi32, #tpu.memory_space<hbm>>
    tpu.wait_dma2 semaphore(%arg13 : memref<!tpu.dma_semaphore, #tpu.memory_space<semaphore_mem>>) src(%dma_wait3A_36 : memref<10240xi32, #tpu.memory_space<hbm>>) dst(%arg5 : memref<10240xi32, #tpu.memory_space<vmem>>)
    %dma_wait3A_37 = arith.constant 0 : i32
    %dma_wait3A_38 = tpu.memref_slice %arg2[%add3A_13, %dma_wait3A_37] : memref<64x10240xi32, #tpu.memory_space<hbm>> -> memref<1x10240xi32, #tpu.memory_space<hbm>>
    %dma_wait3A_39 = tpu.memref_squeeze %dma_wait3A_38 : memref<1x10240xi32, #tpu.memory_space<hbm>> -> memref<10240xi32, #tpu.memory_space<hbm>>
    %dma_wait3A_40 = arith.constant 0 : i32
    %dma_wait3A_41 = tpu.memref_slice %arg2[%add3A_13, %dma_wait3A_40] : memref<64x10240xi32, #tpu.memory_space<hbm>> -> memref<1x10240xi32, #tpu.memory_space<hbm>>
    %dma_wait3A_42 = tpu.memref_squeeze %dma_wait3A_41 : memref<1x10240xi32, #tpu.memory_space<hbm>> -> memref<10240xi32, #tpu.memory_space<hbm>>
    tpu.wait_dma2 semaphore(%arg13 : memref<!tpu.dma_semaphore, #tpu.memory_space<semaphore_mem>>) src(%dma_wait3A_42 : memref<10240xi32, #tpu.memory_space<hbm>>) dst(%arg6 : memref<10240xi32, #tpu.memory_space<vmem>>)
    %scan3A_43 = arith.constant 0 : i32
    %scan3A_44 = arith.constant 19 : i32
    %scan3A_45 = arith.addi %scan3A_43, %scan3A_44 : i32
    %scan3A_46 = arith.constant 1 : i32
    scf.for %scan3A_77 = %scan3A_43 to %scan3A_45 step %scan3A_46  : i32 {
      %mul3A_78 = arith.constant 1 : i32
      %mul3A_79 = arith.muli %scan3A_77, %mul3A_78 : i32
      %add3A_80 = arith.constant 0 : i32
      %add3A_81 = arith.addi %add3A_80, %mul3A_79 : i32
      %dma_wait3A_82 = arith.constant 0 : i32
      %dma_wait3A_83 = tpu.memref_slice %arg3[%dma_wait3A_82] : memref<320000xi32, #tpu.memory_space<hbm>> -> memref<8000xi32, #tpu.memory_space<hbm>>
      %dma_wait3A_84 = arith.constant 0 : i32
      %dma_wait3A_85 = tpu.memref_slice %arg3[%dma_wait3A_84] : memref<320000xi32, #tpu.memory_space<hbm>> -> memref<8000xi32, #tpu.memory_space<hbm>>
      tpu.wait_dma2 semaphore(%arg14 : memref<!tpu.dma_semaphore, #tpu.memory_space<semaphore_mem>>) src(%dma_wait3A_85 : memref<8000xi32, #tpu.memory_space<hbm>>) dst(%arg11 : memref<8000xi32, #tpu.memory_space<vmem>>)
      %parallel_loop3A_86 = arith.constant 0 : i32
      %parallel_loop3A_87 = arith.constant 8000 : i32
      %parallel_loop3A_88 = arith.constant 16 : i32
      scf.for %parallel_loop3A_112 = %parallel_loop3A_86 to %parallel_loop3A_87 step %parallel_loop3A_88  : i32 {
        %parallel_loop3A_113 = arith.index_cast %parallel_loop3A_112 : i32 to index
        %parallel_loop3A_114 = tpu.vector_load %arg11[%parallel_loop3A_113] {strides = array<i32>} : memref<8000xi32, #tpu.memory_space<vmem>>, vector<16xi32>,
        %parallel_loop3A_115 = arith.constant 14 : i32
        %parallel_loop3A_116 = vector.broadcast %parallel_loop3A_115 : i32 to vector<16xi32>
        %parallel_loop3A_117 = arith.shrui %parallel_loop3A_114, %parallel_loop3A_116 : vector<16xi32>
        %parallel_loop3A_118 = arith.constant 16383 : i32
        %parallel_loop3A_119 = vector.broadcast %parallel_loop3A_118 : i32 to vector<16xi32>
        %parallel_loop3A_120 = arith.andi %parallel_loop3A_114, %parallel_loop3A_119 : vector<16xi32>
        %parallel_loop3A_121 = tpu.vector_load_idx %arg5[%parallel_loop3A_117] : memref<10240xi32, #tpu.memory_space<vmem>>[vector<16xi32>], vector<16xi32>,
        %parallel_loop3A_122 = arith.constant 16 : i32
        %parallel_loop3A_123 = vector.broadcast %parallel_loop3A_122 : i32 to vector<16xi32>
        %parallel_loop3A_124 = arith.shli %parallel_loop3A_121, %parallel_loop3A_123 : vector<16xi32>
        %parallel_loop3A_125 = vector.bitcast %parallel_loop3A_124 : vector<16xi32> to vector<16xf32>
        %parallel_loop3A_126 = arith.constant -65536 : i32
        %parallel_loop3A_127 = vector.broadcast %parallel_loop3A_126 : i32 to vector<16xi32>
        %parallel_loop3A_128 = arith.andi %parallel_loop3A_121, %parallel_loop3A_127 : vector<16xi32>
        %parallel_loop3A_129 = vector.bitcast %parallel_loop3A_128 : vector<16xi32> to vector<16xf32>
        tpu.vector_store_idx %arg7[%parallel_loop3A_120], %parallel_loop3A_125 {add = true} : memref<10240xf32, #tpu.memory_space<vmem>>[vector<16xi32>], vector<16xf32>,
        tpu.vector_store_idx %arg9[%parallel_loop3A_120], %parallel_loop3A_129 {add = true} : memref<10240xf32, #tpu.memory_space<vmem>>[vector<16xi32>], vector<16xf32>,
        %parallel_loop3A_130 = tpu.vector_load_idx %arg6[%parallel_loop3A_117] : memref<10240xi32, #tpu.memory_space<vmem>>[vector<16xi32>], vector<16xi32>,
        %parallel_loop3A_131 = arith.constant 16 : i32
        %parallel_loop3A_132 = vector.broadcast %parallel_loop3A_131 : i32 to vector<16xi32>
        %parallel_loop3A_133 = arith.shli %parallel_loop3A_130, %parallel_loop3A_132 : vector<16xi32>
        %parallel_loop3A_134 = vector.bitcast %parallel_loop3A_133 : vector<16xi32> to vector<16xf32>
        %parallel_loop3A_135 = arith.constant -65536 : i32
        %parallel_loop3A_136 = vector.broadcast %parallel_loop3A_135 : i32 to vector<16xi32>
        %parallel_loop3A_137 = arith.andi %parallel_loop3A_130, %parallel_loop3A_136 : vector<16xi32>
        %parallel_loop3A_138 = vector.bitcast %parallel_loop3A_137 : vector<16xi32> to vector<16xf32>
        tpu.vector_store_idx %arg8[%parallel_loop3A_120], %parallel_loop3A_134 {add = true} : memref<10240xf32, #tpu.memory_space<vmem>>[vector<16xi32>], vector<16xf32>,
        tpu.vector_store_idx %arg10[%parallel_loop3A_120], %parallel_loop3A_138 {add = true} : memref<10240xf32, #tpu.memory_space<vmem>>[vector<16xi32>], vector<16xf32>,
      } {sc.loop_unroll_factor = 8 : i64, sc.parallel_access}
      %mul3A_89 = arith.constant 2 : i32
      %mul3A_90 = arith.muli %mul3A_89, %add3A_81 : i32
      %add3A_91 = arith.constant 2 : i32
      %add3A_92 = arith.addi %mul3A_90, %add3A_91 : i32
      %mul3A_93 = arith.constant 8000 : i32
      %mul3A_94 = arith.muli %add3A_92, %mul3A_93 : i32
      %dma_start3A_95 = tpu.memref_slice %arg3[%mul3A_94] : memref<320000xi32, #tpu.memory_space<hbm>> -> memref<8000xi32, #tpu.memory_space<hbm>>
      %dma_start3A_96 = tpu.memref_slice %arg3[%mul3A_94] : memref<320000xi32, #tpu.memory_space<hbm>> -> memref<8000xi32, #tpu.memory_space<hbm>>
      tpu.enqueue_dma source(%dma_start3A_96 : memref<8000xi32, #tpu.memory_space<hbm>>) target(%arg11 : memref<8000xi32, #tpu.memory_space<vmem>>) target_semaphore(%arg14 : memref<!tpu.dma_semaphore, #tpu.memory_space<semaphore_mem>>)
      %dma_wait3A_97 = arith.constant 0 : i32
      %dma_wait3A_98 = tpu.memref_slice %arg3[%dma_wait3A_97] : memref<320000xi32, #tpu.memory_space<hbm>> -> memref<8000xi32, #tpu.memory_space<hbm>>
      %dma_wait3A_99 = arith.constant 0 : i32
      %dma_wait3A_100 = tpu.memref_slice %arg3[%dma_wait3A_99] : memref<320000xi32, #tpu.memory_space<hbm>> -> memref<8000xi32, #tpu.memory_space<hbm>>
      tpu.wait_dma2 semaphore(%arg15 : memref<!tpu.dma_semaphore, #tpu.memory_space<semaphore_mem>>) src(%dma_wait3A_100 : memref<8000xi32, #tpu.memory_space<hbm>>) dst(%arg12 : memref<8000xi32, #tpu.memory_space<vmem>>)
      %parallel_loop3A_101 = arith.constant 0 : i32
      %parallel_loop3A_102 = arith.constant 8000 : i32
      %parallel_loop3A_103 = arith.constant 16 : i32
      scf.for %parallel_loop3A_112 = %parallel_loop3A_101 to %parallel_loop3A_102 step %parallel_loop3A_103  : i32 {
        %parallel_loop3A_113 = arith.index_cast %parallel_loop3A_112 : i32 to index
        %parallel_loop3A_114 = tpu.vector_load %arg12[%parallel_loop3A_113] {strides = array<i32>} : memref<8000xi32, #tpu.memory_space<vmem>>, vector<16xi32>,
        %parallel_loop3A_115 = arith.constant 14 : i32
        %parallel_loop3A_116 = vector.broadcast %parallel_loop3A_115 : i32 to vector<16xi32>
        %parallel_loop3A_117 = arith.shrui %parallel_loop3A_114, %parallel_loop3A_116 : vector<16xi32>
        %parallel_loop3A_118 = arith.constant 16383 : i32
        %parallel_loop3A_119 = vector.broadcast %parallel_loop3A_118 : i32 to vector<16xi32>
        %parallel_loop3A_120 = arith.andi %parallel_loop3A_114, %parallel_loop3A_119 : vector<16xi32>
        %parallel_loop3A_121 = tpu.vector_load_idx %arg5[%parallel_loop3A_117] : memref<10240xi32, #tpu.memory_space<vmem>>[vector<16xi32>], vector<16xi32>,
        %parallel_loop3A_122 = arith.constant 16 : i32
        %parallel_loop3A_123 = vector.broadcast %parallel_loop3A_122 : i32 to vector<16xi32>
        %parallel_loop3A_124 = arith.shli %parallel_loop3A_121, %parallel_loop3A_123 : vector<16xi32>
        %parallel_loop3A_125 = vector.bitcast %parallel_loop3A_124 : vector<16xi32> to vector<16xf32>
        %parallel_loop3A_126 = arith.constant -65536 : i32
        %parallel_loop3A_127 = vector.broadcast %parallel_loop3A_126 : i32 to vector<16xi32>
        %parallel_loop3A_128 = arith.andi %parallel_loop3A_121, %parallel_loop3A_127 : vector<16xi32>
        %parallel_loop3A_129 = vector.bitcast %parallel_loop3A_128 : vector<16xi32> to vector<16xf32>
        tpu.vector_store_idx %arg7[%parallel_loop3A_120], %parallel_loop3A_125 {add = true} : memref<10240xf32, #tpu.memory_space<vmem>>[vector<16xi32>], vector<16xf32>,
        tpu.vector_store_idx %arg9[%parallel_loop3A_120], %parallel_loop3A_129 {add = true} : memref<10240xf32, #tpu.memory_space<vmem>>[vector<16xi32>], vector<16xf32>,
        %parallel_loop3A_130 = tpu.vector_load_idx %arg6[%parallel_loop3A_117] : memref<10240xi32, #tpu.memory_space<vmem>>[vector<16xi32>], vector<16xi32>,
        %parallel_loop3A_131 = arith.constant 16 : i32
        %parallel_loop3A_132 = vector.broadcast %parallel_loop3A_131 : i32 to vector<16xi32>
        %parallel_loop3A_133 = arith.shli %parallel_loop3A_130, %parallel_loop3A_132 : vector<16xi32>
        %parallel_loop3A_134 = vector.bitcast %parallel_loop3A_133 : vector<16xi32> to vector<16xf32>
        %parallel_loop3A_135 = arith.constant -65536 : i32
        %parallel_loop3A_136 = vector.broadcast %parallel_loop3A_135 : i32 to vector<16xi32>
        %parallel_loop3A_137 = arith.andi %parallel_loop3A_130, %parallel_loop3A_136 : vector<16xi32>
        %parallel_loop3A_138 = vector.bitcast %parallel_loop3A_137 : vector<16xi32> to vector<16xf32>
        tpu.vector_store_idx %arg8[%parallel_loop3A_120], %parallel_loop3A_134 {add = true} : memref<10240xf32, #tpu.memory_space<vmem>>[vector<16xi32>], vector<16xf32>,
        tpu.vector_store_idx %arg10[%parallel_loop3A_120], %parallel_loop3A_138 {add = true} : memref<10240xf32, #tpu.memory_space<vmem>>[vector<16xi32>], vector<16xf32>,
      } {sc.loop_unroll_factor = 8 : i64, sc.parallel_access}
      %mul3A_104 = arith.constant 2 : i32
      %mul3A_105 = arith.muli %mul3A_104, %add3A_81 : i32
      %add3A_106 = arith.constant 3 : i32
      %add3A_107 = arith.addi %mul3A_105, %add3A_106 : i32
      %mul3A_108 = arith.constant 8000 : i32
      %mul3A_109 = arith.muli %add3A_107, %mul3A_108 : i32
      %dma_start3A_110 = tpu.memref_slice %arg3[%mul3A_109] : memref<320000xi32, #tpu.memory_space<hbm>> -> memref<8000xi32, #tpu.memory_space<hbm>>
      %dma_start3A_111 = tpu.memref_slice %arg3[%mul3A_109] : memref<320000xi32, #tpu.memory_space<hbm>> -> memref<8000xi32, #tpu.memory_space<hbm>>
      tpu.enqueue_dma source(%dma_start3A_111 : memref<8000xi32, #tpu.memory_space<hbm>>) target(%arg12 : memref<8000xi32, #tpu.memory_space<vmem>>) target_semaphore(%arg15 : memref<!tpu.dma_semaphore, #tpu.memory_space<semaphore_mem>>)
    }
    %scan3A_47 = arith.constant 19 : i32
    %dma_wait3A_48 = arith.constant 0 : i32
    %dma_wait3A_49 = tpu.memref_slice %arg3[%dma_wait3A_48] : memref<320000xi32, #tpu.memory_space<hbm>> -> memref<8000xi32, #tpu.memory_space<hbm>>
    %dma_wait3A_50 = arith.constant 0 : i32
    %dma_wait3A_51 = tpu.memref_slice %arg3[%dma_wait3A_50] : memref<320000xi32, #tpu.memory_space<hbm>> -> memref<8000xi32, #tpu.memory_space<hbm>>
    tpu.wait_dma2 semaphore(%arg14 : memref<!tpu.dma_semaphore, #tpu.memory_space<semaphore_mem>>) src(%dma_wait3A_51 : memref<8000xi32, #tpu.memory_space<hbm>>) dst(%arg11 : memref<8000xi32, #tpu.memory_space<vmem>>)
    %parallel_loop3A = arith.constant 0 : i32
    %parallel_loop3A_52 = arith.constant 8000 : i32
    %parallel_loop3A_53 = arith.constant 16 : i32
    scf.for %parallel_loop3A_77 = %parallel_loop3A to %parallel_loop3A_52 step %parallel_loop3A_53  : i32 {
      %parallel_loop3A_78 = arith.index_cast %parallel_loop3A_77 : i32 to index
      %parallel_loop3A_79 = tpu.vector_load %arg11[%parallel_loop3A_78] {strides = array<i32>} : memref<8000xi32, #tpu.memory_space<vmem>>, vector<16xi32>,
      %parallel_loop3A_80 = arith.constant 14 : i32
      %parallel_loop3A_81 = vector.broadcast %parallel_loop3A_80 : i32 to vector<16xi32>
      %parallel_loop3A_82 = arith.shrui %parallel_loop3A_79, %parallel_loop3A_81 : vector<16xi32>
      %parallel_loop3A_83 = arith.constant 16383 : i32
      %parallel_loop3A_84 = vector.broadcast %parallel_loop3A_83 : i32 to vector<16xi32>
      %parallel_loop3A_85 = arith.andi %parallel_loop3A_79, %parallel_loop3A_84 : vector<16xi32>
      %parallel_loop3A_86 = tpu.vector_load_idx %arg5[%parallel_loop3A_82] : memref<10240xi32, #tpu.memory_space<vmem>>[vector<16xi32>], vector<16xi32>,
      %parallel_loop3A_87 = arith.constant 16 : i32
      %parallel_loop3A_88 = vector.broadcast %parallel_loop3A_87 : i32 to vector<16xi32>
      %parallel_loop3A_89 = arith.shli %parallel_loop3A_86, %parallel_loop3A_88 : vector<16xi32>
      %parallel_loop3A_90 = vector.bitcast %parallel_loop3A_89 : vector<16xi32> to vector<16xf32>
      %parallel_loop3A_91 = arith.constant -65536 : i32
      %parallel_loop3A_92 = vector.broadcast %parallel_loop3A_91 : i32 to vector<16xi32>
      %parallel_loop3A_93 = arith.andi %parallel_loop3A_86, %parallel_loop3A_92 : vector<16xi32>
      %parallel_loop3A_94 = vector.bitcast %parallel_loop3A_93 : vector<16xi32> to vector<16xf32>
      tpu.vector_store_idx %arg7[%parallel_loop3A_85], %parallel_loop3A_90 {add = true} : memref<10240xf32, #tpu.memory_space<vmem>>[vector<16xi32>], vector<16xf32>,
      tpu.vector_store_idx %arg9[%parallel_loop3A_85], %parallel_loop3A_94 {add = true} : memref<10240xf32, #tpu.memory_space<vmem>>[vector<16xi32>], vector<16xf32>,
      %parallel_loop3A_95 = tpu.vector_load_idx %arg6[%parallel_loop3A_82] : memref<10240xi32, #tpu.memory_space<vmem>>[vector<16xi32>], vector<16xi32>,
      %parallel_loop3A_96 = arith.constant 16 : i32
      %parallel_loop3A_97 = vector.broadcast %parallel_loop3A_96 : i32 to vector<16xi32>
      %parallel_loop3A_98 = arith.shli %parallel_loop3A_95, %parallel_loop3A_97 : vector<16xi32>
      %parallel_loop3A_99 = vector.bitcast %parallel_loop3A_98 : vector<16xi32> to vector<16xf32>
      %parallel_loop3A_100 = arith.constant -65536 : i32
      %parallel_loop3A_101 = vector.broadcast %parallel_loop3A_100 : i32 to vector<16xi32>
      %parallel_loop3A_102 = arith.andi %parallel_loop3A_95, %parallel_loop3A_101 : vector<16xi32>
      %parallel_loop3A_103 = vector.bitcast %parallel_loop3A_102 : vector<16xi32> to vector<16xf32>
      tpu.vector_store_idx %arg8[%parallel_loop3A_85], %parallel_loop3A_99 {add = true} : memref<10240xf32, #tpu.memory_space<vmem>>[vector<16xi32>], vector<16xf32>,
      tpu.vector_store_idx %arg10[%parallel_loop3A_85], %parallel_loop3A_103 {add = true} : memref<10240xf32, #tpu.memory_space<vmem>>[vector<16xi32>], vector<16xf32>,
    } {sc.loop_unroll_factor = 8 : i64, sc.parallel_access}
    %dma_wait3A_54 = arith.constant 0 : i32
    %dma_wait3A_55 = tpu.memref_slice %arg3[%dma_wait3A_54] : memref<320000xi32, #tpu.memory_space<hbm>> -> memref<8000xi32, #tpu.memory_space<hbm>>
    %dma_wait3A_56 = arith.constant 0 : i32
    %dma_wait3A_57 = tpu.memref_slice %arg3[%dma_wait3A_56] : memref<320000xi32, #tpu.memory_space<hbm>> -> memref<8000xi32, #tpu.memory_space<hbm>>
    tpu.wait_dma2 semaphore(%arg15 : memref<!tpu.dma_semaphore, #tpu.memory_space<semaphore_mem>>) src(%dma_wait3A_57 : memref<8000xi32, #tpu.memory_space<hbm>>) dst(%arg12 : memref<8000xi32, #tpu.memory_space<vmem>>)
    %parallel_loop3A_58 = arith.constant 0 : i32
    %parallel_loop3A_59 = arith.constant 8000 : i32
    %parallel_loop3A_60 = arith.constant 16 : i32
    scf.for %parallel_loop3A_77 = %parallel_loop3A_58 to %parallel_loop3A_59 step %parallel_loop3A_60  : i32 {
      %parallel_loop3A_78 = arith.index_cast %parallel_loop3A_77 : i32 to index
      %parallel_loop3A_79 = tpu.vector_load %arg12[%parallel_loop3A_78] {strides = array<i32>} : memref<8000xi32, #tpu.memory_space<vmem>>, vector<16xi32>,
      %parallel_loop3A_80 = arith.constant 14 : i32
      %parallel_loop3A_81 = vector.broadcast %parallel_loop3A_80 : i32 to vector<16xi32>
      %parallel_loop3A_82 = arith.shrui %parallel_loop3A_79, %parallel_loop3A_81 : vector<16xi32>
      %parallel_loop3A_83 = arith.constant 16383 : i32
      %parallel_loop3A_84 = vector.broadcast %parallel_loop3A_83 : i32 to vector<16xi32>
      %parallel_loop3A_85 = arith.andi %parallel_loop3A_79, %parallel_loop3A_84 : vector<16xi32>
      %parallel_loop3A_86 = tpu.vector_load_idx %arg5[%parallel_loop3A_82] : memref<10240xi32, #tpu.memory_space<vmem>>[vector<16xi32>], vector<16xi32>,
      %parallel_loop3A_87 = arith.constant 16 : i32
      %parallel_loop3A_88 = vector.broadcast %parallel_loop3A_87 : i32 to vector<16xi32>
      %parallel_loop3A_89 = arith.shli %parallel_loop3A_86, %parallel_loop3A_88 : vector<16xi32>
      %parallel_loop3A_90 = vector.bitcast %parallel_loop3A_89 : vector<16xi32> to vector<16xf32>
      %parallel_loop3A_91 = arith.constant -65536 : i32
      %parallel_loop3A_92 = vector.broadcast %parallel_loop3A_91 : i32 to vector<16xi32>
      %parallel_loop3A_93 = arith.andi %parallel_loop3A_86, %parallel_loop3A_92 : vector<16xi32>
      %parallel_loop3A_94 = vector.bitcast %parallel_loop3A_93 : vector<16xi32> to vector<16xf32>
      tpu.vector_store_idx %arg7[%parallel_loop3A_85], %parallel_loop3A_90 {add = true} : memref<10240xf32, #tpu.memory_space<vmem>>[vector<16xi32>], vector<16xf32>,
      tpu.vector_store_idx %arg9[%parallel_loop3A_85], %parallel_loop3A_94 {add = true} : memref<10240xf32, #tpu.memory_space<vmem>>[vector<16xi32>], vector<16xf32>,
      %parallel_loop3A_95 = tpu.vector_load_idx %arg6[%parallel_loop3A_82] : memref<10240xi32, #tpu.memory_space<vmem>>[vector<16xi32>], vector<16xi32>,
      %parallel_loop3A_96 = arith.constant 16 : i32
      %parallel_loop3A_97 = vector.broadcast %parallel_loop3A_96 : i32 to vector<16xi32>
      %parallel_loop3A_98 = arith.shli %parallel_loop3A_95, %parallel_loop3A_97 : vector<16xi32>
      %parallel_loop3A_99 = vector.bitcast %parallel_loop3A_98 : vector<16xi32> to vector<16xf32>
      %parallel_loop3A_100 = arith.constant -65536 : i32
      %parallel_loop3A_101 = vector.broadcast %parallel_loop3A_100 : i32 to vector<16xi32>
      %parallel_loop3A_102 = arith.andi %parallel_loop3A_95, %parallel_loop3A_101 : vector<16xi32>
      %parallel_loop3A_103 = vector.bitcast %parallel_loop3A_102 : vector<16xi32> to vector<16xf32>
      tpu.vector_store_idx %arg8[%parallel_loop3A_85], %parallel_loop3A_99 {add = true} : memref<10240xf32, #tpu.memory_space<vmem>>[vector<16xi32>], vector<16xf32>,
      tpu.vector_store_idx %arg10[%parallel_loop3A_85], %parallel_loop3A_103 {add = true} : memref<10240xf32, #tpu.memory_space<vmem>>[vector<16xi32>], vector<16xf32>,
    } {sc.loop_unroll_factor = 8 : i64, sc.parallel_access}
    %mul3A_61 = arith.constant 2 : i32
    %mul3A_62 = arith.muli %mul3A_61, %add3A : i32
    "tpu.region"() ({
      %run_scoped3A = tpu.sem_alloc : memref<!tpu.dma_semaphore, #tpu.memory_space<semaphore_mem>>
      %dma_start3A_77 = arith.constant 0 : i32
      %dma_start3A_78 = tpu.memref_slice %arg4[%mul3A_62, %dma_start3A_77] : memref<128x10240xf32, #tpu.memory_space<hbm>> -> memref<1x10240xf32, #tpu.memory_space<hbm>>
      %dma_start3A_79 = tpu.memref_squeeze %dma_start3A_78 : memref<1x10240xf32, #tpu.memory_space<hbm>> -> memref<10240xf32, #tpu.memory_space<hbm>>
      %dma_start3A_80 = arith.constant 0 : i32
      %dma_start3A_81 = tpu.memref_slice %arg4[%mul3A_62, %dma_start3A_80] : memref<128x10240xf32, #tpu.memory_space<hbm>> -> memref<1x10240xf32, #tpu.memory_space<hbm>>
      %dma_start3A_82 = tpu.memref_squeeze %dma_start3A_81 : memref<1x10240xf32, #tpu.memory_space<hbm>> -> memref<10240xf32, #tpu.memory_space<hbm>>
      tpu.enqueue_dma source(%arg7 : memref<10240xf32, #tpu.memory_space<vmem>>) target(%dma_start3A_82 : memref<10240xf32, #tpu.memory_space<hbm>>) target_semaphore(%run_scoped3A : memref<!tpu.dma_semaphore, #tpu.memory_space<semaphore_mem>>)
      %dma_wait3A_83 = arith.constant 0 : i32
      %dma_wait3A_84 = tpu.memref_slice %arg4[%mul3A_62, %dma_wait3A_83] : memref<128x10240xf32, #tpu.memory_space<hbm>> -> memref<1x10240xf32, #tpu.memory_space<hbm>>
      %dma_wait3A_85 = tpu.memref_squeeze %dma_wait3A_84 : memref<1x10240xf32, #tpu.memory_space<hbm>> -> memref<10240xf32, #tpu.memory_space<hbm>>
      %dma_wait3A_86 = arith.constant 0 : i32
      %dma_wait3A_87 = tpu.memref_slice %arg4[%mul3A_62, %dma_wait3A_86] : memref<128x10240xf32, #tpu.memory_space<hbm>> -> memref<1x10240xf32, #tpu.memory_space<hbm>>
      %dma_wait3A_88 = tpu.memref_squeeze %dma_wait3A_87 : memref<1x10240xf32, #tpu.memory_space<hbm>> -> memref<10240xf32, #tpu.memory_space<hbm>>
      tpu.wait_dma2 semaphore(%run_scoped3A : memref<!tpu.dma_semaphore, #tpu.memory_space<semaphore_mem>>) src(%arg7 : memref<10240xf32, #tpu.memory_space<vmem>>) dst(%dma_wait3A_88 : memref<10240xf32, #tpu.memory_space<hbm>>)
      tpu.yield
    }) : () -> ()
    %mul3A_63 = arith.constant 2 : i32
    %mul3A_64 = arith.muli %mul3A_63, %add3A : i32
    %add3A_65 = arith.constant 1 : i32
    %add3A_66 = arith.addi %mul3A_64, %add3A_65 : i32
    "tpu.region"() ({
      %run_scoped3A = tpu.sem_alloc : memref<!tpu.dma_semaphore, #tpu.memory_space<semaphore_mem>>
      %dma_start3A_77 = arith.constant 0 : i32
      %dma_start3A_78 = tpu.memref_slice %arg4[%add3A_66, %dma_start3A_77] : memref<128x10240xf32, #tpu.memory_space<hbm>> -> memref<1x10240xf32, #tpu.memory_space<hbm>>
      %dma_start3A_79 = tpu.memref_squeeze %dma_start3A_78 : memref<1x10240xf32, #tpu.memory_space<hbm>> -> memref<10240xf32, #tpu.memory_space<hbm>>
      %dma_start3A_80 = arith.constant 0 : i32
      %dma_start3A_81 = tpu.memref_slice %arg4[%add3A_66, %dma_start3A_80] : memref<128x10240xf32, #tpu.memory_space<hbm>> -> memref<1x10240xf32, #tpu.memory_space<hbm>>
      %dma_start3A_82 = tpu.memref_squeeze %dma_start3A_81 : memref<1x10240xf32, #tpu.memory_space<hbm>> -> memref<10240xf32, #tpu.memory_space<hbm>>
      tpu.enqueue_dma source(%arg8 : memref<10240xf32, #tpu.memory_space<vmem>>) target(%dma_start3A_82 : memref<10240xf32, #tpu.memory_space<hbm>>) target_semaphore(%run_scoped3A : memref<!tpu.dma_semaphore, #tpu.memory_space<semaphore_mem>>)
      %dma_wait3A_83 = arith.constant 0 : i32
      %dma_wait3A_84 = tpu.memref_slice %arg4[%add3A_66, %dma_wait3A_83] : memref<128x10240xf32, #tpu.memory_space<hbm>> -> memref<1x10240xf32, #tpu.memory_space<hbm>>
      %dma_wait3A_85 = tpu.memref_squeeze %dma_wait3A_84 : memref<1x10240xf32, #tpu.memory_space<hbm>> -> memref<10240xf32, #tpu.memory_space<hbm>>
      %dma_wait3A_86 = arith.constant 0 : i32
      %dma_wait3A_87 = tpu.memref_slice %arg4[%add3A_66, %dma_wait3A_86] : memref<128x10240xf32, #tpu.memory_space<hbm>> -> memref<1x10240xf32, #tpu.memory_space<hbm>>
      %dma_wait3A_88 = tpu.memref_squeeze %dma_wait3A_87 : memref<1x10240xf32, #tpu.memory_space<hbm>> -> memref<10240xf32, #tpu.memory_space<hbm>>
      tpu.wait_dma2 semaphore(%run_scoped3A : memref<!tpu.dma_semaphore, #tpu.memory_space<semaphore_mem>>) src(%arg8 : memref<10240xf32, #tpu.memory_space<vmem>>) dst(%dma_wait3A_88 : memref<10240xf32, #tpu.memory_space<hbm>>)
      tpu.yield
    }) : () -> ()
    %mul3A_67 = arith.constant 2 : i32
    %mul3A_68 = arith.muli %mul3A_67, %add3A : i32
    %add3A_69 = arith.constant 64 : i32
    %add3A_70 = arith.addi %add3A_69, %mul3A_68 : i32
    "tpu.region"() ({
      %run_scoped3A = tpu.sem_alloc : memref<!tpu.dma_semaphore, #tpu.memory_space<semaphore_mem>>
      %dma_start3A_77 = arith.constant 0 : i32
      %dma_start3A_78 = tpu.memref_slice %arg4[%add3A_70, %dma_start3A_77] : memref<128x10240xf32, #tpu.memory_space<hbm>> -> memref<1x10240xf32, #tpu.memory_space<hbm>>
      %dma_start3A_79 = tpu.memref_squeeze %dma_start3A_78 : memref<1x10240xf32, #tpu.memory_space<hbm>> -> memref<10240xf32, #tpu.memory_space<hbm>>
      %dma_start3A_80 = arith.constant 0 : i32
      %dma_start3A_81 = tpu.memref_slice %arg4[%add3A_70, %dma_start3A_80] : memref<128x10240xf32, #tpu.memory_space<hbm>> -> memref<1x10240xf32, #tpu.memory_space<hbm>>
      %dma_start3A_82 = tpu.memref_squeeze %dma_start3A_81 : memref<1x10240xf32, #tpu.memory_space<hbm>> -> memref<10240xf32, #tpu.memory_space<hbm>>
      tpu.enqueue_dma source(%arg9 : memref<10240xf32, #tpu.memory_space<vmem>>) target(%dma_start3A_82 : memref<10240xf32, #tpu.memory_space<hbm>>) target_semaphore(%run_scoped3A : memref<!tpu.dma_semaphore, #tpu.memory_space<semaphore_mem>>)
      %dma_wait3A_83 = arith.constant 0 : i32
      %dma_wait3A_84 = tpu.memref_slice %arg4[%add3A_70, %dma_wait3A_83] : memref<128x10240xf32, #tpu.memory_space<hbm>> -> memref<1x10240xf32, #tpu.memory_space<hbm>>
      %dma_wait3A_85 = tpu.memref_squeeze %dma_wait3A_84 : memref<1x10240xf32, #tpu.memory_space<hbm>> -> memref<10240xf32, #tpu.memory_space<hbm>>
      %dma_wait3A_86 = arith.constant 0 : i32
      %dma_wait3A_87 = tpu.memref_slice %arg4[%add3A_70, %dma_wait3A_86] : memref<128x10240xf32, #tpu.memory_space<hbm>> -> memref<1x10240xf32, #tpu.memory_space<hbm>>
      %dma_wait3A_88 = tpu.memref_squeeze %dma_wait3A_87 : memref<1x10240xf32, #tpu.memory_space<hbm>> -> memref<10240xf32, #tpu.memory_space<hbm>>
      tpu.wait_dma2 semaphore(%run_scoped3A : memref<!tpu.dma_semaphore, #tpu.memory_space<semaphore_mem>>) src(%arg9 : memref<10240xf32, #tpu.memory_space<vmem>>) dst(%dma_wait3A_88 : memref<10240xf32, #tpu.memory_space<hbm>>)
      tpu.yield
    }) : () -> ()
    %mul3A_71 = arith.constant 2 : i32
    %mul3A_72 = arith.muli %mul3A_71, %add3A : i32
    %add3A_73 = arith.constant 64 : i32
    %add3A_74 = arith.addi %add3A_73, %mul3A_72 : i32
    %add3A_75 = arith.constant 1 : i32
    %add3A_76 = arith.addi %add3A_74, %add3A_75 : i32
    "tpu.region"() ({
      %run_scoped3A = tpu.sem_alloc : memref<!tpu.dma_semaphore, #tpu.memory_space<semaphore_mem>>
      %dma_start3A_77 = arith.constant 0 : i32
      %dma_start3A_78 = tpu.memref_slice %arg4[%add3A_76, %dma_start3A_77] : memref<128x10240xf32, #tpu.memory_space<hbm>> -> memref<1x10240xf32, #tpu.memory_space<hbm>>
      %dma_start3A_79 = tpu.memref_squeeze %dma_start3A_78 : memref<1x10240xf32, #tpu.memory_space<hbm>> -> memref<10240xf32, #tpu.memory_space<hbm>>
      %dma_start3A_80 = arith.constant 0 : i32
      %dma_start3A_81 = tpu.memref_slice %arg4[%add3A_76, %dma_start3A_80] : memref<128x10240xf32, #tpu.memory_space<hbm>> -> memref<1x10240xf32, #tpu.memory_space<hbm>>
      %dma_start3A_82 = tpu.memref_squeeze %dma_start3A_81 : memref<1x10240xf32, #tpu.memory_space<hbm>> -> memref<10240xf32, #tpu.memory_space<hbm>>
      tpu.enqueue_dma source(%arg10 : memref<10240xf32, #tpu.memory_space<vmem>>) target(%dma_start3A_82 : memref<10240xf32, #tpu.memory_space<hbm>>) target_semaphore(%run_scoped3A : memref<!tpu.dma_semaphore, #tpu.memory_space<semaphore_mem>>)
      %dma_wait3A_83 = arith.constant 0 : i32
      %dma_wait3A_84 = tpu.memref_slice %arg4[%add3A_76, %dma_wait3A_83] : memref<128x10240xf32, #tpu.memory_space<hbm>> -> memref<1x10240xf32, #tpu.memory_space<hbm>>
      %dma_wait3A_85 = tpu.memref_squeeze %dma_wait3A_84 : memref<1x10240xf32, #tpu.memory_space<hbm>> -> memref<10240xf32, #tpu.memory_space<hbm>>
      %dma_wait3A_86 = arith.constant 0 : i32
      %dma_wait3A_87 = tpu.memref_slice %arg4[%add3A_76, %dma_wait3A_86] : memref<128x10240xf32, #tpu.memory_space<hbm>> -> memref<1x10240xf32, #tpu.memory_space<hbm>>
      %dma_wait3A_88 = tpu.memref_squeeze %dma_wait3A_87 : memref<1x10240xf32, #tpu.memory_space<hbm>> -> memref<10240xf32, #tpu.memory_space<hbm>>
      tpu.wait_dma2 semaphore(%run_scoped3A : memref<!tpu.dma_semaphore, #tpu.memory_space<semaphore_mem>>) src(%arg10 : memref<10240xf32, #tpu.memory_space<vmem>>) dst(%dma_wait3A_88 : memref<10240xf32, #tpu.memory_space<hbm>>)
      tpu.yield
    }) : () -> ()
    return
  }
}

module attributes {stable_mosaic.version = 14 : i64} {
  func.func @_t1_body(%arg0: i32, %arg1: memref<128x256xf32, #tpu.memory_space<vmem>>, %arg2: memref<1024x128xf32, #tpu.memory_space<vmem>>, %arg3: memref<256x1024xf32, #tpu.memory_space<vmem>>, %arg4: memref<64x1024xi32, #tpu.memory_space<vmem>>) attributes {dimension_semantics = [#tpu.dimension_semantics<arbitrary>], iteration_bounds = array<i64: 10>, scalar_prefetch = 0 : i64, scratch_operands = 0 : i64, tpu.core_type = #tpu.core_type<tc>, window_params = [{pipeline_mode = #tpu.pipeline_mode<synchronous>, transform_indices = @transform_0, window_bounds = array<i64: 128, 256>}, {transform_indices = @transform_1, window_bounds = array<i64: 1024, 128>}, {transform_indices = @transform_2, window_bounds = array<i64: 256, 1024>}, {transform_indices = @transform_3, window_bounds = array<i64: 64, 1024>}]} {
    %get3A = arith.constant 0 : index
    %get3A_0 = arith.constant 0 : index
    %get3A_1 = vector.load %arg1[%get3A, %get3A_0] : memref<128x256xf32, #tpu.memory_space<vmem>>, vector<128x256xf32>
    %get3A_2 = arith.constant 0 : index
    %get3A_3 = arith.constant 0 : index
    %get3A_4 = vector.load %arg2[%get3A_2, %get3A_3] : memref<1024x128xf32, #tpu.memory_space<vmem>>, vector<1024x128xf32>
    %dot_general3A = arith.constant dense<0.000000e+00> : vector<256x1024xf32>
    %dot_general3A_5 = tpu.matmul %get3A_1, %get3A_4, %dot_general3A {dimension_numbers = #tpu.dot_dimension_numbers<[0], [1], [1], [0], [0, 1, 1, 0], [], []>, precision = #tpu.contract_precision<fp32>, transpose_lhs_hint = false} : vector<128x256xf32>, vector<1024x128xf32>, vector<256x1024xf32> -> vector<256x1024xf32>
    %swap3A = arith.constant 0 : index
    %swap3A_6 = arith.constant 0 : index
    %swap3A_7 = vector.load %arg3[%swap3A, %swap3A_6] : memref<256x1024xf32, #tpu.memory_space<vmem>>, vector<256x1024xf32>
    tpu.vector_store %arg3[%swap3A, %swap3A_6], %dot_general3A_5 {strides = array<i32>} : memref<256x1024xf32, #tpu.memory_space<vmem>>, vector<256x1024xf32>,
    %slice3A = vector.extract_strided_slice %dot_general3A_5 {offsets = [0, 0], sizes = [128, 1024], strides = [1, 1]} : vector<256x1024xf32> to vector<128x1024xf32>
    %slice3A_8 = vector.extract_strided_slice %slice3A {offsets = [0, 0], sizes = [64, 1024], strides = [1, 1]} : vector<128x1024xf32> to vector<64x1024xf32>
    %slice3A_9 = vector.extract_strided_slice %slice3A {offsets = [64, 0], sizes = [64, 1024], strides = [1, 1]} : vector<128x1024xf32> to vector<64x1024xf32>
    %convert_element_type3A = arith.truncf %slice3A_8 : vector<64x1024xf32> to vector<64x1024xbf16>
    %bitcast_convert_type3A = tpu.bitcast %convert_element_type3A : vector<64x1024xbf16> -> vector<64x1024xi16>
    %convert_element_type3A_10 = arith.extui %bitcast_convert_type3A : vector<64x1024xi16> to vector<64x1024xi32>
    %convert_element_type3A_11 = arith.truncf %slice3A_9 : vector<64x1024xf32> to vector<64x1024xbf16>
    %bitcast_convert_type3A_12 = tpu.bitcast %convert_element_type3A_11 : vector<64x1024xbf16> -> vector<64x1024xi16>
    %convert_element_type3A_13 = arith.extui %bitcast_convert_type3A_12 : vector<64x1024xi16> to vector<64x1024xi32>
    %shift_left3A = arith.constant 16 : i32
    %shift_left3A_14 = vector.broadcast %shift_left3A : i32 to vector<64x1024xi32>
    %shift_left3A_15 = arith.shli %convert_element_type3A_13, %shift_left3A_14 : vector<64x1024xi32>
    %or3A = arith.ori %shift_left3A_15, %convert_element_type3A_10 : vector<64x1024xi32>
    %bitcast_convert_type3A_16 = tpu.bitcast %or3A : vector<64x1024xi32> -> vector<64x1024xi32>
    %swap3A_17 = arith.constant 0 : index
    %swap3A_18 = arith.constant 0 : index
    %swap3A_19 = vector.load %arg4[%swap3A_17, %swap3A_18] : memref<64x1024xi32, #tpu.memory_space<vmem>>, vector<64x1024xi32>
    tpu.vector_store %arg4[%swap3A_17, %swap3A_18], %bitcast_convert_type3A_16 {strides = array<i32>} : memref<64x1024xi32, #tpu.memory_space<vmem>>, vector<64x1024xi32>,
    return
  }
  func.func @transform_0(%arg0: i32) -> (i32, i32) {
    %c0_i32 = arith.constant 0 : i32
    %c0_i32_0 = arith.constant 0 : i32
    %c0_i32_1 = arith.constant 0 : i32
    return %c0_i32, %c0_i32_0 : i32, i32
  }
  func.func @transform_1(%arg0: i32) -> (i32, i32) {
    %c0_i32 = arith.constant 0 : i32
    %c0_i32_0 = arith.constant 0 : i32
    return %arg0, %c0_i32 : i32, i32
  }
  func.func @transform_2(%arg0: i32) -> (i32, i32) {
    %c0_i32 = arith.constant 0 : i32
    %c0_i32_0 = arith.constant 0 : i32
    return %c0_i32, %arg0 : i32, i32
  }
  func.func @transform_3(%arg0: i32) -> (i32, i32) {
    %c0_i32 = arith.constant 0 : i32
    %c0_i32_0 = arith.constant 0 : i32
    return %c0_i32, %arg0 : i32, i32
  }
}

module attributes {stable_mosaic.version = 14 : i64} {
  func.func @_t2_body(%arg0: i32, %arg1: memref<128x1024xf32, #tpu.memory_space<vmem>>, %arg2: memref<128x1024xf32, #tpu.memory_space<vmem>>, %arg3: memref<128x1xf32, #tpu.memory_space<vmem>>, %arg4: memref<128x256xf32, #tpu.memory_space<vmem>>, %arg5: memref<256x1024xf32, #tpu.memory_space<vmem>>, %arg6: memref<64x1024xi32, #tpu.memory_space<vmem>>) attributes {dimension_semantics = [#tpu.dimension_semantics<arbitrary>], iteration_bounds = array<i64: 10>, scalar_prefetch = 0 : i64, scratch_operands = 0 : i64, tpu.core_type = #tpu.core_type<tc>, window_params = [{transform_indices = @transform_0, window_bounds = array<i64: 128, 1024>}, {transform_indices = @transform_1, window_bounds = array<i64: 128, 1024>}, {pipeline_mode = #tpu.pipeline_mode<synchronous>, transform_indices = @transform_2, window_bounds = array<i64: 128, 1>}, {pipeline_mode = #tpu.pipeline_mode<synchronous>, transform_indices = @transform_3, window_bounds = array<i64: 128, 256>}, {transform_indices = @transform_4, window_bounds = array<i64: 256, 1024>}, {transform_indices = @transform_5, window_bounds = array<i64: 64, 1024>}]} {
    %get3A = arith.constant 0 : index
    %get3A_0 = arith.constant 0 : index
    %get3A_1 = vector.load %arg1[%get3A, %get3A_0] : memref<128x1024xf32, #tpu.memory_space<vmem>>, vector<128x1024xf32>
    %get3A_2 = arith.constant 0 : index
    %get3A_3 = arith.constant 0 : index
    %get3A_4 = vector.load %arg2[%get3A_2, %get3A_3] : memref<128x1024xf32, #tpu.memory_space<vmem>>, vector<128x1024xf32>
    %add3A = arith.addf %get3A_1, %get3A_4 : vector<128x1024xf32>
    %get3A_5 = arith.constant 0 : index
    %get3A_6 = arith.constant 0 : index
    %get3A_7 = vector.load %arg3[%get3A_5, %get3A_6] : memref<128x1xf32, #tpu.memory_space<vmem>>, vector<128x1xf32>
    %add3A_8 = vector.broadcast %get3A_7 : vector<128x1xf32> to vector<128x1024xf32>
    %add3A_9 = arith.addf %add3A, %add3A_8 : vector<128x1024xf32>
    %max3A = arith.constant 0.000000e+00 : f32
    %max3A_10 = vector.broadcast %max3A : f32 to vector<128x1024xf32>
    %max3A_11 = arith.maximumf %add3A_9, %max3A_10 : vector<128x1024xf32>
    %get3A_12 = arith.constant 0 : index
    %get3A_13 = arith.constant 0 : index
    %get3A_14 = vector.load %arg4[%get3A_12, %get3A_13] : memref<128x256xf32, #tpu.memory_space<vmem>>, vector<128x256xf32>
    %dot_general3A = arith.constant dense<0.000000e+00> : vector<256x1024xf32>
    %dot_general3A_15 = tpu.matmul %get3A_14, %max3A_11, %dot_general3A {dimension_numbers = #tpu.dot_dimension_numbers<[0], [0], [1], [1], [0, 1, 1, 1], [], []>, precision = #tpu.contract_precision<fp32>, transpose_lhs_hint = false} : vector<128x256xf32>, vector<128x1024xf32>, vector<256x1024xf32> -> vector<256x1024xf32>
    %swap3A = arith.constant 0 : index
    %swap3A_16 = arith.constant 0 : index
    %swap3A_17 = vector.load %arg5[%swap3A, %swap3A_16] : memref<256x1024xf32, #tpu.memory_space<vmem>>, vector<256x1024xf32>
    tpu.vector_store %arg5[%swap3A, %swap3A_16], %dot_general3A_15 {strides = array<i32>} : memref<256x1024xf32, #tpu.memory_space<vmem>>, vector<256x1024xf32>,
    %slice3A = vector.extract_strided_slice %dot_general3A_15 {offsets = [0, 0], sizes = [128, 1024], strides = [1, 1]} : vector<256x1024xf32> to vector<128x1024xf32>
    %slice3A_18 = vector.extract_strided_slice %slice3A {offsets = [0, 0], sizes = [64, 1024], strides = [1, 1]} : vector<128x1024xf32> to vector<64x1024xf32>
    %slice3A_19 = vector.extract_strided_slice %slice3A {offsets = [64, 0], sizes = [64, 1024], strides = [1, 1]} : vector<128x1024xf32> to vector<64x1024xf32>
    %convert_element_type3A = arith.truncf %slice3A_18 : vector<64x1024xf32> to vector<64x1024xbf16>
    %bitcast_convert_type3A = tpu.bitcast %convert_element_type3A : vector<64x1024xbf16> -> vector<64x1024xi16>
    %convert_element_type3A_20 = arith.extui %bitcast_convert_type3A : vector<64x1024xi16> to vector<64x1024xi32>
    %convert_element_type3A_21 = arith.truncf %slice3A_19 : vector<64x1024xf32> to vector<64x1024xbf16>
    %bitcast_convert_type3A_22 = tpu.bitcast %convert_element_type3A_21 : vector<64x1024xbf16> -> vector<64x1024xi16>
    %convert_element_type3A_23 = arith.extui %bitcast_convert_type3A_22 : vector<64x1024xi16> to vector<64x1024xi32>
    %shift_left3A = arith.constant 16 : i32
    %shift_left3A_24 = vector.broadcast %shift_left3A : i32 to vector<64x1024xi32>
    %shift_left3A_25 = arith.shli %convert_element_type3A_23, %shift_left3A_24 : vector<64x1024xi32>
    %or3A = arith.ori %shift_left3A_25, %convert_element_type3A_20 : vector<64x1024xi32>
    %bitcast_convert_type3A_26 = tpu.bitcast %or3A : vector<64x1024xi32> -> vector<64x1024xi32>
    %swap3A_27 = arith.constant 0 : index
    %swap3A_28 = arith.constant 0 : index
    %swap3A_29 = vector.load %arg6[%swap3A_27, %swap3A_28] : memref<64x1024xi32, #tpu.memory_space<vmem>>, vector<64x1024xi32>
    tpu.vector_store %arg6[%swap3A_27, %swap3A_28], %bitcast_convert_type3A_26 {strides = array<i32>} : memref<64x1024xi32, #tpu.memory_space<vmem>>, vector<64x1024xi32>,
    return
  }
  func.func @transform_0(%arg0: i32) -> (i32, i32) {
    %c0_i32 = arith.constant 0 : i32
    %c0_i32_0 = arith.constant 0 : i32
    return %c0_i32, %arg0 : i32, i32
  }
  func.func @transform_1(%arg0: i32) -> (i32, i32) {
    %c1_i32 = arith.constant 1 : i32
    %c0_i32 = arith.constant 0 : i32
    return %c1_i32, %arg0 : i32, i32
  }
  func.func @transform_2(%arg0: i32) -> (i32, i32) {
    %c0_i32 = arith.constant 0 : i32
    %c0_i32_0 = arith.constant 0 : i32
    %c0_i32_1 = arith.constant 0 : i32
    return %c0_i32, %c0_i32_0 : i32, i32
  }
  func.func @transform_3(%arg0: i32) -> (i32, i32) {
    %c0_i32 = arith.constant 0 : i32
    %c0_i32_0 = arith.constant 0 : i32
    %c0_i32_1 = arith.constant 0 : i32
    return %c0_i32, %c0_i32_0 : i32, i32
  }
  func.func @transform_4(%arg0: i32) -> (i32, i32) {
    %c0_i32 = arith.constant 0 : i32
    %c0_i32_0 = arith.constant 0 : i32
    return %c0_i32, %arg0 : i32, i32
  }
  func.func @transform_5(%arg0: i32) -> (i32, i32) {
    %c0_i32 = arith.constant 0 : i32
    %c0_i32_0 = arith.constant 0 : i32
    return %c0_i32, %arg0 : i32, i32
  }
}

module attributes {stable_mosaic.version = 14 : i64} {
  func.func @_t3_body(%arg0: i32, %arg1: memref<128x1024xf32, #tpu.memory_space<vmem>>, %arg2: memref<128x1024xf32, #tpu.memory_space<vmem>>, %arg3: memref<128x1xf32, #tpu.memory_space<vmem>>, %arg4: memref<1024x1xi32, #tpu.memory_space<vmem>>, %arg5: memref<10x128xf32, #tpu.memory_space<vmem>>, %arg6: memref<1x10xf32, #tpu.memory_space<vmem>>, %arg7: memref<128x10xf32, #tpu.memory_space<vmem>>, %arg8: memref<128x128xf32, #tpu.memory_space<vmem>>, %arg9: memref<1x128xf32, #tpu.memory_space<vmem>>) attributes {dimension_semantics = [#tpu.dimension_semantics<arbitrary>], iteration_bounds = array<i64: 10>, scalar_prefetch = 0 : i64, scratch_operands = 2 : i64, tpu.core_type = #tpu.core_type<tc>, window_params = [{transform_indices = @transform_0, window_bounds = array<i64: 128, 1024>}, {transform_indices = @transform_1, window_bounds = array<i64: 128, 1024>}, {pipeline_mode = #tpu.pipeline_mode<synchronous>, transform_indices = @transform_2, window_bounds = array<i64: 128, 1>}, {transform_indices = @transform_3, window_bounds = array<i64: 1024, 1>}, {pipeline_mode = #tpu.pipeline_mode<synchronous>, transform_indices = @transform_4, window_bounds = array<i64: 10, 128>}, {pipeline_mode = #tpu.pipeline_mode<synchronous>, transform_indices = @transform_5, window_bounds = array<i64: 1, 10>}, {pipeline_mode = #tpu.pipeline_mode<synchronous>, transform_indices = @transform_6, window_bounds = array<i64: 128, 10>}]} {
    %get3A = arith.constant 0 : index
    %get3A_0 = arith.constant 0 : index
    %get3A_1 = vector.load %arg1[%get3A, %get3A_0] : memref<128x1024xf32, #tpu.memory_space<vmem>>, vector<128x1024xf32>
    %get3A_2 = arith.constant 0 : index
    %get3A_3 = arith.constant 0 : index
    %get3A_4 = vector.load %arg2[%get3A_2, %get3A_3] : memref<128x1024xf32, #tpu.memory_space<vmem>>, vector<128x1024xf32>
    %add3A = arith.addf %get3A_1, %get3A_4 : vector<128x1024xf32>
    %get3A_5 = arith.constant 0 : index
    %get3A_6 = arith.constant 0 : index
    %get3A_7 = vector.load %arg3[%get3A_5, %get3A_6] : memref<128x1xf32, #tpu.memory_space<vmem>>, vector<128x1xf32>
    %add3A_8 = vector.broadcast %get3A_7 : vector<128x1xf32> to vector<128x1024xf32>
    %add3A_9 = arith.addf %add3A, %add3A_8 : vector<128x1024xf32>
    %get3A_10 = arith.constant 0 : index
    %get3A_11 = arith.constant 0 : index
    %get3A_12 = vector.load %arg4[%get3A_10, %get3A_11] : memref<1024x1xi32, #tpu.memory_space<vmem>>, vector<1024x1xi32>
    %iota3A = tpu.iota {dimensions = array<i32: 1>} : vector<1024x128xi32>
    %eq3A = vector.broadcast %get3A_12 : vector<1024x1xi32> to vector<1024x128xi32>
    %eq3A_13 = arith.cmpi eq, %eq3A, %iota3A : vector<1024x128xi32>
    %convert_element_type3A = arith.extui %eq3A_13 : vector<1024x128xi1> to vector<1024x128xi32>
    %convert_element_type3A_14 = arith.sitofp %convert_element_type3A : vector<1024x128xi32> to vector<1024x128xf32>
    %eq3A_15 = arith.constant 0 : i32
    %eq3A_16 = arith.cmpi eq, %arg0, %eq3A_15 : i32
    %convert_element_type3A_17 = arith.extui %eq3A_16 : i1 to i32
    %cond3A = arith.constant 0 : i32
    %cond3A_18 = arith.cmpi ne, %convert_element_type3A_17, %cond3A : i32
    scf.if %cond3A_18 {
      %broadcast_in_dim3A_39 = arith.constant 0.000000e+00 : f32
      %broadcast_in_dim3A_40 = vector.broadcast %broadcast_in_dim3A_39 : f32 to vector<128x128xf32>
      %swap3A_41 = arith.constant 0 : index
      %swap3A_42 = arith.constant 0 : index
      %swap3A_43 = vector.load %arg8[%swap3A_41, %swap3A_42] : memref<128x128xf32, #tpu.memory_space<vmem>>, vector<128x128xf32>
      tpu.vector_store %arg8[%swap3A_41, %swap3A_42], %broadcast_in_dim3A_40 {strides = array<i32>} : memref<128x128xf32, #tpu.memory_space<vmem>>, vector<128x128xf32>,
      %broadcast_in_dim3A_44 = arith.constant 0.000000e+00 : f32
      %broadcast_in_dim3A_45 = vector.broadcast %broadcast_in_dim3A_44 : f32 to vector<1x128xf32>
      %swap3A_46 = arith.constant 0 : index
      %swap3A_47 = arith.constant 0 : index
      %swap3A_48 = vector.load %arg9[%swap3A_46, %swap3A_47] : memref<1x128xf32, #tpu.memory_space<vmem>>, vector<1x128xf32>
      tpu.vector_store %arg9[%swap3A_46, %swap3A_47], %broadcast_in_dim3A_45 {strides = array<i32>} : memref<1x128xf32, #tpu.memory_space<vmem>>, vector<1x128xf32>,
    } else {
    }
    %get3A_19 = arith.constant 0 : index
    %get3A_20 = arith.constant 0 : index
    %get3A_21 = vector.load %arg8[%get3A_19, %get3A_20] : memref<128x128xf32, #tpu.memory_space<vmem>>, vector<128x128xf32>
    %dot_general3A = arith.constant dense<0.000000e+00> : vector<128x128xf32>
    %dot_general3A_22 = tpu.matmul %add3A_9, %convert_element_type3A_14, %dot_general3A {dimension_numbers = #tpu.dot_dimension_numbers<[1], [0], [0], [1], [0, 0, 1, 1], [], []>, precision = #tpu.contract_precision<fp32>, transpose_lhs_hint = false} : vector<128x1024xf32>, vector<1024x128xf32>, vector<128x128xf32> -> vector<128x128xf32>
    %add3A_23 = arith.addf %get3A_21, %dot_general3A_22 : vector<128x128xf32>
    %swap3A = arith.constant 0 : index
    %swap3A_24 = arith.constant 0 : index
    %swap3A_25 = vector.load %arg8[%swap3A, %swap3A_24] : memref<128x128xf32, #tpu.memory_space<vmem>>, vector<128x128xf32>
    tpu.vector_store %arg8[%swap3A, %swap3A_24], %add3A_23 {strides = array<i32>} : memref<128x128xf32, #tpu.memory_space<vmem>>, vector<128x128xf32>,
    %get3A_26 = arith.constant 0 : index
    %get3A_27 = arith.constant 0 : index
    %get3A_28 = vector.load %arg9[%get3A_26, %get3A_27] : memref<1x128xf32, #tpu.memory_space<vmem>>, vector<1x128xf32>
    %reduce_sum3A = arith.constant dense<0.000000e+00> : vector<128xf32>
    %reduce_sum3A_29 = vector.multi_reduction <add>, %convert_element_type3A_14, %reduce_sum3A [0] : vector<1024x128xf32> to vector<128xf32>
    %broadcast_in_dim3A = vector.shape_cast %reduce_sum3A_29 : vector<128xf32> to vector<1x128xf32>
    %add3A_30 = arith.addf %get3A_28, %broadcast_in_dim3A : vector<1x128xf32>
    %swap3A_31 = arith.constant 0 : index
    %swap3A_32 = arith.constant 0 : index
    %swap3A_33 = vector.load %arg9[%swap3A_31, %swap3A_32] : memref<1x128xf32, #tpu.memory_space<vmem>>, vector<1x128xf32>
    tpu.vector_store %arg9[%swap3A_31, %swap3A_32], %add3A_30 {strides = array<i32>} : memref<1x128xf32, #tpu.memory_space<vmem>>, vector<1x128xf32>,
    %eq3A_34 = arith.constant 9 : i32
    %eq3A_35 = arith.cmpi eq, %arg0, %eq3A_34 : i32
    %convert_element_type3A_36 = arith.extui %eq3A_35 : i1 to i32
    %cond3A_37 = arith.constant 0 : i32
    %cond3A_38 = arith.cmpi ne, %convert_element_type3A_36, %cond3A_37 : i32
    scf.if %cond3A_38 {
      %get3A_39 = arith.constant 0 : index
      %get3A_40 = arith.constant 0 : index
      %get3A_41 = vector.load %arg9[%get3A_39, %get3A_40] : memref<1x128xf32, #tpu.memory_space<vmem>>, vector<1x128xf32>
      %max3A = arith.constant 1.000000e+00 : f32
      %max3A_42 = vector.broadcast %max3A : f32 to vector<1x128xf32>
      %max3A_43 = arith.maximumf %get3A_41, %max3A_42 : vector<1x128xf32>
      %get3A_44 = arith.constant 0 : index
      %get3A_45 = arith.constant 0 : index
      %get3A_46 = vector.load %arg8[%get3A_44, %get3A_45] : memref<128x128xf32, #tpu.memory_space<vmem>>, vector<128x128xf32>
      %div3A = vector.broadcast %max3A_43 : vector<1x128xf32> to vector<128x128xf32>
      %div3A_47 = arith.divf %get3A_46, %div3A : vector<128x128xf32>
      %get3A_48 = arith.constant 0 : index
      %get3A_49 = arith.constant 0 : index
      %get3A_50 = vector.load %arg5[%get3A_48, %get3A_49] : memref<10x128xf32, #tpu.memory_space<vmem>>, vector<10x128xf32>
      %dot_general3A_51 = arith.constant dense<0.000000e+00> : vector<128x10xf32>
      %dot_general3A_52 = tpu.matmul %div3A_47, %get3A_50, %dot_general3A_51 {dimension_numbers = #tpu.dot_dimension_numbers<[0], [1], [1], [0], [0, 1, 1, 0], [], []>, precision = #tpu.contract_precision<fp32>, transpose_lhs_hint = false} : vector<128x128xf32>, vector<10x128xf32>, vector<128x10xf32> -> vector<128x10xf32>
      %get3A_53 = arith.constant 0 : index
      %get3A_54 = arith.constant 0 : index
      %get3A_55 = vector.load %arg6[%get3A_53, %get3A_54] : memref<1x10xf32, #tpu.memory_space<vmem>>, vector<1x10xf32>
      %add3A_56 = vector.broadcast %get3A_55 : vector<1x10xf32> to vector<128x10xf32>
      %add3A_57 = arith.addf %dot_general3A_52, %add3A_56 : vector<128x10xf32>
      %swap3A_58 = arith.constant 0 : index
      %swap3A_59 = arith.constant 0 : index
      %swap3A_60 = vector.load %arg7[%swap3A_58, %swap3A_59] : memref<128x10xf32, #tpu.memory_space<vmem>>, vector<128x10xf32>
      tpu.vector_store %arg7[%swap3A_58, %swap3A_59], %add3A_57 {strides = array<i32>} : memref<128x10xf32, #tpu.memory_space<vmem>>, vector<128x10xf32>,
    } else {
    }
    return
  }
  func.func @transform_0(%arg0: i32) -> (i32, i32) {
    %c0_i32 = arith.constant 0 : i32
    %c0_i32_0 = arith.constant 0 : i32
    return %c0_i32, %arg0 : i32, i32
  }
  func.func @transform_1(%arg0: i32) -> (i32, i32) {
    %c1_i32 = arith.constant 1 : i32
    %c0_i32 = arith.constant 0 : i32
    return %c1_i32, %arg0 : i32, i32
  }
  func.func @transform_2(%arg0: i32) -> (i32, i32) {
    %c0_i32 = arith.constant 0 : i32
    %c0_i32_0 = arith.constant 0 : i32
    %c0_i32_1 = arith.constant 0 : i32
    return %c0_i32, %c0_i32_0 : i32, i32
  }
  func.func @transform_3(%arg0: i32) -> (i32, i32) {
    %c0_i32 = arith.constant 0 : i32
    %c0_i32_0 = arith.constant 0 : i32
    return %arg0, %c0_i32 : i32, i32
  }
  func.func @transform_4(%arg0: i32) -> (i32, i32) {
    %c0_i32 = arith.constant 0 : i32
    %c0_i32_0 = arith.constant 0 : i32
    %c0_i32_1 = arith.constant 0 : i32
    return %c0_i32, %c0_i32_0 : i32, i32
  }
  func.func @transform_5(%arg0: i32) -> (i32, i32) {
    %c0_i32 = arith.constant 0 : i32
    %c0_i32_0 = arith.constant 0 : i32
    %c0_i32_1 = arith.constant 0 : i32
    return %c0_i32, %c0_i32_0 : i32, i32
  }
  func.func @transform_6(%arg0: i32) -> (i32, i32) {
    %c0_i32 = arith.constant 0 : i32
    %c0_i32_0 = arith.constant 0 : i32
    %c0_i32_1 = arith.constant 0 : i32
    return %c0_i32, %c0_i32_0 : i32, i32
  }
}

</mosaic_0001>

<sc_bundles>
// kernel: kernel.12.cloned.1.call-start
scs
__scs_entry_jumppad:
0x0: {  	(pc) =	sbr.rel $0x88, $3  }
0x1: {  	(tag) =	ssettag $0x0;
	lr =	simm.s32 $0x1  }
0x2: {  	[smem:$0x3F93] =	sst lr;
	_ =	strace $0xD0000000  }
0x3: {  	_ = 	snop  }
0x4: {  	_ = 	snop  }
0x5: {  	_ = 	snop  }
0x6: {  	_ = 	snop  }
0x7: {  	_ = 	snop  }
__scs_overlays_trampoline_lowered:
0x8: {  	[smem:$0x3FA2] =	sst s0  }
0x9: {  	[smem:$0x3FA3] =	sst s1  }
0xa: {  	[smem:$0x3FA4] =	sst s2  }
0xb: {  	[smem:$0x3FA5] =	sst s3  }
0xc: {  	[smem:$0x3FA6] =	sst s4  }
0xd: {  	[smem:$0x3FA7] =	sst s5  }
0xe: {  	[smem:$0x3FA8] =	sst s6  }
0xf: {  	[smem:$0x3FA9] =	sst s7  }
0x10: {  	[smem:$0x3FAA] =	sst s8  }
0x11: {  	[smem:$0x3FAB] =	sst s9;
	s0 =	simm.s32 @!p0 $0x0  }
0x12: {  	s1 =	sld [smem:$0x3F91];
	s0 =	simm.s32 @p0 $0x1  }
0x13: {  	[smem:$0x3FAC] =	sst s0;
	s0 =	simm.s32 @!p1 $0x0  }
0x14: {  	s2 =	sld [smem:$0x3F90];
	s0 =	simm.s32 @p1 $0x1  }
0x15: {  	[smem:$0x3FAD] =	sst s0;
	s0 =	simm.s32 @!p2 $0x0  }
0x16: {  	s3 =	sld [smem:$0x3FDB];
	s0 =	simm.s32 @p2 $0x1  }
0x17: {  	s4 =	simm.s32 $0x1BF5;
	[smem:$0x3FAF] =	sst s0  }
0x18: {  	s0 =	sld [smem:$0x3F92];
	_ =	swait.ge [sflag:s4], $0x0  }
0x19: {  	s7 =	sld [smem:$0x3F93]  }
0x1a: {  	s8 =	sadd.s32 $0xFFFFE003, lr  }
0x1b: {  	s9 =	sadd.s32 $0xFFFFFEF7, lr;
	s5 =	simm.s32 $0xFFFFFFFF;
	p2 =	slt.u32 s8, $0xFFFFF086  }
0x1c: {  	p1 =	slt.u32 s9, $0xF7A;
	s5 =	simm.s32 @!p2 $0x0  }
0x1d: {  	s5 =	simm.s32 @p1 $0x1;
	p0 =	seq.s32 s7, s2  }
0x1e: {  	s7 =	smul.u32 @!p0 $0xF7A, s2;
	p2 =	seq.s32 @!p0 s5, $0x0  }
0x1f: {  	s9 =	smul.u32 $0xF7A, s1;
	s8 =	simm.s32 @!p0 $0x1BF5;
	p2 =	por !p2, p0  }
0x20: {  	[sflag:s8] =	ssyncset.s32 @!p0 $0xFFFFF086;
	s6 =	sadd.s32 @!p0 s3, s7;
	s7 =	simm.s32 @!p0 $0x108  }
0x21: {  	s3 =	sadd.s32 s3, s9;
	s6 =	sadd.s32 @!p0 $0x88, s6;
	s7 =	simm.s32 @p2 $0x1082  }
0x22: {  	[simem:s7], [sflag:s8] =	dma.local @!p0 [hbm:s6], $0xF7A  }
0x23: {  	s9 =	sor.u32 $0xD0000000, s2;
	s6 =	simm.s32 $0x108;
	_ =	swait.ge @!p0 [sflag:s8], $0x0  }
0x24: {  	s3 =	sadd.s32 $0x88, s3;
	s6 =	simm.s32 @!p1 $0x1082;
	[sflag:s4] =	ssyncset.s32 $0xFFFFF086  }
0x25: {  	[simem:s6], [sflag:s4] =	dma.local [hbm:s3], $0xF7A  }
0x26: {  	[smem:$0x3F93] =	sst s1;
	(tag) =	ssettag s2;
	_ =	strace s9  }
0x27: {  	s1 =	sld [smem:$0x3FA3]  }
0x28: {  	s2 =	sld [smem:$0x3FA4]  }
0x29: {  	s4 =	sld [smem:$0x3FA6]  }
0x2a: {  	p0 =	seq.s32 s5, $0x0;
	s5 =	sld [smem:$0x3FA7]  }
0x2b: {  	s6 =	sld [smem:$0x3FA8]  }
0x2c: {  	s7 =	sld [smem:$0x3FA9]  }
0x2d: {  	s3 =	simm.s32 $0x108;
	s8 =	sld [smem:$0x3FAA]  }
0x2e: {  	s3 =	simm.s32 @!p0 $0x1082;
	s9 =	sld [smem:$0x3FAB]  }
0x2f: {  	lr =	sadd.s32 s0, s3;
	s0 =	sld [smem:$0x3FA2]  }
0x30: {  	s3 =	sld [smem:$0x3FA5]  }
0x31: {  	[smem:$0x3FAE] =	sst s10  }
0x32: {  	s10 =	sld [smem:$0x3FAC];
	_ =	sdelay $0x3  }
0x33: {  	p0 =	seq.s32 s10, $0x1;
	s10 =	sld [smem:$0x3FAE];
	_ =	sdelay $0x3  }
0x34: {  	[smem:$0x3FAE] =	sst s10  }
0x35: {  	s10 =	sld [smem:$0x3FAD];
	_ =	sdelay $0x3  }
0x36: {  	p1 =	seq.s32 s10, $0x1;
	s10 =	sld [smem:$0x3FAE];
	_ =	sdelay $0x3  }
0x37: {  	[smem:$0x3FAE] =	sst s10  }
0x38: {  	s10 =	sld [smem:$0x3FAF]  }
0x39: {  	_ = 	snop;
	(pc) =	sbr.ind lr, $3  }
0x3a: {  	_ = 	snop  }
0x3b: {  	_ = 	snop  }
0x3c: {  	p2 =	seq.s32 s10, $0x1;
	s10 =	sld [smem:$0x3FAE]  }
0x3d: {  	_ =	shalt  }
0x3e: {  	_ =	shalt  }
0x3f: {  	_ =	shalt  }
0x40: {  	_ =	shalt  }
0x41: {  	_ =	shalt  }
0x42: {  	_ =	shalt  }
0x43: {  	_ =	shalt  }
0x44: {  	_ =	shalt  }
0x45: {  	_ =	shalt  }
0x46: {  	_ =	shalt  }
0x47: {  	_ =	shalt  }
0x48: {  	_ =	shalt  }
0x49: {  	_ =	shalt  }
0x4a: {  	_ =	shalt  }
0x4b: {  	_ =	shalt  }
0x4c: {  	_ =	shalt  }
0x4d: {  	_ =	shalt  }
0x4e: {  	_ =	shalt  }
0x4f: {  	_ =	shalt  }
0x50: {  	_ =	shalt  }
0x51: {  	_ =	shalt  }
0x52: {  	_ =	shalt  }
0x53: {  	_ =	shalt  }
0x54: {  	_ =	shalt  }
0x55: {  	_ =	shalt  }
0x56: {  	_ =	shalt  }
0x57: {  	_ =	shalt  }
0x58: {  	_ =	shalt  }
0x59: {  	_ =	shalt  }
0x5a: {  	_ =	shalt  }
0x5b: {  	_ =	shalt  }
0x5c: {  	_ =	shalt  }
0x5d: {  	_ =	shalt  }
0x5e: {  	_ =	shalt  }
0x5f: {  	_ =	shalt  }
0x60: {  	_ =	shalt  }
0x61: {  	_ =	shalt  }
0x62: {  	_ =	shalt  }
0x63: {  	_ =	shalt  }
0x64: {  	_ =	shalt  }
0x65: {  	_ =	shalt  }
0x66: {  	_ =	shalt  }
0x67: {  	_ =	shalt  }
0x68: {  	_ =	shalt  }
0x69: {  	_ =	shalt  }
0x6a: {  	_ =	shalt  }
0x6b: {  	_ =	shalt  }
0x6c: {  	_ =	shalt  }
0x6d: {  	_ =	shalt  }
0x6e: {  	_ =	shalt  }
0x6f: {  	_ =	shalt  }
0x70: {  	_ =	shalt  }
0x71: {  	_ =	shalt  }
0x72: {  	_ =	shalt  }
0x73: {  	_ =	shalt  }
0x74: {  	_ =	shalt  }
0x75: {  	_ =	shalt  }
0x76: {  	_ =	shalt  }
0x77: {  	_ =	shalt  }
0x78: {  	_ =	shalt  }
0x79: {  	_ =	shalt  }
0x7a: {  	_ =	shalt  }
0x7b: {  	_ =	shalt  }
0x7c: {  	_ =	shalt  }
0x7d: {  	_ =	shalt  }
0x7e: {  	_ =	shalt  }
0x7f: {  	_ =	shalt  }
0x80: {  	_ =	shalt  }
0x81: {  	_ =	shalt  }
0x82: {  	_ =	shalt  }
0x83: {  	_ =	shalt  }
0x84: {  	_ =	shalt  }
0x85: {  	_ =	shalt  }
0x86: {  	_ =	shalt  }
0x87: {  	_ =	shalt  }
.Lfunc_end0:
.L_simem_size_0:
called_computation.1_lowered:
.L_overlay_start_0:
0x88: {  	s2 =	sld [smem:$0x3FD9]  }
0x89: {  	s3 =	sld [smem:$0x3FFE];
	_ =	sdelay $0x1  }
0x8a: {  	s1 =	srdreg.scid  }
0x8b: {  	s0 =	sand.u32 $0x1, s1  }
0x8c: {  	s16 =	sshll.u32 s0, $0xA;
	s2 =	sadd.s32 s3, s2  }
0x8d: {  	s2 =	sadd.s32 s2, s16  }
0x8e: {  	[smem:$0x3FBA] =	sst s2  }
0x8f: {  	_ = 	snop  }
0x90: {  	(tm) =	ssettm $0x1  }
0x91: {  	s17 =	sld [smem:$0x3FFB];
	_ =	sdelay $0x3  }
0x92: {  	_ =	strace s17  }
0x93: {  	s2 =	sld [smem:$0x3FFC];
	_ =	sdelay $0x3  }
0x94: {  	_ =	strace s2  }
0x95: {  	s2 =	sld [smem:$0x3FFD];
	_ =	sdelay $0x3  }
0x96: {  	_ =	strace s2  }
0x97: {  	_ =	strace $0x8FFFFFFF  }
0x98: {  	s18 =	sld [smem:$0x3FDB];
	_ =	sdelay $0x1  }
0x99: {  	s19 =	simm.s32 $_scs_section_size  }
0x9a: {  	s4 =	simm.s32 $_size__tile_overlayer_lowered;
	s5 =	simm.s32 $_tile_overlayer_lowered  }
0x9b: {  	s22 =	simm.s32 $0x1BFF;
	s21 =	sshll.u32 s5, $0x1;
	s2 =	sadd.s32 s19, s18  }
0x9c: {  	s6 =	simm.s32 $0x0;
	s20 =	sshll.u32 s4, $0x1;
	s4 =	sadd.s32 s21, s2  }
0x9d: {  	[timem:s6], [sflag:s22] =	dma.local [hbm:s4], s20  }
0x9e: {  	_ =	swait.ge [sflag:s22], s20  }
0x9f: {  	s3 =	ssub.s32 $0x0, s20;
	[sflag:s22] =	ssyncset.done $0x0  }
0xa0: {  	[sflag:s22] =	ssyncadd.s32 s3;
	_ =	sdelay $0x1  }
0xa1: {  	s23 =	simm.s32 $0x1B8B  }
0xa2: {  	_ =	swait.ge [sflag:s23], $0x1  }
0xa3: {  	[sflag:s23] =	ssyncset.done $0x0  }
0xa4: {  	s25 =	simm.s32 $0x1B8E;
	s24 =	sld [smem:$0x3FFE];
	[sflag:s23] =	ssyncadd.s32 $0xFFFFFFFF  }
0xa5: {  	s26 =	simm.s32 $execute0_lowered;
	[smem:$0x3FD2] =	sst s25  }
0xa6: {  	s4 =	sshll.u32 s26, $0x1;
	_ =	strace $0x80000049;
	[dreg:$0x1] =	wrdreg $0xFFFFFFFF  }
0xa7: {  	s28 =	simm.s32 $_size_execute0_lowered;
	s2 =	sadd.s32 s2, s4;
	[dreg:$0x0] =	wrdreg $0x0  }
0xa8: {  	s4 =	sshll.u32 s28, $0x1;
	[dreg:$0x2] =	wrdreg s2  }
0xa9: {  	[dreg:$0x3] =	wrdreg s4  }
0xaa: {  	[dreg:$0x4] =	wrdreg $0xC0  }
0xab: {  	_ =	task [dreg:s6], $0x5FFFF  }
0xac: {  	[dreg:$0x1] =	wrdreg $0xFFFFFFFF  }
0xad: {  	[dreg:$0x0] =	wrdreg $0x60  }
0xae: {  	[dreg:$0x2] =	wrdreg s24  }
0xaf: {  	[dreg:$0x3] =	wrdreg $0x9  }
0xb0: {  	_ =	task.clear_ibuf [dreg:s6], $0x4FFFF;
	_ =	strace $0x90000049  }
0xb1: {  	s29 =	simm.s32 $0x9;
	_ =	strace $0x8000004B  }
0xb2: {  	_ =	swait.ge [sflag:s29], $0x1  }
0xb3: {  	[sflag:s29] =	ssyncadd.s32 $0xFFFFFFFF  }
0xb4: {  	_ =	strace $0x9000004B  }
0xb5: {  	_ =	sfence  }
0xb6: {  	s30 =	sld [smem:$0x0];
	_ =	sdelay $0x2  }
0xb7: {  	s31 =	sshll.u32 s1, $0xD;
	s1 =	sshrl.u32 s1, $0x2  }
0xb8: {  	s3 =	sand.u32 $0x4000, s31;
	s1 =	sadd.s32 s1, s30  }
0xb9: {  	s0 =	sor.u32 s3, s0;
	s1 =	sshll.u32 s1, $0x11  }
0xba: {  	s0 =	sor.u32 s1, s0  }
0xbb: {  	s0 =	sadd.s32 $0x8F2B, s0  }
0xbc: {  	[sflag:s0] =	ssyncadd.remote.s32 $0x1  }
0xbd: {  	_ =	sfence.sel $0xFFFF  }
0xbe: {  	[dreg:$0x0] =	wrdreg $0xFFFFFFFF;
	(pc) =	sbr.abs _section_cstart, $3  }
0xbf: {  	[dreg:$0x1] =	wrdreg $0xFFFFFFFF  }
0xc0: {  	_ =	task.clear_ibuf [dreg:s6], $0x2FFFF;
	_ =	strace $0x9FFFFFFF  }
0xc1: {  	(tm) =	ssettm $0x7FFFFFFF  }
tec
execute0_lowered:
.L_overlay_start_1:
0x0: {  	(tag) =	ssettag $0x1  }
0x1: {  	s0 =	rddreg [dreg:$0x0];
	s2 =	simm.s32 $0x0;
	s3 =	srdreg.scid  }
0x2: {  	s1 =	stileid.u32;
	s14 =	simm.s32 $0x2800;
	s15 =	simm.s32 $0xF000  }
0x3: {  	s16 =	simm.s32 $0x10F80;
	s17 =	simm.s32 $0x1;
	s18 =	simm.s32 $0x2  }
0x4: {  	s19 =	simm.s32 $0x5000;
	s20 =	simm.s32 $0xA000;
	s21 =	simm.s32 $0x7800  }
0x5: {  	s22 =	simm.s32 $0xC800;
	s23 =	simm.s32 $0x3;
	s24 =	simm.s32 $0x4  }
0x6: {  	s25 =	simm.s32 $0x0;
	[smem:$0x7FF] =	sst s2;
	s4 =	sand.u32 $0x1, s3  }
0x7: {  	s28 =	sshll.u32 s1, $0x2;
	s6 =	sadd.s32 $0xD400, s0;
	s7 =	sshrl.u32 s1, $0x1  }
0x8: {  	s3 =	sadd.s32 $0x3600, s0;
	s10 =	sadd.s32 $0x71400, s0;
	s5 =	sshll.u32 s4, $0x1  }
0x9: {  	_ =	strace $0x8000004A;
	s4 =	ssub.s32 $0x2, s4;
	s5 =	sor.u32 s5, s28  }
0xa: {  	s7 =	smul.u32 $0x14000, s7;
	s9 =	sshrl.u32 s4, $0x1;
	s8 =	sshll.u32 s5, $0x7  }
0xb: {  	s5 =	sor.u32 $0x41, s5;
	s11 =	ssub.s32 s4, s9;
	s8 =	sand.u32 $0x300, s8  }
0xc: {  	s29 =	sshrl.u32 s5, $0x3;
	s13 =	sshll.u32 s5, $0x7;
	s7 =	sor.u32 s7, s8  }
0xd: {  	s11 =	smax.u32 s11, $0x1;
	s12 =	smul.u32 $0x14000, s29;
	s8 =	sshrl.u32 s7, $0x3  }
0xe: {  	s13 =	sand.u32 $0x380, s13;
	s31 =	sadd.s32 $0xA0000, s7;
	s30 =	sor.u32 $0x10, s8  }
0xf: {  	s4 =	sadd.s32 s6, s8;
	s12 =	sor.u32 s13, s12;
	s7 =	sadd.s32 s10, s8  }
0x10: {  	s13 =	simm.s32 $0x400;
	s5 =	sadd.s32 s6, s30;
	s6 =	sadd.s32 $0x39E8, s0  }
0x11: {  	s0 =	sshrl.u32 s31, $0x3;
	s12 =	sshrl.u32 s12, $0x3;
	s8 =	sadd.s32 s10, s30  }
0x12: {  	v0 =	vimm.f32 $0.0e+00;
	s9 =	sadd.s32 s10, s0;
	s10 =	sadd.s32 s10, s12;
	s12 =	simm.s32 $0x80  }
.LBB2_1:
0x13: {  	[tilespmem:s2], [sflag:$0x1] =	stream.strided.gather [hbm4b:s4+s12], $0x2800, s13, s12, $0x38;
	[tilespmem:$0x12F00] =	vst v63  }
0x14: {  	s0 =	simm.s32 $0x0;
	s26 =	simm.s32 $0x100  }
0x15: {  	[tilespmem:s14], [sflag:$0x1] =	stream.strided.gather [hbm4b:s5+s12], $0x2800, s13, s12, $0x38;
	[tilespmem:$0x12F00] =	vst v63  }
.LBB2_2:
0x16: {  	p0 =	sne.s32 s26, $0x9F00;
	[tilespmem:s0+$0xC830] =	vst v0  }
0x17: {  	[tilespmem:s0+$0x5000] =	vst v0  }
0x18: {  	[tilespmem:s0+$0x5010] =	vst v0  }
0x19: {  	[tilespmem:s0+$0x5020] =	vst v0  }
0x1a: {  	[tilespmem:s0+$0x5030] =	vst v0  }
0x1b: {  	[tilespmem:s0+$0x7800] =	vst v0  }
0x1c: {  	[tilespmem:s0+$0x7810] =	vst v0  }
0x1d: {  	[tilespmem:s0+$0x7820] =	vst v0  }
0x1e: {  	[tilespmem:s0+$0x7830] =	vst v0  }
0x1f: {  	[tilespmem:s0+$0xA000] =	vst v0  }
0x20: {  	[tilespmem:s0+$0xA010] =	vst v0  }
.Ltmp0:
0x21: {  	[tilespmem:s0+$0xA020] =	vst v0;
	(pc) =	sbr.rel @p0 .LBB2_2-.Ltmp0, $4  }
0x22: {  	[tilespmem:s0+$0xA030] =	vst v0  }
0x23: {  	[tilespmem:s0+$0xC800] =	vst v0  }
0x24: {  	[tilespmem:s0+$0xC810] =	vst v0  }
0x25: {  	[tilespmem:s0+$0xC820] =	vst v0;
	s0 =	sshra.s32 s26, $0x2;
	s26 =	sadd.s32 $0x100, s26  }
0x26: {  	[tilespmem:s0+$0xC830] =	vst v0  }
0x27: {  	[tilespmem:s0+$0x5000] =	vst v0  }
0x28: {  	[tilespmem:s0+$0x5010] =	vst v0  }
0x29: {  	[tilespmem:s0+$0x5020] =	vst v0  }
0x2a: {  	[tilespmem:s0+$0x5030] =	vst v0  }
0x2b: {  	[tilespmem:s0+$0x7800] =	vst v0  }
0x2c: {  	[tilespmem:s0+$0x7810] =	vst v0  }
0x2d: {  	[tilespmem:s0+$0x7820] =	vst v0  }
0x2e: {  	[tilespmem:s0+$0x7830] =	vst v0  }
0x2f: {  	[tilespmem:s0+$0xA000] =	vst v0  }
0x30: {  	[tilespmem:s0+$0xA010] =	vst v0  }
0x31: {  	[tilespmem:s0+$0xA020] =	vst v0  }
0x32: {  	[tilespmem:s0+$0xA030] =	vst v0  }
0x33: {  	[tilespmem:s0+$0xC800] =	vst v0  }
0x34: {  	[tilespmem:s0+$0xC810] =	vst v0  }
0x35: {  	[tilespmem:s0+$0xC820] =	vst v0;
	s26 =	simm.s32 $0x0  }
0x36: {  	[tilespmem:s15], [sflag:$0x2] =	stream.linear.gather [hbm4b:s3+s26], $0x1F40, $0x38;
	[tilespmem:$0x12F00] =	vst v63  }
0x37: {  	_ = 	snop  }
0x38: {  	[tilespmem:s16], [sflag:$0x3] =	stream.linear.gather [hbm4b:s6+s26], $0x1F40, $0x38;
	[tilespmem:$0x12F00] =	vst v63  }
0x39: {  	_ =	swait.ge [sflag:s17], $0x2800  }
0x3a: {  	[sflag:s17] =	ssyncset.done $0x0  }
0x3b: {  	[sflag:s17] =	ssyncadd.s32 $0xFFFFD800  }
0x3c: {  	_ =	swait.ge [sflag:s17], $0x2800  }
0x3d: {  	[sflag:s17] =	ssyncset.done $0x0  }
0x3e: {  	[sflag:s17] =	ssyncadd.s32 $0xFFFFD800  }
.LBB2_4:
0x3f: {  	_ =	swait.ge [sflag:s18], $0x1F40  }
0x40: {  	[sflag:s18] =	ssyncset.done $0x0  }
0x41: {  	s0 =	simm.s32 $0xF040;
	[sflag:s18] =	ssyncadd.s32 $0xFFFFE0C0  }
0x42: {  	v1 =	vld [tilespmem:s0+$0x30]  }
0x43: {  	v2 =	vld [tilespmem:s0+$0xFFFFFFD0]  }
0x44: {  	v3 =	vld [tilespmem:s0+$0xFFFFFFE0]  }
0x45: {  	v4 =	vld [tilespmem:s0+$0xFFFFFFF0]  }
0x46: {  	v5 =	vld [tilespmem:s0+$0x0]  }
0x47: {  	v6 =	vld [tilespmem:s0+$0x10];
	v7 =	vshrl.u32 v1, $0xE  }
0x48: {  	v12 =	vld [tilespmem:s0+$0xFFFFFFC0];
	v8 =	vshrl.u32 v2, $0xE  }
0x49: {  	v9 =	vld [tilespmem:s0+$0x20];
	v10 =	vshrl.u32 v3, $0xE  }
0x4a: {  	v11 =	vshrl.u32 v4, $0xE  }
0x4b: {  	v13 =	vshrl.u32 v5, $0xE  }
0x4c: {  	v14 =	vshrl.u32 v6, $0xE;
	v15 =	vld.idx.msk [tilespmem:v7+s2+$0x0], $0xffff  }
0x4d: {  	v21 =	vshrl.u32 v12, $0xE;
	v16 =	vld.idx.msk [tilespmem:v8+s2+$0x0], $0xffff  }
0x4e: {  	v17 =	vshrl.u32 v9, $0xE;
	v18 =	vld.idx.msk [tilespmem:v10+s2+$0x0], $0xffff  }
0x4f: {  	v1 =	vand.u32 $0x3FFF, v1;
	v19 =	vld.idx.msk [tilespmem:v11+s2+$0x0], $0xffff  }
0x50: {  	v2 =	vand.u32 $0x3FFF, v2;
	v20 =	vld.idx.msk [tilespmem:v13+s2+$0x0], $0xffff  }
0x51: {  	v3 =	vand.u32 $0x3FFF, v3;
	v22 =	vld.idx.msk [tilespmem:v14+s2+$0x0], $0xffff  }
0x52: {  	v4 =	vand.u32 $0x3FFF, v4;
	v40 =	vld.idx.msk [tilespmem:v21+s2+$0x0], $0xffff  }
0x53: {  	v12 =	vand.u32 $0x3FFF, v12;
	v23 =	vld.idx.msk [tilespmem:v17+s2+$0x0], $0xffff;
	v24 =	vshll.u32 v15, $0x10  }
0x54: {  	v5 =	vand.u32 $0x3FFF, v5;
	v39 =	vshll.u32 v16, $0x10;
	[tilespmem:v1+s19+$0x0] =	vst.idx.add.f32.msk $0xffff, v24  }
0x55: {  	v6 =	vand.u32 $0x3FFF, v6;
	v41 =	vshll.u32 v18, $0x10;
	[tilespmem:v2+s19+$0x0] =	vst.idx.add.f32.msk $0xffff, v39  }
0x56: {  	v43 =	vshll.u32 v19, $0x10;
	[tilespmem:v3+s19+$0x0] =	vst.idx.add.f32.msk $0xffff, v41  }
0x57: {  	v45 =	vshll.u32 v40, $0x10;
	[tilespmem:v4+s19+$0x0] =	vst.idx.add.f32.msk $0xffff, v43  }
0x58: {  	v47 =	vshll.u32 v20, $0x10;
	[tilespmem:v12+s19+$0x0] =	vst.idx.add.f32.msk $0xffff, v45  }
0x59: {  	v49 =	vshll.u32 v22, $0x10;
	[tilespmem:v5+s19+$0x0] =	vst.idx.add.f32.msk $0xffff, v47  }
0x5a: {  	v15 =	vand.u32 $0xFFFF0000, v15;
	[tilespmem:v6+s19+$0x0] =	vst.idx.add.f32.msk $0xffff, v49  }
0x5b: {  	v16 =	vand.u32 $0xFFFF0000, v16;
	[tilespmem:v1+s20+$0x0] =	vst.idx.add.f32.msk $0xffff, v15  }
0x5c: {  	v42 =	vand.u32 $0xFFFF0000, v18;
	[tilespmem:v2+s20+$0x0] =	vst.idx.add.f32.msk $0xffff, v16  }
0x5d: {  	v46 =	vand.u32 $0xFFFF0000, v19;
	[tilespmem:v3+s20+$0x0] =	vst.idx.add.f32.msk $0xffff, v42  }
0x5e: {  	v48 =	vand.u32 $0xFFFF0000, v20;
	[tilespmem:v4+s20+$0x0] =	vst.idx.add.f32.msk $0xffff, v46  }
0x5f: {  	v50 =	vand.u32 $0xFFFF0000, v22;
	[tilespmem:v5+s20+$0x0] =	vst.idx.add.f32.msk $0xffff, v48  }
0x60: {  	[tilespmem:v6+s20+$0x0] =	vst.idx.add.f32.msk $0xffff, v50  }
0x61: {  	v7 =	vld.idx.msk [tilespmem:v7+s14+$0x0], $0xffff  }
0x62: {  	v8 =	vld.idx.msk [tilespmem:v8+s14+$0x0], $0xffff  }
0x63: {  	v54 =	vld.idx.msk [tilespmem:v10+s14+$0x0], $0xffff  }
0x64: {  	v55 =	vld.idx.msk [tilespmem:v11+s14+$0x0], $0xffff  }
0x65: {  	v56 =	vld.idx.msk [tilespmem:v13+s14+$0x0], $0xffff  }
0x66: {  	v57 =	vld.idx.msk [tilespmem:v14+s14+$0x0], $0xffff;
	v44 =	vshll.u32 v7, $0x10  }
0x67: {  	v60 =	vshll.u32 v8, $0x10;
	[tilespmem:v1+s21+$0x0] =	vst.idx.add.f32.msk $0xffff, v44  }
0x68: {  	v62 =	vshll.u32 v54, $0x10;
	[tilespmem:v2+s21+$0x0] =	vst.idx.add.f32.msk $0xffff, v60  }
0x69: {  	v63 =	vshll.u32 v55, $0x10;
	[tilespmem:v3+s21+$0x0] =	vst.idx.add.f32.msk $0xffff, v62  }
0x6a: {  	v7 =	vand.u32 $0xFFFF0000, v7;
	[tilespmem:v4+s21+$0x0] =	vst.idx.add.f32.msk $0xffff, v63  }
0x6b: {  	v61 =	vand.u32 $0xFFFF0000, v8;
	[tilespmem:v1+s22+$0x0] =	vst.idx.add.f32.msk $0xffff, v7  }
0x6c: {  	v1 =	vand.u32 $0xFFFF0000, v40;
	[tilespmem:v2+s22+$0x0] =	vst.idx.add.f32.msk $0xffff, v61  }
0x6d: {  	v2 =	vand.u32 $0xFFFF0000, v54;
	[tilespmem:v12+s20+$0x0] =	vst.idx.add.f32.msk $0xffff, v1;
	v1 =	vand.u32 $0x3FFF, v9  }
0x6e: {  	[tilespmem:v3+s22+$0x0] =	vst.idx.add.f32.msk $0xffff, v2  }
0x6f: {  	v2 =	vand.u32 $0xFFFF0000, v55;
	v53 =	vld.idx.msk [tilespmem:v21+s14+$0x0], $0xffff  }
0x70: {  	v3 =	vshll.u32 v56, $0x10;
	[tilespmem:v4+s22+$0x0] =	vst.idx.add.f32.msk $0xffff, v2  }
0x71: {  	v51 =	vshll.u32 v23, $0x10;
	[tilespmem:v5+s21+$0x0] =	vst.idx.add.f32.msk $0xffff, v3  }
0x72: {  	v52 =	vand.u32 $0xFFFF0000, v23;
	[tilespmem:v1+s19+$0x0] =	vst.idx.add.f32.msk $0xffff, v51  }
0x73: {  	[tilespmem:v1+s20+$0x0] =	vst.idx.add.f32.msk $0xffff, v52  }
0x74: {  	v2 =	vand.u32 $0xFFFF0000, v56;
	v59 =	vld.idx.msk [tilespmem:v17+s14+$0x0], $0xffff  }
0x75: {  	v3 =	vshll.u32 v57, $0x10;
	[tilespmem:v5+s22+$0x0] =	vst.idx.add.f32.msk $0xffff, v2  }
0x76: {  	v4 =	vand.u32 $0xFFFF0000, v57;
	[tilespmem:v6+s21+$0x0] =	vst.idx.add.f32.msk $0xffff, v3  }
0x77: {  	[tilespmem:v6+s22+$0x0] =	vst.idx.add.f32.msk $0xffff, v4;
	v58 =	vshll.u32 v53, $0x10  }
0x78: {  	s30 =	simm.s32 $0x0;
	v7 =	vand.u32 $0xFFFF0000, v53;
	[tilespmem:v12+s21+$0x0] =	vst.idx.add.f32.msk $0xffff, v58  }
0x79: {  	s28 =	simm.s32 $0x1EF0;
	s29 =	simm.s32 $0x10F00;
	s31 =	simm.s32 $0xF0C0;
	[tilespmem:v12+s22+$0x0] =	vst.idx.add.f32.msk $0xffff, v7;
	v3 =	vshll.u32 v59, $0x10;
	v2 =	vand.u32 $0xFFFF0000, v59  }
.LBB2_5:
0x7a: {  	v4 =	vld [tilespmem:s31+$0x30]  }
0x7b: {  	v5 =	vld [tilespmem:s31+$0xFFFFFFD0]  }
0x7c: {  	s30 =	sadd.s32 $0x80, s30;
	v6 =	vld [tilespmem:s31+$0xFFFFFFE0]  }
0x7d: {  	p0 =	slt.u32 s30, $0x1E80;
	v7 =	vld [tilespmem:s31+$0xFFFFFFF0]  }
0x7e: {  	v8 =	vld [tilespmem:s31+$0x0]  }
0x7f: {  	v9 =	vld [tilespmem:s31+$0x10];
	v10 =	vshrl.u32 v4, $0xE  }
0x80: {  	v11 =	vshrl.u32 v5, $0xE;
	v5 =	vand.u32 $0x3FFF, v5;
	v12 =	vld [tilespmem:s31+$0x20]  }
0x81: {  	v13 =	vld [tilespmem:s31+$0xFFFFFFC0];
	v14 =	vshrl.u32 v6, $0xE;
	v6 =	vand.u32 $0x3FFF, v6  }
0x82: {  	v15 =	vshrl.u32 v7, $0xE;
	v7 =	vand.u32 $0x3FFF, v7;
	[tilespmem:v1+s21+$0x0] =	vst.idx.add.f32.msk $0xffff, v3  }
0x83: {  	v3 =	vshrl.u32 v8, $0xE;
	v8 =	vand.u32 $0x3FFF, v8;
	[tilespmem:v1+s22+$0x0] =	vst.idx.add.f32.msk $0xffff, v2  }
0x84: {  	v2 =	vshrl.u32 v9, $0xE;
	v9 =	vand.u32 $0x3FFF, v9;
	v16 =	vld.idx.msk [tilespmem:v10+s2+$0x0], $0xffff  }
0x85: {  	v17 =	vld.idx.msk [tilespmem:v11+s2+$0x0], $0xffff;
	v18 =	vshrl.u32 v12, $0xE;
	v1 =	vand.u32 $0x3FFF, v12  }
0x86: {  	v4 =	vand.u32 $0x3FFF, v4;
	v12 =	vshrl.u32 v13, $0xE;
	v13 =	vand.u32 $0x3FFF, v13;
	v19 =	vld.idx.msk [tilespmem:v14+s2+$0x0], $0xffff  }
0x87: {  	v20 =	vld.idx.msk [tilespmem:v15+s2+$0x0], $0xffff  }
0x88: {  	v21 =	vld.idx.msk [tilespmem:v3+s2+$0x0], $0xffff  }
0x89: {  	v22 =	vld.idx.msk [tilespmem:v2+s2+$0x0], $0xffff  }
0x8a: {  	v24 =	vshll.u32 v16, $0x10;
	v23 =	vld.idx.msk [tilespmem:v18+s2+$0x0], $0xffff  }
0x8b: {  	v16 =	vand.u32 $0xFFFF0000, v16;
	v25 =	vshll.u32 v17, $0x10;
	v17 =	vand.u32 $0xFFFF0000, v17;
	[tilespmem:v4+s19+$0x0] =	vst.idx.add.f32.msk $0xffff, v24  }
0x8c: {  	v24 =	vshll.u32 v19, $0x10;
	v19 =	vand.u32 $0xFFFF0000, v19;
	[tilespmem:v4+s20+$0x0] =	vst.idx.add.f32.msk $0xffff, v16  }
0x8d: {  	v16 =	vshll.u32 v20, $0x10;
	v20 =	vand.u32 $0xFFFF0000, v20;
	v10 =	vld.idx.msk [tilespmem:v10+s14+$0x0], $0xffff  }
0x8e: {  	v27 =	vshll.u32 v21, $0x10;
	v21 =	vand.u32 $0xFFFF0000, v21;
	v26 =	vld.idx.msk [tilespmem:v12+s2+$0x0], $0xffff  }
0x8f: {  	[tilespmem:v5+s19+$0x0] =	vst.idx.add.f32.msk $0xffff, v25;
	v25 =	vshll.u32 v22, $0x10;
	v22 =	vand.u32 $0xFFFF0000, v22  }
0x90: {  	[tilespmem:v5+s20+$0x0] =	vst.idx.add.f32.msk $0xffff, v17;
	v17 =	vshll.u32 v23, $0x10;
	v23 =	vand.u32 $0xFFFF0000, v23  }
0x91: {  	[tilespmem:v6+s19+$0x0] =	vst.idx.add.f32.msk $0xffff, v24  }
0x92: {  	[tilespmem:v6+s20+$0x0] =	vst.idx.add.f32.msk $0xffff, v19  }
0x93: {  	[tilespmem:v7+s19+$0x0] =	vst.idx.add.f32.msk $0xffff, v16;
	v16 =	vshll.u32 v10, $0x10  }
0x94: {  	v19 =	vshll.u32 v26, $0x10;
	v24 =	vand.u32 $0xFFFF0000, v26;
	v10 =	vand.u32 $0xFFFF0000, v10;
	[tilespmem:v4+s21+$0x0] =	vst.idx.add.f32.msk $0xffff, v16  }
0x95: {  	[tilespmem:v4+s22+$0x0] =	vst.idx.add.f32.msk $0xffff, v10  }
0x96: {  	[tilespmem:v13+s19+$0x0] =	vst.idx.add.f32.msk $0xffff, v19  }
0x97: {  	[tilespmem:v13+s20+$0x0] =	vst.idx.add.f32.msk $0xffff, v24  }
0x98: {  	[tilespmem:v7+s20+$0x0] =	vst.idx.add.f32.msk $0xffff, v20  }
0x99: {  	[tilespmem:v8+s19+$0x0] =	vst.idx.add.f32.msk $0xffff, v27  }
0x9a: {  	[tilespmem:v8+s20+$0x0] =	vst.idx.add.f32.msk $0xffff, v21  }
0x9b: {  	[tilespmem:v9+s19+$0x0] =	vst.idx.add.f32.msk $0xffff, v25  }
0x9c: {  	[tilespmem:v9+s20+$0x0] =	vst.idx.add.f32.msk $0xffff, v22  }
0x9d: {  	[tilespmem:v1+s19+$0x0] =	vst.idx.add.f32.msk $0xffff, v17  }
0x9e: {  	[tilespmem:v1+s20+$0x0] =	vst.idx.add.f32.msk $0xffff, v23  }
0x9f: {  	v4 =	vld.idx.msk [tilespmem:v12+s14+$0x0], $0xffff  }
0xa0: {  	v10 =	vld.idx.msk [tilespmem:v11+s14+$0x0], $0xffff  }
0xa1: {  	v11 =	vld.idx.msk [tilespmem:v14+s14+$0x0], $0xffff  }
0xa2: {  	v12 =	vld.idx.msk [tilespmem:v15+s14+$0x0], $0xffff  }
0xa3: {  	v3 =	vld.idx.msk [tilespmem:v3+s14+$0x0], $0xffff  }
0xa4: {  	v2 =	vld.idx.msk [tilespmem:v2+s14+$0x0], $0xffff  }
0xa5: {  	v14 =	vshll.u32 v4, $0x10;
	v4 =	vand.u32 $0xFFFF0000, v4;
	v15 =	vld.idx.msk [tilespmem:v18+s14+$0x0], $0xffff  }
0xa6: {  	[tilespmem:v13+s21+$0x0] =	vst.idx.add.f32.msk $0xffff, v14;
	v14 =	vshll.u32 v10, $0x10;
	v10 =	vand.u32 $0xFFFF0000, v10  }
0xa7: {  	[tilespmem:v13+s22+$0x0] =	vst.idx.add.f32.msk $0xffff, v4;
	v4 =	vshll.u32 v11, $0x10;
	v11 =	vand.u32 $0xFFFF0000, v11  }
0xa8: {  	v13 =	vshll.u32 v12, $0x10;
	v12 =	vand.u32 $0xFFFF0000, v12;
	[tilespmem:v5+s21+$0x0] =	vst.idx.add.f32.msk $0xffff, v14  }
0xa9: {  	[tilespmem:v5+s22+$0x0] =	vst.idx.add.f32.msk $0xffff, v10;
	v5 =	vshll.u32 v3, $0x10;
	v10 =	vand.u32 $0xFFFF0000, v3  }
0xaa: {  	v14 =	vand.u32 $0xFFFF0000, v2;
	[tilespmem:v6+s21+$0x0] =	vst.idx.add.f32.msk $0xffff, v4;
	v4 =	vshll.u32 v2, $0x10  }
0xab: {  	v3 =	vshll.u32 v15, $0x10;
	v2 =	vand.u32 $0xFFFF0000, v15;
	[tilespmem:v6+s22+$0x0] =	vst.idx.add.f32.msk $0xffff, v11  }
0xac: {  	[tilespmem:v7+s21+$0x0] =	vst.idx.add.f32.msk $0xffff, v13  }
.Ltmp1:
0xad: {  	[tilespmem:v7+s22+$0x0] =	vst.idx.add.f32.msk $0xffff, v12;
	(pc) =	sbr.rel @p0 .LBB2_5-.Ltmp1, $4  }
0xae: {  	[tilespmem:v8+s21+$0x0] =	vst.idx.add.f32.msk $0xffff, v5  }
0xaf: {  	[tilespmem:v8+s22+$0x0] =	vst.idx.add.f32.msk $0xffff, v10  }
0xb0: {  	[tilespmem:v9+s21+$0x0] =	vst.idx.add.f32.msk $0xffff, v4  }
0xb1: {  	s31 =	sadd.s32 $0x80, s31;
	[tilespmem:v9+s22+$0x0] =	vst.idx.add.f32.msk $0xffff, v14  }
0xb2: {  	_ =	sdelay $0x3  }
0xb3: {  	[tilespmem:v1+s21+$0x0] =	vst.idx.add.f32.msk $0xffff, v3  }
0xb4: {  	[tilespmem:v1+s22+$0x0] =	vst.idx.add.f32.msk $0xffff, v2  }
.LBB2_7:
0xb5: {  	v1 =	vld [tilespmem:s29+$0x0];
	_ =	sdelay $0x4  }
0xb6: {  	v2 =	vshrl.u32 v1, $0xE;
	_ =	sdelay $0x4  }
0xb7: {  	v3 =	vld.idx.msk [tilespmem:v2+s2+$0x0], $0xffff  }
0xb8: {  	v1 =	vand.u32 $0x3FFF, v1;
	_ =	sdelay $0x3  }
0xb9: {  	v4 =	vshll.u32 v3, $0x10  }
0xba: {  	v3 =	vand.u32 $0xFFFF0000, v3;
	[tilespmem:v1+s19+$0x0] =	vst.idx.add.f32.msk $0xffff, v4  }
0xbb: {  	[tilespmem:v1+s20+$0x0] =	vst.idx.add.f32.msk $0xffff, v3  }
0xbc: {  	v2 =	vld.idx.msk [tilespmem:v2+s14+$0x0], $0xffff  }
0xbd: {  	s28 =	sadd.s32 $0x10, s28  }
0xbe: {  	p0 =	slt.u32 s28, $0x1F30  }
.Ltmp2:
0xbf: {  	_ = 	snop;
	(pc) =	sbr.rel @p0 .LBB2_7-.Ltmp2, $4  }
0xc0: {  	_ = 	snop  }
0xc1: {  	v3 =	vshll.u32 v2, $0x10  }
0xc2: {  	v2 =	vand.u32 $0xFFFF0000, v2;
	[tilespmem:v1+s21+$0x0] =	vst.idx.add.f32.msk $0xffff, v3  }
0xc3: {  	s29 =	sadd.s32 $0x10, s29;
	[tilespmem:v1+s22+$0x0] =	vst.idx.add.f32.msk $0xffff, v2  }
0xc4: {  	s0 =	smul.u32 $0x3E80, s26;
	_ =	sdelay $0x1  }
0xc5: {  	s0 =	sshrl.u32 s0, $0x3  }
0xc6: {  	s28 =	sadd.s32 s3, s0  }
0xc7: {  	s0 =	sadd.s32 $0x7D0, s28  }
0xc8: {  	[tilespmem:s15], [sflag:$0x2] =	stream.linear.gather [hbm4b:s0+s2], $0x1F40, $0x38;
	[tilespmem:$0x12F00] =	vst v63  }
0xc9: {  	_ =	swait.ge [sflag:s23], $0x1F40  }
0xca: {  	[sflag:s23] =	ssyncset.done $0x0  }
0xcb: {  	s0 =	simm.s32 $0x10FC0;
	[sflag:s23] =	ssyncadd.s32 $0xFFFFE0C0  }
0xcc: {  	v1 =	vld [tilespmem:s0+$0x30]  }
0xcd: {  	v2 =	vld [tilespmem:s0+$0xFFFFFFD0]  }
0xce: {  	v3 =	vld [tilespmem:s0+$0xFFFFFFE0]  }
0xcf: {  	v4 =	vld [tilespmem:s0+$0xFFFFFFF0]  }
0xd0: {  	v5 =	vld [tilespmem:s0+$0x0]  }
0xd1: {  	v6 =	vld [tilespmem:s0+$0x10];
	v7 =	vshrl.u32 v1, $0xE  }
0xd2: {  	v9 =	vld [tilespmem:s0+$0x20];
	v8 =	vshrl.u32 v2, $0xE  }
0xd3: {  	v12 =	vld [tilespmem:s0+$0xFFFFFFC0];
	v10 =	vshrl.u32 v3, $0xE  }
0xd4: {  	v11 =	vshrl.u32 v4, $0xE  }
0xd5: {  	v13 =	vshrl.u32 v5, $0xE  }
0xd6: {  	v14 =	vshrl.u32 v6, $0xE;
	v15 =	vld.idx.msk [tilespmem:v7+s2+$0x0], $0xffff  }
0xd7: {  	v17 =	vshrl.u32 v9, $0xE;
	v16 =	vld.idx.msk [tilespmem:v8+s2+$0x0], $0xffff  }
0xd8: {  	v21 =	vshrl.u32 v12, $0xE;
	v18 =	vld.idx.msk [tilespmem:v10+s2+$0x0], $0xffff  }
0xd9: {  	v1 =	vand.u32 $0x3FFF, v1;
	v19 =	vld.idx.msk [tilespmem:v11+s2+$0x0], $0xffff  }
0xda: {  	v2 =	vand.u32 $0x3FFF, v2;
	v20 =	vld.idx.msk [tilespmem:v13+s2+$0x0], $0xffff  }
0xdb: {  	v3 =	vand.u32 $0x3FFF, v3;
	v22 =	vld.idx.msk [tilespmem:v14+s2+$0x0], $0xffff  }
0xdc: {  	v4 =	vand.u32 $0x3FFF, v4;
	v23 =	vld.idx.msk [tilespmem:v17+s2+$0x0], $0xffff  }
0xdd: {  	v48 =	vld.idx.msk [tilespmem:v21+s2+$0x0], $0xffff;
	v24 =	vshll.u32 v15, $0x10  }
0xde: {  	v47 =	vshll.u32 v16, $0x10;
	[tilespmem:v1+s19+$0x0] =	vst.idx.add.f32.msk $0xffff, v24  }
0xdf: {  	v12 =	vand.u32 $0x3FFF, v12;
	v49 =	vshll.u32 v18, $0x10;
	[tilespmem:v2+s19+$0x0] =	vst.idx.add.f32.msk $0xffff, v47  }
0xe0: {  	v5 =	vand.u32 $0x3FFF, v5;
	v51 =	vshll.u32 v19, $0x10;
	[tilespmem:v3+s19+$0x0] =	vst.idx.add.f32.msk $0xffff, v49  }
0xe1: {  	v15 =	vand.u32 $0xFFFF0000, v15;
	[tilespmem:v4+s19+$0x0] =	vst.idx.add.f32.msk $0xffff, v51  }
0xe2: {  	[tilespmem:v1+s20+$0x0] =	vst.idx.add.f32.msk $0xffff, v15  }
0xe3: {  	v53 =	vshll.u32 v48, $0x10;
	v7 =	vld.idx.msk [tilespmem:v7+s14+$0x0], $0xffff  }
0xe4: {  	v54 =	vshll.u32 v20, $0x10;
	[tilespmem:v12+s19+$0x0] =	vst.idx.add.f32.msk $0xffff, v53  }
0xe5: {  	v16 =	vand.u32 $0xFFFF0000, v16;
	[tilespmem:v5+s19+$0x0] =	vst.idx.add.f32.msk $0xffff, v54  }
0xe6: {  	v50 =	vand.u32 $0xFFFF0000, v18;
	[tilespmem:v2+s20+$0x0] =	vst.idx.add.f32.msk $0xffff, v16  }
0xe7: {  	[tilespmem:v3+s20+$0x0] =	vst.idx.add.f32.msk $0xffff, v50  }
0xe8: {  	v8 =	vld.idx.msk [tilespmem:v8+s14+$0x0], $0xffff;
	v52 =	vshll.u32 v7, $0x10  }
0xe9: {  	v7 =	vand.u32 $0xFFFF0000, v7;
	[tilespmem:v1+s21+$0x0] =	vst.idx.add.f32.msk $0xffff, v52  }
0xea: {  	[tilespmem:v1+s22+$0x0] =	vst.idx.add.f32.msk $0xffff, v7;
	v7 =	vand.u32 $0x3FFF, v6  }
0xeb: {  	v57 =	vld.idx.msk [tilespmem:v10+s14+$0x0], $0xffff;
	v1 =	vand.u32 $0xFFFF0000, v48  }
0xec: {  	v6 =	vand.u32 $0xFFFF0000, v19;
	[tilespmem:v12+s20+$0x0] =	vst.idx.add.f32.msk $0xffff, v1;
	v1 =	vand.u32 $0x3FFF, v9  }
0xed: {  	[tilespmem:v4+s20+$0x0] =	vst.idx.add.f32.msk $0xffff, v6;
	v6 =	vand.u32 $0xFFFF0000, v20  }
0xee: {  	v55 =	vshll.u32 v22, $0x10;
	[tilespmem:v5+s20+$0x0] =	vst.idx.add.f32.msk $0xffff, v6  }
0xef: {  	v6 =	vand.u32 $0xFFFF0000, v22;
	[tilespmem:v7+s19+$0x0] =	vst.idx.add.f32.msk $0xffff, v55  }
0xf0: {  	v56 =	vshll.u32 v23, $0x10;
	[tilespmem:v7+s20+$0x0] =	vst.idx.add.f32.msk $0xffff, v6  }
0xf1: {  	v6 =	vand.u32 $0xFFFF0000, v23;
	[tilespmem:v1+s19+$0x0] =	vst.idx.add.f32.msk $0xffff, v56  }
0xf2: {  	[tilespmem:v1+s20+$0x0] =	vst.idx.add.f32.msk $0xffff, v6  }
0xf3: {  	v63 =	vshll.u32 v8, $0x10;
	v6 =	vld.idx.msk [tilespmem:v21+s14+$0x0], $0xffff  }
0xf4: {  	[tilespmem:v2+s21+$0x0] =	vst.idx.add.f32.msk $0xffff, v63  }
0xf5: {  	v58 =	vld.idx.msk [tilespmem:v11+s14+$0x0], $0xffff  }
0xf6: {  	v59 =	vld.idx.msk [tilespmem:v13+s14+$0x0], $0xffff  }
0xf7: {  	v60 =	vld.idx.msk [tilespmem:v14+s14+$0x0], $0xffff  }
0xf8: {  	v62 =	vld.idx.msk [tilespmem:v17+s14+$0x0], $0xffff;
	v61 =	vshll.u32 v6, $0x10  }
0xf9: {  	v6 =	vand.u32 $0xFFFF0000, v6;
	[tilespmem:v12+s21+$0x0] =	vst.idx.add.f32.msk $0xffff, v61  }
0xfa: {  	[tilespmem:v12+s22+$0x0] =	vst.idx.add.f32.msk $0xffff, v6;
	v6 =	vand.u32 $0xFFFF0000, v8  }
0xfb: {  	v8 =	vshll.u32 v57, $0x10;
	[tilespmem:v2+s22+$0x0] =	vst.idx.add.f32.msk $0xffff, v6  }
0xfc: {  	v2 =	vand.u32 $0xFFFF0000, v57;
	[tilespmem:v3+s21+$0x0] =	vst.idx.add.f32.msk $0xffff, v8  }
0xfd: {  	v6 =	vshll.u32 v58, $0x10;
	[tilespmem:v3+s22+$0x0] =	vst.idx.add.f32.msk $0xffff, v2  }
0xfe: {  	v2 =	vand.u32 $0xFFFF0000, v58;
	[tilespmem:v4+s21+$0x0] =	vst.idx.add.f32.msk $0xffff, v6  }
0xff: {  	v3 =	vshll.u32 v59, $0x10;
	[tilespmem:v4+s22+$0x0] =	vst.idx.add.f32.msk $0xffff, v2  }
0x100: {  	v2 =	vand.u32 $0xFFFF0000, v59;
	[tilespmem:v5+s21+$0x0] =	vst.idx.add.f32.msk $0xffff, v3  }
0x101: {  	v3 =	vshll.u32 v60, $0x10;
	[tilespmem:v5+s22+$0x0] =	vst.idx.add.f32.msk $0xffff, v2  }
0x102: {  	v2 =	vand.u32 $0xFFFF0000, v60;
	[tilespmem:v7+s21+$0x0] =	vst.idx.add.f32.msk $0xffff, v3  }
0x103: {  	s30 =	simm.s32 $0x0;
	s29 =	simm.s32 $0x12E80;
	s31 =	simm.s32 $0x11040;
	v6 =	vshll.u32 v62, $0x10;
	v5 =	vand.u32 $0xFFFF0000, v62;
	[tilespmem:v7+s22+$0x0] =	vst.idx.add.f32.msk $0xffff, v2  }
.LBB2_9:
0x104: {  	v7 =	vld [tilespmem:s31+$0x30]  }
0x105: {  	v2 =	vld [tilespmem:s31+$0xFFFFFFD0]  }
0x106: {  	s30 =	sadd.s32 $0x80, s30;
	v3 =	vld [tilespmem:s31+$0xFFFFFFE0]  }
0x107: {  	p0 =	slt.u32 s30, $0x1E80;
	v4 =	vld [tilespmem:s31+$0xFFFFFFF0]  }
0x108: {  	v8 =	vld [tilespmem:s31+$0x0]  }
0x109: {  	v9 =	vld [tilespmem:s31+$0x10];
	v10 =	vshrl.u32 v7, $0xE  }
0x10a: {  	v11 =	vshrl.u32 v2, $0xE;
	v12 =	vand.u32 $0x3FFF, v2;
	v13 =	vld [tilespmem:s31+$0x20]  }
0x10b: {  	v14 =	vld [tilespmem:s31+$0xFFFFFFC0];
	v15 =	vshrl.u32 v3, $0xE;
	v16 =	vand.u32 $0x3FFF, v3  }
0x10c: {  	v17 =	vshrl.u32 v4, $0xE;
	v2 =	vand.u32 $0x3FFF, v4;
	[tilespmem:v1+s21+$0x0] =	vst.idx.add.f32.msk $0xffff, v6  }
0x10d: {  	v6 =	vshrl.u32 v8, $0xE;
	v3 =	vand.u32 $0x3FFF, v8;
	[tilespmem:v1+s22+$0x0] =	vst.idx.add.f32.msk $0xffff, v5  }
0x10e: {  	v5 =	vshrl.u32 v9, $0xE;
	v4 =	vand.u32 $0x3FFF, v9;
	v8 =	vld.idx.msk [tilespmem:v10+s2+$0x0], $0xffff  }
0x10f: {  	v9 =	vld.idx.msk [tilespmem:v11+s2+$0x0], $0xffff;
	v18 =	vshrl.u32 v13, $0xE;
	v1 =	vand.u32 $0x3FFF, v13  }
0x110: {  	v7 =	vand.u32 $0x3FFF, v7;
	v13 =	vshrl.u32 v14, $0xE;
	v14 =	vand.u32 $0x3FFF, v14;
	v19 =	vld.idx.msk [tilespmem:v15+s2+$0x0], $0xffff  }
0x111: {  	v20 =	vld.idx.msk [tilespmem:v17+s2+$0x0], $0xffff  }
0x112: {  	v21 =	vld.idx.msk [tilespmem:v6+s2+$0x0], $0xffff  }
0x113: {  	v22 =	vld.idx.msk [tilespmem:v5+s2+$0x0], $0xffff  }
0x114: {  	v24 =	vshll.u32 v8, $0x10;
	v23 =	vld.idx.msk [tilespmem:v18+s2+$0x0], $0xffff  }
0x115: {  	v8 =	vand.u32 $0xFFFF0000, v8;
	v25 =	vshll.u32 v9, $0x10;
	v9 =	vand.u32 $0xFFFF0000, v9;
	[tilespmem:v7+s19+$0x0] =	vst.idx.add.f32.msk $0xffff, v24  }
0x116: {  	v24 =	vshll.u32 v19, $0x10;
	v19 =	vand.u32 $0xFFFF0000, v19;
	[tilespmem:v7+s20+$0x0] =	vst.idx.add.f32.msk $0xffff, v8  }
0x117: {  	v8 =	vshll.u32 v20, $0x10;
	v20 =	vand.u32 $0xFFFF0000, v20;
	v10 =	vld.idx.msk [tilespmem:v10+s14+$0x0], $0xffff  }
0x118: {  	v27 =	vshll.u32 v21, $0x10;
	v21 =	vand.u32 $0xFFFF0000, v21;
	v26 =	vld.idx.msk [tilespmem:v13+s2+$0x0], $0xffff  }
0x119: {  	[tilespmem:v12+s19+$0x0] =	vst.idx.add.f32.msk $0xffff, v25;
	v25 =	vshll.u32 v22, $0x10;
	v22 =	vand.u32 $0xFFFF0000, v22  }
0x11a: {  	[tilespmem:v12+s20+$0x0] =	vst.idx.add.f32.msk $0xffff, v9;
	v9 =	vshll.u32 v23, $0x10;
	v23 =	vand.u32 $0xFFFF0000, v23  }
0x11b: {  	[tilespmem:v16+s19+$0x0] =	vst.idx.add.f32.msk $0xffff, v24  }
0x11c: {  	[tilespmem:v16+s20+$0x0] =	vst.idx.add.f32.msk $0xffff, v19  }
0x11d: {  	[tilespmem:v2+s19+$0x0] =	vst.idx.add.f32.msk $0xffff, v8;
	v8 =	vshll.u32 v10, $0x10  }
0x11e: {  	v19 =	vshll.u32 v26, $0x10;
	v24 =	vand.u32 $0xFFFF0000, v26;
	v10 =	vand.u32 $0xFFFF0000, v10;
	[tilespmem:v7+s21+$0x0] =	vst.idx.add.f32.msk $0xffff, v8  }
0x11f: {  	s0 =	simm.s32 $0x1EF0;
	[tilespmem:v7+s22+$0x0] =	vst.idx.add.f32.msk $0xffff, v10  }
0x120: {  	[tilespmem:v14+s19+$0x0] =	vst.idx.add.f32.msk $0xffff, v19  }
0x121: {  	[tilespmem:v14+s20+$0x0] =	vst.idx.add.f32.msk $0xffff, v24  }
0x122: {  	[tilespmem:v2+s20+$0x0] =	vst.idx.add.f32.msk $0xffff, v20  }
0x123: {  	[tilespmem:v3+s19+$0x0] =	vst.idx.add.f32.msk $0xffff, v27  }
0x124: {  	[tilespmem:v3+s20+$0x0] =	vst.idx.add.f32.msk $0xffff, v21  }
0x125: {  	[tilespmem:v4+s19+$0x0] =	vst.idx.add.f32.msk $0xffff, v25  }
0x126: {  	[tilespmem:v4+s20+$0x0] =	vst.idx.add.f32.msk $0xffff, v22  }
0x127: {  	[tilespmem:v1+s19+$0x0] =	vst.idx.add.f32.msk $0xffff, v9  }
0x128: {  	[tilespmem:v1+s20+$0x0] =	vst.idx.add.f32.msk $0xffff, v23  }
0x129: {  	v7 =	vld.idx.msk [tilespmem:v13+s14+$0x0], $0xffff  }
0x12a: {  	v8 =	vld.idx.msk [tilespmem:v11+s14+$0x0], $0xffff  }
0x12b: {  	v9 =	vld.idx.msk [tilespmem:v15+s14+$0x0], $0xffff  }
0x12c: {  	v10 =	vld.idx.msk [tilespmem:v17+s14+$0x0], $0xffff  }
0x12d: {  	v6 =	vld.idx.msk [tilespmem:v6+s14+$0x0], $0xffff  }
0x12e: {  	v5 =	vld.idx.msk [tilespmem:v5+s14+$0x0], $0xffff  }
0x12f: {  	v11 =	vshll.u32 v7, $0x10;
	v7 =	vand.u32 $0xFFFF0000, v7;
	v13 =	vld.idx.msk [tilespmem:v18+s14+$0x0], $0xffff  }
0x130: {  	[tilespmem:v14+s21+$0x0] =	vst.idx.add.f32.msk $0xffff, v11;
	v11 =	vshll.u32 v8, $0x10;
	v8 =	vand.u32 $0xFFFF0000, v8  }
0x131: {  	[tilespmem:v14+s22+$0x0] =	vst.idx.add.f32.msk $0xffff, v7;
	v7 =	vshll.u32 v9, $0x10;
	v9 =	vand.u32 $0xFFFF0000, v9  }
0x132: {  	[tilespmem:v12+s21+$0x0] =	vst.idx.add.f32.msk $0xffff, v11;
	v11 =	vshll.u32 v10, $0x10;
	v10 =	vand.u32 $0xFFFF0000, v10  }
0x133: {  	[tilespmem:v12+s22+$0x0] =	vst.idx.add.f32.msk $0xffff, v8;
	v8 =	vshll.u32 v6, $0x10;
	v12 =	vand.u32 $0xFFFF0000, v6  }
0x134: {  	v14 =	vand.u32 $0xFFFF0000, v5;
	[tilespmem:v16+s21+$0x0] =	vst.idx.add.f32.msk $0xffff, v7;
	v7 =	vshll.u32 v5, $0x10  }
0x135: {  	v6 =	vshll.u32 v13, $0x10;
	v5 =	vand.u32 $0xFFFF0000, v13;
	[tilespmem:v16+s22+$0x0] =	vst.idx.add.f32.msk $0xffff, v9  }
0x136: {  	[tilespmem:v2+s21+$0x0] =	vst.idx.add.f32.msk $0xffff, v11  }
.Ltmp3:
0x137: {  	[tilespmem:v2+s22+$0x0] =	vst.idx.add.f32.msk $0xffff, v10;
	(pc) =	sbr.rel @p0 .LBB2_9-.Ltmp3, $4  }
0x138: {  	[tilespmem:v3+s21+$0x0] =	vst.idx.add.f32.msk $0xffff, v8  }
0x139: {  	[tilespmem:v3+s22+$0x0] =	vst.idx.add.f32.msk $0xffff, v12  }
0x13a: {  	[tilespmem:v4+s21+$0x0] =	vst.idx.add.f32.msk $0xffff, v7  }
0x13b: {  	s31 =	sadd.s32 $0x80, s31;
	[tilespmem:v4+s22+$0x0] =	vst.idx.add.f32.msk $0xffff, v14  }
0x13c: {  	_ =	sdelay $0x3  }
0x13d: {  	[tilespmem:v1+s21+$0x0] =	vst.idx.add.f32.msk $0xffff, v6  }
0x13e: {  	[tilespmem:v1+s22+$0x0] =	vst.idx.add.f32.msk $0xffff, v5  }
.LBB2_11:
0x13f: {  	v1 =	vld [tilespmem:s29+$0x0];
	_ =	sdelay $0x4  }
0x140: {  	v2 =	vshrl.u32 v1, $0xE;
	_ =	sdelay $0x4  }
0x141: {  	v3 =	vld.idx.msk [tilespmem:v2+s2+$0x0], $0xffff  }
0x142: {  	v1 =	vand.u32 $0x3FFF, v1;
	_ =	sdelay $0x3  }
0x143: {  	v4 =	vshll.u32 v3, $0x10  }
0x144: {  	v3 =	vand.u32 $0xFFFF0000, v3;
	[tilespmem:v1+s19+$0x0] =	vst.idx.add.f32.msk $0xffff, v4  }
0x145: {  	[tilespmem:v1+s20+$0x0] =	vst.idx.add.f32.msk $0xffff, v3  }
0x146: {  	v2 =	vld.idx.msk [tilespmem:v2+s14+$0x0], $0xffff  }
0x147: {  	s0 =	sadd.s32 $0x10, s0  }
0x148: {  	p0 =	slt.u32 s0, $0x1F30  }
.Ltmp4:
0x149: {  	_ = 	snop;
	(pc) =	sbr.rel @p0 .LBB2_11-.Ltmp4, $4  }
0x14a: {  	_ = 	snop  }
0x14b: {  	v3 =	vshll.u32 v2, $0x10  }
0x14c: {  	v2 =	vand.u32 $0xFFFF0000, v2;
	[tilespmem:v1+s21+$0x0] =	vst.idx.add.f32.msk $0xffff, v3  }
0x14d: {  	s29 =	sadd.s32 $0x10, s29;
	[tilespmem:v1+s22+$0x0] =	vst.idx.add.f32.msk $0xffff, v2  }
0x14e: {  	s26 =	sadd.s32 $0x1, s26  }
0x14f: {  	p0 =	sne.s32 s26, $0x13  }
.Ltmp5:
0x150: {  	_ = 	snop;
	(pc) =	sbr.rel @p0 .LBB2_4-.Ltmp5, $3  }
0x151: {  	_ =	sdelay $0x1  }
0x152: {  	s0 =	sadd.s32 $0xBB8, s28  }
0x153: {  	[tilespmem:s16], [sflag:$0x3] =	stream.linear.gather [hbm4b:s0+s2], $0x1F40, $0x38;
	[tilespmem:$0x12F00] =	vst v63  }
0x154: {  	_ =	swait.ge [sflag:s18], $0x1F40  }
0x155: {  	[sflag:s18] =	ssyncset.done $0x0  }
0x156: {  	s0 =	simm.s32 $0xF040;
	[sflag:s18] =	ssyncadd.s32 $0xFFFFE0C0  }
0x157: {  	v1 =	vld [tilespmem:s0+$0x30]  }
0x158: {  	v2 =	vld [tilespmem:s0+$0xFFFFFFD0]  }
0x159: {  	v3 =	vld [tilespmem:s0+$0xFFFFFFE0]  }
0x15a: {  	v4 =	vld [tilespmem:s0+$0xFFFFFFF0]  }
0x15b: {  	v5 =	vld [tilespmem:s0+$0x0]  }
0x15c: {  	v6 =	vld [tilespmem:s0+$0x10];
	v7 =	vshrl.u32 v1, $0xE  }
0x15d: {  	v9 =	vld [tilespmem:s0+$0x20];
	v8 =	vshrl.u32 v2, $0xE  }
0x15e: {  	v12 =	vld [tilespmem:s0+$0xFFFFFFC0];
	v10 =	vshrl.u32 v3, $0xE  }
0x15f: {  	v11 =	vshrl.u32 v4, $0xE  }
0x160: {  	v13 =	vshrl.u32 v5, $0xE  }
0x161: {  	v14 =	vshrl.u32 v6, $0xE;
	v15 =	vld.idx.msk [tilespmem:v7+s2+$0x0], $0xffff  }
0x162: {  	v17 =	vshrl.u32 v9, $0xE;
	v16 =	vld.idx.msk [tilespmem:v8+s2+$0x0], $0xffff  }
0x163: {  	v21 =	vshrl.u32 v12, $0xE;
	v18 =	vld.idx.msk [tilespmem:v10+s2+$0x0], $0xffff  }
0x164: {  	v1 =	vand.u32 $0x3FFF, v1;
	v19 =	vld.idx.msk [tilespmem:v11+s2+$0x0], $0xffff  }
0x165: {  	v2 =	vand.u32 $0x3FFF, v2;
	v20 =	vld.idx.msk [tilespmem:v13+s2+$0x0], $0xffff  }
0x166: {  	v3 =	vand.u32 $0x3FFF, v3;
	v22 =	vld.idx.msk [tilespmem:v14+s2+$0x0], $0xffff  }
0x167: {  	v4 =	vand.u32 $0x3FFF, v4;
	v23 =	vld.idx.msk [tilespmem:v17+s2+$0x0], $0xffff  }
0x168: {  	v48 =	vld.idx.msk [tilespmem:v21+s2+$0x0], $0xffff;
	v24 =	vshll.u32 v15, $0x10  }
0x169: {  	v47 =	vshll.u32 v16, $0x10;
	[tilespmem:v1+s19+$0x0] =	vst.idx.add.f32.msk $0xffff, v24  }
0x16a: {  	v12 =	vand.u32 $0x3FFF, v12;
	v49 =	vshll.u32 v18, $0x10;
	[tilespmem:v2+s19+$0x0] =	vst.idx.add.f32.msk $0xffff, v47  }
0x16b: {  	v5 =	vand.u32 $0x3FFF, v5;
	v51 =	vshll.u32 v19, $0x10;
	[tilespmem:v3+s19+$0x0] =	vst.idx.add.f32.msk $0xffff, v49  }
0x16c: {  	v15 =	vand.u32 $0xFFFF0000, v15;
	[tilespmem:v4+s19+$0x0] =	vst.idx.add.f32.msk $0xffff, v51  }
0x16d: {  	[tilespmem:v1+s20+$0x0] =	vst.idx.add.f32.msk $0xffff, v15  }
0x16e: {  	v53 =	vshll.u32 v48, $0x10;
	v7 =	vld.idx.msk [tilespmem:v7+s14+$0x0], $0xffff  }
0x16f: {  	v54 =	vshll.u32 v20, $0x10;
	[tilespmem:v12+s19+$0x0] =	vst.idx.add.f32.msk $0xffff, v53  }
0x170: {  	v16 =	vand.u32 $0xFFFF0000, v16;
	[tilespmem:v5+s19+$0x0] =	vst.idx.add.f32.msk $0xffff, v54  }
0x171: {  	v50 =	vand.u32 $0xFFFF0000, v18;
	[tilespmem:v2+s20+$0x0] =	vst.idx.add.f32.msk $0xffff, v16  }
0x172: {  	[tilespmem:v3+s20+$0x0] =	vst.idx.add.f32.msk $0xffff, v50  }
0x173: {  	v8 =	vld.idx.msk [tilespmem:v8+s14+$0x0], $0xffff;
	v52 =	vshll.u32 v7, $0x10  }
0x174: {  	v7 =	vand.u32 $0xFFFF0000, v7;
	[tilespmem:v1+s21+$0x0] =	vst.idx.add.f32.msk $0xffff, v52  }
0x175: {  	[tilespmem:v1+s22+$0x0] =	vst.idx.add.f32.msk $0xffff, v7;
	v7 =	vand.u32 $0x3FFF, v6  }
0x176: {  	v57 =	vld.idx.msk [tilespmem:v10+s14+$0x0], $0xffff;
	v1 =	vand.u32 $0xFFFF0000, v48  }
0x177: {  	v6 =	vand.u32 $0xFFFF0000, v19;
	[tilespmem:v12+s20+$0x0] =	vst.idx.add.f32.msk $0xffff, v1;
	v1 =	vand.u32 $0x3FFF, v9  }
0x178: {  	[tilespmem:v4+s20+$0x0] =	vst.idx.add.f32.msk $0xffff, v6;
	v6 =	vand.u32 $0xFFFF0000, v20  }
0x179: {  	v55 =	vshll.u32 v22, $0x10;
	[tilespmem:v5+s20+$0x0] =	vst.idx.add.f32.msk $0xffff, v6  }
0x17a: {  	v6 =	vand.u32 $0xFFFF0000, v22;
	[tilespmem:v7+s19+$0x0] =	vst.idx.add.f32.msk $0xffff, v55  }
0x17b: {  	v56 =	vshll.u32 v23, $0x10;
	[tilespmem:v7+s20+$0x0] =	vst.idx.add.f32.msk $0xffff, v6  }
0x17c: {  	v6 =	vand.u32 $0xFFFF0000, v23;
	[tilespmem:v1+s19+$0x0] =	vst.idx.add.f32.msk $0xffff, v56  }
0x17d: {  	[tilespmem:v1+s20+$0x0] =	vst.idx.add.f32.msk $0xffff, v6  }
0x17e: {  	v63 =	vshll.u32 v8, $0x10;
	v6 =	vld.idx.msk [tilespmem:v21+s14+$0x0], $0xffff  }
0x17f: {  	[tilespmem:v2+s21+$0x0] =	vst.idx.add.f32.msk $0xffff, v63  }
0x180: {  	v58 =	vld.idx.msk [tilespmem:v11+s14+$0x0], $0xffff  }
0x181: {  	v59 =	vld.idx.msk [tilespmem:v13+s14+$0x0], $0xffff  }
0x182: {  	v60 =	vld.idx.msk [tilespmem:v14+s14+$0x0], $0xffff  }
0x183: {  	v62 =	vld.idx.msk [tilespmem:v17+s14+$0x0], $0xffff;
	v61 =	vshll.u32 v6, $0x10  }
0x184: {  	v6 =	vand.u32 $0xFFFF0000, v6;
	[tilespmem:v12+s21+$0x0] =	vst.idx.add.f32.msk $0xffff, v61  }
0x185: {  	[tilespmem:v12+s22+$0x0] =	vst.idx.add.f32.msk $0xffff, v6;
	v6 =	vand.u32 $0xFFFF0000, v8  }
0x186: {  	v8 =	vshll.u32 v57, $0x10;
	[tilespmem:v2+s22+$0x0] =	vst.idx.add.f32.msk $0xffff, v6  }
0x187: {  	v2 =	vand.u32 $0xFFFF0000, v57;
	[tilespmem:v3+s21+$0x0] =	vst.idx.add.f32.msk $0xffff, v8  }
0x188: {  	v6 =	vshll.u32 v58, $0x10;
	[tilespmem:v3+s22+$0x0] =	vst.idx.add.f32.msk $0xffff, v2  }
0x189: {  	v2 =	vand.u32 $0xFFFF0000, v58;
	[tilespmem:v4+s21+$0x0] =	vst.idx.add.f32.msk $0xffff, v6  }
0x18a: {  	v3 =	vshll.u32 v59, $0x10;
	[tilespmem:v4+s22+$0x0] =	vst.idx.add.f32.msk $0xffff, v2  }
0x18b: {  	v2 =	vand.u32 $0xFFFF0000, v59;
	[tilespmem:v5+s21+$0x0] =	vst.idx.add.f32.msk $0xffff, v3  }
0x18c: {  	v3 =	vshll.u32 v60, $0x10;
	[tilespmem:v5+s22+$0x0] =	vst.idx.add.f32.msk $0xffff, v2  }
0x18d: {  	v2 =	vand.u32 $0xFFFF0000, v60;
	[tilespmem:v7+s21+$0x0] =	vst.idx.add.f32.msk $0xffff, v3  }
0x18e: {  	s26 =	simm.s32 $0x0;
	s28 =	simm.s32 $0xF0C0;
	v6 =	vshll.u32 v62, $0x10;
	v5 =	vand.u32 $0xFFFF0000, v62;
	[tilespmem:v7+s22+$0x0] =	vst.idx.add.f32.msk $0xffff, v2  }
.LBB2_14:
0x18f: {  	v7 =	vld [tilespmem:s28+$0x30]  }
0x190: {  	v2 =	vld [tilespmem:s28+$0xFFFFFFD0]  }
0x191: {  	s26 =	sadd.s32 $0x80, s26;
	v3 =	vld [tilespmem:s28+$0xFFFFFFE0]  }
0x192: {  	p0 =	slt.u32 s26, $0x1E80;
	v4 =	vld [tilespmem:s28+$0xFFFFFFF0]  }
0x193: {  	v8 =	vld [tilespmem:s28+$0x0]  }
0x194: {  	v9 =	vld [tilespmem:s28+$0x10];
	v10 =	vshrl.u32 v7, $0xE  }
0x195: {  	v11 =	vshrl.u32 v2, $0xE;
	v12 =	vand.u32 $0x3FFF, v2;
	v13 =	vld [tilespmem:s28+$0x20]  }
0x196: {  	v14 =	vld [tilespmem:s28+$0xFFFFFFC0];
	v15 =	vshrl.u32 v3, $0xE;
	v16 =	vand.u32 $0x3FFF, v3  }
0x197: {  	v17 =	vshrl.u32 v4, $0xE;
	v2 =	vand.u32 $0x3FFF, v4;
	[tilespmem:v1+s21+$0x0] =	vst.idx.add.f32.msk $0xffff, v6  }
0x198: {  	v6 =	vshrl.u32 v8, $0xE;
	v3 =	vand.u32 $0x3FFF, v8;
	[tilespmem:v1+s22+$0x0] =	vst.idx.add.f32.msk $0xffff, v5  }
0x199: {  	v5 =	vshrl.u32 v9, $0xE;
	v4 =	vand.u32 $0x3FFF, v9;
	v8 =	vld.idx.msk [tilespmem:v10+s2+$0x0], $0xffff  }
0x19a: {  	v9 =	vld.idx.msk [tilespmem:v11+s2+$0x0], $0xffff;
	v18 =	vshrl.u32 v13, $0xE;
	v1 =	vand.u32 $0x3FFF, v13  }
0x19b: {  	v7 =	vand.u32 $0x3FFF, v7;
	v13 =	vshrl.u32 v14, $0xE;
	v14 =	vand.u32 $0x3FFF, v14;
	v19 =	vld.idx.msk [tilespmem:v15+s2+$0x0], $0xffff  }
0x19c: {  	v20 =	vld.idx.msk [tilespmem:v17+s2+$0x0], $0xffff  }
0x19d: {  	v21 =	vld.idx.msk [tilespmem:v6+s2+$0x0], $0xffff  }
0x19e: {  	v22 =	vld.idx.msk [tilespmem:v5+s2+$0x0], $0xffff  }
0x19f: {  	v24 =	vshll.u32 v8, $0x10;
	v23 =	vld.idx.msk [tilespmem:v18+s2+$0x0], $0xffff  }
0x1a0: {  	v8 =	vand.u32 $0xFFFF0000, v8;
	v25 =	vshll.u32 v9, $0x10;
	v9 =	vand.u32 $0xFFFF0000, v9;
	[tilespmem:v7+s19+$0x0] =	vst.idx.add.f32.msk $0xffff, v24  }
0x1a1: {  	v24 =	vshll.u32 v19, $0x10;
	v19 =	vand.u32 $0xFFFF0000, v19;
	[tilespmem:v7+s20+$0x0] =	vst.idx.add.f32.msk $0xffff, v8  }
0x1a2: {  	v8 =	vshll.u32 v20, $0x10;
	v20 =	vand.u32 $0xFFFF0000, v20;
	v10 =	vld.idx.msk [tilespmem:v10+s14+$0x0], $0xffff  }
0x1a3: {  	v27 =	vshll.u32 v21, $0x10;
	v21 =	vand.u32 $0xFFFF0000, v21;
	v26 =	vld.idx.msk [tilespmem:v13+s2+$0x0], $0xffff  }
0x1a4: {  	[tilespmem:v12+s19+$0x0] =	vst.idx.add.f32.msk $0xffff, v25;
	v25 =	vshll.u32 v22, $0x10;
	v22 =	vand.u32 $0xFFFF0000, v22  }
0x1a5: {  	[tilespmem:v12+s20+$0x0] =	vst.idx.add.f32.msk $0xffff, v9;
	v9 =	vshll.u32 v23, $0x10;
	v23 =	vand.u32 $0xFFFF0000, v23  }
0x1a6: {  	[tilespmem:v16+s19+$0x0] =	vst.idx.add.f32.msk $0xffff, v24  }
0x1a7: {  	[tilespmem:v16+s20+$0x0] =	vst.idx.add.f32.msk $0xffff, v19  }
0x1a8: {  	[tilespmem:v2+s19+$0x0] =	vst.idx.add.f32.msk $0xffff, v8;
	v8 =	vshll.u32 v10, $0x10  }
0x1a9: {  	v19 =	vshll.u32 v26, $0x10;
	v24 =	vand.u32 $0xFFFF0000, v26;
	v10 =	vand.u32 $0xFFFF0000, v10;
	[tilespmem:v7+s21+$0x0] =	vst.idx.add.f32.msk $0xffff, v8  }
0x1aa: {  	s29 =	simm.s32 $0x1EF0;
	s0 =	simm.s32 $0x10F00;
	[tilespmem:v7+s22+$0x0] =	vst.idx.add.f32.msk $0xffff, v10  }
0x1ab: {  	[tilespmem:v14+s19+$0x0] =	vst.idx.add.f32.msk $0xffff, v19  }
0x1ac: {  	[tilespmem:v14+s20+$0x0] =	vst.idx.add.f32.msk $0xffff, v24  }
0x1ad: {  	[tilespmem:v2+s20+$0x0] =	vst.idx.add.f32.msk $0xffff, v20  }
0x1ae: {  	[tilespmem:v3+s19+$0x0] =	vst.idx.add.f32.msk $0xffff, v27  }
0x1af: {  	[tilespmem:v3+s20+$0x0] =	vst.idx.add.f32.msk $0xffff, v21  }
0x1b0: {  	[tilespmem:v4+s19+$0x0] =	vst.idx.add.f32.msk $0xffff, v25  }
0x1b1: {  	[tilespmem:v4+s20+$0x0] =	vst.idx.add.f32.msk $0xffff, v22  }
0x1b2: {  	[tilespmem:v1+s19+$0x0] =	vst.idx.add.f32.msk $0xffff, v9  }
0x1b3: {  	[tilespmem:v1+s20+$0x0] =	vst.idx.add.f32.msk $0xffff, v23  }
0x1b4: {  	v7 =	vld.idx.msk [tilespmem:v13+s14+$0x0], $0xffff  }
0x1b5: {  	v8 =	vld.idx.msk [tilespmem:v11+s14+$0x0], $0xffff  }
0x1b6: {  	v9 =	vld.idx.msk [tilespmem:v15+s14+$0x0], $0xffff  }
0x1b7: {  	v10 =	vld.idx.msk [tilespmem:v17+s14+$0x0], $0xffff  }
0x1b8: {  	v6 =	vld.idx.msk [tilespmem:v6+s14+$0x0], $0xffff  }
0x1b9: {  	v5 =	vld.idx.msk [tilespmem:v5+s14+$0x0], $0xffff  }
0x1ba: {  	v11 =	vshll.u32 v7, $0x10;
	v7 =	vand.u32 $0xFFFF0000, v7;
	v13 =	vld.idx.msk [tilespmem:v18+s14+$0x0], $0xffff  }
0x1bb: {  	[tilespmem:v14+s21+$0x0] =	vst.idx.add.f32.msk $0xffff, v11;
	v11 =	vshll.u32 v8, $0x10;
	v8 =	vand.u32 $0xFFFF0000, v8  }
0x1bc: {  	[tilespmem:v14+s22+$0x0] =	vst.idx.add.f32.msk $0xffff, v7;
	v7 =	vshll.u32 v9, $0x10;
	v9 =	vand.u32 $0xFFFF0000, v9  }
0x1bd: {  	[tilespmem:v12+s21+$0x0] =	vst.idx.add.f32.msk $0xffff, v11;
	v11 =	vshll.u32 v10, $0x10;
	v10 =	vand.u32 $0xFFFF0000, v10  }
0x1be: {  	[tilespmem:v12+s22+$0x0] =	vst.idx.add.f32.msk $0xffff, v8;
	v8 =	vshll.u32 v6, $0x10;
	v12 =	vand.u32 $0xFFFF0000, v6  }
0x1bf: {  	v14 =	vand.u32 $0xFFFF0000, v5;
	[tilespmem:v16+s21+$0x0] =	vst.idx.add.f32.msk $0xffff, v7;
	v7 =	vshll.u32 v5, $0x10  }
0x1c0: {  	v6 =	vshll.u32 v13, $0x10;
	v5 =	vand.u32 $0xFFFF0000, v13;
	[tilespmem:v16+s22+$0x0] =	vst.idx.add.f32.msk $0xffff, v9  }
0x1c1: {  	[tilespmem:v2+s21+$0x0] =	vst.idx.add.f32.msk $0xffff, v11  }
.Ltmp6:
0x1c2: {  	[tilespmem:v2+s22+$0x0] =	vst.idx.add.f32.msk $0xffff, v10;
	(pc) =	sbr.rel @p0 .LBB2_14-.Ltmp6, $4  }
0x1c3: {  	[tilespmem:v3+s21+$0x0] =	vst.idx.add.f32.msk $0xffff, v8  }
0x1c4: {  	[tilespmem:v3+s22+$0x0] =	vst.idx.add.f32.msk $0xffff, v12  }
0x1c5: {  	[tilespmem:v4+s21+$0x0] =	vst.idx.add.f32.msk $0xffff, v7  }
0x1c6: {  	s28 =	sadd.s32 $0x80, s28;
	[tilespmem:v4+s22+$0x0] =	vst.idx.add.f32.msk $0xffff, v14  }
0x1c7: {  	_ =	sdelay $0x3  }
0x1c8: {  	[tilespmem:v1+s21+$0x0] =	vst.idx.add.f32.msk $0xffff, v6  }
0x1c9: {  	[tilespmem:v1+s22+$0x0] =	vst.idx.add.f32.msk $0xffff, v5  }
.LBB2_16:
0x1ca: {  	v1 =	vld [tilespmem:s0+$0x0];
	_ =	sdelay $0x4  }
0x1cb: {  	v2 =	vshrl.u32 v1, $0xE;
	_ =	sdelay $0x4  }
0x1cc: {  	v3 =	vld.idx.msk [tilespmem:v2+s2+$0x0], $0xffff  }
0x1cd: {  	v1 =	vand.u32 $0x3FFF, v1;
	_ =	sdelay $0x3  }
0x1ce: {  	v4 =	vshll.u32 v3, $0x10  }
0x1cf: {  	v3 =	vand.u32 $0xFFFF0000, v3;
	[tilespmem:v1+s19+$0x0] =	vst.idx.add.f32.msk $0xffff, v4  }
0x1d0: {  	[tilespmem:v1+s20+$0x0] =	vst.idx.add.f32.msk $0xffff, v3  }
0x1d1: {  	v2 =	vld.idx.msk [tilespmem:v2+s14+$0x0], $0xffff  }
0x1d2: {  	s29 =	sadd.s32 $0x10, s29  }
0x1d3: {  	p0 =	slt.u32 s29, $0x1F30  }
.Ltmp7:
0x1d4: {  	_ = 	snop;
	(pc) =	sbr.rel @p0 .LBB2_16-.Ltmp7, $4  }
0x1d5: {  	_ = 	snop  }
0x1d6: {  	v3 =	vshll.u32 v2, $0x10  }
0x1d7: {  	v2 =	vand.u32 $0xFFFF0000, v2;
	[tilespmem:v1+s21+$0x0] =	vst.idx.add.f32.msk $0xffff, v3  }
0x1d8: {  	s0 =	sadd.s32 $0x10, s0;
	[tilespmem:v1+s22+$0x0] =	vst.idx.add.f32.msk $0xffff, v2  }
0x1d9: {  	_ =	swait.ge [sflag:s23], $0x1F40  }
0x1da: {  	[sflag:s23] =	ssyncset.done $0x0  }
0x1db: {  	s0 =	simm.s32 $0x10FC0;
	[sflag:s23] =	ssyncadd.s32 $0xFFFFE0C0  }
0x1dc: {  	v1 =	vld [tilespmem:s0+$0x30]  }
0x1dd: {  	v2 =	vld [tilespmem:s0+$0xFFFFFFD0]  }
0x1de: {  	v3 =	vld [tilespmem:s0+$0xFFFFFFE0]  }
0x1df: {  	v4 =	vld [tilespmem:s0+$0xFFFFFFF0]  }
0x1e0: {  	v5 =	vld [tilespmem:s0+$0x0]  }
0x1e1: {  	v6 =	vld [tilespmem:s0+$0x10];
	v7 =	vshrl.u32 v1, $0xE  }
0x1e2: {  	v9 =	vld [tilespmem:s0+$0x20];
	v8 =	vshrl.u32 v2, $0xE  }
0x1e3: {  	v12 =	vld [tilespmem:s0+$0xFFFFFFC0];
	v10 =	vshrl.u32 v3, $0xE  }
0x1e4: {  	v11 =	vshrl.u32 v4, $0xE  }
0x1e5: {  	v13 =	vshrl.u32 v5, $0xE  }
0x1e6: {  	v14 =	vshrl.u32 v6, $0xE;
	v15 =	vld.idx.msk [tilespmem:v7+s2+$0x0], $0xffff  }
0x1e7: {  	v17 =	vshrl.u32 v9, $0xE;
	v16 =	vld.idx.msk [tilespmem:v8+s2+$0x0], $0xffff  }
0x1e8: {  	v21 =	vshrl.u32 v12, $0xE;
	v18 =	vld.idx.msk [tilespmem:v10+s2+$0x0], $0xffff  }
0x1e9: {  	v1 =	vand.u32 $0x3FFF, v1;
	v19 =	vld.idx.msk [tilespmem:v11+s2+$0x0], $0xffff  }
0x1ea: {  	v2 =	vand.u32 $0x3FFF, v2;
	v20 =	vld.idx.msk [tilespmem:v13+s2+$0x0], $0xffff  }
0x1eb: {  	v3 =	vand.u32 $0x3FFF, v3;
	v22 =	vld.idx.msk [tilespmem:v14+s2+$0x0], $0xffff  }
0x1ec: {  	v4 =	vand.u32 $0x3FFF, v4;
	v23 =	vld.idx.msk [tilespmem:v17+s2+$0x0], $0xffff  }
0x1ed: {  	v48 =	vld.idx.msk [tilespmem:v21+s2+$0x0], $0xffff;
	v24 =	vshll.u32 v15, $0x10  }
0x1ee: {  	v47 =	vshll.u32 v16, $0x10;
	[tilespmem:v1+s19+$0x0] =	vst.idx.add.f32.msk $0xffff, v24  }
0x1ef: {  	v12 =	vand.u32 $0x3FFF, v12;
	v49 =	vshll.u32 v18, $0x10;
	[tilespmem:v2+s19+$0x0] =	vst.idx.add.f32.msk $0xffff, v47  }
0x1f0: {  	v5 =	vand.u32 $0x3FFF, v5;
	v51 =	vshll.u32 v19, $0x10;
	[tilespmem:v3+s19+$0x0] =	vst.idx.add.f32.msk $0xffff, v49  }
0x1f1: {  	v15 =	vand.u32 $0xFFFF0000, v15;
	[tilespmem:v4+s19+$0x0] =	vst.idx.add.f32.msk $0xffff, v51  }
0x1f2: {  	[tilespmem:v1+s20+$0x0] =	vst.idx.add.f32.msk $0xffff, v15  }
0x1f3: {  	v53 =	vshll.u32 v48, $0x10;
	v7 =	vld.idx.msk [tilespmem:v7+s14+$0x0], $0xffff  }
0x1f4: {  	v54 =	vshll.u32 v20, $0x10;
	[tilespmem:v12+s19+$0x0] =	vst.idx.add.f32.msk $0xffff, v53  }
0x1f5: {  	v16 =	vand.u32 $0xFFFF0000, v16;
	[tilespmem:v5+s19+$0x0] =	vst.idx.add.f32.msk $0xffff, v54  }
0x1f6: {  	v50 =	vand.u32 $0xFFFF0000, v18;
	[tilespmem:v2+s20+$0x0] =	vst.idx.add.f32.msk $0xffff, v16  }
0x1f7: {  	[tilespmem:v3+s20+$0x0] =	vst.idx.add.f32.msk $0xffff, v50  }
0x1f8: {  	v8 =	vld.idx.msk [tilespmem:v8+s14+$0x0], $0xffff;
	v52 =	vshll.u32 v7, $0x10  }
0x1f9: {  	v7 =	vand.u32 $0xFFFF0000, v7;
	[tilespmem:v1+s21+$0x0] =	vst.idx.add.f32.msk $0xffff, v52  }
0x1fa: {  	[tilespmem:v1+s22+$0x0] =	vst.idx.add.f32.msk $0xffff, v7;
	v7 =	vand.u32 $0x3FFF, v6  }
0x1fb: {  	v57 =	vld.idx.msk [tilespmem:v10+s14+$0x0], $0xffff;
	v1 =	vand.u32 $0xFFFF0000, v48  }
0x1fc: {  	v6 =	vand.u32 $0xFFFF0000, v19;
	[tilespmem:v12+s20+$0x0] =	vst.idx.add.f32.msk $0xffff, v1;
	v1 =	vand.u32 $0x3FFF, v9  }
0x1fd: {  	[tilespmem:v4+s20+$0x0] =	vst.idx.add.f32.msk $0xffff, v6;
	v6 =	vand.u32 $0xFFFF0000, v20  }
0x1fe: {  	v55 =	vshll.u32 v22, $0x10;
	[tilespmem:v5+s20+$0x0] =	vst.idx.add.f32.msk $0xffff, v6  }
0x1ff: {  	v6 =	vand.u32 $0xFFFF0000, v22;
	[tilespmem:v7+s19+$0x0] =	vst.idx.add.f32.msk $0xffff, v55  }
0x200: {  	v56 =	vshll.u32 v23, $0x10;
	[tilespmem:v7+s20+$0x0] =	vst.idx.add.f32.msk $0xffff, v6  }
0x201: {  	v6 =	vand.u32 $0xFFFF0000, v23;
	[tilespmem:v1+s19+$0x0] =	vst.idx.add.f32.msk $0xffff, v56  }
0x202: {  	[tilespmem:v1+s20+$0x0] =	vst.idx.add.f32.msk $0xffff, v6  }
0x203: {  	v63 =	vshll.u32 v8, $0x10;
	v6 =	vld.idx.msk [tilespmem:v21+s14+$0x0], $0xffff  }
0x204: {  	[tilespmem:v2+s21+$0x0] =	vst.idx.add.f32.msk $0xffff, v63  }
0x205: {  	v58 =	vld.idx.msk [tilespmem:v11+s14+$0x0], $0xffff  }
0x206: {  	v59 =	vld.idx.msk [tilespmem:v13+s14+$0x0], $0xffff  }
0x207: {  	v60 =	vld.idx.msk [tilespmem:v14+s14+$0x0], $0xffff  }
0x208: {  	v62 =	vld.idx.msk [tilespmem:v17+s14+$0x0], $0xffff;
	v61 =	vshll.u32 v6, $0x10  }
0x209: {  	v6 =	vand.u32 $0xFFFF0000, v6;
	[tilespmem:v12+s21+$0x0] =	vst.idx.add.f32.msk $0xffff, v61  }
0x20a: {  	[tilespmem:v12+s22+$0x0] =	vst.idx.add.f32.msk $0xffff, v6;
	v6 =	vand.u32 $0xFFFF0000, v8  }
0x20b: {  	v8 =	vshll.u32 v57, $0x10;
	[tilespmem:v2+s22+$0x0] =	vst.idx.add.f32.msk $0xffff, v6  }
0x20c: {  	v2 =	vand.u32 $0xFFFF0000, v57;
	[tilespmem:v3+s21+$0x0] =	vst.idx.add.f32.msk $0xffff, v8  }
0x20d: {  	v6 =	vshll.u32 v58, $0x10;
	[tilespmem:v3+s22+$0x0] =	vst.idx.add.f32.msk $0xffff, v2  }
0x20e: {  	v2 =	vand.u32 $0xFFFF0000, v58;
	[tilespmem:v4+s21+$0x0] =	vst.idx.add.f32.msk $0xffff, v6  }
0x20f: {  	v3 =	vshll.u32 v59, $0x10;
	[tilespmem:v4+s22+$0x0] =	vst.idx.add.f32.msk $0xffff, v2  }
0x210: {  	v2 =	vand.u32 $0xFFFF0000, v59;
	[tilespmem:v5+s21+$0x0] =	vst.idx.add.f32.msk $0xffff, v3  }
0x211: {  	v3 =	vshll.u32 v60, $0x10;
	[tilespmem:v5+s22+$0x0] =	vst.idx.add.f32.msk $0xffff, v2  }
0x212: {  	v2 =	vand.u32 $0xFFFF0000, v60;
	[tilespmem:v7+s21+$0x0] =	vst.idx.add.f32.msk $0xffff, v3  }
0x213: {  	s26 =	simm.s32 $0x0;
	s28 =	simm.s32 $0x11040;
	v6 =	vshll.u32 v62, $0x10;
	v5 =	vand.u32 $0xFFFF0000, v62;
	[tilespmem:v7+s22+$0x0] =	vst.idx.add.f32.msk $0xffff, v2  }
.LBB2_18:
0x214: {  	v7 =	vld [tilespmem:s28+$0x30]  }
0x215: {  	v2 =	vld [tilespmem:s28+$0xFFFFFFD0]  }
0x216: {  	s26 =	sadd.s32 $0x80, s26;
	v3 =	vld [tilespmem:s28+$0xFFFFFFE0]  }
0x217: {  	p0 =	slt.u32 s26, $0x1E80;
	v4 =	vld [tilespmem:s28+$0xFFFFFFF0]  }
0x218: {  	v8 =	vld [tilespmem:s28+$0x0]  }
0x219: {  	v9 =	vld [tilespmem:s28+$0x10];
	v10 =	vshrl.u32 v7, $0xE  }
0x21a: {  	v11 =	vshrl.u32 v2, $0xE;
	v12 =	vand.u32 $0x3FFF, v2;
	v13 =	vld [tilespmem:s28+$0x20]  }
0x21b: {  	v14 =	vld [tilespmem:s28+$0xFFFFFFC0];
	v15 =	vshrl.u32 v3, $0xE;
	v16 =	vand.u32 $0x3FFF, v3  }
0x21c: {  	v17 =	vshrl.u32 v4, $0xE;
	v2 =	vand.u32 $0x3FFF, v4;
	[tilespmem:v1+s21+$0x0] =	vst.idx.add.f32.msk $0xffff, v6  }
0x21d: {  	v6 =	vshrl.u32 v8, $0xE;
	v3 =	vand.u32 $0x3FFF, v8;
	[tilespmem:v1+s22+$0x0] =	vst.idx.add.f32.msk $0xffff, v5  }
0x21e: {  	v5 =	vshrl.u32 v9, $0xE;
	v4 =	vand.u32 $0x3FFF, v9;
	v8 =	vld.idx.msk [tilespmem:v10+s2+$0x0], $0xffff  }
0x21f: {  	v9 =	vld.idx.msk [tilespmem:v11+s2+$0x0], $0xffff;
	v18 =	vshrl.u32 v13, $0xE;
	v1 =	vand.u32 $0x3FFF, v13  }
0x220: {  	v7 =	vand.u32 $0x3FFF, v7;
	v13 =	vshrl.u32 v14, $0xE;
	v14 =	vand.u32 $0x3FFF, v14;
	v19 =	vld.idx.msk [tilespmem:v15+s2+$0x0], $0xffff  }
0x221: {  	v20 =	vld.idx.msk [tilespmem:v17+s2+$0x0], $0xffff  }
0x222: {  	v21 =	vld.idx.msk [tilespmem:v6+s2+$0x0], $0xffff  }
0x223: {  	v22 =	vld.idx.msk [tilespmem:v5+s2+$0x0], $0xffff  }
0x224: {  	v24 =	vshll.u32 v8, $0x10;
	v23 =	vld.idx.msk [tilespmem:v18+s2+$0x0], $0xffff  }
0x225: {  	v8 =	vand.u32 $0xFFFF0000, v8;
	v25 =	vshll.u32 v9, $0x10;
	v9 =	vand.u32 $0xFFFF0000, v9;
	[tilespmem:v7+s19+$0x0] =	vst.idx.add.f32.msk $0xffff, v24  }
0x226: {  	v24 =	vshll.u32 v19, $0x10;
	v19 =	vand.u32 $0xFFFF0000, v19;
	[tilespmem:v7+s20+$0x0] =	vst.idx.add.f32.msk $0xffff, v8  }
0x227: {  	v8 =	vshll.u32 v20, $0x10;
	v20 =	vand.u32 $0xFFFF0000, v20;
	v10 =	vld.idx.msk [tilespmem:v10+s14+$0x0], $0xffff  }
0x228: {  	v27 =	vshll.u32 v21, $0x10;
	v21 =	vand.u32 $0xFFFF0000, v21;
	v26 =	vld.idx.msk [tilespmem:v13+s2+$0x0], $0xffff  }
0x229: {  	[tilespmem:v12+s19+$0x0] =	vst.idx.add.f32.msk $0xffff, v25;
	v25 =	vshll.u32 v22, $0x10;
	v22 =	vand.u32 $0xFFFF0000, v22  }
0x22a: {  	[tilespmem:v12+s20+$0x0] =	vst.idx.add.f32.msk $0xffff, v9;
	v9 =	vshll.u32 v23, $0x10;
	v23 =	vand.u32 $0xFFFF0000, v23  }
0x22b: {  	[tilespmem:v16+s19+$0x0] =	vst.idx.add.f32.msk $0xffff, v24  }
0x22c: {  	[tilespmem:v16+s20+$0x0] =	vst.idx.add.f32.msk $0xffff, v19  }
0x22d: {  	[tilespmem:v2+s19+$0x0] =	vst.idx.add.f32.msk $0xffff, v8;
	v8 =	vshll.u32 v10, $0x10  }
0x22e: {  	v19 =	vshll.u32 v26, $0x10;
	v24 =	vand.u32 $0xFFFF0000, v26;
	v10 =	vand.u32 $0xFFFF0000, v10;
	[tilespmem:v7+s21+$0x0] =	vst.idx.add.f32.msk $0xffff, v8  }
0x22f: {  	s29 =	simm.s32 $0x1EF0;
	s0 =	simm.s32 $0x12E80;
	[tilespmem:v7+s22+$0x0] =	vst.idx.add.f32.msk $0xffff, v10  }
0x230: {  	[tilespmem:v14+s19+$0x0] =	vst.idx.add.f32.msk $0xffff, v19  }
0x231: {  	[tilespmem:v14+s20+$0x0] =	vst.idx.add.f32.msk $0xffff, v24  }
0x232: {  	[tilespmem:v2+s20+$0x0] =	vst.idx.add.f32.msk $0xffff, v20  }
0x233: {  	[tilespmem:v3+s19+$0x0] =	vst.idx.add.f32.msk $0xffff, v27  }
0x234: {  	[tilespmem:v3+s20+$0x0] =	vst.idx.add.f32.msk $0xffff, v21  }
0x235: {  	[tilespmem:v4+s19+$0x0] =	vst.idx.add.f32.msk $0xffff, v25  }
0x236: {  	[tilespmem:v4+s20+$0x0] =	vst.idx.add.f32.msk $0xffff, v22  }
0x237: {  	[tilespmem:v1+s19+$0x0] =	vst.idx.add.f32.msk $0xffff, v9  }
0x238: {  	[tilespmem:v1+s20+$0x0] =	vst.idx.add.f32.msk $0xffff, v23  }
0x239: {  	v7 =	vld.idx.msk [tilespmem:v13+s14+$0x0], $0xffff  }
0x23a: {  	v8 =	vld.idx.msk [tilespmem:v11+s14+$0x0], $0xffff  }
0x23b: {  	v9 =	vld.idx.msk [tilespmem:v15+s14+$0x0], $0xffff  }
0x23c: {  	v10 =	vld.idx.msk [tilespmem:v17+s14+$0x0], $0xffff  }
0x23d: {  	v6 =	vld.idx.msk [tilespmem:v6+s14+$0x0], $0xffff  }
0x23e: {  	v5 =	vld.idx.msk [tilespmem:v5+s14+$0x0], $0xffff  }
0x23f: {  	v11 =	vshll.u32 v7, $0x10;
	v7 =	vand.u32 $0xFFFF0000, v7;
	v13 =	vld.idx.msk [tilespmem:v18+s14+$0x0], $0xffff  }
0x240: {  	[tilespmem:v14+s21+$0x0] =	vst.idx.add.f32.msk $0xffff, v11;
	v11 =	vshll.u32 v8, $0x10;
	v8 =	vand.u32 $0xFFFF0000, v8  }
0x241: {  	[tilespmem:v14+s22+$0x0] =	vst.idx.add.f32.msk $0xffff, v7;
	v7 =	vshll.u32 v9, $0x10;
	v9 =	vand.u32 $0xFFFF0000, v9  }
0x242: {  	[tilespmem:v12+s21+$0x0] =	vst.idx.add.f32.msk $0xffff, v11;
	v11 =	vshll.u32 v10, $0x10;
	v10 =	vand.u32 $0xFFFF0000, v10  }
0x243: {  	[tilespmem:v12+s22+$0x0] =	vst.idx.add.f32.msk $0xffff, v8;
	v8 =	vshll.u32 v6, $0x10;
	v12 =	vand.u32 $0xFFFF0000, v6  }
0x244: {  	v14 =	vand.u32 $0xFFFF0000, v5;
	[tilespmem:v16+s21+$0x0] =	vst.idx.add.f32.msk $0xffff, v7;
	v7 =	vshll.u32 v5, $0x10  }
0x245: {  	v6 =	vshll.u32 v13, $0x10;
	v5 =	vand.u32 $0xFFFF0000, v13;
	[tilespmem:v16+s22+$0x0] =	vst.idx.add.f32.msk $0xffff, v9  }
0x246: {  	[tilespmem:v2+s21+$0x0] =	vst.idx.add.f32.msk $0xffff, v11  }
.Ltmp8:
0x247: {  	[tilespmem:v2+s22+$0x0] =	vst.idx.add.f32.msk $0xffff, v10;
	(pc) =	sbr.rel @p0 .LBB2_18-.Ltmp8, $4  }
0x248: {  	[tilespmem:v3+s21+$0x0] =	vst.idx.add.f32.msk $0xffff, v8  }
0x249: {  	[tilespmem:v3+s22+$0x0] =	vst.idx.add.f32.msk $0xffff, v12  }
0x24a: {  	[tilespmem:v4+s21+$0x0] =	vst.idx.add.f32.msk $0xffff, v7  }
0x24b: {  	s28 =	sadd.s32 $0x80, s28;
	[tilespmem:v4+s22+$0x0] =	vst.idx.add.f32.msk $0xffff, v14  }
0x24c: {  	_ =	sdelay $0x3  }
0x24d: {  	[tilespmem:v1+s21+$0x0] =	vst.idx.add.f32.msk $0xffff, v6  }
0x24e: {  	[tilespmem:v1+s22+$0x0] =	vst.idx.add.f32.msk $0xffff, v5  }
.LBB2_20:
0x24f: {  	v1 =	vld [tilespmem:s0+$0x0];
	_ =	sdelay $0x4  }
0x250: {  	v2 =	vshrl.u32 v1, $0xE;
	_ =	sdelay $0x4  }
0x251: {  	v3 =	vld.idx.msk [tilespmem:v2+s2+$0x0], $0xffff  }
0x252: {  	v1 =	vand.u32 $0x3FFF, v1;
	_ =	sdelay $0x3  }
0x253: {  	v4 =	vshll.u32 v3, $0x10  }
0x254: {  	v3 =	vand.u32 $0xFFFF0000, v3;
	[tilespmem:v1+s19+$0x0] =	vst.idx.add.f32.msk $0xffff, v4  }
0x255: {  	[tilespmem:v1+s20+$0x0] =	vst.idx.add.f32.msk $0xffff, v3  }
0x256: {  	v2 =	vld.idx.msk [tilespmem:v2+s14+$0x0], $0xffff  }
0x257: {  	s29 =	sadd.s32 $0x10, s29  }
0x258: {  	p0 =	slt.u32 s29, $0x1F30  }
.Ltmp9:
0x259: {  	_ = 	snop;
	(pc) =	sbr.rel @p0 .LBB2_20-.Ltmp9, $4  }
0x25a: {  	_ = 	snop  }
0x25b: {  	v3 =	vshll.u32 v2, $0x10  }
0x25c: {  	v2 =	vand.u32 $0xFFFF0000, v2;
	[tilespmem:v1+s21+$0x0] =	vst.idx.add.f32.msk $0xffff, v3  }
0x25d: {  	s0 =	sadd.s32 $0x10, s0;
	[tilespmem:v1+s22+$0x0] =	vst.idx.add.f32.msk $0xffff, v2  }
0x25e: {  	[hbm4b:s7+s12] =	stream.strided.scatter [tilespmem:s19], [sflag:$0x4], $0x2800, s13, s12, $0x38;
	[tilespmem:$0x12F00] =	vst v63  }
0x25f: {  	_ =	swait.ge [sflag:s24], $0x2800  }
0x260: {  	[sflag:s24] =	ssyncset.done $0x0  }
0x261: {  	[sflag:s24] =	ssyncadd.s32 $0xFFFFD800  }
0x262: {  	[hbm4b:s8+s12] =	stream.strided.scatter [tilespmem:s21], [sflag:$0x4], $0x2800, s13, s12, $0x38;
	[tilespmem:$0x12F00] =	vst v63  }
0x263: {  	_ =	swait.ge [sflag:s24], $0x2800  }
0x264: {  	[sflag:s24] =	ssyncset.done $0x0  }
0x265: {  	[sflag:s24] =	ssyncadd.s32 $0xFFFFD800  }
0x266: {  	[hbm4b:s9+s12] =	stream.strided.scatter [tilespmem:s20], [sflag:$0x4], $0x2800, s13, s12, $0x38;
	[tilespmem:$0x12F00] =	vst v63  }
0x267: {  	s25 =	sadd.s32 $0x1, s25;
	_ =	swait.ge [sflag:s24], $0x2800  }
0x268: {  	p0 =	sne.s32 s25, s11;
	[sflag:s24] =	ssyncset.done $0x0  }
.Ltmp10:
0x269: {  	[sflag:s24] =	ssyncadd.s32 $0xFFFFD800;
	(pc) =	sbr.rel @p0 .LBB2_1-.Ltmp10, $4  }
0x26a: {  	[hbm4b:s10+s12] =	stream.strided.scatter [tilespmem:s22], [sflag:$0x4], $0x2800, s13, s12, $0x38;
	[tilespmem:$0x12F00] =	vst v63  }
0x26b: {  	_ =	swait.ge [sflag:s24], $0x2800  }
0x26c: {  	[sflag:s24] =	ssyncset.done $0x0  }
0x26d: {  	[sflag:s24] =	ssyncadd.s32 $0xFFFFD800  }
0x26e: {  	_ =	sfence.sel $0x180000  }
0x26f: {  	[bflag:$0x0] =	sbarrier.arrive $0xFFFF  }
0x270: {  	_ =	strace $0x9000004A  }
0x271: {  	[bflag:$0x2] =	sbarrier.arrive $0xFFFF  }
0x272: {  	p0 =	sne.s32 s1, $0x0;
	s0 =	rddreg [dreg:$0x1]  }
0x273: {  	s0 =	sadd.s32 @!p0 $0x100000, s0  }
0x274: {  	[sflag:s0] =	ssyncadd.tile.s32 @!p0 $0x1;
	_ =	shalt  }
.Lfunc_end2:
_tile_overlayer_lowered:
.L_overlay_start_2:
0x275: {  	(tag) =	ssettag $0x2  }
0x276: {  	s0 =	rddreg [dreg:$0x0];
	s2 =	stileid.u32  }
0x277: {  	s1 =	rddreg [dreg:$0x1];
	p0 =	sne.s32 s2, $0x0  }
0x278: {  	s3 =	rddreg [dreg:$0x2];
	[bflag:$0x3] =	sbarrier.arrive $0xFFFF;
	s2 =	simm.s32 @!p0 $0x1C04  }
0x279: {  	[timem:s3], [sflag:s2] =	dma.local @!p0 [hbm:s0], s1  }
0x27a: {  	s0 =	simm.s32 @!p0 $0x4  }
0x27b: {  	_ =	swait.ge @!p0 [sflag:s0], s1  }
0x27c: {  	s1 =	ssub.s32 @!p0 $0x0, s1;
	[sflag:s0] =	ssyncset.done @!p0 $0x0  }
0x27d: {  	[sflag:s0] =	ssyncadd.s32 @!p0 s1  }
0x27e: {  	[bflag:$0x3] =	sbarrier.arrive $0xFFFF  }
0x27f: {  	_ =	shalt  }

// kernel: kernel.15.cloned.1.call-start
scs
__scs_entry_jumppad:
0x0: {  	(pc) =	sbr.rel $0x88, $3  }
0x1: {  	(tag) =	ssettag $0x0;
	lr =	simm.s32 $0x1  }
0x2: {  	[smem:$0x3F93] =	sst lr;
	_ =	strace $0xD0000000  }
0x3: {  	_ = 	snop  }
0x4: {  	_ = 	snop  }
0x5: {  	_ = 	snop  }
0x6: {  	_ = 	snop  }
0x7: {  	_ = 	snop  }
__scs_overlays_trampoline_lowered:
0x8: {  	[smem:$0x3FA2] =	sst s0  }
0x9: {  	[smem:$0x3FA3] =	sst s1  }
0xa: {  	[smem:$0x3FA4] =	sst s2  }
0xb: {  	[smem:$0x3FA5] =	sst s3  }
0xc: {  	[smem:$0x3FA6] =	sst s4  }
0xd: {  	[smem:$0x3FA7] =	sst s5  }
0xe: {  	[smem:$0x3FA8] =	sst s6  }
0xf: {  	[smem:$0x3FA9] =	sst s7  }
0x10: {  	[smem:$0x3FAA] =	sst s8  }
0x11: {  	[smem:$0x3FAB] =	sst s9;
	s0 =	simm.s32 @!p0 $0x0  }
0x12: {  	s1 =	sld [smem:$0x3F91];
	s0 =	simm.s32 @p0 $0x1  }
0x13: {  	[smem:$0x3FAC] =	sst s0;
	s0 =	simm.s32 @!p1 $0x0  }
0x14: {  	s2 =	sld [smem:$0x3F90];
	s0 =	simm.s32 @p1 $0x1  }
0x15: {  	[smem:$0x3FAD] =	sst s0;
	s0 =	simm.s32 @!p2 $0x0  }
0x16: {  	s3 =	sld [smem:$0x3FDB];
	s0 =	simm.s32 @p2 $0x1  }
0x17: {  	s4 =	simm.s32 $0x1BF5;
	[smem:$0x3FAF] =	sst s0  }
0x18: {  	s0 =	sld [smem:$0x3F92];
	_ =	swait.ge [sflag:s4], $0x0  }
0x19: {  	s7 =	sld [smem:$0x3F93]  }
0x1a: {  	s8 =	sadd.s32 $0xFFFFE003, lr  }
0x1b: {  	s9 =	sadd.s32 $0xFFFFFEF7, lr;
	s5 =	simm.s32 $0xFFFFFFFF;
	p2 =	slt.u32 s8, $0xFFFFF086  }
0x1c: {  	p1 =	slt.u32 s9, $0xF7A;
	s5 =	simm.s32 @!p2 $0x0  }
0x1d: {  	s5 =	simm.s32 @p1 $0x1;
	p0 =	seq.s32 s7, s2  }
0x1e: {  	s7 =	smul.u32 @!p0 $0xF7A, s2;
	p2 =	seq.s32 @!p0 s5, $0x0  }
0x1f: {  	s9 =	smul.u32 $0xF7A, s1;
	s8 =	simm.s32 @!p0 $0x1BF5;
	p2 =	por !p2, p0  }
0x20: {  	[sflag:s8] =	ssyncset.s32 @!p0 $0xFFFFF086;
	s6 =	sadd.s32 @!p0 s3, s7;
	s7 =	simm.s32 @!p0 $0x108  }
0x21: {  	s3 =	sadd.s32 s3, s9;
	s6 =	sadd.s32 @!p0 $0x88, s6;
	s7 =	simm.s32 @p2 $0x1082  }
0x22: {  	[simem:s7], [sflag:s8] =	dma.local @!p0 [hbm:s6], $0xF7A  }
0x23: {  	s9 =	sor.u32 $0xD0000000, s2;
	s6 =	simm.s32 $0x108;
	_ =	swait.ge @!p0 [sflag:s8], $0x0  }
0x24: {  	s3 =	sadd.s32 $0x88, s3;
	s6 =	simm.s32 @!p1 $0x1082;
	[sflag:s4] =	ssyncset.s32 $0xFFFFF086  }
0x25: {  	[simem:s6], [sflag:s4] =	dma.local [hbm:s3], $0xF7A  }
0x26: {  	[smem:$0x3F93] =	sst s1;
	(tag) =	ssettag s2;
	_ =	strace s9  }
0x27: {  	s1 =	sld [smem:$0x3FA3]  }
0x28: {  	s2 =	sld [smem:$0x3FA4]  }
0x29: {  	s4 =	sld [smem:$0x3FA6]  }
0x2a: {  	p0 =	seq.s32 s5, $0x0;
	s5 =	sld [smem:$0x3FA7]  }
0x2b: {  	s6 =	sld [smem:$0x3FA8]  }
0x2c: {  	s7 =	sld [smem:$0x3FA9]  }
0x2d: {  	s3 =	simm.s32 $0x108;
	s8 =	sld [smem:$0x3FAA]  }
0x2e: {  	s3 =	simm.s32 @!p0 $0x1082;
	s9 =	sld [smem:$0x3FAB]  }
0x2f: {  	lr =	sadd.s32 s0, s3;
	s0 =	sld [smem:$0x3FA2]  }
0x30: {  	s3 =	sld [smem:$0x3FA5]  }
0x31: {  	[smem:$0x3FAE] =	sst s10  }
0x32: {  	s10 =	sld [smem:$0x3FAC];
	_ =	sdelay $0x3  }
0x33: {  	p0 =	seq.s32 s10, $0x1;
	s10 =	sld [smem:$0x3FAE];
	_ =	sdelay $0x3  }
0x34: {  	[smem:$0x3FAE] =	sst s10  }
0x35: {  	s10 =	sld [smem:$0x3FAD];
	_ =	sdelay $0x3  }
0x36: {  	p1 =	seq.s32 s10, $0x1;
	s10 =	sld [smem:$0x3FAE];
	_ =	sdelay $0x3  }
0x37: {  	[smem:$0x3FAE] =	sst s10  }
0x38: {  	s10 =	sld [smem:$0x3FAF]  }
0x39: {  	_ = 	snop;
	(pc) =	sbr.ind lr, $3  }
0x3a: {  	_ = 	snop  }
0x3b: {  	_ = 	snop  }
0x3c: {  	p2 =	seq.s32 s10, $0x1;
	s10 =	sld [smem:$0x3FAE]  }
0x3d: {  	_ =	shalt  }
0x3e: {  	_ =	shalt  }
0x3f: {  	_ =	shalt  }
0x40: {  	_ =	shalt  }
0x41: {  	_ =	shalt  }
0x42: {  	_ =	shalt  }
0x43: {  	_ =	shalt  }
0x44: {  	_ =	shalt  }
0x45: {  	_ =	shalt  }
0x46: {  	_ =	shalt  }
0x47: {  	_ =	shalt  }
0x48: {  	_ =	shalt  }
0x49: {  	_ =	shalt  }
0x4a: {  	_ =	shalt  }
0x4b: {  	_ =	shalt  }
0x4c: {  	_ =	shalt  }
0x4d: {  	_ =	shalt  }
0x4e: {  	_ =	shalt  }
0x4f: {  	_ =	shalt  }
0x50: {  	_ =	shalt  }
0x51: {  	_ =	shalt  }
0x52: {  	_ =	shalt  }
0x53: {  	_ =	shalt  }
0x54: {  	_ =	shalt  }
0x55: {  	_ =	shalt  }
0x56: {  	_ =	shalt  }
0x57: {  	_ =	shalt  }
0x58: {  	_ =	shalt  }
0x59: {  	_ =	shalt  }
0x5a: {  	_ =	shalt  }
0x5b: {  	_ =	shalt  }
0x5c: {  	_ =	shalt  }
0x5d: {  	_ =	shalt  }
0x5e: {  	_ =	shalt  }
0x5f: {  	_ =	shalt  }
0x60: {  	_ =	shalt  }
0x61: {  	_ =	shalt  }
0x62: {  	_ =	shalt  }
0x63: {  	_ =	shalt  }
0x64: {  	_ =	shalt  }
0x65: {  	_ =	shalt  }
0x66: {  	_ =	shalt  }
0x67: {  	_ =	shalt  }
0x68: {  	_ =	shalt  }
0x69: {  	_ =	shalt  }
0x6a: {  	_ =	shalt  }
0x6b: {  	_ =	shalt  }
0x6c: {  	_ =	shalt  }
0x6d: {  	_ =	shalt  }
0x6e: {  	_ =	shalt  }
0x6f: {  	_ =	shalt  }
0x70: {  	_ =	shalt  }
0x71: {  	_ =	shalt  }
0x72: {  	_ =	shalt  }
0x73: {  	_ =	shalt  }
0x74: {  	_ =	shalt  }
0x75: {  	_ =	shalt  }
0x76: {  	_ =	shalt  }
0x77: {  	_ =	shalt  }
0x78: {  	_ =	shalt  }
0x79: {  	_ =	shalt  }
0x7a: {  	_ =	shalt  }
0x7b: {  	_ =	shalt  }
0x7c: {  	_ =	shalt  }
0x7d: {  	_ =	shalt  }
0x7e: {  	_ =	shalt  }
0x7f: {  	_ =	shalt  }
0x80: {  	_ =	shalt  }
0x81: {  	_ =	shalt  }
0x82: {  	_ =	shalt  }
0x83: {  	_ =	shalt  }
0x84: {  	_ =	shalt  }
0x85: {  	_ =	shalt  }
0x86: {  	_ =	shalt  }
0x87: {  	_ =	shalt  }
.Lfunc_end0:
.L_simem_size_0:
called_computation.2_lowered:
.L_overlay_start_0:
0x88: {  	s2 =	sld [smem:$0x3FD9]  }
0x89: {  	s3 =	sld [smem:$0x3FFE];
	_ =	sdelay $0x1  }
0x8a: {  	s1 =	srdreg.scid  }
0x8b: {  	s0 =	sand.u32 $0x1, s1  }
0x8c: {  	s16 =	sshll.u32 s0, $0xA;
	s2 =	sadd.s32 s3, s2  }
0x8d: {  	s2 =	sadd.s32 s2, s16  }
0x8e: {  	[smem:$0x3FBA] =	sst s2  }
0x8f: {  	_ = 	snop  }
0x90: {  	(tm) =	ssettm $0x1  }
0x91: {  	s17 =	sld [smem:$0x3FFB];
	_ =	sdelay $0x3  }
0x92: {  	_ =	strace s17  }
0x93: {  	s2 =	sld [smem:$0x3FFC];
	_ =	sdelay $0x3  }
0x94: {  	_ =	strace s2  }
0x95: {  	s2 =	sld [smem:$0x3FFD];
	_ =	sdelay $0x3  }
0x96: {  	_ =	strace s2  }
0x97: {  	_ =	strace $0x8FFFFFFF  }
0x98: {  	s18 =	sld [smem:$0x3FDB];
	_ =	sdelay $0x1  }
0x99: {  	s19 =	simm.s32 $_scs_section_size  }
0x9a: {  	s4 =	simm.s32 $_size__tile_overlayer_lowered;
	s5 =	simm.s32 $_tile_overlayer_lowered  }
0x9b: {  	s22 =	simm.s32 $0x1BFF;
	s21 =	sshll.u32 s5, $0x1;
	s2 =	sadd.s32 s19, s18  }
0x9c: {  	s6 =	simm.s32 $0x0;
	s20 =	sshll.u32 s4, $0x1;
	s4 =	sadd.s32 s21, s2  }
0x9d: {  	[timem:s6], [sflag:s22] =	dma.local [hbm:s4], s20  }
0x9e: {  	_ =	swait.ge [sflag:s22], s20  }
0x9f: {  	s3 =	ssub.s32 $0x0, s20;
	[sflag:s22] =	ssyncset.done $0x0  }
0xa0: {  	[sflag:s22] =	ssyncadd.s32 s3;
	_ =	sdelay $0x1  }
0xa1: {  	s23 =	simm.s32 $0x1B8B  }
0xa2: {  	_ =	swait.ge [sflag:s23], $0x1  }
0xa3: {  	[sflag:s23] =	ssyncset.done $0x0  }
0xa4: {  	s25 =	simm.s32 $0x1B8E;
	s24 =	sld [smem:$0x3FFE];
	[sflag:s23] =	ssyncadd.s32 $0xFFFFFFFF  }
0xa5: {  	s26 =	simm.s32 $execute0_lowered;
	[smem:$0x3FD2] =	sst s25  }
0xa6: {  	s4 =	sshll.u32 s26, $0x1;
	_ =	strace $0x8000004C;
	[dreg:$0x1] =	wrdreg $0xFFFFFFFF  }
0xa7: {  	s28 =	simm.s32 $_size_execute0_lowered;
	s2 =	sadd.s32 s2, s4;
	[dreg:$0x0] =	wrdreg $0x0  }
0xa8: {  	s4 =	sshll.u32 s28, $0x1;
	[dreg:$0x2] =	wrdreg s2  }
0xa9: {  	[dreg:$0x3] =	wrdreg s4  }
0xaa: {  	[dreg:$0x4] =	wrdreg $0xC0  }
0xab: {  	_ =	task [dreg:s6], $0x5FFFF  }
0xac: {  	[dreg:$0x1] =	wrdreg $0xFFFFFFFF  }
0xad: {  	[dreg:$0x0] =	wrdreg $0x60  }
0xae: {  	[dreg:$0x2] =	wrdreg s24  }
0xaf: {  	[dreg:$0x3] =	wrdreg $0x9  }
0xb0: {  	_ =	task.clear_ibuf [dreg:s6], $0x4FFFF;
	_ =	strace $0x9000004C  }
0xb1: {  	s29 =	simm.s32 $0x9;
	_ =	strace $0x8000004E  }
0xb2: {  	_ =	swait.ge [sflag:s29], $0x1  }
0xb3: {  	[sflag:s29] =	ssyncadd.s32 $0xFFFFFFFF  }
0xb4: {  	_ =	strace $0x9000004E  }
0xb5: {  	_ =	sfence  }
0xb6: {  	s30 =	sld [smem:$0x0];
	_ =	sdelay $0x2  }
0xb7: {  	s31 =	sshll.u32 s1, $0xD;
	s1 =	sshrl.u32 s1, $0x2  }
0xb8: {  	s3 =	sand.u32 $0x4000, s31;
	s1 =	sadd.s32 s1, s30  }
0xb9: {  	s0 =	sor.u32 s3, s0;
	s1 =	sshll.u32 s1, $0x11  }
0xba: {  	s0 =	sor.u32 s1, s0  }
0xbb: {  	s0 =	sadd.s32 $0x8F2B, s0  }
0xbc: {  	[sflag:s0] =	ssyncadd.remote.s32 $0x1  }
0xbd: {  	_ =	sfence.sel $0xFFFF  }
0xbe: {  	[dreg:$0x0] =	wrdreg $0xFFFFFFFF;
	(pc) =	sbr.abs _section_cstart, $3  }
0xbf: {  	[dreg:$0x1] =	wrdreg $0xFFFFFFFF  }
0xc0: {  	_ =	task.clear_ibuf [dreg:s6], $0x2FFFF;
	_ =	strace $0x9FFFFFFF  }
0xc1: {  	(tm) =	ssettm $0x7FFFFFFF  }
tec
execute0_lowered:
.L_overlay_start_1:
0x0: {  	(tag) =	ssettag $0x1  }
0x1: {  	s0 =	rddreg [dreg:$0x0];
	s2 =	simm.s32 $0x0;
	s3 =	srdreg.scid  }
0x2: {  	s1 =	stileid.u32;
	s14 =	simm.s32 $0x2800;
	s15 =	simm.s32 $0xF000  }
0x3: {  	s16 =	simm.s32 $0x10F80;
	s17 =	simm.s32 $0x1;
	s18 =	simm.s32 $0x2  }
0x4: {  	s19 =	simm.s32 $0x5000;
	s20 =	simm.s32 $0xA000;
	s21 =	simm.s32 $0x7800  }
0x5: {  	s22 =	simm.s32 $0xC800;
	s23 =	simm.s32 $0x3;
	s24 =	simm.s32 $0x4  }
0x6: {  	s25 =	simm.s32 $0x0;
	[smem:$0x7FF] =	sst s2;
	s4 =	sand.u32 $0x1, s3  }
0x7: {  	s28 =	sshll.u32 s1, $0x2;
	s6 =	sadd.s32 $0xD400, s0;
	s7 =	sshrl.u32 s1, $0x1  }
0x8: {  	s3 =	sadd.s32 $0x3600, s0;
	s10 =	sadd.s32 $0x21400, s0;
	s5 =	sshll.u32 s4, $0x1  }
0x9: {  	_ =	strace $0x8000004D;
	s4 =	ssub.s32 $0x2, s4;
	s5 =	sor.u32 s5, s28  }
0xa: {  	s7 =	smul.u32 $0x14000, s7;
	s9 =	sshrl.u32 s4, $0x1;
	s8 =	sshll.u32 s5, $0x7  }
0xb: {  	s5 =	sor.u32 $0x41, s5;
	s11 =	ssub.s32 s4, s9;
	s8 =	sand.u32 $0x300, s8  }
0xc: {  	s29 =	sshrl.u32 s5, $0x3;
	s13 =	sshll.u32 s5, $0x7;
	s7 =	sor.u32 s7, s8  }
0xd: {  	s11 =	smax.u32 s11, $0x1;
	s12 =	smul.u32 $0x14000, s29;
	s8 =	sshrl.u32 s7, $0x3  }
0xe: {  	s13 =	sand.u32 $0x380, s13;
	s31 =	sadd.s32 $0xA0000, s7;
	s30 =	sor.u32 $0x10, s8  }
0xf: {  	s4 =	sadd.s32 s6, s8;
	s12 =	sor.u32 s13, s12;
	s7 =	sadd.s32 s10, s8  }
0x10: {  	s13 =	simm.s32 $0x400;
	s5 =	sadd.s32 s6, s30;
	s6 =	sadd.s32 $0x39E8, s0  }
0x11: {  	s0 =	sshrl.u32 s31, $0x3;
	s12 =	sshrl.u32 s12, $0x3;
	s8 =	sadd.s32 s10, s30  }
0x12: {  	v0 =	vimm.f32 $0.0e+00;
	s9 =	sadd.s32 s10, s0;
	s10 =	sadd.s32 s10, s12;
	s12 =	simm.s32 $0x80  }
.LBB2_1:
0x13: {  	[tilespmem:s2], [sflag:$0x1] =	stream.strided.gather [hbm4b:s4+s12], $0x2800, s13, s12, $0x38;
	[tilespmem:$0x12F00] =	vst v63  }
0x14: {  	s0 =	simm.s32 $0x0;
	s26 =	simm.s32 $0x100  }
0x15: {  	[tilespmem:s14], [sflag:$0x1] =	stream.strided.gather [hbm4b:s5+s12], $0x2800, s13, s12, $0x38;
	[tilespmem:$0x12F00] =	vst v63  }
.LBB2_2:
0x16: {  	p0 =	sne.s32 s26, $0x9F00;
	[tilespmem:s0+$0xC830] =	vst v0  }
0x17: {  	[tilespmem:s0+$0x5000] =	vst v0  }
0x18: {  	[tilespmem:s0+$0x5010] =	vst v0  }
0x19: {  	[tilespmem:s0+$0x5020] =	vst v0  }
0x1a: {  	[tilespmem:s0+$0x5030] =	vst v0  }
0x1b: {  	[tilespmem:s0+$0x7800] =	vst v0  }
0x1c: {  	[tilespmem:s0+$0x7810] =	vst v0  }
0x1d: {  	[tilespmem:s0+$0x7820] =	vst v0  }
0x1e: {  	[tilespmem:s0+$0x7830] =	vst v0  }
0x1f: {  	[tilespmem:s0+$0xA000] =	vst v0  }
0x20: {  	[tilespmem:s0+$0xA010] =	vst v0  }
.Ltmp0:
0x21: {  	[tilespmem:s0+$0xA020] =	vst v0;
	(pc) =	sbr.rel @p0 .LBB2_2-.Ltmp0, $4  }
0x22: {  	[tilespmem:s0+$0xA030] =	vst v0  }
0x23: {  	[tilespmem:s0+$0xC800] =	vst v0  }
0x24: {  	[tilespmem:s0+$0xC810] =	vst v0  }
0x25: {  	[tilespmem:s0+$0xC820] =	vst v0;
	s0 =	sshra.s32 s26, $0x2;
	s26 =	sadd.s32 $0x100, s26  }
0x26: {  	[tilespmem:s0+$0xC830] =	vst v0  }
0x27: {  	[tilespmem:s0+$0x5000] =	vst v0  }
0x28: {  	[tilespmem:s0+$0x5010] =	vst v0  }
0x29: {  	[tilespmem:s0+$0x5020] =	vst v0  }
0x2a: {  	[tilespmem:s0+$0x5030] =	vst v0  }
0x2b: {  	[tilespmem:s0+$0x7800] =	vst v0  }
0x2c: {  	[tilespmem:s0+$0x7810] =	vst v0  }
0x2d: {  	[tilespmem:s0+$0x7820] =	vst v0  }
0x2e: {  	[tilespmem:s0+$0x7830] =	vst v0  }
0x2f: {  	[tilespmem:s0+$0xA000] =	vst v0  }
0x30: {  	[tilespmem:s0+$0xA010] =	vst v0  }
0x31: {  	[tilespmem:s0+$0xA020] =	vst v0  }
0x32: {  	[tilespmem:s0+$0xA030] =	vst v0  }
0x33: {  	[tilespmem:s0+$0xC800] =	vst v0  }
0x34: {  	[tilespmem:s0+$0xC810] =	vst v0  }
0x35: {  	[tilespmem:s0+$0xC820] =	vst v0;
	s26 =	simm.s32 $0x0  }
0x36: {  	[tilespmem:s15], [sflag:$0x2] =	stream.linear.gather [hbm4b:s3+s26], $0x1F40, $0x38;
	[tilespmem:$0x12F00] =	vst v63  }
0x37: {  	_ = 	snop  }
0x38: {  	[tilespmem:s16], [sflag:$0x3] =	stream.linear.gather [hbm4b:s6+s26], $0x1F40, $0x38;
	[tilespmem:$0x12F00] =	vst v63  }
0x39: {  	_ =	swait.ge [sflag:s17], $0x2800  }
0x3a: {  	[sflag:s17] =	ssyncset.done $0x0  }
0x3b: {  	[sflag:s17] =	ssyncadd.s32 $0xFFFFD800  }
0x3c: {  	_ =	swait.ge [sflag:s17], $0x2800  }
0x3d: {  	[sflag:s17] =	ssyncset.done $0x0  }
0x3e: {  	[sflag:s17] =	ssyncadd.s32 $0xFFFFD800  }
.LBB2_4:
0x3f: {  	_ =	swait.ge [sflag:s18], $0x1F40  }
0x40: {  	[sflag:s18] =	ssyncset.done $0x0  }
0x41: {  	s0 =	simm.s32 $0xF040;
	[sflag:s18] =	ssyncadd.s32 $0xFFFFE0C0  }
0x42: {  	v1 =	vld [tilespmem:s0+$0x30]  }
0x43: {  	v2 =	vld [tilespmem:s0+$0xFFFFFFD0]  }
0x44: {  	v3 =	vld [tilespmem:s0+$0xFFFFFFE0]  }
0x45: {  	v4 =	vld [tilespmem:s0+$0xFFFFFFF0]  }
0x46: {  	v5 =	vld [tilespmem:s0+$0x0]  }
0x47: {  	v6 =	vld [tilespmem:s0+$0x10];
	v7 =	vshrl.u32 v1, $0xE  }
0x48: {  	v12 =	vld [tilespmem:s0+$0xFFFFFFC0];
	v8 =	vshrl.u32 v2, $0xE  }
0x49: {  	v9 =	vld [tilespmem:s0+$0x20];
	v10 =	vshrl.u32 v3, $0xE  }
0x4a: {  	v11 =	vshrl.u32 v4, $0xE  }
0x4b: {  	v13 =	vshrl.u32 v5, $0xE  }
0x4c: {  	v14 =	vshrl.u32 v6, $0xE;
	v15 =	vld.idx.msk [tilespmem:v7+s2+$0x0], $0xffff  }
0x4d: {  	v21 =	vshrl.u32 v12, $0xE;
	v16 =	vld.idx.msk [tilespmem:v8+s2+$0x0], $0xffff  }
0x4e: {  	v17 =	vshrl.u32 v9, $0xE;
	v18 =	vld.idx.msk [tilespmem:v10+s2+$0x0], $0xffff  }
0x4f: {  	v1 =	vand.u32 $0x3FFF, v1;
	v19 =	vld.idx.msk [tilespmem:v11+s2+$0x0], $0xffff  }
0x50: {  	v2 =	vand.u32 $0x3FFF, v2;
	v20 =	vld.idx.msk [tilespmem:v13+s2+$0x0], $0xffff  }
0x51: {  	v3 =	vand.u32 $0x3FFF, v3;
	v22 =	vld.idx.msk [tilespmem:v14+s2+$0x0], $0xffff  }
0x52: {  	v4 =	vand.u32 $0x3FFF, v4;
	v40 =	vld.idx.msk [tilespmem:v21+s2+$0x0], $0xffff  }
0x53: {  	v12 =	vand.u32 $0x3FFF, v12;
	v23 =	vld.idx.msk [tilespmem:v17+s2+$0x0], $0xffff;
	v24 =	vshll.u32 v15, $0x10  }
0x54: {  	v5 =	vand.u32 $0x3FFF, v5;
	v39 =	vshll.u32 v16, $0x10;
	[tilespmem:v1+s19+$0x0] =	vst.idx.add.f32.msk $0xffff, v24  }
0x55: {  	v6 =	vand.u32 $0x3FFF, v6;
	v41 =	vshll.u32 v18, $0x10;
	[tilespmem:v2+s19+$0x0] =	vst.idx.add.f32.msk $0xffff, v39  }
0x56: {  	v43 =	vshll.u32 v19, $0x10;
	[tilespmem:v3+s19+$0x0] =	vst.idx.add.f32.msk $0xffff, v41  }
0x57: {  	v45 =	vshll.u32 v40, $0x10;
	[tilespmem:v4+s19+$0x0] =	vst.idx.add.f32.msk $0xffff, v43  }
0x58: {  	v47 =	vshll.u32 v20, $0x10;
	[tilespmem:v12+s19+$0x0] =	vst.idx.add.f32.msk $0xffff, v45  }
0x59: {  	v49 =	vshll.u32 v22, $0x10;
	[tilespmem:v5+s19+$0x0] =	vst.idx.add.f32.msk $0xffff, v47  }
0x5a: {  	v15 =	vand.u32 $0xFFFF0000, v15;
	[tilespmem:v6+s19+$0x0] =	vst.idx.add.f32.msk $0xffff, v49  }
0x5b: {  	v16 =	vand.u32 $0xFFFF0000, v16;
	[tilespmem:v1+s20+$0x0] =	vst.idx.add.f32.msk $0xffff, v15  }
0x5c: {  	v42 =	vand.u32 $0xFFFF0000, v18;
	[tilespmem:v2+s20+$0x0] =	vst.idx.add.f32.msk $0xffff, v16  }
0x5d: {  	v46 =	vand.u32 $0xFFFF0000, v19;
	[tilespmem:v3+s20+$0x0] =	vst.idx.add.f32.msk $0xffff, v42  }
0x5e: {  	v48 =	vand.u32 $0xFFFF0000, v20;
	[tilespmem:v4+s20+$0x0] =	vst.idx.add.f32.msk $0xffff, v46  }
0x5f: {  	v50 =	vand.u32 $0xFFFF0000, v22;
	[tilespmem:v5+s20+$0x0] =	vst.idx.add.f32.msk $0xffff, v48  }
0x60: {  	[tilespmem:v6+s20+$0x0] =	vst.idx.add.f32.msk $0xffff, v50  }
0x61: {  	v7 =	vld.idx.msk [tilespmem:v7+s14+$0x0], $0xffff  }
0x62: {  	v8 =	vld.idx.msk [tilespmem:v8+s14+$0x0], $0xffff  }
0x63: {  	v54 =	vld.idx.msk [tilespmem:v10+s14+$0x0], $0xffff  }
0x64: {  	v55 =	vld.idx.msk [tilespmem:v11+s14+$0x0], $0xffff  }
0x65: {  	v56 =	vld.idx.msk [tilespmem:v13+s14+$0x0], $0xffff  }
0x66: {  	v57 =	vld.idx.msk [tilespmem:v14+s14+$0x0], $0xffff;
	v44 =	vshll.u32 v7, $0x10  }
0x67: {  	v60 =	vshll.u32 v8, $0x10;
	[tilespmem:v1+s21+$0x0] =	vst.idx.add.f32.msk $0xffff, v44  }
0x68: {  	v62 =	vshll.u32 v54, $0x10;
	[tilespmem:v2+s21+$0x0] =	vst.idx.add.f32.msk $0xffff, v60  }
0x69: {  	v63 =	vshll.u32 v55, $0x10;
	[tilespmem:v3+s21+$0x0] =	vst.idx.add.f32.msk $0xffff, v62  }
0x6a: {  	v7 =	vand.u32 $0xFFFF0000, v7;
	[tilespmem:v4+s21+$0x0] =	vst.idx.add.f32.msk $0xffff, v63  }
0x6b: {  	v61 =	vand.u32 $0xFFFF0000, v8;
	[tilespmem:v1+s22+$0x0] =	vst.idx.add.f32.msk $0xffff, v7  }
0x6c: {  	v1 =	vand.u32 $0xFFFF0000, v40;
	[tilespmem:v2+s22+$0x0] =	vst.idx.add.f32.msk $0xffff, v61  }
0x6d: {  	v2 =	vand.u32 $0xFFFF0000, v54;
	[tilespmem:v12+s20+$0x0] =	vst.idx.add.f32.msk $0xffff, v1;
	v1 =	vand.u32 $0x3FFF, v9  }
0x6e: {  	[tilespmem:v3+s22+$0x0] =	vst.idx.add.f32.msk $0xffff, v2  }
0x6f: {  	v2 =	vand.u32 $0xFFFF0000, v55;
	v53 =	vld.idx.msk [tilespmem:v21+s14+$0x0], $0xffff  }
0x70: {  	v3 =	vshll.u32 v56, $0x10;
	[tilespmem:v4+s22+$0x0] =	vst.idx.add.f32.msk $0xffff, v2  }
0x71: {  	v51 =	vshll.u32 v23, $0x10;
	[tilespmem:v5+s21+$0x0] =	vst.idx.add.f32.msk $0xffff, v3  }
0x72: {  	v52 =	vand.u32 $0xFFFF0000, v23;
	[tilespmem:v1+s19+$0x0] =	vst.idx.add.f32.msk $0xffff, v51  }
0x73: {  	[tilespmem:v1+s20+$0x0] =	vst.idx.add.f32.msk $0xffff, v52  }
0x74: {  	v2 =	vand.u32 $0xFFFF0000, v56;
	v59 =	vld.idx.msk [tilespmem:v17+s14+$0x0], $0xffff  }
0x75: {  	v3 =	vshll.u32 v57, $0x10;
	[tilespmem:v5+s22+$0x0] =	vst.idx.add.f32.msk $0xffff, v2  }
0x76: {  	v4 =	vand.u32 $0xFFFF0000, v57;
	[tilespmem:v6+s21+$0x0] =	vst.idx.add.f32.msk $0xffff, v3  }
0x77: {  	[tilespmem:v6+s22+$0x0] =	vst.idx.add.f32.msk $0xffff, v4;
	v58 =	vshll.u32 v53, $0x10  }
0x78: {  	s30 =	simm.s32 $0x0;
	v7 =	vand.u32 $0xFFFF0000, v53;
	[tilespmem:v12+s21+$0x0] =	vst.idx.add.f32.msk $0xffff, v58  }
0x79: {  	s28 =	simm.s32 $0x1EF0;
	s29 =	simm.s32 $0x10F00;
	s31 =	simm.s32 $0xF0C0;
	[tilespmem:v12+s22+$0x0] =	vst.idx.add.f32.msk $0xffff, v7;
	v3 =	vshll.u32 v59, $0x10;
	v2 =	vand.u32 $0xFFFF0000, v59  }
.LBB2_5:
0x7a: {  	v4 =	vld [tilespmem:s31+$0x30]  }
0x7b: {  	v5 =	vld [tilespmem:s31+$0xFFFFFFD0]  }
0x7c: {  	s30 =	sadd.s32 $0x80, s30;
	v6 =	vld [tilespmem:s31+$0xFFFFFFE0]  }
0x7d: {  	p0 =	slt.u32 s30, $0x1E80;
	v7 =	vld [tilespmem:s31+$0xFFFFFFF0]  }
0x7e: {  	v8 =	vld [tilespmem:s31+$0x0]  }
0x7f: {  	v9 =	vld [tilespmem:s31+$0x10];
	v10 =	vshrl.u32 v4, $0xE  }
0x80: {  	v11 =	vshrl.u32 v5, $0xE;
	v5 =	vand.u32 $0x3FFF, v5;
	v12 =	vld [tilespmem:s31+$0x20]  }
0x81: {  	v13 =	vld [tilespmem:s31+$0xFFFFFFC0];
	v14 =	vshrl.u32 v6, $0xE;
	v6 =	vand.u32 $0x3FFF, v6  }
0x82: {  	v15 =	vshrl.u32 v7, $0xE;
	v7 =	vand.u32 $0x3FFF, v7;
	[tilespmem:v1+s21+$0x0] =	vst.idx.add.f32.msk $0xffff, v3  }
0x83: {  	v3 =	vshrl.u32 v8, $0xE;
	v8 =	vand.u32 $0x3FFF, v8;
	[tilespmem:v1+s22+$0x0] =	vst.idx.add.f32.msk $0xffff, v2  }
0x84: {  	v2 =	vshrl.u32 v9, $0xE;
	v9 =	vand.u32 $0x3FFF, v9;
	v16 =	vld.idx.msk [tilespmem:v10+s2+$0x0], $0xffff  }
0x85: {  	v17 =	vld.idx.msk [tilespmem:v11+s2+$0x0], $0xffff;
	v18 =	vshrl.u32 v12, $0xE;
	v1 =	vand.u32 $0x3FFF, v12  }
0x86: {  	v4 =	vand.u32 $0x3FFF, v4;
	v12 =	vshrl.u32 v13, $0xE;
	v13 =	vand.u32 $0x3FFF, v13;
	v19 =	vld.idx.msk [tilespmem:v14+s2+$0x0], $0xffff  }
0x87: {  	v20 =	vld.idx.msk [tilespmem:v15+s2+$0x0], $0xffff  }
0x88: {  	v21 =	vld.idx.msk [tilespmem:v3+s2+$0x0], $0xffff  }
0x89: {  	v22 =	vld.idx.msk [tilespmem:v2+s2+$0x0], $0xffff  }
0x8a: {  	v24 =	vshll.u32 v16, $0x10;
	v23 =	vld.idx.msk [tilespmem:v18+s2+$0x0], $0xffff  }
0x8b: {  	v16 =	vand.u32 $0xFFFF0000, v16;
	v25 =	vshll.u32 v17, $0x10;
	v17 =	vand.u32 $0xFFFF0000, v17;
	[tilespmem:v4+s19+$0x0] =	vst.idx.add.f32.msk $0xffff, v24  }
0x8c: {  	v24 =	vshll.u32 v19, $0x10;
	v19 =	vand.u32 $0xFFFF0000, v19;
	[tilespmem:v4+s20+$0x0] =	vst.idx.add.f32.msk $0xffff, v16  }
0x8d: {  	v16 =	vshll.u32 v20, $0x10;
	v20 =	vand.u32 $0xFFFF0000, v20;
	v10 =	vld.idx.msk [tilespmem:v10+s14+$0x0], $0xffff  }
0x8e: {  	v27 =	vshll.u32 v21, $0x10;
	v21 =	vand.u32 $0xFFFF0000, v21;
	v26 =	vld.idx.msk [tilespmem:v12+s2+$0x0], $0xffff  }
0x8f: {  	[tilespmem:v5+s19+$0x0] =	vst.idx.add.f32.msk $0xffff, v25;
	v25 =	vshll.u32 v22, $0x10;
	v22 =	vand.u32 $0xFFFF0000, v22  }
0x90: {  	[tilespmem:v5+s20+$0x0] =	vst.idx.add.f32.msk $0xffff, v17;
	v17 =	vshll.u32 v23, $0x10;
	v23 =	vand.u32 $0xFFFF0000, v23  }
0x91: {  	[tilespmem:v6+s19+$0x0] =	vst.idx.add.f32.msk $0xffff, v24  }
0x92: {  	[tilespmem:v6+s20+$0x0] =	vst.idx.add.f32.msk $0xffff, v19  }
0x93: {  	[tilespmem:v7+s19+$0x0] =	vst.idx.add.f32.msk $0xffff, v16;
	v16 =	vshll.u32 v10, $0x10  }
0x94: {  	v19 =	vshll.u32 v26, $0x10;
	v24 =	vand.u32 $0xFFFF0000, v26;
	v10 =	vand.u32 $0xFFFF0000, v10;
	[tilespmem:v4+s21+$0x0] =	vst.idx.add.f32.msk $0xffff, v16  }
0x95: {  	[tilespmem:v4+s22+$0x0] =	vst.idx.add.f32.msk $0xffff, v10  }
0x96: {  	[tilespmem:v13+s19+$0x0] =	vst.idx.add.f32.msk $0xffff, v19  }
0x97: {  	[tilespmem:v13+s20+$0x0] =	vst.idx.add.f32.msk $0xffff, v24  }
0x98: {  	[tilespmem:v7+s20+$0x0] =	vst.idx.add.f32.msk $0xffff, v20  }
0x99: {  	[tilespmem:v8+s19+$0x0] =	vst.idx.add.f32.msk $0xffff, v27  }
0x9a: {  	[tilespmem:v8+s20+$0x0] =	vst.idx.add.f32.msk $0xffff, v21  }
0x9b: {  	[tilespmem:v9+s19+$0x0] =	vst.idx.add.f32.msk $0xffff, v25  }
0x9c: {  	[tilespmem:v9+s20+$0x0] =	vst.idx.add.f32.msk $0xffff, v22  }
0x9d: {  	[tilespmem:v1+s19+$0x0] =	vst.idx.add.f32.msk $0xffff, v17  }
0x9e: {  	[tilespmem:v1+s20+$0x0] =	vst.idx.add.f32.msk $0xffff, v23  }
0x9f: {  	v4 =	vld.idx.msk [tilespmem:v12+s14+$0x0], $0xffff  }
0xa0: {  	v10 =	vld.idx.msk [tilespmem:v11+s14+$0x0], $0xffff  }
0xa1: {  	v11 =	vld.idx.msk [tilespmem:v14+s14+$0x0], $0xffff  }
0xa2: {  	v12 =	vld.idx.msk [tilespmem:v15+s14+$0x0], $0xffff  }
0xa3: {  	v3 =	vld.idx.msk [tilespmem:v3+s14+$0x0], $0xffff  }
0xa4: {  	v2 =	vld.idx.msk [tilespmem:v2+s14+$0x0], $0xffff  }
0xa5: {  	v14 =	vshll.u32 v4, $0x10;
	v4 =	vand.u32 $0xFFFF0000, v4;
	v15 =	vld.idx.msk [tilespmem:v18+s14+$0x0], $0xffff  }
0xa6: {  	[tilespmem:v13+s21+$0x0] =	vst.idx.add.f32.msk $0xffff, v14;
	v14 =	vshll.u32 v10, $0x10;
	v10 =	vand.u32 $0xFFFF0000, v10  }
0xa7: {  	[tilespmem:v13+s22+$0x0] =	vst.idx.add.f32.msk $0xffff, v4;
	v4 =	vshll.u32 v11, $0x10;
	v11 =	vand.u32 $0xFFFF0000, v11  }
0xa8: {  	v13 =	vshll.u32 v12, $0x10;
	v12 =	vand.u32 $0xFFFF0000, v12;
	[tilespmem:v5+s21+$0x0] =	vst.idx.add.f32.msk $0xffff, v14  }
0xa9: {  	[tilespmem:v5+s22+$0x0] =	vst.idx.add.f32.msk $0xffff, v10;
	v5 =	vshll.u32 v3, $0x10;
	v10 =	vand.u32 $0xFFFF0000, v3  }
0xaa: {  	v14 =	vand.u32 $0xFFFF0000, v2;
	[tilespmem:v6+s21+$0x0] =	vst.idx.add.f32.msk $0xffff, v4;
	v4 =	vshll.u32 v2, $0x10  }
0xab: {  	v3 =	vshll.u32 v15, $0x10;
	v2 =	vand.u32 $0xFFFF0000, v15;
	[tilespmem:v6+s22+$0x0] =	vst.idx.add.f32.msk $0xffff, v11  }
0xac: {  	[tilespmem:v7+s21+$0x0] =	vst.idx.add.f32.msk $0xffff, v13  }
.Ltmp1:
0xad: {  	[tilespmem:v7+s22+$0x0] =	vst.idx.add.f32.msk $0xffff, v12;
	(pc) =	sbr.rel @p0 .LBB2_5-.Ltmp1, $4  }
0xae: {  	[tilespmem:v8+s21+$0x0] =	vst.idx.add.f32.msk $0xffff, v5  }
0xaf: {  	[tilespmem:v8+s22+$0x0] =	vst.idx.add.f32.msk $0xffff, v10  }
0xb0: {  	[tilespmem:v9+s21+$0x0] =	vst.idx.add.f32.msk $0xffff, v4  }
0xb1: {  	s31 =	sadd.s32 $0x80, s31;
	[tilespmem:v9+s22+$0x0] =	vst.idx.add.f32.msk $0xffff, v14  }
0xb2: {  	_ =	sdelay $0x3  }
0xb3: {  	[tilespmem:v1+s21+$0x0] =	vst.idx.add.f32.msk $0xffff, v3  }
0xb4: {  	[tilespmem:v1+s22+$0x0] =	vst.idx.add.f32.msk $0xffff, v2  }
.LBB2_7:
0xb5: {  	v1 =	vld [tilespmem:s29+$0x0];
	_ =	sdelay $0x4  }
0xb6: {  	v2 =	vshrl.u32 v1, $0xE;
	_ =	sdelay $0x4  }
0xb7: {  	v3 =	vld.idx.msk [tilespmem:v2+s2+$0x0], $0xffff  }
0xb8: {  	v1 =	vand.u32 $0x3FFF, v1;
	_ =	sdelay $0x3  }
0xb9: {  	v4 =	vshll.u32 v3, $0x10  }
0xba: {  	v3 =	vand.u32 $0xFFFF0000, v3;
	[tilespmem:v1+s19+$0x0] =	vst.idx.add.f32.msk $0xffff, v4  }
0xbb: {  	[tilespmem:v1+s20+$0x0] =	vst.idx.add.f32.msk $0xffff, v3  }
0xbc: {  	v2 =	vld.idx.msk [tilespmem:v2+s14+$0x0], $0xffff  }
0xbd: {  	s28 =	sadd.s32 $0x10, s28  }
0xbe: {  	p0 =	slt.u32 s28, $0x1F30  }
.Ltmp2:
0xbf: {  	_ = 	snop;
	(pc) =	sbr.rel @p0 .LBB2_7-.Ltmp2, $4  }
0xc0: {  	_ = 	snop  }
0xc1: {  	v3 =	vshll.u32 v2, $0x10  }
0xc2: {  	v2 =	vand.u32 $0xFFFF0000, v2;
	[tilespmem:v1+s21+$0x0] =	vst.idx.add.f32.msk $0xffff, v3  }
0xc3: {  	s29 =	sadd.s32 $0x10, s29;
	[tilespmem:v1+s22+$0x0] =	vst.idx.add.f32.msk $0xffff, v2  }
0xc4: {  	s0 =	smul.u32 $0x3E80, s26;
	_ =	sdelay $0x1  }
0xc5: {  	s0 =	sshrl.u32 s0, $0x3  }
0xc6: {  	s28 =	sadd.s32 s3, s0  }
0xc7: {  	s0 =	sadd.s32 $0x7D0, s28  }
0xc8: {  	[tilespmem:s15], [sflag:$0x2] =	stream.linear.gather [hbm4b:s0+s2], $0x1F40, $0x38;
	[tilespmem:$0x12F00] =	vst v63  }
0xc9: {  	_ =	swait.ge [sflag:s23], $0x1F40  }
0xca: {  	[sflag:s23] =	ssyncset.done $0x0  }
0xcb: {  	s0 =	simm.s32 $0x10FC0;
	[sflag:s23] =	ssyncadd.s32 $0xFFFFE0C0  }
0xcc: {  	v1 =	vld [tilespmem:s0+$0x30]  }
0xcd: {  	v2 =	vld [tilespmem:s0+$0xFFFFFFD0]  }
0xce: {  	v3 =	vld [tilespmem:s0+$0xFFFFFFE0]  }
0xcf: {  	v4 =	vld [tilespmem:s0+$0xFFFFFFF0]  }
0xd0: {  	v5 =	vld [tilespmem:s0+$0x0]  }
0xd1: {  	v6 =	vld [tilespmem:s0+$0x10];
	v7 =	vshrl.u32 v1, $0xE  }
0xd2: {  	v9 =	vld [tilespmem:s0+$0x20];
	v8 =	vshrl.u32 v2, $0xE  }
0xd3: {  	v12 =	vld [tilespmem:s0+$0xFFFFFFC0];
	v10 =	vshrl.u32 v3, $0xE  }
0xd4: {  	v11 =	vshrl.u32 v4, $0xE  }
0xd5: {  	v13 =	vshrl.u32 v5, $0xE  }
0xd6: {  	v14 =	vshrl.u32 v6, $0xE;
	v15 =	vld.idx.msk [tilespmem:v7+s2+$0x0], $0xffff  }
0xd7: {  	v17 =	vshrl.u32 v9, $0xE;
	v16 =	vld.idx.msk [tilespmem:v8+s2+$0x0], $0xffff  }
0xd8: {  	v21 =	vshrl.u32 v12, $0xE;
	v18 =	vld.idx.msk [tilespmem:v10+s2+$0x0], $0xffff  }
0xd9: {  	v1 =	vand.u32 $0x3FFF, v1;
	v19 =	vld.idx.msk [tilespmem:v11+s2+$0x0], $0xffff  }
0xda: {  	v2 =	vand.u32 $0x3FFF, v2;
	v20 =	vld.idx.msk [tilespmem:v13+s2+$0x0], $0xffff  }
0xdb: {  	v3 =	vand.u32 $0x3FFF, v3;
	v22 =	vld.idx.msk [tilespmem:v14+s2+$0x0], $0xffff  }
0xdc: {  	v4 =	vand.u32 $0x3FFF, v4;
	v23 =	vld.idx.msk [tilespmem:v17+s2+$0x0], $0xffff  }
0xdd: {  	v48 =	vld.idx.msk [tilespmem:v21+s2+$0x0], $0xffff;
	v24 =	vshll.u32 v15, $0x10  }
0xde: {  	v47 =	vshll.u32 v16, $0x10;
	[tilespmem:v1+s19+$0x0] =	vst.idx.add.f32.msk $0xffff, v24  }
0xdf: {  	v12 =	vand.u32 $0x3FFF, v12;
	v49 =	vshll.u32 v18, $0x10;
	[tilespmem:v2+s19+$0x0] =	vst.idx.add.f32.msk $0xffff, v47  }
0xe0: {  	v5 =	vand.u32 $0x3FFF, v5;
	v51 =	vshll.u32 v19, $0x10;
	[tilespmem:v3+s19+$0x0] =	vst.idx.add.f32.msk $0xffff, v49  }
0xe1: {  	v15 =	vand.u32 $0xFFFF0000, v15;
	[tilespmem:v4+s19+$0x0] =	vst.idx.add.f32.msk $0xffff, v51  }
0xe2: {  	[tilespmem:v1+s20+$0x0] =	vst.idx.add.f32.msk $0xffff, v15  }
0xe3: {  	v53 =	vshll.u32 v48, $0x10;
	v7 =	vld.idx.msk [tilespmem:v7+s14+$0x0], $0xffff  }
0xe4: {  	v54 =	vshll.u32 v20, $0x10;
	[tilespmem:v12+s19+$0x0] =	vst.idx.add.f32.msk $0xffff, v53  }
0xe5: {  	v16 =	vand.u32 $0xFFFF0000, v16;
	[tilespmem:v5+s19+$0x0] =	vst.idx.add.f32.msk $0xffff, v54  }
0xe6: {  	v50 =	vand.u32 $0xFFFF0000, v18;
	[tilespmem:v2+s20+$0x0] =	vst.idx.add.f32.msk $0xffff, v16  }
0xe7: {  	[tilespmem:v3+s20+$0x0] =	vst.idx.add.f32.msk $0xffff, v50  }
0xe8: {  	v8 =	vld.idx.msk [tilespmem:v8+s14+$0x0], $0xffff;
	v52 =	vshll.u32 v7, $0x10  }
0xe9: {  	v7 =	vand.u32 $0xFFFF0000, v7;
	[tilespmem:v1+s21+$0x0] =	vst.idx.add.f32.msk $0xffff, v52  }
0xea: {  	[tilespmem:v1+s22+$0x0] =	vst.idx.add.f32.msk $0xffff, v7;
	v7 =	vand.u32 $0x3FFF, v6  }
0xeb: {  	v57 =	vld.idx.msk [tilespmem:v10+s14+$0x0], $0xffff;
	v1 =	vand.u32 $0xFFFF0000, v48  }
0xec: {  	v6 =	vand.u32 $0xFFFF0000, v19;
	[tilespmem:v12+s20+$0x0] =	vst.idx.add.f32.msk $0xffff, v1;
	v1 =	vand.u32 $0x3FFF, v9  }
0xed: {  	[tilespmem:v4+s20+$0x0] =	vst.idx.add.f32.msk $0xffff, v6;
	v6 =	vand.u32 $0xFFFF0000, v20  }
0xee: {  	v55 =	vshll.u32 v22, $0x10;
	[tilespmem:v5+s20+$0x0] =	vst.idx.add.f32.msk $0xffff, v6  }
0xef: {  	v6 =	vand.u32 $0xFFFF0000, v22;
	[tilespmem:v7+s19+$0x0] =	vst.idx.add.f32.msk $0xffff, v55  }
0xf0: {  	v56 =	vshll.u32 v23, $0x10;
	[tilespmem:v7+s20+$0x0] =	vst.idx.add.f32.msk $0xffff, v6  }
0xf1: {  	v6 =	vand.u32 $0xFFFF0000, v23;
	[tilespmem:v1+s19+$0x0] =	vst.idx.add.f32.msk $0xffff, v56  }
0xf2: {  	[tilespmem:v1+s20+$0x0] =	vst.idx.add.f32.msk $0xffff, v6  }
0xf3: {  	v63 =	vshll.u32 v8, $0x10;
	v6 =	vld.idx.msk [tilespmem:v21+s14+$0x0], $0xffff  }
0xf4: {  	[tilespmem:v2+s21+$0x0] =	vst.idx.add.f32.msk $0xffff, v63  }
0xf5: {  	v58 =	vld.idx.msk [tilespmem:v11+s14+$0x0], $0xffff  }
0xf6: {  	v59 =	vld.idx.msk [tilespmem:v13+s14+$0x0], $0xffff  }
0xf7: {  	v60 =	vld.idx.msk [tilespmem:v14+s14+$0x0], $0xffff  }
0xf8: {  	v62 =	vld.idx.msk [tilespmem:v17+s14+$0x0], $0xffff;
	v61 =	vshll.u32 v6, $0x10  }
0xf9: {  	v6 =	vand.u32 $0xFFFF0000, v6;
	[tilespmem:v12+s21+$0x0] =	vst.idx.add.f32.msk $0xffff, v61  }
0xfa: {  	[tilespmem:v12+s22+$0x0] =	vst.idx.add.f32.msk $0xffff, v6;
	v6 =	vand.u32 $0xFFFF0000, v8  }
0xfb: {  	v8 =	vshll.u32 v57, $0x10;
	[tilespmem:v2+s22+$0x0] =	vst.idx.add.f32.msk $0xffff, v6  }
0xfc: {  	v2 =	vand.u32 $0xFFFF0000, v57;
	[tilespmem:v3+s21+$0x0] =	vst.idx.add.f32.msk $0xffff, v8  }
0xfd: {  	v6 =	vshll.u32 v58, $0x10;
	[tilespmem:v3+s22+$0x0] =	vst.idx.add.f32.msk $0xffff, v2  }
0xfe: {  	v2 =	vand.u32 $0xFFFF0000, v58;
	[tilespmem:v4+s21+$0x0] =	vst.idx.add.f32.msk $0xffff, v6  }
0xff: {  	v3 =	vshll.u32 v59, $0x10;
	[tilespmem:v4+s22+$0x0] =	vst.idx.add.f32.msk $0xffff, v2  }
0x100: {  	v2 =	vand.u32 $0xFFFF0000, v59;
	[tilespmem:v5+s21+$0x0] =	vst.idx.add.f32.msk $0xffff, v3  }
0x101: {  	v3 =	vshll.u32 v60, $0x10;
	[tilespmem:v5+s22+$0x0] =	vst.idx.add.f32.msk $0xffff, v2  }
0x102: {  	v2 =	vand.u32 $0xFFFF0000, v60;
	[tilespmem:v7+s21+$0x0] =	vst.idx.add.f32.msk $0xffff, v3  }
0x103: {  	s30 =	simm.s32 $0x0;
	s29 =	simm.s32 $0x12E80;
	s31 =	simm.s32 $0x11040;
	v6 =	vshll.u32 v62, $0x10;
	v5 =	vand.u32 $0xFFFF0000, v62;
	[tilespmem:v7+s22+$0x0] =	vst.idx.add.f32.msk $0xffff, v2  }
.LBB2_9:
0x104: {  	v7 =	vld [tilespmem:s31+$0x30]  }
0x105: {  	v2 =	vld [tilespmem:s31+$0xFFFFFFD0]  }
0x106: {  	s30 =	sadd.s32 $0x80, s30;
	v3 =	vld [tilespmem:s31+$0xFFFFFFE0]  }
0x107: {  	p0 =	slt.u32 s30, $0x1E80;
	v4 =	vld [tilespmem:s31+$0xFFFFFFF0]  }
0x108: {  	v8 =	vld [tilespmem:s31+$0x0]  }
0x109: {  	v9 =	vld [tilespmem:s31+$0x10];
	v10 =	vshrl.u32 v7, $0xE  }
0x10a: {  	v11 =	vshrl.u32 v2, $0xE;
	v12 =	vand.u32 $0x3FFF, v2;
	v13 =	vld [tilespmem:s31+$0x20]  }
0x10b: {  	v14 =	vld [tilespmem:s31+$0xFFFFFFC0];
	v15 =	vshrl.u32 v3, $0xE;
	v16 =	vand.u32 $0x3FFF, v3  }
0x10c: {  	v17 =	vshrl.u32 v4, $0xE;
	v2 =	vand.u32 $0x3FFF, v4;
	[tilespmem:v1+s21+$0x0] =	vst.idx.add.f32.msk $0xffff, v6  }
0x10d: {  	v6 =	vshrl.u32 v8, $0xE;
	v3 =	vand.u32 $0x3FFF, v8;
	[tilespmem:v1+s22+$0x0] =	vst.idx.add.f32.msk $0xffff, v5  }
0x10e: {  	v5 =	vshrl.u32 v9, $0xE;
	v4 =	vand.u32 $0x3FFF, v9;
	v8 =	vld.idx.msk [tilespmem:v10+s2+$0x0], $0xffff  }
0x10f: {  	v9 =	vld.idx.msk [tilespmem:v11+s2+$0x0], $0xffff;
	v18 =	vshrl.u32 v13, $0xE;
	v1 =	vand.u32 $0x3FFF, v13  }
0x110: {  	v7 =	vand.u32 $0x3FFF, v7;
	v13 =	vshrl.u32 v14, $0xE;
	v14 =	vand.u32 $0x3FFF, v14;
	v19 =	vld.idx.msk [tilespmem:v15+s2+$0x0], $0xffff  }
0x111: {  	v20 =	vld.idx.msk [tilespmem:v17+s2+$0x0], $0xffff  }
0x112: {  	v21 =	vld.idx.msk [tilespmem:v6+s2+$0x0], $0xffff  }
0x113: {  	v22 =	vld.idx.msk [tilespmem:v5+s2+$0x0], $0xffff  }
0x114: {  	v24 =	vshll.u32 v8, $0x10;
	v23 =	vld.idx.msk [tilespmem:v18+s2+$0x0], $0xffff  }
0x115: {  	v8 =	vand.u32 $0xFFFF0000, v8;
	v25 =	vshll.u32 v9, $0x10;
	v9 =	vand.u32 $0xFFFF0000, v9;
	[tilespmem:v7+s19+$0x0] =	vst.idx.add.f32.msk $0xffff, v24  }
0x116: {  	v24 =	vshll.u32 v19, $0x10;
	v19 =	vand.u32 $0xFFFF0000, v19;
	[tilespmem:v7+s20+$0x0] =	vst.idx.add.f32.msk $0xffff, v8  }
0x117: {  	v8 =	vshll.u32 v20, $0x10;
	v20 =	vand.u32 $0xFFFF0000, v20;
	v10 =	vld.idx.msk [tilespmem:v10+s14+$0x0], $0xffff  }
0x118: {  	v27 =	vshll.u32 v21, $0x10;
	v21 =	vand.u32 $0xFFFF0000, v21;
	v26 =	vld.idx.msk [tilespmem:v13+s2+$0x0], $0xffff  }
0x119: {  	[tilespmem:v12+s19+$0x0] =	vst.idx.add.f32.msk $0xffff, v25;
	v25 =	vshll.u32 v22, $0x10;
	v22 =	vand.u32 $0xFFFF0000, v22  }
0x11a: {  	[tilespmem:v12+s20+$0x0] =	vst.idx.add.f32.msk $0xffff, v9;
	v9 =	vshll.u32 v23, $0x10;
	v23 =	vand.u32 $0xFFFF0000, v23  }
0x11b: {  	[tilespmem:v16+s19+$0x0] =	vst.idx.add.f32.msk $0xffff, v24  }
0x11c: {  	[tilespmem:v16+s20+$0x0] =	vst.idx.add.f32.msk $0xffff, v19  }
0x11d: {  	[tilespmem:v2+s19+$0x0] =	vst.idx.add.f32.msk $0xffff, v8;
	v8 =	vshll.u32 v10, $0x10  }
0x11e: {  	v19 =	vshll.u32 v26, $0x10;
	v24 =	vand.u32 $0xFFFF0000, v26;
	v10 =	vand.u32 $0xFFFF0000, v10;
	[tilespmem:v7+s21+$0x0] =	vst.idx.add.f32.msk $0xffff, v8  }
0x11f: {  	s0 =	simm.s32 $0x1EF0;
	[tilespmem:v7+s22+$0x0] =	vst.idx.add.f32.msk $0xffff, v10  }
0x120: {  	[tilespmem:v14+s19+$0x0] =	vst.idx.add.f32.msk $0xffff, v19  }
0x121: {  	[tilespmem:v14+s20+$0x0] =	vst.idx.add.f32.msk $0xffff, v24  }
0x122: {  	[tilespmem:v2+s20+$0x0] =	vst.idx.add.f32.msk $0xffff, v20  }
0x123: {  	[tilespmem:v3+s19+$0x0] =	vst.idx.add.f32.msk $0xffff, v27  }
0x124: {  	[tilespmem:v3+s20+$0x0] =	vst.idx.add.f32.msk $0xffff, v21  }
0x125: {  	[tilespmem:v4+s19+$0x0] =	vst.idx.add.f32.msk $0xffff, v25  }
0x126: {  	[tilespmem:v4+s20+$0x0] =	vst.idx.add.f32.msk $0xffff, v22  }
0x127: {  	[tilespmem:v1+s19+$0x0] =	vst.idx.add.f32.msk $0xffff, v9  }
0x128: {  	[tilespmem:v1+s20+$0x0] =	vst.idx.add.f32.msk $0xffff, v23  }
0x129: {  	v7 =	vld.idx.msk [tilespmem:v13+s14+$0x0], $0xffff  }
0x12a: {  	v8 =	vld.idx.msk [tilespmem:v11+s14+$0x0], $0xffff  }
0x12b: {  	v9 =	vld.idx.msk [tilespmem:v15+s14+$0x0], $0xffff  }
0x12c: {  	v10 =	vld.idx.msk [tilespmem:v17+s14+$0x0], $0xffff  }
0x12d: {  	v6 =	vld.idx.msk [tilespmem:v6+s14+$0x0], $0xffff  }
0x12e: {  	v5 =	vld.idx.msk [tilespmem:v5+s14+$0x0], $0xffff  }
0x12f: {  	v11 =	vshll.u32 v7, $0x10;
	v7 =	vand.u32 $0xFFFF0000, v7;
	v13 =	vld.idx.msk [tilespmem:v18+s14+$0x0], $0xffff  }
0x130: {  	[tilespmem:v14+s21+$0x0] =	vst.idx.add.f32.msk $0xffff, v11;
	v11 =	vshll.u32 v8, $0x10;
	v8 =	vand.u32 $0xFFFF0000, v8  }
0x131: {  	[tilespmem:v14+s22+$0x0] =	vst.idx.add.f32.msk $0xffff, v7;
	v7 =	vshll.u32 v9, $0x10;
	v9 =	vand.u32 $0xFFFF0000, v9  }
0x132: {  	[tilespmem:v12+s21+$0x0] =	vst.idx.add.f32.msk $0xffff, v11;
	v11 =	vshll.u32 v10, $0x10;
	v10 =	vand.u32 $0xFFFF0000, v10  }
0x133: {  	[tilespmem:v12+s22+$0x0] =	vst.idx.add.f32.msk $0xffff, v8;
	v8 =	vshll.u32 v6, $0x10;
	v12 =	vand.u32 $0xFFFF0000, v6  }
0x134: {  	v14 =	vand.u32 $0xFFFF0000, v5;
	[tilespmem:v16+s21+$0x0] =	vst.idx.add.f32.msk $0xffff, v7;
	v7 =	vshll.u32 v5, $0x10  }
0x135: {  	v6 =	vshll.u32 v13, $0x10;
	v5 =	vand.u32 $0xFFFF0000, v13;
	[tilespmem:v16+s22+$0x0] =	vst.idx.add.f32.msk $0xffff, v9  }
0x136: {  	[tilespmem:v2+s21+$0x0] =	vst.idx.add.f32.msk $0xffff, v11  }
.Ltmp3:
0x137: {  	[tilespmem:v2+s22+$0x0] =	vst.idx.add.f32.msk $0xffff, v10;
	(pc) =	sbr.rel @p0 .LBB2_9-.Ltmp3, $4  }
0x138: {  	[tilespmem:v3+s21+$0x0] =	vst.idx.add.f32.msk $0xffff, v8  }
0x139: {  	[tilespmem:v3+s22+$0x0] =	vst.idx.add.f32.msk $0xffff, v12  }
0x13a: {  	[tilespmem:v4+s21+$0x0] =	vst.idx.add.f32.msk $0xffff, v7  }
0x13b: {  	s31 =	sadd.s32 $0x80, s31;
	[tilespmem:v4+s22+$0x0] =	vst.idx.add.f32.msk $0xffff, v14  }
0x13c: {  	_ =	sdelay $0x3  }
0x13d: {  	[tilespmem:v1+s21+$0x0] =	vst.idx.add.f32.msk $0xffff, v6  }
0x13e: {  	[tilespmem:v1+s22+$0x0] =	vst.idx.add.f32.msk $0xffff, v5  }
.LBB2_11:
0x13f: {  	v1 =	vld [tilespmem:s29+$0x0];
	_ =	sdelay $0x4  }
0x140: {  	v2 =	vshrl.u32 v1, $0xE;
	_ =	sdelay $0x4  }
0x141: {  	v3 =	vld.idx.msk [tilespmem:v2+s2+$0x0], $0xffff  }
0x142: {  	v1 =	vand.u32 $0x3FFF, v1;
	_ =	sdelay $0x3  }
0x143: {  	v4 =	vshll.u32 v3, $0x10  }
0x144: {  	v3 =	vand.u32 $0xFFFF0000, v3;
	[tilespmem:v1+s19+$0x0] =	vst.idx.add.f32.msk $0xffff, v4  }
0x145: {  	[tilespmem:v1+s20+$0x0] =	vst.idx.add.f32.msk $0xffff, v3  }
0x146: {  	v2 =	vld.idx.msk [tilespmem:v2+s14+$0x0], $0xffff  }
0x147: {  	s0 =	sadd.s32 $0x10, s0  }
0x148: {  	p0 =	slt.u32 s0, $0x1F30  }
.Ltmp4:
0x149: {  	_ = 	snop;
	(pc) =	sbr.rel @p0 .LBB2_11-.Ltmp4, $4  }
0x14a: {  	_ = 	snop  }
0x14b: {  	v3 =	vshll.u32 v2, $0x10  }
0x14c: {  	v2 =	vand.u32 $0xFFFF0000, v2;
	[tilespmem:v1+s21+$0x0] =	vst.idx.add.f32.msk $0xffff, v3  }
0x14d: {  	s29 =	sadd.s32 $0x10, s29;
	[tilespmem:v1+s22+$0x0] =	vst.idx.add.f32.msk $0xffff, v2  }
0x14e: {  	s26 =	sadd.s32 $0x1, s26  }
0x14f: {  	p0 =	sne.s32 s26, $0x13  }
.Ltmp5:
0x150: {  	_ = 	snop;
	(pc) =	sbr.rel @p0 .LBB2_4-.Ltmp5, $3  }
0x151: {  	_ =	sdelay $0x1  }
0x152: {  	s0 =	sadd.s32 $0xBB8, s28  }
0x153: {  	[tilespmem:s16], [sflag:$0x3] =	stream.linear.gather [hbm4b:s0+s2], $0x1F40, $0x38;
	[tilespmem:$0x12F00] =	vst v63  }
0x154: {  	_ =	swait.ge [sflag:s18], $0x1F40  }
0x155: {  	[sflag:s18] =	ssyncset.done $0x0  }
0x156: {  	s0 =	simm.s32 $0xF040;
	[sflag:s18] =	ssyncadd.s32 $0xFFFFE0C0  }
0x157: {  	v1 =	vld [tilespmem:s0+$0x30]  }
0x158: {  	v2 =	vld [tilespmem:s0+$0xFFFFFFD0]  }
0x159: {  	v3 =	vld [tilespmem:s0+$0xFFFFFFE0]  }
0x15a: {  	v4 =	vld [tilespmem:s0+$0xFFFFFFF0]  }
0x15b: {  	v5 =	vld [tilespmem:s0+$0x0]  }
0x15c: {  	v6 =	vld [tilespmem:s0+$0x10];
	v7 =	vshrl.u32 v1, $0xE  }
0x15d: {  	v9 =	vld [tilespmem:s0+$0x20];
	v8 =	vshrl.u32 v2, $0xE  }
0x15e: {  	v12 =	vld [tilespmem:s0+$0xFFFFFFC0];
	v10 =	vshrl.u32 v3, $0xE  }
0x15f: {  	v11 =	vshrl.u32 v4, $0xE  }
0x160: {  	v13 =	vshrl.u32 v5, $0xE  }
0x161: {  	v14 =	vshrl.u32 v6, $0xE;
	v15 =	vld.idx.msk [tilespmem:v7+s2+$0x0], $0xffff  }
0x162: {  	v17 =	vshrl.u32 v9, $0xE;
	v16 =	vld.idx.msk [tilespmem:v8+s2+$0x0], $0xffff  }
0x163: {  	v21 =	vshrl.u32 v12, $0xE;
	v18 =	vld.idx.msk [tilespmem:v10+s2+$0x0], $0xffff  }
0x164: {  	v1 =	vand.u32 $0x3FFF, v1;
	v19 =	vld.idx.msk [tilespmem:v11+s2+$0x0], $0xffff  }
0x165: {  	v2 =	vand.u32 $0x3FFF, v2;
	v20 =	vld.idx.msk [tilespmem:v13+s2+$0x0], $0xffff  }
0x166: {  	v3 =	vand.u32 $0x3FFF, v3;
	v22 =	vld.idx.msk [tilespmem:v14+s2+$0x0], $0xffff  }
0x167: {  	v4 =	vand.u32 $0x3FFF, v4;
	v23 =	vld.idx.msk [tilespmem:v17+s2+$0x0], $0xffff  }
0x168: {  	v48 =	vld.idx.msk [tilespmem:v21+s2+$0x0], $0xffff;
	v24 =	vshll.u32 v15, $0x10  }
0x169: {  	v47 =	vshll.u32 v16, $0x10;
	[tilespmem:v1+s19+$0x0] =	vst.idx.add.f32.msk $0xffff, v24  }
0x16a: {  	v12 =	vand.u32 $0x3FFF, v12;
	v49 =	vshll.u32 v18, $0x10;
	[tilespmem:v2+s19+$0x0] =	vst.idx.add.f32.msk $0xffff, v47  }
0x16b: {  	v5 =	vand.u32 $0x3FFF, v5;
	v51 =	vshll.u32 v19, $0x10;
	[tilespmem:v3+s19+$0x0] =	vst.idx.add.f32.msk $0xffff, v49  }
0x16c: {  	v15 =	vand.u32 $0xFFFF0000, v15;
	[tilespmem:v4+s19+$0x0] =	vst.idx.add.f32.msk $0xffff, v51  }
0x16d: {  	[tilespmem:v1+s20+$0x0] =	vst.idx.add.f32.msk $0xffff, v15  }
0x16e: {  	v53 =	vshll.u32 v48, $0x10;
	v7 =	vld.idx.msk [tilespmem:v7+s14+$0x0], $0xffff  }
0x16f: {  	v54 =	vshll.u32 v20, $0x10;
	[tilespmem:v12+s19+$0x0] =	vst.idx.add.f32.msk $0xffff, v53  }
0x170: {  	v16 =	vand.u32 $0xFFFF0000, v16;
	[tilespmem:v5+s19+$0x0] =	vst.idx.add.f32.msk $0xffff, v54  }
0x171: {  	v50 =	vand.u32 $0xFFFF0000, v18;
	[tilespmem:v2+s20+$0x0] =	vst.idx.add.f32.msk $0xffff, v16  }
0x172: {  	[tilespmem:v3+s20+$0x0] =	vst.idx.add.f32.msk $0xffff, v50  }
0x173: {  	v8 =	vld.idx.msk [tilespmem:v8+s14+$0x0], $0xffff;
	v52 =	vshll.u32 v7, $0x10  }
0x174: {  	v7 =	vand.u32 $0xFFFF0000, v7;
	[tilespmem:v1+s21+$0x0] =	vst.idx.add.f32.msk $0xffff, v52  }
0x175: {  	[tilespmem:v1+s22+$0x0] =	vst.idx.add.f32.msk $0xffff, v7;
	v7 =	vand.u32 $0x3FFF, v6  }
0x176: {  	v57 =	vld.idx.msk [tilespmem:v10+s14+$0x0], $0xffff;
	v1 =	vand.u32 $0xFFFF0000, v48  }
0x177: {  	v6 =	vand.u32 $0xFFFF0000, v19;
	[tilespmem:v12+s20+$0x0] =	vst.idx.add.f32.msk $0xffff, v1;
	v1 =	vand.u32 $0x3FFF, v9  }
0x178: {  	[tilespmem:v4+s20+$0x0] =	vst.idx.add.f32.msk $0xffff, v6;
	v6 =	vand.u32 $0xFFFF0000, v20  }
0x179: {  	v55 =	vshll.u32 v22, $0x10;
	[tilespmem:v5+s20+$0x0] =	vst.idx.add.f32.msk $0xffff, v6  }
0x17a: {  	v6 =	vand.u32 $0xFFFF0000, v22;
	[tilespmem:v7+s19+$0x0] =	vst.idx.add.f32.msk $0xffff, v55  }
0x17b: {  	v56 =	vshll.u32 v23, $0x10;
	[tilespmem:v7+s20+$0x0] =	vst.idx.add.f32.msk $0xffff, v6  }
0x17c: {  	v6 =	vand.u32 $0xFFFF0000, v23;
	[tilespmem:v1+s19+$0x0] =	vst.idx.add.f32.msk $0xffff, v56  }
0x17d: {  	[tilespmem:v1+s20+$0x0] =	vst.idx.add.f32.msk $0xffff, v6  }
0x17e: {  	v63 =	vshll.u32 v8, $0x10;
	v6 =	vld.idx.msk [tilespmem:v21+s14+$0x0], $0xffff  }
0x17f: {  	[tilespmem:v2+s21+$0x0] =	vst.idx.add.f32.msk $0xffff, v63  }
0x180: {  	v58 =	vld.idx.msk [tilespmem:v11+s14+$0x0], $0xffff  }
0x181: {  	v59 =	vld.idx.msk [tilespmem:v13+s14+$0x0], $0xffff  }
0x182: {  	v60 =	vld.idx.msk [tilespmem:v14+s14+$0x0], $0xffff  }
0x183: {  	v62 =	vld.idx.msk [tilespmem:v17+s14+$0x0], $0xffff;
	v61 =	vshll.u32 v6, $0x10  }
0x184: {  	v6 =	vand.u32 $0xFFFF0000, v6;
	[tilespmem:v12+s21+$0x0] =	vst.idx.add.f32.msk $0xffff, v61  }
0x185: {  	[tilespmem:v12+s22+$0x0] =	vst.idx.add.f32.msk $0xffff, v6;
	v6 =	vand.u32 $0xFFFF0000, v8  }
0x186: {  	v8 =	vshll.u32 v57, $0x10;
	[tilespmem:v2+s22+$0x0] =	vst.idx.add.f32.msk $0xffff, v6  }
0x187: {  	v2 =	vand.u32 $0xFFFF0000, v57;
	[tilespmem:v3+s21+$0x0] =	vst.idx.add.f32.msk $0xffff, v8  }
0x188: {  	v6 =	vshll.u32 v58, $0x10;
	[tilespmem:v3+s22+$0x0] =	vst.idx.add.f32.msk $0xffff, v2  }
0x189: {  	v2 =	vand.u32 $0xFFFF0000, v58;
	[tilespmem:v4+s21+$0x0] =	vst.idx.add.f32.msk $0xffff, v6  }
0x18a: {  	v3 =	vshll.u32 v59, $0x10;
	[tilespmem:v4+s22+$0x0] =	vst.idx.add.f32.msk $0xffff, v2  }
0x18b: {  	v2 =	vand.u32 $0xFFFF0000, v59;
	[tilespmem:v5+s21+$0x0] =	vst.idx.add.f32.msk $0xffff, v3  }
0x18c: {  	v3 =	vshll.u32 v60, $0x10;
	[tilespmem:v5+s22+$0x0] =	vst.idx.add.f32.msk $0xffff, v2  }
0x18d: {  	v2 =	vand.u32 $0xFFFF0000, v60;
	[tilespmem:v7+s21+$0x0] =	vst.idx.add.f32.msk $0xffff, v3  }
0x18e: {  	s26 =	simm.s32 $0x0;
	s28 =	simm.s32 $0xF0C0;
	v6 =	vshll.u32 v62, $0x10;
	v5 =	vand.u32 $0xFFFF0000, v62;
	[tilespmem:v7+s22+$0x0] =	vst.idx.add.f32.msk $0xffff, v2  }
.LBB2_14:
0x18f: {  	v7 =	vld [tilespmem:s28+$0x30]  }
0x190: {  	v2 =	vld [tilespmem:s28+$0xFFFFFFD0]  }
0x191: {  	s26 =	sadd.s32 $0x80, s26;
	v3 =	vld [tilespmem:s28+$0xFFFFFFE0]  }
0x192: {  	p0 =	slt.u32 s26, $0x1E80;
	v4 =	vld [tilespmem:s28+$0xFFFFFFF0]  }
0x193: {  	v8 =	vld [tilespmem:s28+$0x0]  }
0x194: {  	v9 =	vld [tilespmem:s28+$0x10];
	v10 =	vshrl.u32 v7, $0xE  }
0x195: {  	v11 =	vshrl.u32 v2, $0xE;
	v12 =	vand.u32 $0x3FFF, v2;
	v13 =	vld [tilespmem:s28+$0x20]  }
0x196: {  	v14 =	vld [tilespmem:s28+$0xFFFFFFC0];
	v15 =	vshrl.u32 v3, $0xE;
	v16 =	vand.u32 $0x3FFF, v3  }
0x197: {  	v17 =	vshrl.u32 v4, $0xE;
	v2 =	vand.u32 $0x3FFF, v4;
	[tilespmem:v1+s21+$0x0] =	vst.idx.add.f32.msk $0xffff, v6  }
0x198: {  	v6 =	vshrl.u32 v8, $0xE;
	v3 =	vand.u32 $0x3FFF, v8;
	[tilespmem:v1+s22+$0x0] =	vst.idx.add.f32.msk $0xffff, v5  }
0x199: {  	v5 =	vshrl.u32 v9, $0xE;
	v4 =	vand.u32 $0x3FFF, v9;
	v8 =	vld.idx.msk [tilespmem:v10+s2+$0x0], $0xffff  }
0x19a: {  	v9 =	vld.idx.msk [tilespmem:v11+s2+$0x0], $0xffff;
	v18 =	vshrl.u32 v13, $0xE;
	v1 =	vand.u32 $0x3FFF, v13  }
0x19b: {  	v7 =	vand.u32 $0x3FFF, v7;
	v13 =	vshrl.u32 v14, $0xE;
	v14 =	vand.u32 $0x3FFF, v14;
	v19 =	vld.idx.msk [tilespmem:v15+s2+$0x0], $0xffff  }
0x19c: {  	v20 =	vld.idx.msk [tilespmem:v17+s2+$0x0], $0xffff  }
0x19d: {  	v21 =	vld.idx.msk [tilespmem:v6+s2+$0x0], $0xffff  }
0x19e: {  	v22 =	vld.idx.msk [tilespmem:v5+s2+$0x0], $0xffff  }
0x19f: {  	v24 =	vshll.u32 v8, $0x10;
	v23 =	vld.idx.msk [tilespmem:v18+s2+$0x0], $0xffff  }
0x1a0: {  	v8 =	vand.u32 $0xFFFF0000, v8;
	v25 =	vshll.u32 v9, $0x10;
	v9 =	vand.u32 $0xFFFF0000, v9;
	[tilespmem:v7+s19+$0x0] =	vst.idx.add.f32.msk $0xffff, v24  }
0x1a1: {  	v24 =	vshll.u32 v19, $0x10;
	v19 =	vand.u32 $0xFFFF0000, v19;
	[tilespmem:v7+s20+$0x0] =	vst.idx.add.f32.msk $0xffff, v8  }
0x1a2: {  	v8 =	vshll.u32 v20, $0x10;
	v20 =	vand.u32 $0xFFFF0000, v20;
	v10 =	vld.idx.msk [tilespmem:v10+s14+$0x0], $0xffff  }
0x1a3: {  	v27 =	vshll.u32 v21, $0x10;
	v21 =	vand.u32 $0xFFFF0000, v21;
	v26 =	vld.idx.msk [tilespmem:v13+s2+$0x0], $0xffff  }
0x1a4: {  	[tilespmem:v12+s19+$0x0] =	vst.idx.add.f32.msk $0xffff, v25;
	v25 =	vshll.u32 v22, $0x10;
	v22 =	vand.u32 $0xFFFF0000, v22  }
0x1a5: {  	[tilespmem:v12+s20+$0x0] =	vst.idx.add.f32.msk $0xffff, v9;
	v9 =	vshll.u32 v23, $0x10;
	v23 =	vand.u32 $0xFFFF0000, v23  }
0x1a6: {  	[tilespmem:v16+s19+$0x0] =	vst.idx.add.f32.msk $0xffff, v24  }
0x1a7: {  	[tilespmem:v16+s20+$0x0] =	vst.idx.add.f32.msk $0xffff, v19  }
0x1a8: {  	[tilespmem:v2+s19+$0x0] =	vst.idx.add.f32.msk $0xffff, v8;
	v8 =	vshll.u32 v10, $0x10  }
0x1a9: {  	v19 =	vshll.u32 v26, $0x10;
	v24 =	vand.u32 $0xFFFF0000, v26;
	v10 =	vand.u32 $0xFFFF0000, v10;
	[tilespmem:v7+s21+$0x0] =	vst.idx.add.f32.msk $0xffff, v8  }
0x1aa: {  	s29 =	simm.s32 $0x1EF0;
	s0 =	simm.s32 $0x10F00;
	[tilespmem:v7+s22+$0x0] =	vst.idx.add.f32.msk $0xffff, v10  }
0x1ab: {  	[tilespmem:v14+s19+$0x0] =	vst.idx.add.f32.msk $0xffff, v19  }
0x1ac: {  	[tilespmem:v14+s20+$0x0] =	vst.idx.add.f32.msk $0xffff, v24  }
0x1ad: {  	[tilespmem:v2+s20+$0x0] =	vst.idx.add.f32.msk $0xffff, v20  }
0x1ae: {  	[tilespmem:v3+s19+$0x0] =	vst.idx.add.f32.msk $0xffff, v27  }
0x1af: {  	[tilespmem:v3+s20+$0x0] =	vst.idx.add.f32.msk $0xffff, v21  }
0x1b0: {  	[tilespmem:v4+s19+$0x0] =	vst.idx.add.f32.msk $0xffff, v25  }
0x1b1: {  	[tilespmem:v4+s20+$0x0] =	vst.idx.add.f32.msk $0xffff, v22  }
0x1b2: {  	[tilespmem:v1+s19+$0x0] =	vst.idx.add.f32.msk $0xffff, v9  }
0x1b3: {  	[tilespmem:v1+s20+$0x0] =	vst.idx.add.f32.msk $0xffff, v23  }
0x1b4: {  	v7 =	vld.idx.msk [tilespmem:v13+s14+$0x0], $0xffff  }
0x1b5: {  	v8 =	vld.idx.msk [tilespmem:v11+s14+$0x0], $0xffff  }
0x1b6: {  	v9 =	vld.idx.msk [tilespmem:v15+s14+$0x0], $0xffff  }
0x1b7: {  	v10 =	vld.idx.msk [tilespmem:v17+s14+$0x0], $0xffff  }
0x1b8: {  	v6 =	vld.idx.msk [tilespmem:v6+s14+$0x0], $0xffff  }
0x1b9: {  	v5 =	vld.idx.msk [tilespmem:v5+s14+$0x0], $0xffff  }
0x1ba: {  	v11 =	vshll.u32 v7, $0x10;
	v7 =	vand.u32 $0xFFFF0000, v7;
	v13 =	vld.idx.msk [tilespmem:v18+s14+$0x0], $0xffff  }
0x1bb: {  	[tilespmem:v14+s21+$0x0] =	vst.idx.add.f32.msk $0xffff, v11;
	v11 =	vshll.u32 v8, $0x10;
	v8 =	vand.u32 $0xFFFF0000, v8  }
0x1bc: {  	[tilespmem:v14+s22+$0x0] =	vst.idx.add.f32.msk $0xffff, v7;
	v7 =	vshll.u32 v9, $0x10;
	v9 =	vand.u32 $0xFFFF0000, v9  }
0x1bd: {  	[tilespmem:v12+s21+$0x0] =	vst.idx.add.f32.msk $0xffff, v11;
	v11 =	vshll.u32 v10, $0x10;
	v10 =	vand.u32 $0xFFFF0000, v10  }
0x1be: {  	[tilespmem:v12+s22+$0x0] =	vst.idx.add.f32.msk $0xffff, v8;
	v8 =	vshll.u32 v6, $0x10;
	v12 =	vand.u32 $0xFFFF0000, v6  }
0x1bf: {  	v14 =	vand.u32 $0xFFFF0000, v5;
	[tilespmem:v16+s21+$0x0] =	vst.idx.add.f32.msk $0xffff, v7;
	v7 =	vshll.u32 v5, $0x10  }
0x1c0: {  	v6 =	vshll.u32 v13, $0x10;
	v5 =	vand.u32 $0xFFFF0000, v13;
	[tilespmem:v16+s22+$0x0] =	vst.idx.add.f32.msk $0xffff, v9  }
0x1c1: {  	[tilespmem:v2+s21+$0x0] =	vst.idx.add.f32.msk $0xffff, v11  }
.Ltmp6:
0x1c2: {  	[tilespmem:v2+s22+$0x0] =	vst.idx.add.f32.msk $0xffff, v10;
	(pc) =	sbr.rel @p0 .LBB2_14-.Ltmp6, $4  }
0x1c3: {  	[tilespmem:v3+s21+$0x0] =	vst.idx.add.f32.msk $0xffff, v8  }
0x1c4: {  	[tilespmem:v3+s22+$0x0] =	vst.idx.add.f32.msk $0xffff, v12  }
0x1c5: {  	[tilespmem:v4+s21+$0x0] =	vst.idx.add.f32.msk $0xffff, v7  }
0x1c6: {  	s28 =	sadd.s32 $0x80, s28;
	[tilespmem:v4+s22+$0x0] =	vst.idx.add.f32.msk $0xffff, v14  }
0x1c7: {  	_ =	sdelay $0x3  }
0x1c8: {  	[tilespmem:v1+s21+$0x0] =	vst.idx.add.f32.msk $0xffff, v6  }
0x1c9: {  	[tilespmem:v1+s22+$0x0] =	vst.idx.add.f32.msk $0xffff, v5  }
.LBB2_16:
0x1ca: {  	v1 =	vld [tilespmem:s0+$0x0];
	_ =	sdelay $0x4  }
0x1cb: {  	v2 =	vshrl.u32 v1, $0xE;
	_ =	sdelay $0x4  }
0x1cc: {  	v3 =	vld.idx.msk [tilespmem:v2+s2+$0x0], $0xffff  }
0x1cd: {  	v1 =	vand.u32 $0x3FFF, v1;
	_ =	sdelay $0x3  }
0x1ce: {  	v4 =	vshll.u32 v3, $0x10  }
0x1cf: {  	v3 =	vand.u32 $0xFFFF0000, v3;
	[tilespmem:v1+s19+$0x0] =	vst.idx.add.f32.msk $0xffff, v4  }
0x1d0: {  	[tilespmem:v1+s20+$0x0] =	vst.idx.add.f32.msk $0xffff, v3  }
0x1d1: {  	v2 =	vld.idx.msk [tilespmem:v2+s14+$0x0], $0xffff  }
0x1d2: {  	s29 =	sadd.s32 $0x10, s29  }
0x1d3: {  	p0 =	slt.u32 s29, $0x1F30  }
.Ltmp7:
0x1d4: {  	_ = 	snop;
	(pc) =	sbr.rel @p0 .LBB2_16-.Ltmp7, $4  }
0x1d5: {  	_ = 	snop  }
0x1d6: {  	v3 =	vshll.u32 v2, $0x10  }
0x1d7: {  	v2 =	vand.u32 $0xFFFF0000, v2;
	[tilespmem:v1+s21+$0x0] =	vst.idx.add.f32.msk $0xffff, v3  }
0x1d8: {  	s0 =	sadd.s32 $0x10, s0;
	[tilespmem:v1+s22+$0x0] =	vst.idx.add.f32.msk $0xffff, v2  }
0x1d9: {  	_ =	swait.ge [sflag:s23], $0x1F40  }
0x1da: {  	[sflag:s23] =	ssyncset.done $0x0  }
0x1db: {  	s0 =	simm.s32 $0x10FC0;
	[sflag:s23] =	ssyncadd.s32 $0xFFFFE0C0  }
0x1dc: {  	v1 =	vld [tilespmem:s0+$0x30]  }
0x1dd: {  	v2 =	vld [tilespmem:s0+$0xFFFFFFD0]  }
0x1de: {  	v3 =	vld [tilespmem:s0+$0xFFFFFFE0]  }
0x1df: {  	v4 =	vld [tilespmem:s0+$0xFFFFFFF0]  }
0x1e0: {  	v5 =	vld [tilespmem:s0+$0x0]  }
0x1e1: {  	v6 =	vld [tilespmem:s0+$0x10];
	v7 =	vshrl.u32 v1, $0xE  }
0x1e2: {  	v9 =	vld [tilespmem:s0+$0x20];
	v8 =	vshrl.u32 v2, $0xE  }
0x1e3: {  	v12 =	vld [tilespmem:s0+$0xFFFFFFC0];
	v10 =	vshrl.u32 v3, $0xE  }
0x1e4: {  	v11 =	vshrl.u32 v4, $0xE  }
0x1e5: {  	v13 =	vshrl.u32 v5, $0xE  }
0x1e6: {  	v14 =	vshrl.u32 v6, $0xE;
	v15 =	vld.idx.msk [tilespmem:v7+s2+$0x0], $0xffff  }
0x1e7: {  	v17 =	vshrl.u32 v9, $0xE;
	v16 =	vld.idx.msk [tilespmem:v8+s2+$0x0], $0xffff  }
0x1e8: {  	v21 =	vshrl.u32 v12, $0xE;
	v18 =	vld.idx.msk [tilespmem:v10+s2+$0x0], $0xffff  }
0x1e9: {  	v1 =	vand.u32 $0x3FFF, v1;
	v19 =	vld.idx.msk [tilespmem:v11+s2+$0x0], $0xffff  }
0x1ea: {  	v2 =	vand.u32 $0x3FFF, v2;
	v20 =	vld.idx.msk [tilespmem:v13+s2+$0x0], $0xffff  }
0x1eb: {  	v3 =	vand.u32 $0x3FFF, v3;
	v22 =	vld.idx.msk [tilespmem:v14+s2+$0x0], $0xffff  }
0x1ec: {  	v4 =	vand.u32 $0x3FFF, v4;
	v23 =	vld.idx.msk [tilespmem:v17+s2+$0x0], $0xffff  }
0x1ed: {  	v48 =	vld.idx.msk [tilespmem:v21+s2+$0x0], $0xffff;
	v24 =	vshll.u32 v15, $0x10  }
0x1ee: {  	v47 =	vshll.u32 v16, $0x10;
	[tilespmem:v1+s19+$0x0] =	vst.idx.add.f32.msk $0xffff, v24  }
0x1ef: {  	v12 =	vand.u32 $0x3FFF, v12;
	v49 =	vshll.u32 v18, $0x10;
	[tilespmem:v2+s19+$0x0] =	vst.idx.add.f32.msk $0xffff, v47  }
0x1f0: {  	v5 =	vand.u32 $0x3FFF, v5;
	v51 =	vshll.u32 v19, $0x10;
	[tilespmem:v3+s19+$0x0] =	vst.idx.add.f32.msk $0xffff, v49  }
0x1f1: {  	v15 =	vand.u32 $0xFFFF0000, v15;
	[tilespmem:v4+s19+$0x0] =	vst.idx.add.f32.msk $0xffff, v51  }
0x1f2: {  	[tilespmem:v1+s20+$0x0] =	vst.idx.add.f32.msk $0xffff, v15  }
0x1f3: {  	v53 =	vshll.u32 v48, $0x10;
	v7 =	vld.idx.msk [tilespmem:v7+s14+$0x0], $0xffff  }
0x1f4: {  	v54 =	vshll.u32 v20, $0x10;
	[tilespmem:v12+s19+$0x0] =	vst.idx.add.f32.msk $0xffff, v53  }
0x1f5: {  	v16 =	vand.u32 $0xFFFF0000, v16;
	[tilespmem:v5+s19+$0x0] =	vst.idx.add.f32.msk $0xffff, v54  }
0x1f6: {  	v50 =	vand.u32 $0xFFFF0000, v18;
	[tilespmem:v2+s20+$0x0] =	vst.idx.add.f32.msk $0xffff, v16  }
0x1f7: {  	[tilespmem:v3+s20+$0x0] =	vst.idx.add.f32.msk $0xffff, v50  }
0x1f8: {  	v8 =	vld.idx.msk [tilespmem:v8+s14+$0x0], $0xffff;
	v52 =	vshll.u32 v7, $0x10  }
0x1f9: {  	v7 =	vand.u32 $0xFFFF0000, v7;
	[tilespmem:v1+s21+$0x0] =	vst.idx.add.f32.msk $0xffff, v52  }
0x1fa: {  	[tilespmem:v1+s22+$0x0] =	vst.idx.add.f32.msk $0xffff, v7;
	v7 =	vand.u32 $0x3FFF, v6  }
0x1fb: {  	v57 =	vld.idx.msk [tilespmem:v10+s14+$0x0], $0xffff;
	v1 =	vand.u32 $0xFFFF0000, v48  }
0x1fc: {  	v6 =	vand.u32 $0xFFFF0000, v19;
	[tilespmem:v12+s20+$0x0] =	vst.idx.add.f32.msk $0xffff, v1;
	v1 =	vand.u32 $0x3FFF, v9  }
0x1fd: {  	[tilespmem:v4+s20+$0x0] =	vst.idx.add.f32.msk $0xffff, v6;
	v6 =	vand.u32 $0xFFFF0000, v20  }
0x1fe: {  	v55 =	vshll.u32 v22, $0x10;
	[tilespmem:v5+s20+$0x0] =	vst.idx.add.f32.msk $0xffff, v6  }
0x1ff: {  	v6 =	vand.u32 $0xFFFF0000, v22;
	[tilespmem:v7+s19+$0x0] =	vst.idx.add.f32.msk $0xffff, v55  }
0x200: {  	v56 =	vshll.u32 v23, $0x10;
	[tilespmem:v7+s20+$0x0] =	vst.idx.add.f32.msk $0xffff, v6  }
0x201: {  	v6 =	vand.u32 $0xFFFF0000, v23;
	[tilespmem:v1+s19+$0x0] =	vst.idx.add.f32.msk $0xffff, v56  }
0x202: {  	[tilespmem:v1+s20+$0x0] =	vst.idx.add.f32.msk $0xffff, v6  }
0x203: {  	v63 =	vshll.u32 v8, $0x10;
	v6 =	vld.idx.msk [tilespmem:v21+s14+$0x0], $0xffff  }
0x204: {  	[tilespmem:v2+s21+$0x0] =	vst.idx.add.f32.msk $0xffff, v63  }
0x205: {  	v58 =	vld.idx.msk [tilespmem:v11+s14+$0x0], $0xffff  }
0x206: {  	v59 =	vld.idx.msk [tilespmem:v13+s14+$0x0], $0xffff  }
0x207: {  	v60 =	vld.idx.msk [tilespmem:v14+s14+$0x0], $0xffff  }
0x208: {  	v62 =	vld.idx.msk [tilespmem:v17+s14+$0x0], $0xffff;
	v61 =	vshll.u32 v6, $0x10  }
0x209: {  	v6 =	vand.u32 $0xFFFF0000, v6;
	[tilespmem:v12+s21+$0x0] =	vst.idx.add.f32.msk $0xffff, v61  }
0x20a: {  	[tilespmem:v12+s22+$0x0] =	vst.idx.add.f32.msk $0xffff, v6;
	v6 =	vand.u32 $0xFFFF0000, v8  }
0x20b: {  	v8 =	vshll.u32 v57, $0x10;
	[tilespmem:v2+s22+$0x0] =	vst.idx.add.f32.msk $0xffff, v6  }
0x20c: {  	v2 =	vand.u32 $0xFFFF0000, v57;
	[tilespmem:v3+s21+$0x0] =	vst.idx.add.f32.msk $0xffff, v8  }
0x20d: {  	v6 =	vshll.u32 v58, $0x10;
	[tilespmem:v3+s22+$0x0] =	vst.idx.add.f32.msk $0xffff, v2  }
0x20e: {  	v2 =	vand.u32 $0xFFFF0000, v58;
	[tilespmem:v4+s21+$0x0] =	vst.idx.add.f32.msk $0xffff, v6  }
0x20f: {  	v3 =	vshll.u32 v59, $0x10;
	[tilespmem:v4+s22+$0x0] =	vst.idx.add.f32.msk $0xffff, v2  }
0x210: {  	v2 =	vand.u32 $0xFFFF0000, v59;
	[tilespmem:v5+s21+$0x0] =	vst.idx.add.f32.msk $0xffff, v3  }
0x211: {  	v3 =	vshll.u32 v60, $0x10;
	[tilespmem:v5+s22+$0x0] =	vst.idx.add.f32.msk $0xffff, v2  }
0x212: {  	v2 =	vand.u32 $0xFFFF0000, v60;
	[tilespmem:v7+s21+$0x0] =	vst.idx.add.f32.msk $0xffff, v3  }
0x213: {  	s26 =	simm.s32 $0x0;
	s28 =	simm.s32 $0x11040;
	v6 =	vshll.u32 v62, $0x10;
	v5 =	vand.u32 $0xFFFF0000, v62;
	[tilespmem:v7+s22+$0x0] =	vst.idx.add.f32.msk $0xffff, v2  }
.LBB2_18:
0x214: {  	v7 =	vld [tilespmem:s28+$0x30]  }
0x215: {  	v2 =	vld [tilespmem:s28+$0xFFFFFFD0]  }
0x216: {  	s26 =	sadd.s32 $0x80, s26;
	v3 =	vld [tilespmem:s28+$0xFFFFFFE0]  }
0x217: {  	p0 =	slt.u32 s26, $0x1E80;
	v4 =	vld [tilespmem:s28+$0xFFFFFFF0]  }
0x218: {  	v8 =	vld [tilespmem:s28+$0x0]  }
0x219: {  	v9 =	vld [tilespmem:s28+$0x10];
	v10 =	vshrl.u32 v7, $0xE  }
0x21a: {  	v11 =	vshrl.u32 v2, $0xE;
	v12 =	vand.u32 $0x3FFF, v2;
	v13 =	vld [tilespmem:s28+$0x20]  }
0x21b: {  	v14 =	vld [tilespmem:s28+$0xFFFFFFC0];
	v15 =	vshrl.u32 v3, $0xE;
	v16 =	vand.u32 $0x3FFF, v3  }
0x21c: {  	v17 =	vshrl.u32 v4, $0xE;
	v2 =	vand.u32 $0x3FFF, v4;
	[tilespmem:v1+s21+$0x0] =	vst.idx.add.f32.msk $0xffff, v6  }
0x21d: {  	v6 =	vshrl.u32 v8, $0xE;
	v3 =	vand.u32 $0x3FFF, v8;
	[tilespmem:v1+s22+$0x0] =	vst.idx.add.f32.msk $0xffff, v5  }
0x21e: {  	v5 =	vshrl.u32 v9, $0xE;
	v4 =	vand.u32 $0x3FFF, v9;
	v8 =	vld.idx.msk [tilespmem:v10+s2+$0x0], $0xffff  }
0x21f: {  	v9 =	vld.idx.msk [tilespmem:v11+s2+$0x0], $0xffff;
	v18 =	vshrl.u32 v13, $0xE;
	v1 =	vand.u32 $0x3FFF, v13  }
0x220: {  	v7 =	vand.u32 $0x3FFF, v7;
	v13 =	vshrl.u32 v14, $0xE;
	v14 =	vand.u32 $0x3FFF, v14;
	v19 =	vld.idx.msk [tilespmem:v15+s2+$0x0], $0xffff  }
0x221: {  	v20 =	vld.idx.msk [tilespmem:v17+s2+$0x0], $0xffff  }
0x222: {  	v21 =	vld.idx.msk [tilespmem:v6+s2+$0x0], $0xffff  }
0x223: {  	v22 =	vld.idx.msk [tilespmem:v5+s2+$0x0], $0xffff  }
0x224: {  	v24 =	vshll.u32 v8, $0x10;
	v23 =	vld.idx.msk [tilespmem:v18+s2+$0x0], $0xffff  }
0x225: {  	v8 =	vand.u32 $0xFFFF0000, v8;
	v25 =	vshll.u32 v9, $0x10;
	v9 =	vand.u32 $0xFFFF0000, v9;
	[tilespmem:v7+s19+$0x0] =	vst.idx.add.f32.msk $0xffff, v24  }
0x226: {  	v24 =	vshll.u32 v19, $0x10;
	v19 =	vand.u32 $0xFFFF0000, v19;
	[tilespmem:v7+s20+$0x0] =	vst.idx.add.f32.msk $0xffff, v8  }
0x227: {  	v8 =	vshll.u32 v20, $0x10;
	v20 =	vand.u32 $0xFFFF0000, v20;
	v10 =	vld.idx.msk [tilespmem:v10+s14+$0x0], $0xffff  }
0x228: {  	v27 =	vshll.u32 v21, $0x10;
	v21 =	vand.u32 $0xFFFF0000, v21;
	v26 =	vld.idx.msk [tilespmem:v13+s2+$0x0], $0xffff  }
0x229: {  	[tilespmem:v12+s19+$0x0] =	vst.idx.add.f32.msk $0xffff, v25;
	v25 =	vshll.u32 v22, $0x10;
	v22 =	vand.u32 $0xFFFF0000, v22  }
0x22a: {  	[tilespmem:v12+s20+$0x0] =	vst.idx.add.f32.msk $0xffff, v9;
	v9 =	vshll.u32 v23, $0x10;
	v23 =	vand.u32 $0xFFFF0000, v23  }
0x22b: {  	[tilespmem:v16+s19+$0x0] =	vst.idx.add.f32.msk $0xffff, v24  }
0x22c: {  	[tilespmem:v16+s20+$0x0] =	vst.idx.add.f32.msk $0xffff, v19  }
0x22d: {  	[tilespmem:v2+s19+$0x0] =	vst.idx.add.f32.msk $0xffff, v8;
	v8 =	vshll.u32 v10, $0x10  }
0x22e: {  	v19 =	vshll.u32 v26, $0x10;
	v24 =	vand.u32 $0xFFFF0000, v26;
	v10 =	vand.u32 $0xFFFF0000, v10;
	[tilespmem:v7+s21+$0x0] =	vst.idx.add.f32.msk $0xffff, v8  }
0x22f: {  	s29 =	simm.s32 $0x1EF0;
	s0 =	simm.s32 $0x12E80;
	[tilespmem:v7+s22+$0x0] =	vst.idx.add.f32.msk $0xffff, v10  }
0x230: {  	[tilespmem:v14+s19+$0x0] =	vst.idx.add.f32.msk $0xffff, v19  }
0x231: {  	[tilespmem:v14+s20+$0x0] =	vst.idx.add.f32.msk $0xffff, v24  }
0x232: {  	[tilespmem:v2+s20+$0x0] =	vst.idx.add.f32.msk $0xffff, v20  }
0x233: {  	[tilespmem:v3+s19+$0x0] =	vst.idx.add.f32.msk $0xffff, v27  }
0x234: {  	[tilespmem:v3+s20+$0x0] =	vst.idx.add.f32.msk $0xffff, v21  }
0x235: {  	[tilespmem:v4+s19+$0x0] =	vst.idx.add.f32.msk $0xffff, v25  }
0x236: {  	[tilespmem:v4+s20+$0x0] =	vst.idx.add.f32.msk $0xffff, v22  }
0x237: {  	[tilespmem:v1+s19+$0x0] =	vst.idx.add.f32.msk $0xffff, v9  }
0x238: {  	[tilespmem:v1+s20+$0x0] =	vst.idx.add.f32.msk $0xffff, v23  }
0x239: {  	v7 =	vld.idx.msk [tilespmem:v13+s14+$0x0], $0xffff  }
0x23a: {  	v8 =	vld.idx.msk [tilespmem:v11+s14+$0x0], $0xffff  }
0x23b: {  	v9 =	vld.idx.msk [tilespmem:v15+s14+$0x0], $0xffff  }
0x23c: {  	v10 =	vld.idx.msk [tilespmem:v17+s14+$0x0], $0xffff  }
0x23d: {  	v6 =	vld.idx.msk [tilespmem:v6+s14+$0x0], $0xffff  }
0x23e: {  	v5 =	vld.idx.msk [tilespmem:v5+s14+$0x0], $0xffff  }
0x23f: {  	v11 =	vshll.u32 v7, $0x10;
	v7 =	vand.u32 $0xFFFF0000, v7;
	v13 =	vld.idx.msk [tilespmem:v18+s14+$0x0], $0xffff  }
0x240: {  	[tilespmem:v14+s21+$0x0] =	vst.idx.add.f32.msk $0xffff, v11;
	v11 =	vshll.u32 v8, $0x10;
	v8 =	vand.u32 $0xFFFF0000, v8  }
0x241: {  	[tilespmem:v14+s22+$0x0] =	vst.idx.add.f32.msk $0xffff, v7;
	v7 =	vshll.u32 v9, $0x10;
	v9 =	vand.u32 $0xFFFF0000, v9  }
0x242: {  	[tilespmem:v12+s21+$0x0] =	vst.idx.add.f32.msk $0xffff, v11;
	v11 =	vshll.u32 v10, $0x10;
	v10 =	vand.u32 $0xFFFF0000, v10  }
0x243: {  	[tilespmem:v12+s22+$0x0] =	vst.idx.add.f32.msk $0xffff, v8;
	v8 =	vshll.u32 v6, $0x10;
	v12 =	vand.u32 $0xFFFF0000, v6  }
0x244: {  	v14 =	vand.u32 $0xFFFF0000, v5;
	[tilespmem:v16+s21+$0x0] =	vst.idx.add.f32.msk $0xffff, v7;
	v7 =	vshll.u32 v5, $0x10  }
0x245: {  	v6 =	vshll.u32 v13, $0x10;
	v5 =	vand.u32 $0xFFFF0000, v13;
	[tilespmem:v16+s22+$0x0] =	vst.idx.add.f32.msk $0xffff, v9  }
0x246: {  	[tilespmem:v2+s21+$0x0] =	vst.idx.add.f32.msk $0xffff, v11  }
.Ltmp8:
0x247: {  	[tilespmem:v2+s22+$0x0] =	vst.idx.add.f32.msk $0xffff, v10;
	(pc) =	sbr.rel @p0 .LBB2_18-.Ltmp8, $4  }
0x248: {  	[tilespmem:v3+s21+$0x0] =	vst.idx.add.f32.msk $0xffff, v8  }
0x249: {  	[tilespmem:v3+s22+$0x0] =	vst.idx.add.f32.msk $0xffff, v12  }
0x24a: {  	[tilespmem:v4+s21+$0x0] =	vst.idx.add.f32.msk $0xffff, v7  }
0x24b: {  	s28 =	sadd.s32 $0x80, s28;
	[tilespmem:v4+s22+$0x0] =	vst.idx.add.f32.msk $0xffff, v14  }
0x24c: {  	_ =	sdelay $0x3  }
0x24d: {  	[tilespmem:v1+s21+$0x0] =	vst.idx.add.f32.msk $0xffff, v6  }
0x24e: {  	[tilespmem:v1+s22+$0x0] =	vst.idx.add.f32.msk $0xffff, v5  }
.LBB2_20:
0x24f: {  	v1 =	vld [tilespmem:s0+$0x0];
	_ =	sdelay $0x4  }
0x250: {  	v2 =	vshrl.u32 v1, $0xE;
	_ =	sdelay $0x4  }
0x251: {  	v3 =	vld.idx.msk [tilespmem:v2+s2+$0x0], $0xffff  }
0x252: {  	v1 =	vand.u32 $0x3FFF, v1;
	_ =	sdelay $0x3  }
0x253: {  	v4 =	vshll.u32 v3, $0x10  }
0x254: {  	v3 =	vand.u32 $0xFFFF0000, v3;
	[tilespmem:v1+s19+$0x0] =	vst.idx.add.f32.msk $0xffff, v4  }
0x255: {  	[tilespmem:v1+s20+$0x0] =	vst.idx.add.f32.msk $0xffff, v3  }
0x256: {  	v2 =	vld.idx.msk [tilespmem:v2+s14+$0x0], $0xffff  }
0x257: {  	s29 =	sadd.s32 $0x10, s29  }
0x258: {  	p0 =	slt.u32 s29, $0x1F30  }
.Ltmp9:
0x259: {  	_ = 	snop;
	(pc) =	sbr.rel @p0 .LBB2_20-.Ltmp9, $4  }
0x25a: {  	_ = 	snop  }
0x25b: {  	v3 =	vshll.u32 v2, $0x10  }
0x25c: {  	v2 =	vand.u32 $0xFFFF0000, v2;
	[tilespmem:v1+s21+$0x0] =	vst.idx.add.f32.msk $0xffff, v3  }
0x25d: {  	s0 =	sadd.s32 $0x10, s0;
	[tilespmem:v1+s22+$0x0] =	vst.idx.add.f32.msk $0xffff, v2  }
0x25e: {  	[hbm4b:s7+s12] =	stream.strided.scatter [tilespmem:s19], [sflag:$0x4], $0x2800, s13, s12, $0x38;
	[tilespmem:$0x12F00] =	vst v63  }
0x25f: {  	_ =	swait.ge [sflag:s24], $0x2800  }
0x260: {  	[sflag:s24] =	ssyncset.done $0x0  }
0x261: {  	[sflag:s24] =	ssyncadd.s32 $0xFFFFD800  }
0x262: {  	[hbm4b:s8+s12] =	stream.strided.scatter [tilespmem:s21], [sflag:$0x4], $0x2800, s13, s12, $0x38;
	[tilespmem:$0x12F00] =	vst v63  }
0x263: {  	_ =	swait.ge [sflag:s24], $0x2800  }
0x264: {  	[sflag:s24] =	ssyncset.done $0x0  }
0x265: {  	[sflag:s24] =	ssyncadd.s32 $0xFFFFD800  }
0x266: {  	[hbm4b:s9+s12] =	stream.strided.scatter [tilespmem:s20], [sflag:$0x4], $0x2800, s13, s12, $0x38;
	[tilespmem:$0x12F00] =	vst v63  }
0x267: {  	s25 =	sadd.s32 $0x1, s25;
	_ =	swait.ge [sflag:s24], $0x2800  }
0x268: {  	p0 =	sne.s32 s25, s11;
	[sflag:s24] =	ssyncset.done $0x0  }
.Ltmp10:
0x269: {  	[sflag:s24] =	ssyncadd.s32 $0xFFFFD800;
	(pc) =	sbr.rel @p0 .LBB2_1-.Ltmp10, $4  }
0x26a: {  	[hbm4b:s10+s12] =	stream.strided.scatter [tilespmem:s22], [sflag:$0x4], $0x2800, s13, s12, $0x38;
	[tilespmem:$0x12F00] =	vst v63  }
0x26b: {  	_ =	swait.ge [sflag:s24], $0x2800  }
0x26c: {  	[sflag:s24] =	ssyncset.done $0x0  }
0x26d: {  	[sflag:s24] =	ssyncadd.s32 $0xFFFFD800  }
0x26e: {  	_ =	sfence.sel $0x180000  }
0x26f: {  	[bflag:$0x0] =	sbarrier.arrive $0xFFFF  }
0x270: {  	_ =	strace $0x9000004D  }
0x271: {  	[bflag:$0x2] =	sbarrier.arrive $0xFFFF  }
0x272: {  	p0 =	sne.s32 s1, $0x0;
	s0 =	rddreg [dreg:$0x1]  }
0x273: {  	s0 =	sadd.s32 @!p0 $0x100000, s0  }
0x274: {  	[sflag:s0] =	ssyncadd.tile.s32 @!p0 $0x1;
	_ =	shalt  }
.Lfunc_end2:
_tile_overlayer_lowered:
.L_overlay_start_2:
0x275: {  	(tag) =	ssettag $0x2  }
0x276: {  	s0 =	rddreg [dreg:$0x0];
	s2 =	stileid.u32  }
0x277: {  	s1 =	rddreg [dreg:$0x1];
	p0 =	sne.s32 s2, $0x0  }
0x278: {  	s3 =	rddreg [dreg:$0x2];
	[bflag:$0x3] =	sbarrier.arrive $0xFFFF;
	s2 =	simm.s32 @!p0 $0x1C04  }
0x279: {  	[timem:s3], [sflag:s2] =	dma.local @!p0 [hbm:s0], s1  }
0x27a: {  	s0 =	simm.s32 @!p0 $0x4  }
0x27b: {  	_ =	swait.ge @!p0 [sflag:s0], s1  }
0x27c: {  	s1 =	ssub.s32 @!p0 $0x0, s1;
	[sflag:s0] =	ssyncset.done @!p0 $0x0  }
0x27d: {  	[sflag:s0] =	ssyncadd.s32 @!p0 s1  }
0x27e: {  	[bflag:$0x3] =	sbarrier.arrive $0xFFFF  }
0x27f: {  	_ =	shalt  }

// kernel: kernel.9.cloned.1.call-start
scs
__scs_entry_jumppad:
0x0: {  	(pc) =	sbr.rel $0x88, $3  }
0x1: {  	(tag) =	ssettag $0x0;
	lr =	simm.s32 $0x1  }
0x2: {  	[smem:$0x3F93] =	sst lr;
	_ =	strace $0xD0000000  }
0x3: {  	_ = 	snop  }
0x4: {  	_ = 	snop  }
0x5: {  	_ = 	snop  }
0x6: {  	_ = 	snop  }
0x7: {  	_ = 	snop  }
__scs_overlays_trampoline_lowered:
0x8: {  	[smem:$0x3FA2] =	sst s0  }
0x9: {  	[smem:$0x3FA3] =	sst s1  }
0xa: {  	[smem:$0x3FA4] =	sst s2  }
0xb: {  	[smem:$0x3FA5] =	sst s3  }
0xc: {  	[smem:$0x3FA6] =	sst s4  }
0xd: {  	[smem:$0x3FA7] =	sst s5  }
0xe: {  	[smem:$0x3FA8] =	sst s6  }
0xf: {  	[smem:$0x3FA9] =	sst s7  }
0x10: {  	[smem:$0x3FAA] =	sst s8  }
0x11: {  	[smem:$0x3FAB] =	sst s9;
	s0 =	simm.s32 @!p0 $0x0  }
0x12: {  	s1 =	sld [smem:$0x3F91];
	s0 =	simm.s32 @p0 $0x1  }
0x13: {  	[smem:$0x3FAC] =	sst s0;
	s0 =	simm.s32 @!p1 $0x0  }
0x14: {  	s2 =	sld [smem:$0x3F90];
	s0 =	simm.s32 @p1 $0x1  }
0x15: {  	[smem:$0x3FAD] =	sst s0;
	s0 =	simm.s32 @!p2 $0x0  }
0x16: {  	s3 =	sld [smem:$0x3FDB];
	s0 =	simm.s32 @p2 $0x1  }
0x17: {  	s4 =	simm.s32 $0x1BF5;
	[smem:$0x3FAF] =	sst s0  }
0x18: {  	s0 =	sld [smem:$0x3F92];
	_ =	swait.ge [sflag:s4], $0x0  }
0x19: {  	s7 =	sld [smem:$0x3F93]  }
0x1a: {  	s8 =	sadd.s32 $0xFFFFE003, lr  }
0x1b: {  	s9 =	sadd.s32 $0xFFFFFEF7, lr;
	s5 =	simm.s32 $0xFFFFFFFF;
	p2 =	slt.u32 s8, $0xFFFFF086  }
0x1c: {  	p1 =	slt.u32 s9, $0xF7A;
	s5 =	simm.s32 @!p2 $0x0  }
0x1d: {  	s5 =	simm.s32 @p1 $0x1;
	p0 =	seq.s32 s7, s2  }
0x1e: {  	s7 =	smul.u32 @!p0 $0xF7A, s2;
	p2 =	seq.s32 @!p0 s5, $0x0  }
0x1f: {  	s9 =	smul.u32 $0xF7A, s1;
	s8 =	simm.s32 @!p0 $0x1BF5;
	p2 =	por !p2, p0  }
0x20: {  	[sflag:s8] =	ssyncset.s32 @!p0 $0xFFFFF086;
	s6 =	sadd.s32 @!p0 s3, s7;
	s7 =	simm.s32 @!p0 $0x108  }
0x21: {  	s3 =	sadd.s32 s3, s9;
	s6 =	sadd.s32 @!p0 $0x88, s6;
	s7 =	simm.s32 @p2 $0x1082  }
0x22: {  	[simem:s7], [sflag:s8] =	dma.local @!p0 [hbm:s6], $0xF7A  }
0x23: {  	s9 =	sor.u32 $0xD0000000, s2;
	s6 =	simm.s32 $0x108;
	_ =	swait.ge @!p0 [sflag:s8], $0x0  }
0x24: {  	s3 =	sadd.s32 $0x88, s3;
	s6 =	simm.s32 @!p1 $0x1082;
	[sflag:s4] =	ssyncset.s32 $0xFFFFF086  }
0x25: {  	[simem:s6], [sflag:s4] =	dma.local [hbm:s3], $0xF7A  }
0x26: {  	[smem:$0x3F93] =	sst s1;
	(tag) =	ssettag s2;
	_ =	strace s9  }
0x27: {  	s1 =	sld [smem:$0x3FA3]  }
0x28: {  	s2 =	sld [smem:$0x3FA4]  }
0x29: {  	s4 =	sld [smem:$0x3FA6]  }
0x2a: {  	p0 =	seq.s32 s5, $0x0;
	s5 =	sld [smem:$0x3FA7]  }
0x2b: {  	s6 =	sld [smem:$0x3FA8]  }
0x2c: {  	s7 =	sld [smem:$0x3FA9]  }
0x2d: {  	s3 =	simm.s32 $0x108;
	s8 =	sld [smem:$0x3FAA]  }
0x2e: {  	s3 =	simm.s32 @!p0 $0x1082;
	s9 =	sld [smem:$0x3FAB]  }
0x2f: {  	lr =	sadd.s32 s0, s3;
	s0 =	sld [smem:$0x3FA2]  }
0x30: {  	s3 =	sld [smem:$0x3FA5]  }
0x31: {  	[smem:$0x3FAE] =	sst s10  }
0x32: {  	s10 =	sld [smem:$0x3FAC];
	_ =	sdelay $0x3  }
0x33: {  	p0 =	seq.s32 s10, $0x1;
	s10 =	sld [smem:$0x3FAE];
	_ =	sdelay $0x3  }
0x34: {  	[smem:$0x3FAE] =	sst s10  }
0x35: {  	s10 =	sld [smem:$0x3FAD];
	_ =	sdelay $0x3  }
0x36: {  	p1 =	seq.s32 s10, $0x1;
	s10 =	sld [smem:$0x3FAE];
	_ =	sdelay $0x3  }
0x37: {  	[smem:$0x3FAE] =	sst s10  }
0x38: {  	s10 =	sld [smem:$0x3FAF]  }
0x39: {  	_ = 	snop;
	(pc) =	sbr.ind lr, $3  }
0x3a: {  	_ = 	snop  }
0x3b: {  	_ = 	snop  }
0x3c: {  	p2 =	seq.s32 s10, $0x1;
	s10 =	sld [smem:$0x3FAE]  }
0x3d: {  	_ =	shalt  }
0x3e: {  	_ =	shalt  }
0x3f: {  	_ =	shalt  }
0x40: {  	_ =	shalt  }
0x41: {  	_ =	shalt  }
0x42: {  	_ =	shalt  }
0x43: {  	_ =	shalt  }
0x44: {  	_ =	shalt  }
0x45: {  	_ =	shalt  }
0x46: {  	_ =	shalt  }
0x47: {  	_ =	shalt  }
0x48: {  	_ =	shalt  }
0x49: {  	_ =	shalt  }
0x4a: {  	_ =	shalt  }
0x4b: {  	_ =	shalt  }
0x4c: {  	_ =	shalt  }
0x4d: {  	_ =	shalt  }
0x4e: {  	_ =	shalt  }
0x4f: {  	_ =	shalt  }
0x50: {  	_ =	shalt  }
0x51: {  	_ =	shalt  }
0x52: {  	_ =	shalt  }
0x53: {  	_ =	shalt  }
0x54: {  	_ =	shalt  }
0x55: {  	_ =	shalt  }
0x56: {  	_ =	shalt  }
0x57: {  	_ =	shalt  }
0x58: {  	_ =	shalt  }
0x59: {  	_ =	shalt  }
0x5a: {  	_ =	shalt  }
0x5b: {  	_ =	shalt  }
0x5c: {  	_ =	shalt  }
0x5d: {  	_ =	shalt  }
0x5e: {  	_ =	shalt  }
0x5f: {  	_ =	shalt  }
0x60: {  	_ =	shalt  }
0x61: {  	_ =	shalt  }
0x62: {  	_ =	shalt  }
0x63: {  	_ =	shalt  }
0x64: {  	_ =	shalt  }
0x65: {  	_ =	shalt  }
0x66: {  	_ =	shalt  }
0x67: {  	_ =	shalt  }
0x68: {  	_ =	shalt  }
0x69: {  	_ =	shalt  }
0x6a: {  	_ =	shalt  }
0x6b: {  	_ =	shalt  }
0x6c: {  	_ =	shalt  }
0x6d: {  	_ =	shalt  }
0x6e: {  	_ =	shalt  }
0x6f: {  	_ =	shalt  }
0x70: {  	_ =	shalt  }
0x71: {  	_ =	shalt  }
0x72: {  	_ =	shalt  }
0x73: {  	_ =	shalt  }
0x74: {  	_ =	shalt  }
0x75: {  	_ =	shalt  }
0x76: {  	_ =	shalt  }
0x77: {  	_ =	shalt  }
0x78: {  	_ =	shalt  }
0x79: {  	_ =	shalt  }
0x7a: {  	_ =	shalt  }
0x7b: {  	_ =	shalt  }
0x7c: {  	_ =	shalt  }
0x7d: {  	_ =	shalt  }
0x7e: {  	_ =	shalt  }
0x7f: {  	_ =	shalt  }
0x80: {  	_ =	shalt  }
0x81: {  	_ =	shalt  }
0x82: {  	_ =	shalt  }
0x83: {  	_ =	shalt  }
0x84: {  	_ =	shalt  }
0x85: {  	_ =	shalt  }
0x86: {  	_ =	shalt  }
0x87: {  	_ =	shalt  }
.Lfunc_end0:
.L_simem_size_0:
called_computation_lowered:
.L_overlay_start_0:
0x88: {  	s2 =	sld [smem:$0x3FD9]  }
0x89: {  	s3 =	sld [smem:$0x3FFE];
	_ =	sdelay $0x1  }
0x8a: {  	s1 =	srdreg.scid  }
0x8b: {  	s0 =	sand.u32 $0x1, s1  }
0x8c: {  	s16 =	sshll.u32 s0, $0xA;
	s2 =	sadd.s32 s3, s2  }
0x8d: {  	s2 =	sadd.s32 s2, s16  }
0x8e: {  	[smem:$0x3FBA] =	sst s2  }
0x8f: {  	_ = 	snop  }
0x90: {  	(tm) =	ssettm $0x1  }
0x91: {  	s17 =	sld [smem:$0x3FFB];
	_ =	sdelay $0x3  }
0x92: {  	_ =	strace s17  }
0x93: {  	s2 =	sld [smem:$0x3FFC];
	_ =	sdelay $0x3  }
0x94: {  	_ =	strace s2  }
0x95: {  	s2 =	sld [smem:$0x3FFD];
	_ =	sdelay $0x3  }
0x96: {  	_ =	strace s2  }
0x97: {  	_ =	strace $0x8FFFFFFF  }
0x98: {  	s18 =	sld [smem:$0x3FDB];
	_ =	sdelay $0x1  }
0x99: {  	s19 =	simm.s32 $_scs_section_size  }
0x9a: {  	s4 =	simm.s32 $_size__tile_overlayer_lowered;
	s5 =	simm.s32 $_tile_overlayer_lowered  }
0x9b: {  	s22 =	simm.s32 $0x1BFF;
	s21 =	sshll.u32 s5, $0x1;
	s2 =	sadd.s32 s19, s18  }
0x9c: {  	s6 =	simm.s32 $0x0;
	s20 =	sshll.u32 s4, $0x1;
	s4 =	sadd.s32 s21, s2  }
0x9d: {  	[timem:s6], [sflag:s22] =	dma.local [hbm:s4], s20  }
0x9e: {  	_ =	swait.ge [sflag:s22], s20  }
0x9f: {  	s3 =	ssub.s32 $0x0, s20;
	[sflag:s22] =	ssyncset.done $0x0  }
0xa0: {  	[sflag:s22] =	ssyncadd.s32 s3;
	_ =	sdelay $0x1  }
0xa1: {  	s23 =	simm.s32 $0x1B8B  }
0xa2: {  	_ =	swait.ge [sflag:s23], $0x1  }
0xa3: {  	[sflag:s23] =	ssyncset.done $0x0  }
0xa4: {  	s25 =	simm.s32 $0x1B8E;
	s24 =	sld [smem:$0x3FFE];
	[sflag:s23] =	ssyncadd.s32 $0xFFFFFFFF  }
0xa5: {  	s26 =	simm.s32 $execute0_lowered;
	[smem:$0x3FD2] =	sst s25  }
0xa6: {  	s4 =	sshll.u32 s26, $0x1;
	_ =	strace $0x80000046;
	[dreg:$0x1] =	wrdreg $0xFFFFFFFF  }
0xa7: {  	s28 =	simm.s32 $_size_execute0_lowered;
	s2 =	sadd.s32 s2, s4;
	[dreg:$0x0] =	wrdreg $0x0  }
0xa8: {  	s4 =	sshll.u32 s28, $0x1;
	[dreg:$0x2] =	wrdreg s2  }
0xa9: {  	[dreg:$0x3] =	wrdreg s4  }
0xaa: {  	[dreg:$0x4] =	wrdreg $0xC0  }
0xab: {  	_ =	task [dreg:s6], $0x5FFFF  }
0xac: {  	[dreg:$0x1] =	wrdreg $0xFFFFFFFF  }
0xad: {  	[dreg:$0x0] =	wrdreg $0x60  }
0xae: {  	[dreg:$0x2] =	wrdreg s24  }
0xaf: {  	[dreg:$0x3] =	wrdreg $0x9  }
0xb0: {  	_ =	task.clear_ibuf [dreg:s6], $0x4FFFF;
	_ =	strace $0x90000046  }
0xb1: {  	s29 =	simm.s32 $0x9;
	_ =	strace $0x80000048  }
0xb2: {  	_ =	swait.ge [sflag:s29], $0x1  }
0xb3: {  	[sflag:s29] =	ssyncadd.s32 $0xFFFFFFFF  }
0xb4: {  	_ =	strace $0x90000048  }
0xb5: {  	_ =	sfence  }
0xb6: {  	s30 =	sld [smem:$0x0];
	_ =	sdelay $0x2  }
0xb7: {  	s31 =	sshll.u32 s1, $0xD;
	s1 =	sshrl.u32 s1, $0x2  }
0xb8: {  	s3 =	sand.u32 $0x4000, s31;
	s1 =	sadd.s32 s1, s30  }
0xb9: {  	s0 =	sor.u32 s3, s0;
	s1 =	sshll.u32 s1, $0x11  }
0xba: {  	s0 =	sor.u32 s1, s0  }
0xbb: {  	s0 =	sadd.s32 $0x8F2B, s0  }
0xbc: {  	[sflag:s0] =	ssyncadd.remote.s32 $0x1  }
0xbd: {  	_ =	sfence.sel $0xFFFF  }
0xbe: {  	[dreg:$0x0] =	wrdreg $0xFFFFFFFF;
	(pc) =	sbr.abs _section_cstart, $3  }
0xbf: {  	[dreg:$0x1] =	wrdreg $0xFFFFFFFF  }
0xc0: {  	_ =	task.clear_ibuf [dreg:s6], $0x2FFFF;
	_ =	strace $0x9FFFFFFF  }
0xc1: {  	(tm) =	ssettm $0x7FFFFFFF  }
tec
execute0_lowered:
.L_overlay_start_1:
0x0: {  	(tag) =	ssettag $0x1  }
0x1: {  	s0 =	rddreg [dreg:$0x0];
	s2 =	simm.s32 $0x0;
	s3 =	srdreg.scid  }
0x2: {  	s1 =	stileid.u32;
	s14 =	simm.s32 $0x2800;
	s15 =	simm.s32 $0xF000  }
0x3: {  	s16 =	simm.s32 $0x10F80;
	s17 =	simm.s32 $0x1;
	s18 =	simm.s32 $0x2  }
0x4: {  	s19 =	simm.s32 $0x5000;
	s20 =	simm.s32 $0xA000;
	s21 =	simm.s32 $0x7800  }
0x5: {  	s22 =	simm.s32 $0xC800;
	s23 =	simm.s32 $0x3;
	s24 =	simm.s32 $0x4  }
0x6: {  	s25 =	simm.s32 $0x0;
	[smem:$0x7FF] =	sst s2;
	s4 =	sand.u32 $0x1, s3  }
0x7: {  	s28 =	sshll.u32 s1, $0x2;
	s6 =	sadd.s32 $0xD400, s0;
	s7 =	sshrl.u32 s1, $0x1  }
0x8: {  	s3 =	sadd.s32 $0x3600, s0;
	s10 =	sadd.s32 $0x71400, s0;
	s5 =	sshll.u32 s4, $0x1  }
0x9: {  	_ =	strace $0x80000047;
	s4 =	ssub.s32 $0x2, s4;
	s5 =	sor.u32 s5, s28  }
0xa: {  	s7 =	smul.u32 $0x14000, s7;
	s9 =	sshrl.u32 s4, $0x1;
	s8 =	sshll.u32 s5, $0x7  }
0xb: {  	s5 =	sor.u32 $0x41, s5;
	s11 =	ssub.s32 s4, s9;
	s8 =	sand.u32 $0x300, s8  }
0xc: {  	s29 =	sshrl.u32 s5, $0x3;
	s13 =	sshll.u32 s5, $0x7;
	s7 =	sor.u32 s7, s8  }
0xd: {  	s11 =	smax.u32 s11, $0x1;
	s12 =	smul.u32 $0x14000, s29;
	s8 =	sshrl.u32 s7, $0x3  }
0xe: {  	s13 =	sand.u32 $0x380, s13;
	s31 =	sadd.s32 $0xA0000, s7;
	s30 =	sor.u32 $0x10, s8  }
0xf: {  	s4 =	sadd.s32 s6, s8;
	s12 =	sor.u32 s13, s12;
	s7 =	sadd.s32 s10, s8  }
0x10: {  	s13 =	simm.s32 $0x400;
	s5 =	sadd.s32 s6, s30;
	s6 =	sadd.s32 $0x39E8, s0  }
0x11: {  	s0 =	sshrl.u32 s31, $0x3;
	s12 =	sshrl.u32 s12, $0x3;
	s8 =	sadd.s32 s10, s30  }
0x12: {  	v0 =	vimm.f32 $0.0e+00;
	s9 =	sadd.s32 s10, s0;
	s10 =	sadd.s32 s10, s12;
	s12 =	simm.s32 $0x80  }
.LBB2_1:
0x13: {  	[tilespmem:s2], [sflag:$0x1] =	stream.strided.gather [hbm4b:s4+s12], $0x2800, s13, s12, $0x38;
	[tilespmem:$0x12F00] =	vst v63  }
0x14: {  	s0 =	simm.s32 $0x0;
	s26 =	simm.s32 $0x100  }
0x15: {  	[tilespmem:s14], [sflag:$0x1] =	stream.strided.gather [hbm4b:s5+s12], $0x2800, s13, s12, $0x38;
	[tilespmem:$0x12F00] =	vst v63  }
.LBB2_2:
0x16: {  	p0 =	sne.s32 s26, $0x9F00;
	[tilespmem:s0+$0xC830] =	vst v0  }
0x17: {  	[tilespmem:s0+$0x5000] =	vst v0  }
0x18: {  	[tilespmem:s0+$0x5010] =	vst v0  }
0x19: {  	[tilespmem:s0+$0x5020] =	vst v0  }
0x1a: {  	[tilespmem:s0+$0x5030] =	vst v0  }
0x1b: {  	[tilespmem:s0+$0x7800] =	vst v0  }
0x1c: {  	[tilespmem:s0+$0x7810] =	vst v0  }
0x1d: {  	[tilespmem:s0+$0x7820] =	vst v0  }
0x1e: {  	[tilespmem:s0+$0x7830] =	vst v0  }
0x1f: {  	[tilespmem:s0+$0xA000] =	vst v0  }
0x20: {  	[tilespmem:s0+$0xA010] =	vst v0  }
.Ltmp0:
0x21: {  	[tilespmem:s0+$0xA020] =	vst v0;
	(pc) =	sbr.rel @p0 .LBB2_2-.Ltmp0, $4  }
0x22: {  	[tilespmem:s0+$0xA030] =	vst v0  }
0x23: {  	[tilespmem:s0+$0xC800] =	vst v0  }
0x24: {  	[tilespmem:s0+$0xC810] =	vst v0  }
0x25: {  	[tilespmem:s0+$0xC820] =	vst v0;
	s0 =	sshra.s32 s26, $0x2;
	s26 =	sadd.s32 $0x100, s26  }
0x26: {  	[tilespmem:s0+$0xC830] =	vst v0  }
0x27: {  	[tilespmem:s0+$0x5000] =	vst v0  }
0x28: {  	[tilespmem:s0+$0x5010] =	vst v0  }
0x29: {  	[tilespmem:s0+$0x5020] =	vst v0  }
0x2a: {  	[tilespmem:s0+$0x5030] =	vst v0  }
0x2b: {  	[tilespmem:s0+$0x7800] =	vst v0  }
0x2c: {  	[tilespmem:s0+$0x7810] =	vst v0  }
0x2d: {  	[tilespmem:s0+$0x7820] =	vst v0  }
0x2e: {  	[tilespmem:s0+$0x7830] =	vst v0  }
0x2f: {  	[tilespmem:s0+$0xA000] =	vst v0  }
0x30: {  	[tilespmem:s0+$0xA010] =	vst v0  }
0x31: {  	[tilespmem:s0+$0xA020] =	vst v0  }
0x32: {  	[tilespmem:s0+$0xA030] =	vst v0  }
0x33: {  	[tilespmem:s0+$0xC800] =	vst v0  }
0x34: {  	[tilespmem:s0+$0xC810] =	vst v0  }
0x35: {  	[tilespmem:s0+$0xC820] =	vst v0;
	s26 =	simm.s32 $0x0  }
0x36: {  	[tilespmem:s15], [sflag:$0x2] =	stream.linear.gather [hbm4b:s3+s26], $0x1F40, $0x38;
	[tilespmem:$0x12F00] =	vst v63  }
0x37: {  	_ = 	snop  }
0x38: {  	[tilespmem:s16], [sflag:$0x3] =	stream.linear.gather [hbm4b:s6+s26], $0x1F40, $0x38;
	[tilespmem:$0x12F00] =	vst v63  }
0x39: {  	_ =	swait.ge [sflag:s17], $0x2800  }
0x3a: {  	[sflag:s17] =	ssyncset.done $0x0  }
0x3b: {  	[sflag:s17] =	ssyncadd.s32 $0xFFFFD800  }
0x3c: {  	_ =	swait.ge [sflag:s17], $0x2800  }
0x3d: {  	[sflag:s17] =	ssyncset.done $0x0  }
0x3e: {  	[sflag:s17] =	ssyncadd.s32 $0xFFFFD800  }
.LBB2_4:
0x3f: {  	_ =	swait.ge [sflag:s18], $0x1F40  }
0x40: {  	[sflag:s18] =	ssyncset.done $0x0  }
0x41: {  	s0 =	simm.s32 $0xF040;
	[sflag:s18] =	ssyncadd.s32 $0xFFFFE0C0  }
0x42: {  	v1 =	vld [tilespmem:s0+$0x30]  }
0x43: {  	v2 =	vld [tilespmem:s0+$0xFFFFFFD0]  }
0x44: {  	v3 =	vld [tilespmem:s0+$0xFFFFFFE0]  }
0x45: {  	v4 =	vld [tilespmem:s0+$0xFFFFFFF0]  }
0x46: {  	v5 =	vld [tilespmem:s0+$0x0]  }
0x47: {  	v6 =	vld [tilespmem:s0+$0x10];
	v7 =	vshrl.u32 v1, $0xE  }
0x48: {  	v12 =	vld [tilespmem:s0+$0xFFFFFFC0];
	v8 =	vshrl.u32 v2, $0xE  }
0x49: {  	v9 =	vld [tilespmem:s0+$0x20];
	v10 =	vshrl.u32 v3, $0xE  }
0x4a: {  	v11 =	vshrl.u32 v4, $0xE  }
0x4b: {  	v13 =	vshrl.u32 v5, $0xE  }
0x4c: {  	v14 =	vshrl.u32 v6, $0xE;
	v15 =	vld.idx.msk [tilespmem:v7+s2+$0x0], $0xffff  }
0x4d: {  	v21 =	vshrl.u32 v12, $0xE;
	v16 =	vld.idx.msk [tilespmem:v8+s2+$0x0], $0xffff  }
0x4e: {  	v17 =	vshrl.u32 v9, $0xE;
	v18 =	vld.idx.msk [tilespmem:v10+s2+$0x0], $0xffff  }
0x4f: {  	v1 =	vand.u32 $0x3FFF, v1;
	v19 =	vld.idx.msk [tilespmem:v11+s2+$0x0], $0xffff  }
0x50: {  	v2 =	vand.u32 $0x3FFF, v2;
	v20 =	vld.idx.msk [tilespmem:v13+s2+$0x0], $0xffff  }
0x51: {  	v3 =	vand.u32 $0x3FFF, v3;
	v22 =	vld.idx.msk [tilespmem:v14+s2+$0x0], $0xffff  }
0x52: {  	v4 =	vand.u32 $0x3FFF, v4;
	v40 =	vld.idx.msk [tilespmem:v21+s2+$0x0], $0xffff  }
0x53: {  	v12 =	vand.u32 $0x3FFF, v12;
	v23 =	vld.idx.msk [tilespmem:v17+s2+$0x0], $0xffff;
	v24 =	vshll.u32 v15, $0x10  }
0x54: {  	v5 =	vand.u32 $0x3FFF, v5;
	v39 =	vshll.u32 v16, $0x10;
	[tilespmem:v1+s19+$0x0] =	vst.idx.add.f32.msk $0xffff, v24  }
0x55: {  	v6 =	vand.u32 $0x3FFF, v6;
	v41 =	vshll.u32 v18, $0x10;
	[tilespmem:v2+s19+$0x0] =	vst.idx.add.f32.msk $0xffff, v39  }
0x56: {  	v43 =	vshll.u32 v19, $0x10;
	[tilespmem:v3+s19+$0x0] =	vst.idx.add.f32.msk $0xffff, v41  }
0x57: {  	v45 =	vshll.u32 v40, $0x10;
	[tilespmem:v4+s19+$0x0] =	vst.idx.add.f32.msk $0xffff, v43  }
0x58: {  	v47 =	vshll.u32 v20, $0x10;
	[tilespmem:v12+s19+$0x0] =	vst.idx.add.f32.msk $0xffff, v45  }
0x59: {  	v49 =	vshll.u32 v22, $0x10;
	[tilespmem:v5+s19+$0x0] =	vst.idx.add.f32.msk $0xffff, v47  }
0x5a: {  	v15 =	vand.u32 $0xFFFF0000, v15;
	[tilespmem:v6+s19+$0x0] =	vst.idx.add.f32.msk $0xffff, v49  }
0x5b: {  	v16 =	vand.u32 $0xFFFF0000, v16;
	[tilespmem:v1+s20+$0x0] =	vst.idx.add.f32.msk $0xffff, v15  }
0x5c: {  	v42 =	vand.u32 $0xFFFF0000, v18;
	[tilespmem:v2+s20+$0x0] =	vst.idx.add.f32.msk $0xffff, v16  }
0x5d: {  	v46 =	vand.u32 $0xFFFF0000, v19;
	[tilespmem:v3+s20+$0x0] =	vst.idx.add.f32.msk $0xffff, v42  }
0x5e: {  	v48 =	vand.u32 $0xFFFF0000, v20;
	[tilespmem:v4+s20+$0x0] =	vst.idx.add.f32.msk $0xffff, v46  }
0x5f: {  	v50 =	vand.u32 $0xFFFF0000, v22;
	[tilespmem:v5+s20+$0x0] =	vst.idx.add.f32.msk $0xffff, v48  }
0x60: {  	[tilespmem:v6+s20+$0x0] =	vst.idx.add.f32.msk $0xffff, v50  }
0x61: {  	v7 =	vld.idx.msk [tilespmem:v7+s14+$0x0], $0xffff  }
0x62: {  	v8 =	vld.idx.msk [tilespmem:v8+s14+$0x0], $0xffff  }
0x63: {  	v54 =	vld.idx.msk [tilespmem:v10+s14+$0x0], $0xffff  }
0x64: {  	v55 =	vld.idx.msk [tilespmem:v11+s14+$0x0], $0xffff  }
0x65: {  	v56 =	vld.idx.msk [tilespmem:v13+s14+$0x0], $0xffff  }
0x66: {  	v57 =	vld.idx.msk [tilespmem:v14+s14+$0x0], $0xffff;
	v44 =	vshll.u32 v7, $0x10  }
0x67: {  	v60 =	vshll.u32 v8, $0x10;
	[tilespmem:v1+s21+$0x0] =	vst.idx.add.f32.msk $0xffff, v44  }
0x68: {  	v62 =	vshll.u32 v54, $0x10;
	[tilespmem:v2+s21+$0x0] =	vst.idx.add.f32.msk $0xffff, v60  }
0x69: {  	v63 =	vshll.u32 v55, $0x10;
	[tilespmem:v3+s21+$0x0] =	vst.idx.add.f32.msk $0xffff, v62  }
0x6a: {  	v7 =	vand.u32 $0xFFFF0000, v7;
	[tilespmem:v4+s21+$0x0] =	vst.idx.add.f32.msk $0xffff, v63  }
0x6b: {  	v61 =	vand.u32 $0xFFFF0000, v8;
	[tilespmem:v1+s22+$0x0] =	vst.idx.add.f32.msk $0xffff, v7  }
0x6c: {  	v1 =	vand.u32 $0xFFFF0000, v40;
	[tilespmem:v2+s22+$0x0] =	vst.idx.add.f32.msk $0xffff, v61  }
0x6d: {  	v2 =	vand.u32 $0xFFFF0000, v54;
	[tilespmem:v12+s20+$0x0] =	vst.idx.add.f32.msk $0xffff, v1;
	v1 =	vand.u32 $0x3FFF, v9  }
0x6e: {  	[tilespmem:v3+s22+$0x0] =	vst.idx.add.f32.msk $0xffff, v2  }
0x6f: {  	v2 =	vand.u32 $0xFFFF0000, v55;
	v53 =	vld.idx.msk [tilespmem:v21+s14+$0x0], $0xffff  }
0x70: {  	v3 =	vshll.u32 v56, $0x10;
	[tilespmem:v4+s22+$0x0] =	vst.idx.add.f32.msk $0xffff, v2  }
0x71: {  	v51 =	vshll.u32 v23, $0x10;
	[tilespmem:v5+s21+$0x0] =	vst.idx.add.f32.msk $0xffff, v3  }
0x72: {  	v52 =	vand.u32 $0xFFFF0000, v23;
	[tilespmem:v1+s19+$0x0] =	vst.idx.add.f32.msk $0xffff, v51  }
0x73: {  	[tilespmem:v1+s20+$0x0] =	vst.idx.add.f32.msk $0xffff, v52  }
0x74: {  	v2 =	vand.u32 $0xFFFF0000, v56;
	v59 =	vld.idx.msk [tilespmem:v17+s14+$0x0], $0xffff  }
0x75: {  	v3 =	vshll.u32 v57, $0x10;
	[tilespmem:v5+s22+$0x0] =	vst.idx.add.f32.msk $0xffff, v2  }
0x76: {  	v4 =	vand.u32 $0xFFFF0000, v57;
	[tilespmem:v6+s21+$0x0] =	vst.idx.add.f32.msk $0xffff, v3  }
0x77: {  	[tilespmem:v6+s22+$0x0] =	vst.idx.add.f32.msk $0xffff, v4;
	v58 =	vshll.u32 v53, $0x10  }
0x78: {  	s30 =	simm.s32 $0x0;
	v7 =	vand.u32 $0xFFFF0000, v53;
	[tilespmem:v12+s21+$0x0] =	vst.idx.add.f32.msk $0xffff, v58  }
0x79: {  	s28 =	simm.s32 $0x1EF0;
	s29 =	simm.s32 $0x10F00;
	s31 =	simm.s32 $0xF0C0;
	[tilespmem:v12+s22+$0x0] =	vst.idx.add.f32.msk $0xffff, v7;
	v3 =	vshll.u32 v59, $0x10;
	v2 =	vand.u32 $0xFFFF0000, v59  }
.LBB2_5:
0x7a: {  	v4 =	vld [tilespmem:s31+$0x30]  }
0x7b: {  	v5 =	vld [tilespmem:s31+$0xFFFFFFD0]  }
0x7c: {  	s30 =	sadd.s32 $0x80, s30;
	v6 =	vld [tilespmem:s31+$0xFFFFFFE0]  }
0x7d: {  	p0 =	slt.u32 s30, $0x1E80;
	v7 =	vld [tilespmem:s31+$0xFFFFFFF0]  }
0x7e: {  	v8 =	vld [tilespmem:s31+$0x0]  }
0x7f: {  	v9 =	vld [tilespmem:s31+$0x10];
	v10 =	vshrl.u32 v4, $0xE  }
0x80: {  	v11 =	vshrl.u32 v5, $0xE;
	v5 =	vand.u32 $0x3FFF, v5;
	v12 =	vld [tilespmem:s31+$0x20]  }
0x81: {  	v13 =	vld [tilespmem:s31+$0xFFFFFFC0];
	v14 =	vshrl.u32 v6, $0xE;
	v6 =	vand.u32 $0x3FFF, v6  }
0x82: {  	v15 =	vshrl.u32 v7, $0xE;
	v7 =	vand.u32 $0x3FFF, v7;
	[tilespmem:v1+s21+$0x0] =	vst.idx.add.f32.msk $0xffff, v3  }
0x83: {  	v3 =	vshrl.u32 v8, $0xE;
	v8 =	vand.u32 $0x3FFF, v8;
	[tilespmem:v1+s22+$0x0] =	vst.idx.add.f32.msk $0xffff, v2  }
0x84: {  	v2 =	vshrl.u32 v9, $0xE;
	v9 =	vand.u32 $0x3FFF, v9;
	v16 =	vld.idx.msk [tilespmem:v10+s2+$0x0], $0xffff  }
0x85: {  	v17 =	vld.idx.msk [tilespmem:v11+s2+$0x0], $0xffff;
	v18 =	vshrl.u32 v12, $0xE;
	v1 =	vand.u32 $0x3FFF, v12  }
0x86: {  	v4 =	vand.u32 $0x3FFF, v4;
	v12 =	vshrl.u32 v13, $0xE;
	v13 =	vand.u32 $0x3FFF, v13;
	v19 =	vld.idx.msk [tilespmem:v14+s2+$0x0], $0xffff  }
0x87: {  	v20 =	vld.idx.msk [tilespmem:v15+s2+$0x0], $0xffff  }
0x88: {  	v21 =	vld.idx.msk [tilespmem:v3+s2+$0x0], $0xffff  }
0x89: {  	v22 =	vld.idx.msk [tilespmem:v2+s2+$0x0], $0xffff  }
0x8a: {  	v24 =	vshll.u32 v16, $0x10;
	v23 =	vld.idx.msk [tilespmem:v18+s2+$0x0], $0xffff  }
0x8b: {  	v16 =	vand.u32 $0xFFFF0000, v16;
	v25 =	vshll.u32 v17, $0x10;
	v17 =	vand.u32 $0xFFFF0000, v17;
	[tilespmem:v4+s19+$0x0] =	vst.idx.add.f32.msk $0xffff, v24  }
0x8c: {  	v24 =	vshll.u32 v19, $0x10;
	v19 =	vand.u32 $0xFFFF0000, v19;
	[tilespmem:v4+s20+$0x0] =	vst.idx.add.f32.msk $0xffff, v16  }
0x8d: {  	v16 =	vshll.u32 v20, $0x10;
	v20 =	vand.u32 $0xFFFF0000, v20;
	v10 =	vld.idx.msk [tilespmem:v10+s14+$0x0], $0xffff  }
0x8e: {  	v27 =	vshll.u32 v21, $0x10;
	v21 =	vand.u32 $0xFFFF0000, v21;
	v26 =	vld.idx.msk [tilespmem:v12+s2+$0x0], $0xffff  }
0x8f: {  	[tilespmem:v5+s19+$0x0] =	vst.idx.add.f32.msk $0xffff, v25;
	v25 =	vshll.u32 v22, $0x10;
	v22 =	vand.u32 $0xFFFF0000, v22  }
0x90: {  	[tilespmem:v5+s20+$0x0] =	vst.idx.add.f32.msk $0xffff, v17;
	v17 =	vshll.u32 v23, $0x10;
	v23 =	vand.u32 $0xFFFF0000, v23  }
0x91: {  	[tilespmem:v6+s19+$0x0] =	vst.idx.add.f32.msk $0xffff, v24  }
0x92: {  	[tilespmem:v6+s20+$0x0] =	vst.idx.add.f32.msk $0xffff, v19  }
0x93: {  	[tilespmem:v7+s19+$0x0] =	vst.idx.add.f32.msk $0xffff, v16;
	v16 =	vshll.u32 v10, $0x10  }
0x94: {  	v19 =	vshll.u32 v26, $0x10;
	v24 =	vand.u32 $0xFFFF0000, v26;
	v10 =	vand.u32 $0xFFFF0000, v10;
	[tilespmem:v4+s21+$0x0] =	vst.idx.add.f32.msk $0xffff, v16  }
0x95: {  	[tilespmem:v4+s22+$0x0] =	vst.idx.add.f32.msk $0xffff, v10  }
0x96: {  	[tilespmem:v13+s19+$0x0] =	vst.idx.add.f32.msk $0xffff, v19  }
0x97: {  	[tilespmem:v13+s20+$0x0] =	vst.idx.add.f32.msk $0xffff, v24  }
0x98: {  	[tilespmem:v7+s20+$0x0] =	vst.idx.add.f32.msk $0xffff, v20  }
0x99: {  	[tilespmem:v8+s19+$0x0] =	vst.idx.add.f32.msk $0xffff, v27  }
0x9a: {  	[tilespmem:v8+s20+$0x0] =	vst.idx.add.f32.msk $0xffff, v21  }
0x9b: {  	[tilespmem:v9+s19+$0x0] =	vst.idx.add.f32.msk $0xffff, v25  }
0x9c: {  	[tilespmem:v9+s20+$0x0] =	vst.idx.add.f32.msk $0xffff, v22  }
0x9d: {  	[tilespmem:v1+s19+$0x0] =	vst.idx.add.f32.msk $0xffff, v17  }
0x9e: {  	[tilespmem:v1+s20+$0x0] =	vst.idx.add.f32.msk $0xffff, v23  }
0x9f: {  	v4 =	vld.idx.msk [tilespmem:v12+s14+$0x0], $0xffff  }
0xa0: {  	v10 =	vld.idx.msk [tilespmem:v11+s14+$0x0], $0xffff  }
0xa1: {  	v11 =	vld.idx.msk [tilespmem:v14+s14+$0x0], $0xffff  }
0xa2: {  	v12 =	vld.idx.msk [tilespmem:v15+s14+$0x0], $0xffff  }
0xa3: {  	v3 =	vld.idx.msk [tilespmem:v3+s14+$0x0], $0xffff  }
0xa4: {  	v2 =	vld.idx.msk [tilespmem:v2+s14+$0x0], $0xffff  }
0xa5: {  	v14 =	vshll.u32 v4, $0x10;
	v4 =	vand.u32 $0xFFFF0000, v4;
	v15 =	vld.idx.msk [tilespmem:v18+s14+$0x0], $0xffff  }
0xa6: {  	[tilespmem:v13+s21+$0x0] =	vst.idx.add.f32.msk $0xffff, v14;
	v14 =	vshll.u32 v10, $0x10;
	v10 =	vand.u32 $0xFFFF0000, v10  }
0xa7: {  	[tilespmem:v13+s22+$0x0] =	vst.idx.add.f32.msk $0xffff, v4;
	v4 =	vshll.u32 v11, $0x10;
	v11 =	vand.u32 $0xFFFF0000, v11  }
0xa8: {  	v13 =	vshll.u32 v12, $0x10;
	v12 =	vand.u32 $0xFFFF0000, v12;
	[tilespmem:v5+s21+$0x0] =	vst.idx.add.f32.msk $0xffff, v14  }
0xa9: {  	[tilespmem:v5+s22+$0x0] =	vst.idx.add.f32.msk $0xffff, v10;
	v5 =	vshll.u32 v3, $0x10;
	v10 =	vand.u32 $0xFFFF0000, v3  }
0xaa: {  	v14 =	vand.u32 $0xFFFF0000, v2;
	[tilespmem:v6+s21+$0x0] =	vst.idx.add.f32.msk $0xffff, v4;
	v4 =	vshll.u32 v2, $0x10  }
0xab: {  	v3 =	vshll.u32 v15, $0x10;
	v2 =	vand.u32 $0xFFFF0000, v15;
	[tilespmem:v6+s22+$0x0] =	vst.idx.add.f32.msk $0xffff, v11  }
0xac: {  	[tilespmem:v7+s21+$0x0] =	vst.idx.add.f32.msk $0xffff, v13  }
.Ltmp1:
0xad: {  	[tilespmem:v7+s22+$0x0] =	vst.idx.add.f32.msk $0xffff, v12;
	(pc) =	sbr.rel @p0 .LBB2_5-.Ltmp1, $4  }
0xae: {  	[tilespmem:v8+s21+$0x0] =	vst.idx.add.f32.msk $0xffff, v5  }
0xaf: {  	[tilespmem:v8+s22+$0x0] =	vst.idx.add.f32.msk $0xffff, v10  }
0xb0: {  	[tilespmem:v9+s21+$0x0] =	vst.idx.add.f32.msk $0xffff, v4  }
0xb1: {  	s31 =	sadd.s32 $0x80, s31;
	[tilespmem:v9+s22+$0x0] =	vst.idx.add.f32.msk $0xffff, v14  }
0xb2: {  	_ =	sdelay $0x3  }
0xb3: {  	[tilespmem:v1+s21+$0x0] =	vst.idx.add.f32.msk $0xffff, v3  }
0xb4: {  	[tilespmem:v1+s22+$0x0] =	vst.idx.add.f32.msk $0xffff, v2  }
.LBB2_7:
0xb5: {  	v1 =	vld [tilespmem:s29+$0x0];
	_ =	sdelay $0x4  }
0xb6: {  	v2 =	vshrl.u32 v1, $0xE;
	_ =	sdelay $0x4  }
0xb7: {  	v3 =	vld.idx.msk [tilespmem:v2+s2+$0x0], $0xffff  }
0xb8: {  	v1 =	vand.u32 $0x3FFF, v1;
	_ =	sdelay $0x3  }
0xb9: {  	v4 =	vshll.u32 v3, $0x10  }
0xba: {  	v3 =	vand.u32 $0xFFFF0000, v3;
	[tilespmem:v1+s19+$0x0] =	vst.idx.add.f32.msk $0xffff, v4  }
0xbb: {  	[tilespmem:v1+s20+$0x0] =	vst.idx.add.f32.msk $0xffff, v3  }
0xbc: {  	v2 =	vld.idx.msk [tilespmem:v2+s14+$0x0], $0xffff  }
0xbd: {  	s28 =	sadd.s32 $0x10, s28  }
0xbe: {  	p0 =	slt.u32 s28, $0x1F30  }
.Ltmp2:
0xbf: {  	_ = 	snop;
	(pc) =	sbr.rel @p0 .LBB2_7-.Ltmp2, $4  }
0xc0: {  	_ = 	snop  }
0xc1: {  	v3 =	vshll.u32 v2, $0x10  }
0xc2: {  	v2 =	vand.u32 $0xFFFF0000, v2;
	[tilespmem:v1+s21+$0x0] =	vst.idx.add.f32.msk $0xffff, v3  }
0xc3: {  	s29 =	sadd.s32 $0x10, s29;
	[tilespmem:v1+s22+$0x0] =	vst.idx.add.f32.msk $0xffff, v2  }
0xc4: {  	s0 =	smul.u32 $0x3E80, s26;
	_ =	sdelay $0x1  }
0xc5: {  	s0 =	sshrl.u32 s0, $0x3  }
0xc6: {  	s28 =	sadd.s32 s3, s0  }
0xc7: {  	s0 =	sadd.s32 $0x7D0, s28  }
0xc8: {  	[tilespmem:s15], [sflag:$0x2] =	stream.linear.gather [hbm4b:s0+s2], $0x1F40, $0x38;
	[tilespmem:$0x12F00] =	vst v63  }
0xc9: {  	_ =	swait.ge [sflag:s23], $0x1F40  }
0xca: {  	[sflag:s23] =	ssyncset.done $0x0  }
0xcb: {  	s0 =	simm.s32 $0x10FC0;
	[sflag:s23] =	ssyncadd.s32 $0xFFFFE0C0  }
0xcc: {  	v1 =	vld [tilespmem:s0+$0x30]  }
0xcd: {  	v2 =	vld [tilespmem:s0+$0xFFFFFFD0]  }
0xce: {  	v3 =	vld [tilespmem:s0+$0xFFFFFFE0]  }
0xcf: {  	v4 =	vld [tilespmem:s0+$0xFFFFFFF0]  }
0xd0: {  	v5 =	vld [tilespmem:s0+$0x0]  }
0xd1: {  	v6 =	vld [tilespmem:s0+$0x10];
	v7 =	vshrl.u32 v1, $0xE  }
0xd2: {  	v9 =	vld [tilespmem:s0+$0x20];
	v8 =	vshrl.u32 v2, $0xE  }
0xd3: {  	v12 =	vld [tilespmem:s0+$0xFFFFFFC0];
	v10 =	vshrl.u32 v3, $0xE  }
0xd4: {  	v11 =	vshrl.u32 v4, $0xE  }
0xd5: {  	v13 =	vshrl.u32 v5, $0xE  }
0xd6: {  	v14 =	vshrl.u32 v6, $0xE;
	v15 =	vld.idx.msk [tilespmem:v7+s2+$0x0], $0xffff  }
0xd7: {  	v17 =	vshrl.u32 v9, $0xE;
	v16 =	vld.idx.msk [tilespmem:v8+s2+$0x0], $0xffff  }
0xd8: {  	v21 =	vshrl.u32 v12, $0xE;
	v18 =	vld.idx.msk [tilespmem:v10+s2+$0x0], $0xffff  }
0xd9: {  	v1 =	vand.u32 $0x3FFF, v1;
	v19 =	vld.idx.msk [tilespmem:v11+s2+$0x0], $0xffff  }
0xda: {  	v2 =	vand.u32 $0x3FFF, v2;
	v20 =	vld.idx.msk [tilespmem:v13+s2+$0x0], $0xffff  }
0xdb: {  	v3 =	vand.u32 $0x3FFF, v3;
	v22 =	vld.idx.msk [tilespmem:v14+s2+$0x0], $0xffff  }
0xdc: {  	v4 =	vand.u32 $0x3FFF, v4;
	v23 =	vld.idx.msk [tilespmem:v17+s2+$0x0], $0xffff  }
0xdd: {  	v48 =	vld.idx.msk [tilespmem:v21+s2+$0x0], $0xffff;
	v24 =	vshll.u32 v15, $0x10  }
0xde: {  	v47 =	vshll.u32 v16, $0x10;
	[tilespmem:v1+s19+$0x0] =	vst.idx.add.f32.msk $0xffff, v24  }
0xdf: {  	v12 =	vand.u32 $0x3FFF, v12;
	v49 =	vshll.u32 v18, $0x10;
	[tilespmem:v2+s19+$0x0] =	vst.idx.add.f32.msk $0xffff, v47  }
0xe0: {  	v5 =	vand.u32 $0x3FFF, v5;
	v51 =	vshll.u32 v19, $0x10;
	[tilespmem:v3+s19+$0x0] =	vst.idx.add.f32.msk $0xffff, v49  }
0xe1: {  	v15 =	vand.u32 $0xFFFF0000, v15;
	[tilespmem:v4+s19+$0x0] =	vst.idx.add.f32.msk $0xffff, v51  }
0xe2: {  	[tilespmem:v1+s20+$0x0] =	vst.idx.add.f32.msk $0xffff, v15  }
0xe3: {  	v53 =	vshll.u32 v48, $0x10;
	v7 =	vld.idx.msk [tilespmem:v7+s14+$0x0], $0xffff  }
0xe4: {  	v54 =	vshll.u32 v20, $0x10;
	[tilespmem:v12+s19+$0x0] =	vst.idx.add.f32.msk $0xffff, v53  }
0xe5: {  	v16 =	vand.u32 $0xFFFF0000, v16;
	[tilespmem:v5+s19+$0x0] =	vst.idx.add.f32.msk $0xffff, v54  }
0xe6: {  	v50 =	vand.u32 $0xFFFF0000, v18;
	[tilespmem:v2+s20+$0x0] =	vst.idx.add.f32.msk $0xffff, v16  }
0xe7: {  	[tilespmem:v3+s20+$0x0] =	vst.idx.add.f32.msk $0xffff, v50  }
0xe8: {  	v8 =	vld.idx.msk [tilespmem:v8+s14+$0x0], $0xffff;
	v52 =	vshll.u32 v7, $0x10  }
0xe9: {  	v7 =	vand.u32 $0xFFFF0000, v7;
	[tilespmem:v1+s21+$0x0] =	vst.idx.add.f32.msk $0xffff, v52  }
0xea: {  	[tilespmem:v1+s22+$0x0] =	vst.idx.add.f32.msk $0xffff, v7;
	v7 =	vand.u32 $0x3FFF, v6  }
0xeb: {  	v57 =	vld.idx.msk [tilespmem:v10+s14+$0x0], $0xffff;
	v1 =	vand.u32 $0xFFFF0000, v48  }
0xec: {  	v6 =	vand.u32 $0xFFFF0000, v19;
	[tilespmem:v12+s20+$0x0] =	vst.idx.add.f32.msk $0xffff, v1;
	v1 =	vand.u32 $0x3FFF, v9  }
0xed: {  	[tilespmem:v4+s20+$0x0] =	vst.idx.add.f32.msk $0xffff, v6;
	v6 =	vand.u32 $0xFFFF0000, v20  }
0xee: {  	v55 =	vshll.u32 v22, $0x10;
	[tilespmem:v5+s20+$0x0] =	vst.idx.add.f32.msk $0xffff, v6  }
0xef: {  	v6 =	vand.u32 $0xFFFF0000, v22;
	[tilespmem:v7+s19+$0x0] =	vst.idx.add.f32.msk $0xffff, v55  }
0xf0: {  	v56 =	vshll.u32 v23, $0x10;
	[tilespmem:v7+s20+$0x0] =	vst.idx.add.f32.msk $0xffff, v6  }
0xf1: {  	v6 =	vand.u32 $0xFFFF0000, v23;
	[tilespmem:v1+s19+$0x0] =	vst.idx.add.f32.msk $0xffff, v56  }
0xf2: {  	[tilespmem:v1+s20+$0x0] =	vst.idx.add.f32.msk $0xffff, v6  }
0xf3: {  	v63 =	vshll.u32 v8, $0x10;
	v6 =	vld.idx.msk [tilespmem:v21+s14+$0x0], $0xffff  }
0xf4: {  	[tilespmem:v2+s21+$0x0] =	vst.idx.add.f32.msk $0xffff, v63  }
0xf5: {  	v58 =	vld.idx.msk [tilespmem:v11+s14+$0x0], $0xffff  }
0xf6: {  	v59 =	vld.idx.msk [tilespmem:v13+s14+$0x0], $0xffff  }
0xf7: {  	v60 =	vld.idx.msk [tilespmem:v14+s14+$0x0], $0xffff  }
0xf8: {  	v62 =	vld.idx.msk [tilespmem:v17+s14+$0x0], $0xffff;
	v61 =	vshll.u32 v6, $0x10  }
0xf9: {  	v6 =	vand.u32 $0xFFFF0000, v6;
	[tilespmem:v12+s21+$0x0] =	vst.idx.add.f32.msk $0xffff, v61  }
0xfa: {  	[tilespmem:v12+s22+$0x0] =	vst.idx.add.f32.msk $0xffff, v6;
	v6 =	vand.u32 $0xFFFF0000, v8  }
0xfb: {  	v8 =	vshll.u32 v57, $0x10;
	[tilespmem:v2+s22+$0x0] =	vst.idx.add.f32.msk $0xffff, v6  }
0xfc: {  	v2 =	vand.u32 $0xFFFF0000, v57;
	[tilespmem:v3+s21+$0x0] =	vst.idx.add.f32.msk $0xffff, v8  }
0xfd: {  	v6 =	vshll.u32 v58, $0x10;
	[tilespmem:v3+s22+$0x0] =	vst.idx.add.f32.msk $0xffff, v2  }
0xfe: {  	v2 =	vand.u32 $0xFFFF0000, v58;
	[tilespmem:v4+s21+$0x0] =	vst.idx.add.f32.msk $0xffff, v6  }
0xff: {  	v3 =	vshll.u32 v59, $0x10;
	[tilespmem:v4+s22+$0x0] =	vst.idx.add.f32.msk $0xffff, v2  }
0x100: {  	v2 =	vand.u32 $0xFFFF0000, v59;
	[tilespmem:v5+s21+$0x0] =	vst.idx.add.f32.msk $0xffff, v3  }
0x101: {  	v3 =	vshll.u32 v60, $0x10;
	[tilespmem:v5+s22+$0x0] =	vst.idx.add.f32.msk $0xffff, v2  }
0x102: {  	v2 =	vand.u32 $0xFFFF0000, v60;
	[tilespmem:v7+s21+$0x0] =	vst.idx.add.f32.msk $0xffff, v3  }
0x103: {  	s30 =	simm.s32 $0x0;
	s29 =	simm.s32 $0x12E80;
	s31 =	simm.s32 $0x11040;
	v6 =	vshll.u32 v62, $0x10;
	v5 =	vand.u32 $0xFFFF0000, v62;
	[tilespmem:v7+s22+$0x0] =	vst.idx.add.f32.msk $0xffff, v2  }
.LBB2_9:
0x104: {  	v7 =	vld [tilespmem:s31+$0x30]  }
0x105: {  	v2 =	vld [tilespmem:s31+$0xFFFFFFD0]  }
0x106: {  	s30 =	sadd.s32 $0x80, s30;
	v3 =	vld [tilespmem:s31+$0xFFFFFFE0]  }
0x107: {  	p0 =	slt.u32 s30, $0x1E80;
	v4 =	vld [tilespmem:s31+$0xFFFFFFF0]  }
0x108: {  	v8 =	vld [tilespmem:s31+$0x0]  }
0x109: {  	v9 =	vld [tilespmem:s31+$0x10];
	v10 =	vshrl.u32 v7, $0xE  }
0x10a: {  	v11 =	vshrl.u32 v2, $0xE;
	v12 =	vand.u32 $0x3FFF, v2;
	v13 =	vld [tilespmem:s31+$0x20]  }
0x10b: {  	v14 =	vld [tilespmem:s31+$0xFFFFFFC0];
	v15 =	vshrl.u32 v3, $0xE;
	v16 =	vand.u32 $0x3FFF, v3  }
0x10c: {  	v17 =	vshrl.u32 v4, $0xE;
	v2 =	vand.u32 $0x3FFF, v4;
	[tilespmem:v1+s21+$0x0] =	vst.idx.add.f32.msk $0xffff, v6  }
0x10d: {  	v6 =	vshrl.u32 v8, $0xE;
	v3 =	vand.u32 $0x3FFF, v8;
	[tilespmem:v1+s22+$0x0] =	vst.idx.add.f32.msk $0xffff, v5  }
0x10e: {  	v5 =	vshrl.u32 v9, $0xE;
	v4 =	vand.u32 $0x3FFF, v9;
	v8 =	vld.idx.msk [tilespmem:v10+s2+$0x0], $0xffff  }
0x10f: {  	v9 =	vld.idx.msk [tilespmem:v11+s2+$0x0], $0xffff;
	v18 =	vshrl.u32 v13, $0xE;
	v1 =	vand.u32 $0x3FFF, v13  }
0x110: {  	v7 =	vand.u32 $0x3FFF, v7;
	v13 =	vshrl.u32 v14, $0xE;
	v14 =	vand.u32 $0x3FFF, v14;
	v19 =	vld.idx.msk [tilespmem:v15+s2+$0x0], $0xffff  }
0x111: {  	v20 =	vld.idx.msk [tilespmem:v17+s2+$0x0], $0xffff  }
0x112: {  	v21 =	vld.idx.msk [tilespmem:v6+s2+$0x0], $0xffff  }
0x113: {  	v22 =	vld.idx.msk [tilespmem:v5+s2+$0x0], $0xffff  }
0x114: {  	v24 =	vshll.u32 v8, $0x10;
	v23 =	vld.idx.msk [tilespmem:v18+s2+$0x0], $0xffff  }
0x115: {  	v8 =	vand.u32 $0xFFFF0000, v8;
	v25 =	vshll.u32 v9, $0x10;
	v9 =	vand.u32 $0xFFFF0000, v9;
	[tilespmem:v7+s19+$0x0] =	vst.idx.add.f32.msk $0xffff, v24  }
0x116: {  	v24 =	vshll.u32 v19, $0x10;
	v19 =	vand.u32 $0xFFFF0000, v19;
	[tilespmem:v7+s20+$0x0] =	vst.idx.add.f32.msk $0xffff, v8  }
0x117: {  	v8 =	vshll.u32 v20, $0x10;
	v20 =	vand.u32 $0xFFFF0000, v20;
	v10 =	vld.idx.msk [tilespmem:v10+s14+$0x0], $0xffff  }
0x118: {  	v27 =	vshll.u32 v21, $0x10;
	v21 =	vand.u32 $0xFFFF0000, v21;
	v26 =	vld.idx.msk [tilespmem:v13+s2+$0x0], $0xffff  }
0x119: {  	[tilespmem:v12+s19+$0x0] =	vst.idx.add.f32.msk $0xffff, v25;
	v25 =	vshll.u32 v22, $0x10;
	v22 =	vand.u32 $0xFFFF0000, v22  }
0x11a: {  	[tilespmem:v12+s20+$0x0] =	vst.idx.add.f32.msk $0xffff, v9;
	v9 =	vshll.u32 v23, $0x10;
	v23 =	vand.u32 $0xFFFF0000, v23  }
0x11b: {  	[tilespmem:v16+s19+$0x0] =	vst.idx.add.f32.msk $0xffff, v24  }
0x11c: {  	[tilespmem:v16+s20+$0x0] =	vst.idx.add.f32.msk $0xffff, v19  }
0x11d: {  	[tilespmem:v2+s19+$0x0] =	vst.idx.add.f32.msk $0xffff, v8;
	v8 =	vshll.u32 v10, $0x10  }
0x11e: {  	v19 =	vshll.u32 v26, $0x10;
	v24 =	vand.u32 $0xFFFF0000, v26;
	v10 =	vand.u32 $0xFFFF0000, v10;
	[tilespmem:v7+s21+$0x0] =	vst.idx.add.f32.msk $0xffff, v8  }
0x11f: {  	s0 =	simm.s32 $0x1EF0;
	[tilespmem:v7+s22+$0x0] =	vst.idx.add.f32.msk $0xffff, v10  }
0x120: {  	[tilespmem:v14+s19+$0x0] =	vst.idx.add.f32.msk $0xffff, v19  }
0x121: {  	[tilespmem:v14+s20+$0x0] =	vst.idx.add.f32.msk $0xffff, v24  }
0x122: {  	[tilespmem:v2+s20+$0x0] =	vst.idx.add.f32.msk $0xffff, v20  }
0x123: {  	[tilespmem:v3+s19+$0x0] =	vst.idx.add.f32.msk $0xffff, v27  }
0x124: {  	[tilespmem:v3+s20+$0x0] =	vst.idx.add.f32.msk $0xffff, v21  }
0x125: {  	[tilespmem:v4+s19+$0x0] =	vst.idx.add.f32.msk $0xffff, v25  }
0x126: {  	[tilespmem:v4+s20+$0x0] =	vst.idx.add.f32.msk $0xffff, v22  }
0x127: {  	[tilespmem:v1+s19+$0x0] =	vst.idx.add.f32.msk $0xffff, v9  }
0x128: {  	[tilespmem:v1+s20+$0x0] =	vst.idx.add.f32.msk $0xffff, v23  }
0x129: {  	v7 =	vld.idx.msk [tilespmem:v13+s14+$0x0], $0xffff  }
0x12a: {  	v8 =	vld.idx.msk [tilespmem:v11+s14+$0x0], $0xffff  }
0x12b: {  	v9 =	vld.idx.msk [tilespmem:v15+s14+$0x0], $0xffff  }
0x12c: {  	v10 =	vld.idx.msk [tilespmem:v17+s14+$0x0], $0xffff  }
0x12d: {  	v6 =	vld.idx.msk [tilespmem:v6+s14+$0x0], $0xffff  }
0x12e: {  	v5 =	vld.idx.msk [tilespmem:v5+s14+$0x0], $0xffff  }
0x12f: {  	v11 =	vshll.u32 v7, $0x10;
	v7 =	vand.u32 $0xFFFF0000, v7;
	v13 =	vld.idx.msk [tilespmem:v18+s14+$0x0], $0xffff  }
0x130: {  	[tilespmem:v14+s21+$0x0] =	vst.idx.add.f32.msk $0xffff, v11;
	v11 =	vshll.u32 v8, $0x10;
	v8 =	vand.u32 $0xFFFF0000, v8  }
0x131: {  	[tilespmem:v14+s22+$0x0] =	vst.idx.add.f32.msk $0xffff, v7;
	v7 =	vshll.u32 v9, $0x10;
	v9 =	vand.u32 $0xFFFF0000, v9  }
0x132: {  	[tilespmem:v12+s21+$0x0] =	vst.idx.add.f32.msk $0xffff, v11;
	v11 =	vshll.u32 v10, $0x10;
	v10 =	vand.u32 $0xFFFF0000, v10  }
0x133: {  	[tilespmem:v12+s22+$0x0] =	vst.idx.add.f32.msk $0xffff, v8;
	v8 =	vshll.u32 v6, $0x10;
	v12 =	vand.u32 $0xFFFF0000, v6  }
0x134: {  	v14 =	vand.u32 $0xFFFF0000, v5;
	[tilespmem:v16+s21+$0x0] =	vst.idx.add.f32.msk $0xffff, v7;
	v7 =	vshll.u32 v5, $0x10  }
0x135: {  	v6 =	vshll.u32 v13, $0x10;
	v5 =	vand.u32 $0xFFFF0000, v13;
	[tilespmem:v16+s22+$0x0] =	vst.idx.add.f32.msk $0xffff, v9  }
0x136: {  	[tilespmem:v2+s21+$0x0] =	vst.idx.add.f32.msk $0xffff, v11  }
.Ltmp3:
0x137: {  	[tilespmem:v2+s22+$0x0] =	vst.idx.add.f32.msk $0xffff, v10;
	(pc) =	sbr.rel @p0 .LBB2_9-.Ltmp3, $4  }
0x138: {  	[tilespmem:v3+s21+$0x0] =	vst.idx.add.f32.msk $0xffff, v8  }
0x139: {  	[tilespmem:v3+s22+$0x0] =	vst.idx.add.f32.msk $0xffff, v12  }
0x13a: {  	[tilespmem:v4+s21+$0x0] =	vst.idx.add.f32.msk $0xffff, v7  }
0x13b: {  	s31 =	sadd.s32 $0x80, s31;
	[tilespmem:v4+s22+$0x0] =	vst.idx.add.f32.msk $0xffff, v14  }
0x13c: {  	_ =	sdelay $0x3  }
0x13d: {  	[tilespmem:v1+s21+$0x0] =	vst.idx.add.f32.msk $0xffff, v6  }
0x13e: {  	[tilespmem:v1+s22+$0x0] =	vst.idx.add.f32.msk $0xffff, v5  }
.LBB2_11:
0x13f: {  	v1 =	vld [tilespmem:s29+$0x0];
	_ =	sdelay $0x4  }
0x140: {  	v2 =	vshrl.u32 v1, $0xE;
	_ =	sdelay $0x4  }
0x141: {  	v3 =	vld.idx.msk [tilespmem:v2+s2+$0x0], $0xffff  }
0x142: {  	v1 =	vand.u32 $0x3FFF, v1;
	_ =	sdelay $0x3  }
0x143: {  	v4 =	vshll.u32 v3, $0x10  }
0x144: {  	v3 =	vand.u32 $0xFFFF0000, v3;
	[tilespmem:v1+s19+$0x0] =	vst.idx.add.f32.msk $0xffff, v4  }
0x145: {  	[tilespmem:v1+s20+$0x0] =	vst.idx.add.f32.msk $0xffff, v3  }
0x146: {  	v2 =	vld.idx.msk [tilespmem:v2+s14+$0x0], $0xffff  }
0x147: {  	s0 =	sadd.s32 $0x10, s0  }
0x148: {  	p0 =	slt.u32 s0, $0x1F30  }
.Ltmp4:
0x149: {  	_ = 	snop;
	(pc) =	sbr.rel @p0 .LBB2_11-.Ltmp4, $4  }
0x14a: {  	_ = 	snop  }
0x14b: {  	v3 =	vshll.u32 v2, $0x10  }
0x14c: {  	v2 =	vand.u32 $0xFFFF0000, v2;
	[tilespmem:v1+s21+$0x0] =	vst.idx.add.f32.msk $0xffff, v3  }
0x14d: {  	s29 =	sadd.s32 $0x10, s29;
	[tilespmem:v1+s22+$0x0] =	vst.idx.add.f32.msk $0xffff, v2  }
0x14e: {  	s26 =	sadd.s32 $0x1, s26  }
0x14f: {  	p0 =	sne.s32 s26, $0x13  }
.Ltmp5:
0x150: {  	_ = 	snop;
	(pc) =	sbr.rel @p0 .LBB2_4-.Ltmp5, $3  }
0x151: {  	_ =	sdelay $0x1  }
0x152: {  	s0 =	sadd.s32 $0xBB8, s28  }
0x153: {  	[tilespmem:s16], [sflag:$0x3] =	stream.linear.gather [hbm4b:s0+s2], $0x1F40, $0x38;
	[tilespmem:$0x12F00] =	vst v63  }
0x154: {  	_ =	swait.ge [sflag:s18], $0x1F40  }
0x155: {  	[sflag:s18] =	ssyncset.done $0x0  }
0x156: {  	s0 =	simm.s32 $0xF040;
	[sflag:s18] =	ssyncadd.s32 $0xFFFFE0C0  }
0x157: {  	v1 =	vld [tilespmem:s0+$0x30]  }
0x158: {  	v2 =	vld [tilespmem:s0+$0xFFFFFFD0]  }
0x159: {  	v3 =	vld [tilespmem:s0+$0xFFFFFFE0]  }
0x15a: {  	v4 =	vld [tilespmem:s0+$0xFFFFFFF0]  }
0x15b: {  	v5 =	vld [tilespmem:s0+$0x0]  }
0x15c: {  	v6 =	vld [tilespmem:s0+$0x10];
	v7 =	vshrl.u32 v1, $0xE  }
0x15d: {  	v9 =	vld [tilespmem:s0+$0x20];
	v8 =	vshrl.u32 v2, $0xE  }
0x15e: {  	v12 =	vld [tilespmem:s0+$0xFFFFFFC0];
	v10 =	vshrl.u32 v3, $0xE  }
0x15f: {  	v11 =	vshrl.u32 v4, $0xE  }
0x160: {  	v13 =	vshrl.u32 v5, $0xE  }
0x161: {  	v14 =	vshrl.u32 v6, $0xE;
	v15 =	vld.idx.msk [tilespmem:v7+s2+$0x0], $0xffff  }
0x162: {  	v17 =	vshrl.u32 v9, $0xE;
	v16 =	vld.idx.msk [tilespmem:v8+s2+$0x0], $0xffff  }
0x163: {  	v21 =	vshrl.u32 v12, $0xE;
	v18 =	vld.idx.msk [tilespmem:v10+s2+$0x0], $0xffff  }
0x164: {  	v1 =	vand.u32 $0x3FFF, v1;
	v19 =	vld.idx.msk [tilespmem:v11+s2+$0x0], $0xffff  }
0x165: {  	v2 =	vand.u32 $0x3FFF, v2;
	v20 =	vld.idx.msk [tilespmem:v13+s2+$0x0], $0xffff  }
0x166: {  	v3 =	vand.u32 $0x3FFF, v3;
	v22 =	vld.idx.msk [tilespmem:v14+s2+$0x0], $0xffff  }
0x167: {  	v4 =	vand.u32 $0x3FFF, v4;
	v23 =	vld.idx.msk [tilespmem:v17+s2+$0x0], $0xffff  }
0x168: {  	v48 =	vld.idx.msk [tilespmem:v21+s2+$0x0], $0xffff;
	v24 =	vshll.u32 v15, $0x10  }
0x169: {  	v47 =	vshll.u32 v16, $0x10;
	[tilespmem:v1+s19+$0x0] =	vst.idx.add.f32.msk $0xffff, v24  }
0x16a: {  	v12 =	vand.u32 $0x3FFF, v12;
	v49 =	vshll.u32 v18, $0x10;
	[tilespmem:v2+s19+$0x0] =	vst.idx.add.f32.msk $0xffff, v47  }
0x16b: {  	v5 =	vand.u32 $0x3FFF, v5;
	v51 =	vshll.u32 v19, $0x10;
	[tilespmem:v3+s19+$0x0] =	vst.idx.add.f32.msk $0xffff, v49  }
0x16c: {  	v15 =	vand.u32 $0xFFFF0000, v15;
	[tilespmem:v4+s19+$0x0] =	vst.idx.add.f32.msk $0xffff, v51  }
0x16d: {  	[tilespmem:v1+s20+$0x0] =	vst.idx.add.f32.msk $0xffff, v15  }
0x16e: {  	v53 =	vshll.u32 v48, $0x10;
	v7 =	vld.idx.msk [tilespmem:v7+s14+$0x0], $0xffff  }
0x16f: {  	v54 =	vshll.u32 v20, $0x10;
	[tilespmem:v12+s19+$0x0] =	vst.idx.add.f32.msk $0xffff, v53  }
0x170: {  	v16 =	vand.u32 $0xFFFF0000, v16;
	[tilespmem:v5+s19+$0x0] =	vst.idx.add.f32.msk $0xffff, v54  }
0x171: {  	v50 =	vand.u32 $0xFFFF0000, v18;
	[tilespmem:v2+s20+$0x0] =	vst.idx.add.f32.msk $0xffff, v16  }
0x172: {  	[tilespmem:v3+s20+$0x0] =	vst.idx.add.f32.msk $0xffff, v50  }
0x173: {  	v8 =	vld.idx.msk [tilespmem:v8+s14+$0x0], $0xffff;
	v52 =	vshll.u32 v7, $0x10  }
0x174: {  	v7 =	vand.u32 $0xFFFF0000, v7;
	[tilespmem:v1+s21+$0x0] =	vst.idx.add.f32.msk $0xffff, v52  }
0x175: {  	[tilespmem:v1+s22+$0x0] =	vst.idx.add.f32.msk $0xffff, v7;
	v7 =	vand.u32 $0x3FFF, v6  }
0x176: {  	v57 =	vld.idx.msk [tilespmem:v10+s14+$0x0], $0xffff;
	v1 =	vand.u32 $0xFFFF0000, v48  }
0x177: {  	v6 =	vand.u32 $0xFFFF0000, v19;
	[tilespmem:v12+s20+$0x0] =	vst.idx.add.f32.msk $0xffff, v1;
	v1 =	vand.u32 $0x3FFF, v9  }
0x178: {  	[tilespmem:v4+s20+$0x0] =	vst.idx.add.f32.msk $0xffff, v6;
	v6 =	vand.u32 $0xFFFF0000, v20  }
0x179: {  	v55 =	vshll.u32 v22, $0x10;
	[tilespmem:v5+s20+$0x0] =	vst.idx.add.f32.msk $0xffff, v6  }
0x17a: {  	v6 =	vand.u32 $0xFFFF0000, v22;
	[tilespmem:v7+s19+$0x0] =	vst.idx.add.f32.msk $0xffff, v55  }
0x17b: {  	v56 =	vshll.u32 v23, $0x10;
	[tilespmem:v7+s20+$0x0] =	vst.idx.add.f32.msk $0xffff, v6  }
0x17c: {  	v6 =	vand.u32 $0xFFFF0000, v23;
	[tilespmem:v1+s19+$0x0] =	vst.idx.add.f32.msk $0xffff, v56  }
0x17d: {  	[tilespmem:v1+s20+$0x0] =	vst.idx.add.f32.msk $0xffff, v6  }
0x17e: {  	v63 =	vshll.u32 v8, $0x10;
	v6 =	vld.idx.msk [tilespmem:v21+s14+$0x0], $0xffff  }
0x17f: {  	[tilespmem:v2+s21+$0x0] =	vst.idx.add.f32.msk $0xffff, v63  }
0x180: {  	v58 =	vld.idx.msk [tilespmem:v11+s14+$0x0], $0xffff  }
0x181: {  	v59 =	vld.idx.msk [tilespmem:v13+s14+$0x0], $0xffff  }
0x182: {  	v60 =	vld.idx.msk [tilespmem:v14+s14+$0x0], $0xffff  }
0x183: {  	v62 =	vld.idx.msk [tilespmem:v17+s14+$0x0], $0xffff;
	v61 =	vshll.u32 v6, $0x10  }
0x184: {  	v6 =	vand.u32 $0xFFFF0000, v6;
	[tilespmem:v12+s21+$0x0] =	vst.idx.add.f32.msk $0xffff, v61  }
0x185: {  	[tilespmem:v12+s22+$0x0] =	vst.idx.add.f32.msk $0xffff, v6;
	v6 =	vand.u32 $0xFFFF0000, v8  }
0x186: {  	v8 =	vshll.u32 v57, $0x10;
	[tilespmem:v2+s22+$0x0] =	vst.idx.add.f32.msk $0xffff, v6  }
0x187: {  	v2 =	vand.u32 $0xFFFF0000, v57;
	[tilespmem:v3+s21+$0x0] =	vst.idx.add.f32.msk $0xffff, v8  }
0x188: {  	v6 =	vshll.u32 v58, $0x10;
	[tilespmem:v3+s22+$0x0] =	vst.idx.add.f32.msk $0xffff, v2  }
0x189: {  	v2 =	vand.u32 $0xFFFF0000, v58;
	[tilespmem:v4+s21+$0x0] =	vst.idx.add.f32.msk $0xffff, v6  }
0x18a: {  	v3 =	vshll.u32 v59, $0x10;
	[tilespmem:v4+s22+$0x0] =	vst.idx.add.f32.msk $0xffff, v2  }
0x18b: {  	v2 =	vand.u32 $0xFFFF0000, v59;
	[tilespmem:v5+s21+$0x0] =	vst.idx.add.f32.msk $0xffff, v3  }
0x18c: {  	v3 =	vshll.u32 v60, $0x10;
	[tilespmem:v5+s22+$0x0] =	vst.idx.add.f32.msk $0xffff, v2  }
0x18d: {  	v2 =	vand.u32 $0xFFFF0000, v60;
	[tilespmem:v7+s21+$0x0] =	vst.idx.add.f32.msk $0xffff, v3  }
0x18e: {  	s26 =	simm.s32 $0x0;
	s28 =	simm.s32 $0xF0C0;
	v6 =	vshll.u32 v62, $0x10;
	v5 =	vand.u32 $0xFFFF0000, v62;
	[tilespmem:v7+s22+$0x0] =	vst.idx.add.f32.msk $0xffff, v2  }
.LBB2_14:
0x18f: {  	v7 =	vld [tilespmem:s28+$0x30]  }
0x190: {  	v2 =	vld [tilespmem:s28+$0xFFFFFFD0]  }
0x191: {  	s26 =	sadd.s32 $0x80, s26;
	v3 =	vld [tilespmem:s28+$0xFFFFFFE0]  }
0x192: {  	p0 =	slt.u32 s26, $0x1E80;
	v4 =	vld [tilespmem:s28+$0xFFFFFFF0]  }
0x193: {  	v8 =	vld [tilespmem:s28+$0x0]  }
0x194: {  	v9 =	vld [tilespmem:s28+$0x10];
	v10 =	vshrl.u32 v7, $0xE  }
0x195: {  	v11 =	vshrl.u32 v2, $0xE;
	v12 =	vand.u32 $0x3FFF, v2;
	v13 =	vld [tilespmem:s28+$0x20]  }
0x196: {  	v14 =	vld [tilespmem:s28+$0xFFFFFFC0];
	v15 =	vshrl.u32 v3, $0xE;
	v16 =	vand.u32 $0x3FFF, v3  }
0x197: {  	v17 =	vshrl.u32 v4, $0xE;
	v2 =	vand.u32 $0x3FFF, v4;
	[tilespmem:v1+s21+$0x0] =	vst.idx.add.f32.msk $0xffff, v6  }
0x198: {  	v6 =	vshrl.u32 v8, $0xE;
	v3 =	vand.u32 $0x3FFF, v8;
	[tilespmem:v1+s22+$0x0] =	vst.idx.add.f32.msk $0xffff, v5  }
0x199: {  	v5 =	vshrl.u32 v9, $0xE;
	v4 =	vand.u32 $0x3FFF, v9;
	v8 =	vld.idx.msk [tilespmem:v10+s2+$0x0], $0xffff  }
0x19a: {  	v9 =	vld.idx.msk [tilespmem:v11+s2+$0x0], $0xffff;
	v18 =	vshrl.u32 v13, $0xE;
	v1 =	vand.u32 $0x3FFF, v13  }
0x19b: {  	v7 =	vand.u32 $0x3FFF, v7;
	v13 =	vshrl.u32 v14, $0xE;
	v14 =	vand.u32 $0x3FFF, v14;
	v19 =	vld.idx.msk [tilespmem:v15+s2+$0x0], $0xffff  }
0x19c: {  	v20 =	vld.idx.msk [tilespmem:v17+s2+$0x0], $0xffff  }
0x19d: {  	v21 =	vld.idx.msk [tilespmem:v6+s2+$0x0], $0xffff  }
0x19e: {  	v22 =	vld.idx.msk [tilespmem:v5+s2+$0x0], $0xffff  }
0x19f: {  	v24 =	vshll.u32 v8, $0x10;
	v23 =	vld.idx.msk [tilespmem:v18+s2+$0x0], $0xffff  }
0x1a0: {  	v8 =	vand.u32 $0xFFFF0000, v8;
	v25 =	vshll.u32 v9, $0x10;
	v9 =	vand.u32 $0xFFFF0000, v9;
	[tilespmem:v7+s19+$0x0] =	vst.idx.add.f32.msk $0xffff, v24  }
0x1a1: {  	v24 =	vshll.u32 v19, $0x10;
	v19 =	vand.u32 $0xFFFF0000, v19;
	[tilespmem:v7+s20+$0x0] =	vst.idx.add.f32.msk $0xffff, v8  }
0x1a2: {  	v8 =	vshll.u32 v20, $0x10;
	v20 =	vand.u32 $0xFFFF0000, v20;
	v10 =	vld.idx.msk [tilespmem:v10+s14+$0x0], $0xffff  }
0x1a3: {  	v27 =	vshll.u32 v21, $0x10;
	v21 =	vand.u32 $0xFFFF0000, v21;
	v26 =	vld.idx.msk [tilespmem:v13+s2+$0x0], $0xffff  }
0x1a4: {  	[tilespmem:v12+s19+$0x0] =	vst.idx.add.f32.msk $0xffff, v25;
	v25 =	vshll.u32 v22, $0x10;
	v22 =	vand.u32 $0xFFFF0000, v22  }
0x1a5: {  	[tilespmem:v12+s20+$0x0] =	vst.idx.add.f32.msk $0xffff, v9;
	v9 =	vshll.u32 v23, $0x10;
	v23 =	vand.u32 $0xFFFF0000, v23  }
0x1a6: {  	[tilespmem:v16+s19+$0x0] =	vst.idx.add.f32.msk $0xffff, v24  }
0x1a7: {  	[tilespmem:v16+s20+$0x0] =	vst.idx.add.f32.msk $0xffff, v19  }
0x1a8: {  	[tilespmem:v2+s19+$0x0] =	vst.idx.add.f32.msk $0xffff, v8;
	v8 =	vshll.u32 v10, $0x10  }
0x1a9: {  	v19 =	vshll.u32 v26, $0x10;
	v24 =	vand.u32 $0xFFFF0000, v26;
	v10 =	vand.u32 $0xFFFF0000, v10;
	[tilespmem:v7+s21+$0x0] =	vst.idx.add.f32.msk $0xffff, v8  }
0x1aa: {  	s29 =	simm.s32 $0x1EF0;
	s0 =	simm.s32 $0x10F00;
	[tilespmem:v7+s22+$0x0] =	vst.idx.add.f32.msk $0xffff, v10  }
0x1ab: {  	[tilespmem:v14+s19+$0x0] =	vst.idx.add.f32.msk $0xffff, v19  }
0x1ac: {  	[tilespmem:v14+s20+$0x0] =	vst.idx.add.f32.msk $0xffff, v24  }
0x1ad: {  	[tilespmem:v2+s20+$0x0] =	vst.idx.add.f32.msk $0xffff, v20  }
0x1ae: {  	[tilespmem:v3+s19+$0x0] =	vst.idx.add.f32.msk $0xffff, v27  }
0x1af: {  	[tilespmem:v3+s20+$0x0] =	vst.idx.add.f32.msk $0xffff, v21  }
0x1b0: {  	[tilespmem:v4+s19+$0x0] =	vst.idx.add.f32.msk $0xffff, v25  }
0x1b1: {  	[tilespmem:v4+s20+$0x0] =	vst.idx.add.f32.msk $0xffff, v22  }
0x1b2: {  	[tilespmem:v1+s19+$0x0] =	vst.idx.add.f32.msk $0xffff, v9  }
0x1b3: {  	[tilespmem:v1+s20+$0x0] =	vst.idx.add.f32.msk $0xffff, v23  }
0x1b4: {  	v7 =	vld.idx.msk [tilespmem:v13+s14+$0x0], $0xffff  }
0x1b5: {  	v8 =	vld.idx.msk [tilespmem:v11+s14+$0x0], $0xffff  }
0x1b6: {  	v9 =	vld.idx.msk [tilespmem:v15+s14+$0x0], $0xffff  }
0x1b7: {  	v10 =	vld.idx.msk [tilespmem:v17+s14+$0x0], $0xffff  }
0x1b8: {  	v6 =	vld.idx.msk [tilespmem:v6+s14+$0x0], $0xffff  }
0x1b9: {  	v5 =	vld.idx.msk [tilespmem:v5+s14+$0x0], $0xffff  }
0x1ba: {  	v11 =	vshll.u32 v7, $0x10;
	v7 =	vand.u32 $0xFFFF0000, v7;
	v13 =	vld.idx.msk [tilespmem:v18+s14+$0x0], $0xffff  }
0x1bb: {  	[tilespmem:v14+s21+$0x0] =	vst.idx.add.f32.msk $0xffff, v11;
	v11 =	vshll.u32 v8, $0x10;
	v8 =	vand.u32 $0xFFFF0000, v8  }
0x1bc: {  	[tilespmem:v14+s22+$0x0] =	vst.idx.add.f32.msk $0xffff, v7;
	v7 =	vshll.u32 v9, $0x10;
	v9 =	vand.u32 $0xFFFF0000, v9  }
0x1bd: {  	[tilespmem:v12+s21+$0x0] =	vst.idx.add.f32.msk $0xffff, v11;
	v11 =	vshll.u32 v10, $0x10;
	v10 =	vand.u32 $0xFFFF0000, v10  }
0x1be: {  	[tilespmem:v12+s22+$0x0] =	vst.idx.add.f32.msk $0xffff, v8;
	v8 =	vshll.u32 v6, $0x10;
	v12 =	vand.u32 $0xFFFF0000, v6  }
0x1bf: {  	v14 =	vand.u32 $0xFFFF0000, v5;
	[tilespmem:v16+s21+$0x0] =	vst.idx.add.f32.msk $0xffff, v7;
	v7 =	vshll.u32 v5, $0x10  }
0x1c0: {  	v6 =	vshll.u32 v13, $0x10;
	v5 =	vand.u32 $0xFFFF0000, v13;
	[tilespmem:v16+s22+$0x0] =	vst.idx.add.f32.msk $0xffff, v9  }
0x1c1: {  	[tilespmem:v2+s21+$0x0] =	vst.idx.add.f32.msk $0xffff, v11  }
.Ltmp6:
0x1c2: {  	[tilespmem:v2+s22+$0x0] =	vst.idx.add.f32.msk $0xffff, v10;
	(pc) =	sbr.rel @p0 .LBB2_14-.Ltmp6, $4  }
0x1c3: {  	[tilespmem:v3+s21+$0x0] =	vst.idx.add.f32.msk $0xffff, v8  }
0x1c4: {  	[tilespmem:v3+s22+$0x0] =	vst.idx.add.f32.msk $0xffff, v12  }
0x1c5: {  	[tilespmem:v4+s21+$0x0] =	vst.idx.add.f32.msk $0xffff, v7  }
0x1c6: {  	s28 =	sadd.s32 $0x80, s28;
	[tilespmem:v4+s22+$0x0] =	vst.idx.add.f32.msk $0xffff, v14  }
0x1c7: {  	_ =	sdelay $0x3  }
0x1c8: {  	[tilespmem:v1+s21+$0x0] =	vst.idx.add.f32.msk $0xffff, v6  }
0x1c9: {  	[tilespmem:v1+s22+$0x0] =	vst.idx.add.f32.msk $0xffff, v5  }
.LBB2_16:
0x1ca: {  	v1 =	vld [tilespmem:s0+$0x0];
	_ =	sdelay $0x4  }
0x1cb: {  	v2 =	vshrl.u32 v1, $0xE;
	_ =	sdelay $0x4  }
0x1cc: {  	v3 =	vld.idx.msk [tilespmem:v2+s2+$0x0], $0xffff  }
0x1cd: {  	v1 =	vand.u32 $0x3FFF, v1;
	_ =	sdelay $0x3  }
0x1ce: {  	v4 =	vshll.u32 v3, $0x10  }
0x1cf: {  	v3 =	vand.u32 $0xFFFF0000, v3;
	[tilespmem:v1+s19+$0x0] =	vst.idx.add.f32.msk $0xffff, v4  }
0x1d0: {  	[tilespmem:v1+s20+$0x0] =	vst.idx.add.f32.msk $0xffff, v3  }
0x1d1: {  	v2 =	vld.idx.msk [tilespmem:v2+s14+$0x0], $0xffff  }
0x1d2: {  	s29 =	sadd.s32 $0x10, s29  }
0x1d3: {  	p0 =	slt.u32 s29, $0x1F30  }
.Ltmp7:
0x1d4: {  	_ = 	snop;
	(pc) =	sbr.rel @p0 .LBB2_16-.Ltmp7, $4  }
0x1d5: {  	_ = 	snop  }
0x1d6: {  	v3 =	vshll.u32 v2, $0x10  }
0x1d7: {  	v2 =	vand.u32 $0xFFFF0000, v2;
	[tilespmem:v1+s21+$0x0] =	vst.idx.add.f32.msk $0xffff, v3  }
0x1d8: {  	s0 =	sadd.s32 $0x10, s0;
	[tilespmem:v1+s22+$0x0] =	vst.idx.add.f32.msk $0xffff, v2  }
0x1d9: {  	_ =	swait.ge [sflag:s23], $0x1F40  }
0x1da: {  	[sflag:s23] =	ssyncset.done $0x0  }
0x1db: {  	s0 =	simm.s32 $0x10FC0;
	[sflag:s23] =	ssyncadd.s32 $0xFFFFE0C0  }
0x1dc: {  	v1 =	vld [tilespmem:s0+$0x30]  }
0x1dd: {  	v2 =	vld [tilespmem:s0+$0xFFFFFFD0]  }
0x1de: {  	v3 =	vld [tilespmem:s0+$0xFFFFFFE0]  }
0x1df: {  	v4 =	vld [tilespmem:s0+$0xFFFFFFF0]  }
0x1e0: {  	v5 =	vld [tilespmem:s0+$0x0]  }
0x1e1: {  	v6 =	vld [tilespmem:s0+$0x10];
	v7 =	vshrl.u32 v1, $0xE  }
0x1e2: {  	v9 =	vld [tilespmem:s0+$0x20];
	v8 =	vshrl.u32 v2, $0xE  }
0x1e3: {  	v12 =	vld [tilespmem:s0+$0xFFFFFFC0];
	v10 =	vshrl.u32 v3, $0xE  }
0x1e4: {  	v11 =	vshrl.u32 v4, $0xE  }
0x1e5: {  	v13 =	vshrl.u32 v5, $0xE  }
0x1e6: {  	v14 =	vshrl.u32 v6, $0xE;
	v15 =	vld.idx.msk [tilespmem:v7+s2+$0x0], $0xffff  }
0x1e7: {  	v17 =	vshrl.u32 v9, $0xE;
	v16 =	vld.idx.msk [tilespmem:v8+s2+$0x0], $0xffff  }
0x1e8: {  	v21 =	vshrl.u32 v12, $0xE;
	v18 =	vld.idx.msk [tilespmem:v10+s2+$0x0], $0xffff  }
0x1e9: {  	v1 =	vand.u32 $0x3FFF, v1;
	v19 =	vld.idx.msk [tilespmem:v11+s2+$0x0], $0xffff  }
0x1ea: {  	v2 =	vand.u32 $0x3FFF, v2;
	v20 =	vld.idx.msk [tilespmem:v13+s2+$0x0], $0xffff  }
0x1eb: {  	v3 =	vand.u32 $0x3FFF, v3;
	v22 =	vld.idx.msk [tilespmem:v14+s2+$0x0], $0xffff  }
0x1ec: {  	v4 =	vand.u32 $0x3FFF, v4;
	v23 =	vld.idx.msk [tilespmem:v17+s2+$0x0], $0xffff  }
0x1ed: {  	v48 =	vld.idx.msk [tilespmem:v21+s2+$0x0], $0xffff;
	v24 =	vshll.u32 v15, $0x10  }
0x1ee: {  	v47 =	vshll.u32 v16, $0x10;
	[tilespmem:v1+s19+$0x0] =	vst.idx.add.f32.msk $0xffff, v24  }
0x1ef: {  	v12 =	vand.u32 $0x3FFF, v12;
	v49 =	vshll.u32 v18, $0x10;
	[tilespmem:v2+s19+$0x0] =	vst.idx.add.f32.msk $0xffff, v47  }
0x1f0: {  	v5 =	vand.u32 $0x3FFF, v5;
	v51 =	vshll.u32 v19, $0x10;
	[tilespmem:v3+s19+$0x0] =	vst.idx.add.f32.msk $0xffff, v49  }
0x1f1: {  	v15 =	vand.u32 $0xFFFF0000, v15;
	[tilespmem:v4+s19+$0x0] =	vst.idx.add.f32.msk $0xffff, v51  }
0x1f2: {  	[tilespmem:v1+s20+$0x0] =	vst.idx.add.f32.msk $0xffff, v15  }
0x1f3: {  	v53 =	vshll.u32 v48, $0x10;
	v7 =	vld.idx.msk [tilespmem:v7+s14+$0x0], $0xffff  }
0x1f4: {  	v54 =	vshll.u32 v20, $0x10;
	[tilespmem:v12+s19+$0x0] =	vst.idx.add.f32.msk $0xffff, v53  }
0x1f5: {  	v16 =	vand.u32 $0xFFFF0000, v16;
	[tilespmem:v5+s19+$0x0] =	vst.idx.add.f32.msk $0xffff, v54  }
0x1f6: {  	v50 =	vand.u32 $0xFFFF0000, v18;
	[tilespmem:v2+s20+$0x0] =	vst.idx.add.f32.msk $0xffff, v16  }
0x1f7: {  	[tilespmem:v3+s20+$0x0] =	vst.idx.add.f32.msk $0xffff, v50  }
0x1f8: {  	v8 =	vld.idx.msk [tilespmem:v8+s14+$0x0], $0xffff;
	v52 =	vshll.u32 v7, $0x10  }
0x1f9: {  	v7 =	vand.u32 $0xFFFF0000, v7;
	[tilespmem:v1+s21+$0x0] =	vst.idx.add.f32.msk $0xffff, v52  }
0x1fa: {  	[tilespmem:v1+s22+$0x0] =	vst.idx.add.f32.msk $0xffff, v7;
	v7 =	vand.u32 $0x3FFF, v6  }
0x1fb: {  	v57 =	vld.idx.msk [tilespmem:v10+s14+$0x0], $0xffff;
	v1 =	vand.u32 $0xFFFF0000, v48  }
0x1fc: {  	v6 =	vand.u32 $0xFFFF0000, v19;
	[tilespmem:v12+s20+$0x0] =	vst.idx.add.f32.msk $0xffff, v1;
	v1 =	vand.u32 $0x3FFF, v9  }
0x1fd: {  	[tilespmem:v4+s20+$0x0] =	vst.idx.add.f32.msk $0xffff, v6;
	v6 =	vand.u32 $0xFFFF0000, v20  }
0x1fe: {  	v55 =	vshll.u32 v22, $0x10;
	[tilespmem:v5+s20+$0x0] =	vst.idx.add.f32.msk $0xffff, v6  }
0x1ff: {  	v6 =	vand.u32 $0xFFFF0000, v22;
	[tilespmem:v7+s19+$0x0] =	vst.idx.add.f32.msk $0xffff, v55  }
0x200: {  	v56 =	vshll.u32 v23, $0x10;
	[tilespmem:v7+s20+$0x0] =	vst.idx.add.f32.msk $0xffff, v6  }
0x201: {  	v6 =	vand.u32 $0xFFFF0000, v23;
	[tilespmem:v1+s19+$0x0] =	vst.idx.add.f32.msk $0xffff, v56  }
0x202: {  	[tilespmem:v1+s20+$0x0] =	vst.idx.add.f32.msk $0xffff, v6  }
0x203: {  	v63 =	vshll.u32 v8, $0x10;
	v6 =	vld.idx.msk [tilespmem:v21+s14+$0x0], $0xffff  }
0x204: {  	[tilespmem:v2+s21+$0x0] =	vst.idx.add.f32.msk $0xffff, v63  }
0x205: {  	v58 =	vld.idx.msk [tilespmem:v11+s14+$0x0], $0xffff  }
0x206: {  	v59 =	vld.idx.msk [tilespmem:v13+s14+$0x0], $0xffff  }
0x207: {  	v60 =	vld.idx.msk [tilespmem:v14+s14+$0x0], $0xffff  }
0x208: {  	v62 =	vld.idx.msk [tilespmem:v17+s14+$0x0], $0xffff;
	v61 =	vshll.u32 v6, $0x10  }
0x209: {  	v6 =	vand.u32 $0xFFFF0000, v6;
	[tilespmem:v12+s21+$0x0] =	vst.idx.add.f32.msk $0xffff, v61  }
0x20a: {  	[tilespmem:v12+s22+$0x0] =	vst.idx.add.f32.msk $0xffff, v6;
	v6 =	vand.u32 $0xFFFF0000, v8  }
0x20b: {  	v8 =	vshll.u32 v57, $0x10;
	[tilespmem:v2+s22+$0x0] =	vst.idx.add.f32.msk $0xffff, v6  }
0x20c: {  	v2 =	vand.u32 $0xFFFF0000, v57;
	[tilespmem:v3+s21+$0x0] =	vst.idx.add.f32.msk $0xffff, v8  }
0x20d: {  	v6 =	vshll.u32 v58, $0x10;
	[tilespmem:v3+s22+$0x0] =	vst.idx.add.f32.msk $0xffff, v2  }
0x20e: {  	v2 =	vand.u32 $0xFFFF0000, v58;
	[tilespmem:v4+s21+$0x0] =	vst.idx.add.f32.msk $0xffff, v6  }
0x20f: {  	v3 =	vshll.u32 v59, $0x10;
	[tilespmem:v4+s22+$0x0] =	vst.idx.add.f32.msk $0xffff, v2  }
0x210: {  	v2 =	vand.u32 $0xFFFF0000, v59;
	[tilespmem:v5+s21+$0x0] =	vst.idx.add.f32.msk $0xffff, v3  }
0x211: {  	v3 =	vshll.u32 v60, $0x10;
	[tilespmem:v5+s22+$0x0] =	vst.idx.add.f32.msk $0xffff, v2  }
0x212: {  	v2 =	vand.u32 $0xFFFF0000, v60;
	[tilespmem:v7+s21+$0x0] =	vst.idx.add.f32.msk $0xffff, v3  }
0x213: {  	s26 =	simm.s32 $0x0;
	s28 =	simm.s32 $0x11040;
	v6 =	vshll.u32 v62, $0x10;
	v5 =	vand.u32 $0xFFFF0000, v62;
	[tilespmem:v7+s22+$0x0] =	vst.idx.add.f32.msk $0xffff, v2  }
.LBB2_18:
0x214: {  	v7 =	vld [tilespmem:s28+$0x30]  }
0x215: {  	v2 =	vld [tilespmem:s28+$0xFFFFFFD0]  }
0x216: {  	s26 =	sadd.s32 $0x80, s26;
	v3 =	vld [tilespmem:s28+$0xFFFFFFE0]  }
0x217: {  	p0 =	slt.u32 s26, $0x1E80;
	v4 =	vld [tilespmem:s28+$0xFFFFFFF0]  }
0x218: {  	v8 =	vld [tilespmem:s28+$0x0]  }
0x219: {  	v9 =	vld [tilespmem:s28+$0x10];
	v10 =	vshrl.u32 v7, $0xE  }
0x21a: {  	v11 =	vshrl.u32 v2, $0xE;
	v12 =	vand.u32 $0x3FFF, v2;
	v13 =	vld [tilespmem:s28+$0x20]  }
0x21b: {  	v14 =	vld [tilespmem:s28+$0xFFFFFFC0];
	v15 =	vshrl.u32 v3, $0xE;
	v16 =	vand.u32 $0x3FFF, v3  }
0x21c: {  	v17 =	vshrl.u32 v4, $0xE;
	v2 =	vand.u32 $0x3FFF, v4;
	[tilespmem:v1+s21+$0x0] =	vst.idx.add.f32.msk $0xffff, v6  }
0x21d: {  	v6 =	vshrl.u32 v8, $0xE;
	v3 =	vand.u32 $0x3FFF, v8;
	[tilespmem:v1+s22+$0x0] =	vst.idx.add.f32.msk $0xffff, v5  }
0x21e: {  	v5 =	vshrl.u32 v9, $0xE;
	v4 =	vand.u32 $0x3FFF, v9;
	v8 =	vld.idx.msk [tilespmem:v10+s2+$0x0], $0xffff  }
0x21f: {  	v9 =	vld.idx.msk [tilespmem:v11+s2+$0x0], $0xffff;
	v18 =	vshrl.u32 v13, $0xE;
	v1 =	vand.u32 $0x3FFF, v13  }
0x220: {  	v7 =	vand.u32 $0x3FFF, v7;
	v13 =	vshrl.u32 v14, $0xE;
	v14 =	vand.u32 $0x3FFF, v14;
	v19 =	vld.idx.msk [tilespmem:v15+s2+$0x0], $0xffff  }
0x221: {  	v20 =	vld.idx.msk [tilespmem:v17+s2+$0x0], $0xffff  }
0x222: {  	v21 =	vld.idx.msk [tilespmem:v6+s2+$0x0], $0xffff  }
0x223: {  	v22 =	vld.idx.msk [tilespmem:v5+s2+$0x0], $0xffff  }
0x224: {  	v24 =	vshll.u32 v8, $0x10;
	v23 =	vld.idx.msk [tilespmem:v18+s2+$0x0], $0xffff  }
0x225: {  	v8 =	vand.u32 $0xFFFF0000, v8;
	v25 =	vshll.u32 v9, $0x10;
	v9 =	vand.u32 $0xFFFF0000, v9;
	[tilespmem:v7+s19+$0x0] =	vst.idx.add.f32.msk $0xffff, v24  }
0x226: {  	v24 =	vshll.u32 v19, $0x10;
	v19 =	vand.u32 $0xFFFF0000, v19;
	[tilespmem:v7+s20+$0x0] =	vst.idx.add.f32.msk $0xffff, v8  }
0x227: {  	v8 =	vshll.u32 v20, $0x10;
	v20 =	vand.u32 $0xFFFF0000, v20;
	v10 =	vld.idx.msk [tilespmem:v10+s14+$0x0], $0xffff  }
0x228: {  	v27 =	vshll.u32 v21, $0x10;
	v21 =	vand.u32 $0xFFFF0000, v21;
	v26 =	vld.idx.msk [tilespmem:v13+s2+$0x0], $0xffff  }
0x229: {  	[tilespmem:v12+s19+$0x0] =	vst.idx.add.f32.msk $0xffff, v25;
	v25 =	vshll.u32 v22, $0x10;
	v22 =	vand.u32 $0xFFFF0000, v22  }
0x22a: {  	[tilespmem:v12+s20+$0x0] =	vst.idx.add.f32.msk $0xffff, v9;
	v9 =	vshll.u32 v23, $0x10;
	v23 =	vand.u32 $0xFFFF0000, v23  }
0x22b: {  	[tilespmem:v16+s19+$0x0] =	vst.idx.add.f32.msk $0xffff, v24  }
0x22c: {  	[tilespmem:v16+s20+$0x0] =	vst.idx.add.f32.msk $0xffff, v19  }
0x22d: {  	[tilespmem:v2+s19+$0x0] =	vst.idx.add.f32.msk $0xffff, v8;
	v8 =	vshll.u32 v10, $0x10  }
0x22e: {  	v19 =	vshll.u32 v26, $0x10;
	v24 =	vand.u32 $0xFFFF0000, v26;
	v10 =	vand.u32 $0xFFFF0000, v10;
	[tilespmem:v7+s21+$0x0] =	vst.idx.add.f32.msk $0xffff, v8  }
0x22f: {  	s29 =	simm.s32 $0x1EF0;
	s0 =	simm.s32 $0x12E80;
	[tilespmem:v7+s22+$0x0] =	vst.idx.add.f32.msk $0xffff, v10  }
0x230: {  	[tilespmem:v14+s19+$0x0] =	vst.idx.add.f32.msk $0xffff, v19  }
0x231: {  	[tilespmem:v14+s20+$0x0] =	vst.idx.add.f32.msk $0xffff, v24  }
0x232: {  	[tilespmem:v2+s20+$0x0] =	vst.idx.add.f32.msk $0xffff, v20  }
0x233: {  	[tilespmem:v3+s19+$0x0] =	vst.idx.add.f32.msk $0xffff, v27  }
0x234: {  	[tilespmem:v3+s20+$0x0] =	vst.idx.add.f32.msk $0xffff, v21  }
0x235: {  	[tilespmem:v4+s19+$0x0] =	vst.idx.add.f32.msk $0xffff, v25  }
0x236: {  	[tilespmem:v4+s20+$0x0] =	vst.idx.add.f32.msk $0xffff, v22  }
0x237: {  	[tilespmem:v1+s19+$0x0] =	vst.idx.add.f32.msk $0xffff, v9  }
0x238: {  	[tilespmem:v1+s20+$0x0] =	vst.idx.add.f32.msk $0xffff, v23  }
0x239: {  	v7 =	vld.idx.msk [tilespmem:v13+s14+$0x0], $0xffff  }
0x23a: {  	v8 =	vld.idx.msk [tilespmem:v11+s14+$0x0], $0xffff  }
0x23b: {  	v9 =	vld.idx.msk [tilespmem:v15+s14+$0x0], $0xffff  }
0x23c: {  	v10 =	vld.idx.msk [tilespmem:v17+s14+$0x0], $0xffff  }
0x23d: {  	v6 =	vld.idx.msk [tilespmem:v6+s14+$0x0], $0xffff  }
0x23e: {  	v5 =	vld.idx.msk [tilespmem:v5+s14+$0x0], $0xffff  }
0x23f: {  	v11 =	vshll.u32 v7, $0x10;
	v7 =	vand.u32 $0xFFFF0000, v7;
	v13 =	vld.idx.msk [tilespmem:v18+s14+$0x0], $0xffff  }
0x240: {  	[tilespmem:v14+s21+$0x0] =	vst.idx.add.f32.msk $0xffff, v11;
	v11 =	vshll.u32 v8, $0x10;
	v8 =	vand.u32 $0xFFFF0000, v8  }
0x241: {  	[tilespmem:v14+s22+$0x0] =	vst.idx.add.f32.msk $0xffff, v7;
	v7 =	vshll.u32 v9, $0x10;
	v9 =	vand.u32 $0xFFFF0000, v9  }
0x242: {  	[tilespmem:v12+s21+$0x0] =	vst.idx.add.f32.msk $0xffff, v11;
	v11 =	vshll.u32 v10, $0x10;
	v10 =	vand.u32 $0xFFFF0000, v10  }
0x243: {  	[tilespmem:v12+s22+$0x0] =	vst.idx.add.f32.msk $0xffff, v8;
	v8 =	vshll.u32 v6, $0x10;
	v12 =	vand.u32 $0xFFFF0000, v6  }
0x244: {  	v14 =	vand.u32 $0xFFFF0000, v5;
	[tilespmem:v16+s21+$0x0] =	vst.idx.add.f32.msk $0xffff, v7;
	v7 =	vshll.u32 v5, $0x10  }
0x245: {  	v6 =	vshll.u32 v13, $0x10;
	v5 =	vand.u32 $0xFFFF0000, v13;
	[tilespmem:v16+s22+$0x0] =	vst.idx.add.f32.msk $0xffff, v9  }
0x246: {  	[tilespmem:v2+s21+$0x0] =	vst.idx.add.f32.msk $0xffff, v11  }
.Ltmp8:
0x247: {  	[tilespmem:v2+s22+$0x0] =	vst.idx.add.f32.msk $0xffff, v10;
	(pc) =	sbr.rel @p0 .LBB2_18-.Ltmp8, $4  }
0x248: {  	[tilespmem:v3+s21+$0x0] =	vst.idx.add.f32.msk $0xffff, v8  }
0x249: {  	[tilespmem:v3+s22+$0x0] =	vst.idx.add.f32.msk $0xffff, v12  }
0x24a: {  	[tilespmem:v4+s21+$0x0] =	vst.idx.add.f32.msk $0xffff, v7  }
0x24b: {  	s28 =	sadd.s32 $0x80, s28;
	[tilespmem:v4+s22+$0x0] =	vst.idx.add.f32.msk $0xffff, v14  }
0x24c: {  	_ =	sdelay $0x3  }
0x24d: {  	[tilespmem:v1+s21+$0x0] =	vst.idx.add.f32.msk $0xffff, v6  }
0x24e: {  	[tilespmem:v1+s22+$0x0] =	vst.idx.add.f32.msk $0xffff, v5  }
.LBB2_20:
0x24f: {  	v1 =	vld [tilespmem:s0+$0x0];
	_ =	sdelay $0x4  }
0x250: {  	v2 =	vshrl.u32 v1, $0xE;
	_ =	sdelay $0x4  }
0x251: {  	v3 =	vld.idx.msk [tilespmem:v2+s2+$0x0], $0xffff  }
0x252: {  	v1 =	vand.u32 $0x3FFF, v1;
	_ =	sdelay $0x3  }
0x253: {  	v4 =	vshll.u32 v3, $0x10  }
0x254: {  	v3 =	vand.u32 $0xFFFF0000, v3;
	[tilespmem:v1+s19+$0x0] =	vst.idx.add.f32.msk $0xffff, v4  }
0x255: {  	[tilespmem:v1+s20+$0x0] =	vst.idx.add.f32.msk $0xffff, v3  }
0x256: {  	v2 =	vld.idx.msk [tilespmem:v2+s14+$0x0], $0xffff  }
0x257: {  	s29 =	sadd.s32 $0x10, s29  }
0x258: {  	p0 =	slt.u32 s29, $0x1F30  }
.Ltmp9:
0x259: {  	_ = 	snop;
	(pc) =	sbr.rel @p0 .LBB2_20-.Ltmp9, $4  }
0x25a: {  	_ = 	snop  }
0x25b: {  	v3 =	vshll.u32 v2, $0x10  }
0x25c: {  	v2 =	vand.u32 $0xFFFF0000, v2;
	[tilespmem:v1+s21+$0x0] =	vst.idx.add.f32.msk $0xffff, v3  }
0x25d: {  	s0 =	sadd.s32 $0x10, s0;
	[tilespmem:v1+s22+$0x0] =	vst.idx.add.f32.msk $0xffff, v2  }
0x25e: {  	[hbm4b:s7+s12] =	stream.strided.scatter [tilespmem:s19], [sflag:$0x4], $0x2800, s13, s12, $0x38;
	[tilespmem:$0x12F00] =	vst v63  }
0x25f: {  	_ =	swait.ge [sflag:s24], $0x2800  }
0x260: {  	[sflag:s24] =	ssyncset.done $0x0  }
0x261: {  	[sflag:s24] =	ssyncadd.s32 $0xFFFFD800  }
0x262: {  	[hbm4b:s8+s12] =	stream.strided.scatter [tilespmem:s21], [sflag:$0x4], $0x2800, s13, s12, $0x38;
	[tilespmem:$0x12F00] =	vst v63  }
0x263: {  	_ =	swait.ge [sflag:s24], $0x2800  }
0x264: {  	[sflag:s24] =	ssyncset.done $0x0  }
0x265: {  	[sflag:s24] =	ssyncadd.s32 $0xFFFFD800  }
0x266: {  	[hbm4b:s9+s12] =	stream.strided.scatter [tilespmem:s20], [sflag:$0x4], $0x2800, s13, s12, $0x38;
	[tilespmem:$0x12F00] =	vst v63  }
0x267: {  	s25 =	sadd.s32 $0x1, s25;
	_ =	swait.ge [sflag:s24], $0x2800  }
0x268: {  	p0 =	sne.s32 s25, s11;
	[sflag:s24] =	ssyncset.done $0x0  }
.Ltmp10:
0x269: {  	[sflag:s24] =	ssyncadd.s32 $0xFFFFD800;
	(pc) =	sbr.rel @p0 .LBB2_1-.Ltmp10, $4  }
0x26a: {  	[hbm4b:s10+s12] =	stream.strided.scatter [tilespmem:s22], [sflag:$0x4], $0x2800, s13, s12, $0x38;
	[tilespmem:$0x12F00] =	vst v63  }
0x26b: {  	_ =	swait.ge [sflag:s24], $0x2800  }
0x26c: {  	[sflag:s24] =	ssyncset.done $0x0  }
0x26d: {  	[sflag:s24] =	ssyncadd.s32 $0xFFFFD800  }
0x26e: {  	_ =	sfence.sel $0x180000  }
0x26f: {  	[bflag:$0x0] =	sbarrier.arrive $0xFFFF  }
0x270: {  	_ =	strace $0x90000047  }
0x271: {  	[bflag:$0x2] =	sbarrier.arrive $0xFFFF  }
0x272: {  	p0 =	sne.s32 s1, $0x0;
	s0 =	rddreg [dreg:$0x1]  }
0x273: {  	s0 =	sadd.s32 @!p0 $0x100000, s0  }
0x274: {  	[sflag:s0] =	ssyncadd.tile.s32 @!p0 $0x1;
	_ =	shalt  }
.Lfunc_end2:
_tile_overlayer_lowered:
.L_overlay_start_2:
0x275: {  	(tag) =	ssettag $0x2  }
0x276: {  	s0 =	rddreg [dreg:$0x0];
	s2 =	stileid.u32  }
0x277: {  	s1 =	rddreg [dreg:$0x1];
	p0 =	sne.s32 s2, $0x0  }
0x278: {  	s3 =	rddreg [dreg:$0x2];
	[bflag:$0x3] =	sbarrier.arrive $0xFFFF;
	s2 =	simm.s32 @!p0 $0x1C04  }
0x279: {  	[timem:s3], [sflag:s2] =	dma.local @!p0 [hbm:s0], s1  }
0x27a: {  	s0 =	simm.s32 @!p0 $0x4  }
0x27b: {  	_ =	swait.ge @!p0 [sflag:s0], s1  }
0x27c: {  	s1 =	ssub.s32 @!p0 $0x0, s1;
	[sflag:s0] =	ssyncset.done @!p0 $0x0  }
0x27d: {  	[sflag:s0] =	ssyncadd.s32 @!p0 s1  }
0x27e: {  	[bflag:$0x3] =	sbarrier.arrive $0xFFFF  }
0x27f: {  	_ =	shalt  }

</sc_bundles>
